<compile_context>
chip_gen: v7x
topology: tpu7x:2x2x1
jax: 0.10.2.dev20260603
libtpu: 0.0.44.dev20260713+nightly
codegen_flags: <defaults>
</compile_context>

<pallas_src>
import functools

import jax
import jax.numpy as jnp
from jax import lax
from jax.experimental import pallas as pl
from jax.experimental.pallas import tpu as pltpu
from jax.experimental.pallas import tpu_sc as plsc

N = 10000
E = 160000
F_IN = 400
F_HID = 128
NC = 2
NS = 16
DH = F_HID // NC

KD = 40
CHD = E // (NC * NS * KD)
KR = 80
CHR = E // (NS * KR)
GRP = 12
GTAIL = CHR % GRP

RPT = N // NS
ZR = 125

_mesh = plsc.VectorSubcoreMesh(core_axis_name="c", subcore_axis_name="s")
_sc_params = pltpu.CompilerParams(use_tc_tiling_on_sc=False)


def _zero_fill(zbuf, nrows, width):
    zv = jnp.zeros((16,), jnp.float32)

    def zrow(r, carry):
        for c in range(width // 16):
            zbuf[r, pl.ds(c * 16, 16)] = zv
        return carry

    lax.fori_loop(0, nrows, zrow, 0)


SLAB = 624


@functools.partial(
    pl.kernel,
    out_type=jax.ShapeDtypeStruct((NC, N), jnp.float32),
    mesh=_mesh,
    scratch_types=[
        pltpu.VMEM((CHD, KD), jnp.int32),
        pltpu.VMEM((KD,), jnp.float32),
        pltpu.VMEM((SLAB,), jnp.float32),
        pltpu.VMEM_SHARED((N,), jnp.float32),
    ],
    compiler_params=_sc_params,
)
def _deg_call(dst_hbm, out_hbm, idx_v, ones_v, zbuf, acc_sh):
    cid = lax.axis_index("c")
    sid = lax.axis_index("s")
    zv = jnp.zeros((16,), jnp.float32)
    for o in range(0, SLAB, 16):
        zbuf[pl.ds(o, 16)] = zv
    pltpu.sync_copy(zbuf, acc_sh.at[pl.ds(sid * SLAB, SLAB)])

    @pl.when(sid == 0)
    def _():
        pltpu.sync_copy(zbuf.at[pl.ds(0, 16)],
                        acc_sh.at[pl.ds(NS * SLAB, N - NS * SLAB)])

    ov = jnp.full((16,), 1.0, jnp.float32)
    for o in range(0, KD - 15, 16):
        ones_v[pl.ds(o, 16)] = ov
    ones_v[pl.ds(KD - 16, 16)] = ov
    pltpu.sync_copy(dst_hbm.at[cid, sid], idx_v)
    plsc.subcore_barrier()

    def body(j, carry):
        pltpu.sync_copy(ones_v, acc_sh.at[idx_v.at[j]], add=True)
        return carry

    lax.fori_loop(0, CHD, body, 0)
    plsc.subcore_barrier()
    pltpu.sync_copy(acc_sh.at[pl.ds(sid * SLAB, SLAB)],
                    out_hbm.at[cid, pl.ds(sid * SLAB, SLAB)])

    @pl.when(sid == 0)
    def _():
        pltpu.sync_copy(acc_sh.at[pl.ds(NS * SLAB, N - NS * SLAB)],
                        out_hbm.at[cid, pl.ds(NS * SLAB, N - NS * SLAB)])


@functools.partial(
    pl.kernel,
    out_type=jax.ShapeDtypeStruct((N, F_HID), jnp.float32),
    mesh=_mesh,
    scratch_types=[
        pltpu.VMEM((CHR, KR), jnp.int32),
        pltpu.VMEM((CHR, KR), jnp.int32),
        pltpu.VMEM((GRP, KR, DH), jnp.float32),
        pltpu.VMEM((ZR, DH), jnp.float32),
        pltpu.VMEM_SHARED((N, DH), jnp.float32),
    ] + [pltpu.SemaphoreType.DMA] * (2 * GRP),
    compiler_params=_sc_params,
)
def _scatter_call(t2_hbm, idx2_hbm, dst_hbm, out_hbm,
                  src_v, dst_v, rows_v, zbuf, acc_sh, *sems):
    cid = lax.axis_index("c")
    sid = lax.axis_index("s")
    cp_src = pltpu.async_copy(idx2_hbm.at[cid, sid], src_v, sems[0])
    cp_dst = pltpu.async_copy(dst_hbm.at[sid], dst_v, sems[1])
    _zero_fill(zbuf, ZR, DH)
    for q in range(RPT // ZR):
        pltpu.sync_copy(zbuf, acc_sh.at[pl.ds(sid * RPT + q * ZR, ZR)])
    cp_src.wait()
    cp_dst.wait()
    plsc.subcore_barrier()

    def group(j, n):
        gathers = [
            pltpu.async_copy(t2_hbm.at[src_v.at[j + i]], rows_v.at[i], sems[i])
            for i in range(n)
        ]
        scatters = []
        for i in range(n):
            gathers[i].wait()
            scatters.append(
                pltpu.async_copy(rows_v.at[i], acc_sh.at[dst_v.at[j + i]],
                                 sems[GRP + i], add=True))
        for i in range(n):
            scatters[i].wait()

    def body(p, carry):
        group(GRP * p, GRP)
        return carry

    lax.fori_loop(0, CHR // GRP, body, 0)
    if GTAIL:
        group(CHR - GTAIL, GTAIL)
    plsc.subcore_barrier()
    pltpu.sync_copy(acc_sh.at[pl.ds(sid * RPT, RPT)],
                    out_hbm.at[pl.ds(sid * RPT, RPT), pl.ds(cid * DH, DH)])


BN = 1000


def _dinv_of(deg0_ref, deg1_ref):
    return lax.rsqrt(deg0_ref[:] + deg1_ref[:] + 1.0)


def _mm1_body(x_ref, w_ref, deg0_ref, deg1_ref, o_ref):
    dinv = _dinv_of(deg0_ref, deg1_ref)
    o_ref[:] = jnp.dot(x_ref[:], w_ref[:],
                       preferred_element_type=jnp.float32) * dinv


def _mid_body(acc_ref, t_ref, deg0_ref, deg1_ref, b_ref, w_ref, o_ref):
    dinv = _dinv_of(deg0_ref, deg1_ref)
    h = jnp.maximum(dinv * (acc_ref[:] + t_ref[:]) + b_ref[:], 0.0)
    o_ref[:] = jnp.dot(h, w_ref[:], preferred_element_type=jnp.float32) * dinv


def _final_body(acc_ref, t_ref, deg0_ref, deg1_ref, b_ref, o_ref):
    dinv = _dinv_of(deg0_ref, deg1_ref)
    o_ref[:] = jnp.maximum(dinv * (acc_ref[:] + t_ref[:]) + b_ref[:], 0.0)


_t_spec = pl.BlockSpec((BN, F_HID), lambda i: (i, 0))
_deg_spec = pl.BlockSpec((BN, 1), lambda i: (i, 0))
_bias_spec = pl.BlockSpec((1, F_HID), lambda i: (0, 0))

_mm1 = pl.pallas_call(
    _mm1_body,
    grid=(N // BN,),
    in_specs=[
        pl.BlockSpec((BN, F_IN), lambda i: (i, 0)),
        pl.BlockSpec((F_IN, F_HID), lambda i: (0, 0)),
        _deg_spec,
        _deg_spec,
    ],
    out_specs=_t_spec,
    out_shape=jax.ShapeDtypeStruct((N, F_HID), jnp.float32),
)

_mid = pl.pallas_call(
    _mid_body,
    grid=(N // BN,),
    in_specs=[
        _t_spec,
        _t_spec,
        _deg_spec,
        _deg_spec,
        _bias_spec,
        pl.BlockSpec((F_HID, F_HID), lambda i: (0, 0)),
    ],
    out_specs=_t_spec,
    out_shape=jax.ShapeDtypeStruct((N, F_HID), jnp.float32),
)

_final = pl.pallas_call(
    _final_body,
    grid=(N // BN,),
    in_specs=[_t_spec, _t_spec, _deg_spec, _deg_spec, _bias_spec],
    out_specs=_t_spec,
    out_shape=jax.ShapeDtypeStruct((N, F_HID), jnp.float32),
)


def kernel(x, edge_index, batch, W1, b1, W2, b2):
    src = edge_index[0]
    dst = edge_index[1]
    dst_deg = dst.reshape(NC, NS, CHD, KD)
    src2 = 2 * src.reshape(NS, CHR, KR)
    idx2 = jnp.stack([src2, src2 + 1])
    dst_r = dst.reshape(NS, CHR, KR)
    b1r = b1.reshape(1, F_HID)
    b2r = b2.reshape(1, F_HID)

    degp = _deg_call(dst_deg)
    deg0 = degp[0].reshape(N, 1)
    deg1 = degp[1].reshape(N, 1)
    t1 = _mm1(x, W1, deg0, deg1)
    acc1 = _scatter_call(t1.reshape(2 * N, DH), idx2, dst_r)
    t2 = _mid(acc1, t1, deg0, deg1, b1r, W2)
    acc2 = _scatter_call(t2.reshape(2 * N, DH), idx2, dst_r)
    return _final(acc2, t2, deg0, deg1, b2r)

# --- scband reference (transcript-rebuilt; emitter-appended) ---
"""Pipeline reference for scband-gnn-2001454760001 (READ-ONLY COPY).

The authoritative reference and input builder live on the scoring server;
editing this copy changes nothing except your own understanding.
"""

import jax, jax.numpy as jnp
import numpy as np

N_NODES = 10000
N_EDGES = 160000
IN_DIM = 400
HID1 = 128
HID2 = 128


def _gcn_layer(x, W, b, src, dst, num_nodes):
    # GCNConv with added self-loops and symmetric normalization (PyG semantics)
    deg = jnp.zeros((num_nodes,), x.dtype).at[dst].add(1.0)
    dinv = jnp.where(deg > 0, 1.0 / jnp.sqrt(deg), 0.0)
    norm = dinv[src] * dinv[dst]
    xw = x @ W
    msgs = jnp.take(xw, src, axis=0) * norm[:, None]
    out = jnp.zeros((num_nodes, W.shape[1]), x.dtype).at[dst].add(msgs)
    return out + b


def setup_inputs(seed: int = 0) -> dict:
    key = jax.random.key(seed)
    k1, k2, k3, k4, k5, k6 = jax.random.split(key, 6)
    x = jax.random.normal(k1, (N_NODES, IN_DIM), jnp.float32)
    edge_index = jax.random.randint(k2, (2, N_EDGES), 0, N_NODES)
    batch = jnp.zeros((N_NODES,), jnp.int32)
    W1 = jax.random.normal(k3, (IN_DIM, HID1), jnp.float32) * (1.0 / np.sqrt(IN_DIM))
    b1 = jnp.zeros((HID1,), jnp.float32)
    W2 = jax.random.normal(k4, (HID1, HID2), jnp.float32) * (1.0 / np.sqrt(HID1))
    b2 = jnp.zeros((HID2,), jnp.float32)
    return {"x": x, "edge_index": edge_index, "batch": batch,
            "W1": W1, "b1": b1, "W2": W2, "b2": b2}


def reference(x, edge_index, batch, W1, b1, W2, b2):
    num_nodes = x.shape[0]
    # x already [N, 400]; module's pad branch is a no-op
    loop = jnp.arange(num_nodes, dtype=edge_index.dtype)
    src = jnp.concatenate([edge_index[0], loop])
    dst = jnp.concatenate([edge_index[1], loop])
    h = jax.nn.relu(_gcn_layer(x, W1, b1, src, dst, num_nodes))
    h = jax.nn.relu(_gcn_layer(h, W2, b2, src, dst, num_nodes))
    return h

if __name__ == "__main__":
    import jax
    _d = setup_inputs()
    print(jax.jit(kernel)(*tuple(_d.values())))

</pallas_src>

<mosaic_0001>
#map = affine_map<(d0, d1) -> (0, 0)>
#map1 = affine_map<(d0, d1) -> (0, 0, 0, 0)>
#map2 = affine_map<(d0, d1) -> (0, 0, 0)>
module attributes {stable_mosaic.version = 14 : i64} {
  func.func @_scatter_call(%arg0: i32, %arg1: i32, %arg2: memref<20000x64xf32, #tpu.memory_space<hbm>>, %arg3: memref<2x16x125x80xi32, #tpu.memory_space<hbm>>, %arg4: memref<16x125x80xi32, #tpu.memory_space<hbm>>, %arg5: memref<10000x128xf32, #tpu.memory_space<hbm>>, %arg6: memref<125x80xi32, #tpu.memory_space<vmem>>, %arg7: memref<125x80xi32, #tpu.memory_space<vmem>>, %arg8: memref<12x80x64xf32, #tpu.memory_space<vmem>>, %arg9: memref<125x64xf32, #tpu.memory_space<vmem>>, %arg10: memref<10000x64xf32, #tpu.memory_space<vmem_shared>>, %arg11: memref<!tpu.dma_semaphore, #tpu.memory_space<semaphore_mem>>, %arg12: memref<!tpu.dma_semaphore, #tpu.memory_space<semaphore_mem>>, %arg13: memref<!tpu.dma_semaphore, #tpu.memory_space<semaphore_mem>>, %arg14: memref<!tpu.dma_semaphore, #tpu.memory_space<semaphore_mem>>, %arg15: memref<!tpu.dma_semaphore, #tpu.memory_space<semaphore_mem>>, %arg16: memref<!tpu.dma_semaphore, #tpu.memory_space<semaphore_mem>>, %arg17: memref<!tpu.dma_semaphore, #tpu.memory_space<semaphore_mem>>, %arg18: memref<!tpu.dma_semaphore, #tpu.memory_space<semaphore_mem>>, %arg19: memref<!tpu.dma_semaphore, #tpu.memory_space<semaphore_mem>>, %arg20: memref<!tpu.dma_semaphore, #tpu.memory_space<semaphore_mem>>, %arg21: memref<!tpu.dma_semaphore, #tpu.memory_space<semaphore_mem>>, %arg22: memref<!tpu.dma_semaphore, #tpu.memory_space<semaphore_mem>>, %arg23: memref<!tpu.dma_semaphore, #tpu.memory_space<semaphore_mem>>, %arg24: memref<!tpu.dma_semaphore, #tpu.memory_space<semaphore_mem>>, %arg25: memref<!tpu.dma_semaphore, #tpu.memory_space<semaphore_mem>>, %arg26: memref<!tpu.dma_semaphore, #tpu.memory_space<semaphore_mem>>, %arg27: memref<!tpu.dma_semaphore, #tpu.memory_space<semaphore_mem>>, %arg28: memref<!tpu.dma_semaphore, #tpu.memory_space<semaphore_mem>>, %arg29: memref<!tpu.dma_semaphore, #tpu.memory_space<semaphore_mem>>, %arg30: memref<!tpu.dma_semaphore, #tpu.memory_space<semaphore_mem>>, %arg31: memref<!tpu.dma_semaphore, #tpu.memory_space<semaphore_mem>>, %arg32: memref<!tpu.dma_semaphore, #tpu.memory_space<semaphore_mem>>, %arg33: memref<!tpu.dma_semaphore, #tpu.memory_space<semaphore_mem>>, %arg34: memref<!tpu.dma_semaphore, #tpu.memory_space<semaphore_mem>>) attributes {dimension_semantics = [#tpu.dimension_semantics<core_parallel>, #tpu.dimension_semantics<subcore_parallel>], iteration_bounds = array<i64: 2, 16>, scalar_prefetch = 0 : i64, scratch_operands = 29 : i64, tpu.core_type = #tpu.core_type<sc_vector_subcore>, window_params = [{transform_indices = #map}, {transform_indices = #map1}, {transform_indices = #map2}, {transform_indices = #map}]} {
    %dma_start3A = arith.constant 0 : i32
    %dma_start3A_0 = arith.constant 0 : i32
    %dma_start3A_1 = tpu.memref_slice %arg3[%arg0, %arg1, %dma_start3A, %dma_start3A_0] : memref<2x16x125x80xi32, #tpu.memory_space<hbm>> -> memref<1x1x125x80xi32, #tpu.memory_space<hbm>>
    %dma_start3A_2 = tpu.memref_squeeze %dma_start3A_1 : memref<1x1x125x80xi32, #tpu.memory_space<hbm>> -> memref<125x80xi32, #tpu.memory_space<hbm>>
    %dma_start3A_3 = arith.constant 0 : i32
    %dma_start3A_4 = arith.constant 0 : i32
    %dma_start3A_5 = tpu.memref_slice %arg3[%arg0, %arg1, %dma_start3A_3, %dma_start3A_4] : memref<2x16x125x80xi32, #tpu.memory_space<hbm>> -> memref<1x1x125x80xi32, #tpu.memory_space<hbm>>
    %dma_start3A_6 = tpu.memref_squeeze %dma_start3A_5 : memref<1x1x125x80xi32, #tpu.memory_space<hbm>> -> memref<125x80xi32, #tpu.memory_space<hbm>>
    tpu.enqueue_dma source(%dma_start3A_6 : memref<125x80xi32, #tpu.memory_space<hbm>>) target(%arg6 : memref<125x80xi32, #tpu.memory_space<vmem>>) target_semaphore(%arg11 : memref<!tpu.dma_semaphore, #tpu.memory_space<semaphore_mem>>)
    %dma_start3A_7 = arith.constant 0 : i32
    %dma_start3A_8 = arith.constant 0 : i32
    %dma_start3A_9 = tpu.memref_slice %arg4[%arg1, %dma_start3A_7, %dma_start3A_8] : memref<16x125x80xi32, #tpu.memory_space<hbm>> -> memref<1x125x80xi32, #tpu.memory_space<hbm>>
    %dma_start3A_10 = tpu.memref_squeeze %dma_start3A_9 : memref<1x125x80xi32, #tpu.memory_space<hbm>> -> memref<125x80xi32, #tpu.memory_space<hbm>>
    %dma_start3A_11 = arith.constant 0 : i32
    %dma_start3A_12 = arith.constant 0 : i32
    %dma_start3A_13 = tpu.memref_slice %arg4[%arg1, %dma_start3A_11, %dma_start3A_12] : memref<16x125x80xi32, #tpu.memory_space<hbm>> -> memref<1x125x80xi32, #tpu.memory_space<hbm>>
    %dma_start3A_14 = tpu.memref_squeeze %dma_start3A_13 : memref<1x125x80xi32, #tpu.memory_space<hbm>> -> memref<125x80xi32, #tpu.memory_space<hbm>>
    tpu.enqueue_dma source(%dma_start3A_14 : memref<125x80xi32, #tpu.memory_space<hbm>>) target(%arg7 : memref<125x80xi32, #tpu.memory_space<vmem>>) target_semaphore(%arg12 : memref<!tpu.dma_semaphore, #tpu.memory_space<semaphore_mem>>)
    %broadcast_in_dim3A = arith.constant 0.000000e+00 : f32
    %broadcast_in_dim3A_15 = vector.broadcast %broadcast_in_dim3A : f32 to vector<16xf32>
    %scan3A = arith.constant 0 : i32
    %scan3A_16 = arith.constant 0 : i32
    %scan3A_17 = arith.constant 125 : i32
    %scan3A_18 = arith.addi %scan3A_16, %scan3A_17 : i32
    %scan3A_19 = arith.constant 1 : i32
    scf.for %scan3A_307 = %scan3A_16 to %scan3A_18 step %scan3A_19  : i32 {
      %swap3A = arith.index_cast %scan3A_307 : i32 to index
      %swap3A_308 = arith.constant 0 : index
      %swap3A_309 = tpu.vector_load %arg9[%swap3A, %swap3A_308] {strides = array<i32>} : memref<125x64xf32, #tpu.memory_space<vmem>>, vector<1x16xf32>,
      %swap3A_310 = vector.shape_cast %swap3A_309 : vector<1x16xf32> to vector<16xf32>
      %swap3A_311 = vector.shape_cast %broadcast_in_dim3A_15 : vector<16xf32> to vector<1x16xf32>
      tpu.vector_store %arg9[%swap3A, %swap3A_308], %swap3A_311 {strides = array<i32>} : memref<125x64xf32, #tpu.memory_space<vmem>>, vector<1x16xf32>,
      %swap3A_312 = arith.index_cast %scan3A_307 : i32 to index
      %swap3A_313 = arith.constant 16 : index
      %swap3A_314 = tpu.vector_load %arg9[%swap3A_312, %swap3A_313] {strides = array<i32>} : memref<125x64xf32, #tpu.memory_space<vmem>>, vector<1x16xf32>,
      %swap3A_315 = vector.shape_cast %swap3A_314 : vector<1x16xf32> to vector<16xf32>
      %swap3A_316 = vector.shape_cast %broadcast_in_dim3A_15 : vector<16xf32> to vector<1x16xf32>
      tpu.vector_store %arg9[%swap3A_312, %swap3A_313], %swap3A_316 {strides = array<i32>} : memref<125x64xf32, #tpu.memory_space<vmem>>, vector<1x16xf32>,
      %swap3A_317 = arith.index_cast %scan3A_307 : i32 to index
      %swap3A_318 = arith.constant 32 : index
      %swap3A_319 = tpu.vector_load %arg9[%swap3A_317, %swap3A_318] {strides = array<i32>} : memref<125x64xf32, #tpu.memory_space<vmem>>, vector<1x16xf32>,
      %swap3A_320 = vector.shape_cast %swap3A_319 : vector<1x16xf32> to vector<16xf32>
      %swap3A_321 = vector.shape_cast %broadcast_in_dim3A_15 : vector<16xf32> to vector<1x16xf32>
      tpu.vector_store %arg9[%swap3A_317, %swap3A_318], %swap3A_321 {strides = array<i32>} : memref<125x64xf32, #tpu.memory_space<vmem>>, vector<1x16xf32>,
      %swap3A_322 = arith.index_cast %scan3A_307 : i32 to index
      %swap3A_323 = arith.constant 48 : index
      %swap3A_324 = tpu.vector_load %arg9[%swap3A_322, %swap3A_323] {strides = array<i32>} : memref<125x64xf32, #tpu.memory_space<vmem>>, vector<1x16xf32>,
      %swap3A_325 = vector.shape_cast %swap3A_324 : vector<1x16xf32> to vector<16xf32>
      %swap3A_326 = vector.shape_cast %broadcast_in_dim3A_15 : vector<16xf32> to vector<1x16xf32>
      tpu.vector_store %arg9[%swap3A_322, %swap3A_323], %swap3A_326 {strides = array<i32>} : memref<125x64xf32, #tpu.memory_space<vmem>>, vector<1x16xf32>,
    }
    %scan3A_20 = arith.constant 125 : i32
    %mul3A = arith.constant 625 : i32
    %mul3A_21 = arith.muli %arg1, %mul3A : i32
    %add3A = arith.constant 0 : i32
    %add3A_22 = arith.addi %mul3A_21, %add3A : i32
    "tpu.region"() ({
      %run_scoped3A = tpu.sem_alloc : memref<!tpu.dma_semaphore, #tpu.memory_space<semaphore_mem>>
      %dma_start3A_307 = arith.constant 0 : i32
      %dma_start3A_308 = tpu.memref_slice %arg10[%add3A_22, %dma_start3A_307] : memref<10000x64xf32, #tpu.memory_space<vmem_shared>> -> memref<125x64xf32, #tpu.memory_space<vmem_shared>>
      %dma_start3A_309 = arith.constant 0 : i32
      %dma_start3A_310 = tpu.memref_slice %arg10[%add3A_22, %dma_start3A_309] : memref<10000x64xf32, #tpu.memory_space<vmem_shared>> -> memref<125x64xf32, #tpu.memory_space<vmem_shared>>
      tpu.enqueue_dma source(%arg9 : memref<125x64xf32, #tpu.memory_space<vmem>>) target(%dma_start3A_310 : memref<125x64xf32, #tpu.memory_space<vmem_shared>>) target_semaphore(%run_scoped3A : memref<!tpu.dma_semaphore, #tpu.memory_space<semaphore_mem>>)
      %dma_wait3A_311 = arith.constant 0 : i32
      %dma_wait3A_312 = tpu.memref_slice %arg10[%add3A_22, %dma_wait3A_311] : memref<10000x64xf32, #tpu.memory_space<vmem_shared>> -> memref<125x64xf32, #tpu.memory_space<vmem_shared>>
      %dma_wait3A_313 = arith.constant 0 : i32
      %dma_wait3A_314 = tpu.memref_slice %arg10[%add3A_22, %dma_wait3A_313] : memref<10000x64xf32, #tpu.memory_space<vmem_shared>> -> memref<125x64xf32, #tpu.memory_space<vmem_shared>>
      tpu.wait_dma2 semaphore(%run_scoped3A : memref<!tpu.dma_semaphore, #tpu.memory_space<semaphore_mem>>) src(%arg9 : memref<125x64xf32, #tpu.memory_space<vmem>>) dst(%dma_wait3A_314 : memref<125x64xf32, #tpu.memory_space<vmem_shared>>)
      tpu.yield
    }) : () -> ()
    %mul3A_23 = arith.constant 625 : i32
    %mul3A_24 = arith.muli %arg1, %mul3A_23 : i32
    %add3A_25 = arith.constant 125 : i32
    %add3A_26 = arith.addi %mul3A_24, %add3A_25 : i32
    "tpu.region"() ({
      %run_scoped3A = tpu.sem_alloc : memref<!tpu.dma_semaphore, #tpu.memory_space<semaphore_mem>>
      %dma_start3A_307 = arith.constant 0 : i32
      %dma_start3A_308 = tpu.memref_slice %arg10[%add3A_26, %dma_start3A_307] : memref<10000x64xf32, #tpu.memory_space<vmem_shared>> -> memref<125x64xf32, #tpu.memory_space<vmem_shared>>
      %dma_start3A_309 = arith.constant 0 : i32
      %dma_start3A_310 = tpu.memref_slice %arg10[%add3A_26, %dma_start3A_309] : memref<10000x64xf32, #tpu.memory_space<vmem_shared>> -> memref<125x64xf32, #tpu.memory_space<vmem_shared>>
      tpu.enqueue_dma source(%arg9 : memref<125x64xf32, #tpu.memory_space<vmem>>) target(%dma_start3A_310 : memref<125x64xf32, #tpu.memory_space<vmem_shared>>) target_semaphore(%run_scoped3A : memref<!tpu.dma_semaphore, #tpu.memory_space<semaphore_mem>>)
      %dma_wait3A_311 = arith.constant 0 : i32
      %dma_wait3A_312 = tpu.memref_slice %arg10[%add3A_26, %dma_wait3A_311] : memref<10000x64xf32, #tpu.memory_space<vmem_shared>> -> memref<125x64xf32, #tpu.memory_space<vmem_shared>>
      %dma_wait3A_313 = arith.constant 0 : i32
      %dma_wait3A_314 = tpu.memref_slice %arg10[%add3A_26, %dma_wait3A_313] : memref<10000x64xf32, #tpu.memory_space<vmem_shared>> -> memref<125x64xf32, #tpu.memory_space<vmem_shared>>
      tpu.wait_dma2 semaphore(%run_scoped3A : memref<!tpu.dma_semaphore, #tpu.memory_space<semaphore_mem>>) src(%arg9 : memref<125x64xf32, #tpu.memory_space<vmem>>) dst(%dma_wait3A_314 : memref<125x64xf32, #tpu.memory_space<vmem_shared>>)
      tpu.yield
    }) : () -> ()
    %mul3A_27 = arith.constant 625 : i32
    %mul3A_28 = arith.muli %arg1, %mul3A_27 : i32
    %add3A_29 = arith.constant 250 : i32
    %add3A_30 = arith.addi %mul3A_28, %add3A_29 : i32
    "tpu.region"() ({
      %run_scoped3A = tpu.sem_alloc : memref<!tpu.dma_semaphore, #tpu.memory_space<semaphore_mem>>
      %dma_start3A_307 = arith.constant 0 : i32
      %dma_start3A_308 = tpu.memref_slice %arg10[%add3A_30, %dma_start3A_307] : memref<10000x64xf32, #tpu.memory_space<vmem_shared>> -> memref<125x64xf32, #tpu.memory_space<vmem_shared>>
      %dma_start3A_309 = arith.constant 0 : i32
      %dma_start3A_310 = tpu.memref_slice %arg10[%add3A_30, %dma_start3A_309] : memref<10000x64xf32, #tpu.memory_space<vmem_shared>> -> memref<125x64xf32, #tpu.memory_space<vmem_shared>>
      tpu.enqueue_dma source(%arg9 : memref<125x64xf32, #tpu.memory_space<vmem>>) target(%dma_start3A_310 : memref<125x64xf32, #tpu.memory_space<vmem_shared>>) target_semaphore(%run_scoped3A : memref<!tpu.dma_semaphore, #tpu.memory_space<semaphore_mem>>)
      %dma_wait3A_311 = arith.constant 0 : i32
      %dma_wait3A_312 = tpu.memref_slice %arg10[%add3A_30, %dma_wait3A_311] : memref<10000x64xf32, #tpu.memory_space<vmem_shared>> -> memref<125x64xf32, #tpu.memory_space<vmem_shared>>
      %dma_wait3A_313 = arith.constant 0 : i32
      %dma_wait3A_314 = tpu.memref_slice %arg10[%add3A_30, %dma_wait3A_313] : memref<10000x64xf32, #tpu.memory_space<vmem_shared>> -> memref<125x64xf32, #tpu.memory_space<vmem_shared>>
      tpu.wait_dma2 semaphore(%run_scoped3A : memref<!tpu.dma_semaphore, #tpu.memory_space<semaphore_mem>>) src(%arg9 : memref<125x64xf32, #tpu.memory_space<vmem>>) dst(%dma_wait3A_314 : memref<125x64xf32, #tpu.memory_space<vmem_shared>>)
      tpu.yield
    }) : () -> ()
    %mul3A_31 = arith.constant 625 : i32
    %mul3A_32 = arith.muli %arg1, %mul3A_31 : i32
    %add3A_33 = arith.constant 375 : i32
    %add3A_34 = arith.addi %mul3A_32, %add3A_33 : i32
    "tpu.region"() ({
      %run_scoped3A = tpu.sem_alloc : memref<!tpu.dma_semaphore, #tpu.memory_space<semaphore_mem>>
      %dma_start3A_307 = arith.constant 0 : i32
      %dma_start3A_308 = tpu.memref_slice %arg10[%add3A_34, %dma_start3A_307] : memref<10000x64xf32, #tpu.memory_space<vmem_shared>> -> memref<125x64xf32, #tpu.memory_space<vmem_shared>>
      %dma_start3A_309 = arith.constant 0 : i32
      %dma_start3A_310 = tpu.memref_slice %arg10[%add3A_34, %dma_start3A_309] : memref<10000x64xf32, #tpu.memory_space<vmem_shared>> -> memref<125x64xf32, #tpu.memory_space<vmem_shared>>
      tpu.enqueue_dma source(%arg9 : memref<125x64xf32, #tpu.memory_space<vmem>>) target(%dma_start3A_310 : memref<125x64xf32, #tpu.memory_space<vmem_shared>>) target_semaphore(%run_scoped3A : memref<!tpu.dma_semaphore, #tpu.memory_space<semaphore_mem>>)
      %dma_wait3A_311 = arith.constant 0 : i32
      %dma_wait3A_312 = tpu.memref_slice %arg10[%add3A_34, %dma_wait3A_311] : memref<10000x64xf32, #tpu.memory_space<vmem_shared>> -> memref<125x64xf32, #tpu.memory_space<vmem_shared>>
      %dma_wait3A_313 = arith.constant 0 : i32
      %dma_wait3A_314 = tpu.memref_slice %arg10[%add3A_34, %dma_wait3A_313] : memref<10000x64xf32, #tpu.memory_space<vmem_shared>> -> memref<125x64xf32, #tpu.memory_space<vmem_shared>>
      tpu.wait_dma2 semaphore(%run_scoped3A : memref<!tpu.dma_semaphore, #tpu.memory_space<semaphore_mem>>) src(%arg9 : memref<125x64xf32, #tpu.memory_space<vmem>>) dst(%dma_wait3A_314 : memref<125x64xf32, #tpu.memory_space<vmem_shared>>)
      tpu.yield
    }) : () -> ()
    %mul3A_35 = arith.constant 625 : i32
    %mul3A_36 = arith.muli %arg1, %mul3A_35 : i32
    %add3A_37 = arith.constant 500 : i32
    %add3A_38 = arith.addi %mul3A_36, %add3A_37 : i32
    "tpu.region"() ({
      %run_scoped3A = tpu.sem_alloc : memref<!tpu.dma_semaphore, #tpu.memory_space<semaphore_mem>>
      %dma_start3A_307 = arith.constant 0 : i32
      %dma_start3A_308 = tpu.memref_slice %arg10[%add3A_38, %dma_start3A_307] : memref<10000x64xf32, #tpu.memory_space<vmem_shared>> -> memref<125x64xf32, #tpu.memory_space<vmem_shared>>
      %dma_start3A_309 = arith.constant 0 : i32
      %dma_start3A_310 = tpu.memref_slice %arg10[%add3A_38, %dma_start3A_309] : memref<10000x64xf32, #tpu.memory_space<vmem_shared>> -> memref<125x64xf32, #tpu.memory_space<vmem_shared>>
      tpu.enqueue_dma source(%arg9 : memref<125x64xf32, #tpu.memory_space<vmem>>) target(%dma_start3A_310 : memref<125x64xf32, #tpu.memory_space<vmem_shared>>) target_semaphore(%run_scoped3A : memref<!tpu.dma_semaphore, #tpu.memory_space<semaphore_mem>>)
      %dma_wait3A_311 = arith.constant 0 : i32
      %dma_wait3A_312 = tpu.memref_slice %arg10[%add3A_38, %dma_wait3A_311] : memref<10000x64xf32, #tpu.memory_space<vmem_shared>> -> memref<125x64xf32, #tpu.memory_space<vmem_shared>>
      %dma_wait3A_313 = arith.constant 0 : i32
      %dma_wait3A_314 = tpu.memref_slice %arg10[%add3A_38, %dma_wait3A_313] : memref<10000x64xf32, #tpu.memory_space<vmem_shared>> -> memref<125x64xf32, #tpu.memory_space<vmem_shared>>
      tpu.wait_dma2 semaphore(%run_scoped3A : memref<!tpu.dma_semaphore, #tpu.memory_space<semaphore_mem>>) src(%arg9 : memref<125x64xf32, #tpu.memory_space<vmem>>) dst(%dma_wait3A_314 : memref<125x64xf32, #tpu.memory_space<vmem_shared>>)
      tpu.yield
    }) : () -> ()
    %dma_wait3A = arith.constant 0 : i32
    %dma_wait3A_39 = arith.constant 0 : i32
    %dma_wait3A_40 = tpu.memref_slice %arg3[%arg0, %arg1, %dma_wait3A, %dma_wait3A_39] : memref<2x16x125x80xi32, #tpu.memory_space<hbm>> -> memref<1x1x125x80xi32, #tpu.memory_space<hbm>>
    %dma_wait3A_41 = tpu.memref_squeeze %dma_wait3A_40 : memref<1x1x125x80xi32, #tpu.memory_space<hbm>> -> memref<125x80xi32, #tpu.memory_space<hbm>>
    %dma_wait3A_42 = arith.constant 0 : i32
    %dma_wait3A_43 = arith.constant 0 : i32
    %dma_wait3A_44 = tpu.memref_slice %arg3[%arg0, %arg1, %dma_wait3A_42, %dma_wait3A_43] : memref<2x16x125x80xi32, #tpu.memory_space<hbm>> -> memref<1x1x125x80xi32, #tpu.memory_space<hbm>>
    %dma_wait3A_45 = tpu.memref_squeeze %dma_wait3A_44 : memref<1x1x125x80xi32, #tpu.memory_space<hbm>> -> memref<125x80xi32, #tpu.memory_space<hbm>>
    tpu.wait_dma2 semaphore(%arg11 : memref<!tpu.dma_semaphore, #tpu.memory_space<semaphore_mem>>) src(%dma_wait3A_45 : memref<125x80xi32, #tpu.memory_space<hbm>>) dst(%arg6 : memref<125x80xi32, #tpu.memory_space<vmem>>)
    %dma_wait3A_46 = arith.constant 0 : i32
    %dma_wait3A_47 = arith.constant 0 : i32
    %dma_wait3A_48 = tpu.memref_slice %arg4[%arg1, %dma_wait3A_46, %dma_wait3A_47] : memref<16x125x80xi32, #tpu.memory_space<hbm>> -> memref<1x125x80xi32, #tpu.memory_space<hbm>>
    %dma_wait3A_49 = tpu.memref_squeeze %dma_wait3A_48 : memref<1x125x80xi32, #tpu.memory_space<hbm>> -> memref<125x80xi32, #tpu.memory_space<hbm>>
    %dma_wait3A_50 = arith.constant 0 : i32
    %dma_wait3A_51 = arith.constant 0 : i32
    %dma_wait3A_52 = tpu.memref_slice %arg4[%arg1, %dma_wait3A_50, %dma_wait3A_51] : memref<16x125x80xi32, #tpu.memory_space<hbm>> -> memref<1x125x80xi32, #tpu.memory_space<hbm>>
    %dma_wait3A_53 = tpu.memref_squeeze %dma_wait3A_52 : memref<1x125x80xi32, #tpu.memory_space<hbm>> -> memref<125x80xi32, #tpu.memory_space<hbm>>
    tpu.wait_dma2 semaphore(%arg12 : memref<!tpu.dma_semaphore, #tpu.memory_space<semaphore_mem>>) src(%dma_wait3A_53 : memref<125x80xi32, #tpu.memory_space<hbm>>) dst(%arg7 : memref<125x80xi32, #tpu.memory_space<vmem>>)
    %barrier3A = arith.constant 0 : index
    tpu.barrier barrier_id(%barrier3A)
    %scan3A_54 = arith.constant 0 : i32
    %scan3A_55 = arith.constant 0 : i32
    %scan3A_56 = arith.constant 10 : i32
    %scan3A_57 = arith.addi %scan3A_55, %scan3A_56 : i32
    %scan3A_58 = arith.constant 1 : i32
    scf.for %scan3A_307 = %scan3A_55 to %scan3A_57 step %scan3A_58  : i32 {
      %mul3A_308 = arith.constant 12 : i32
      %mul3A_309 = arith.muli %mul3A_308, %scan3A_307 : i32
      %add3A_310 = arith.constant 0 : i32
      %add3A_311 = arith.addi %mul3A_309, %add3A_310 : i32
      %dma_start3A_312 = arith.constant 0 : i32
      %dma_start3A_313 = arith.constant 0 : i32
      %dma_start3A_314 = arith.constant 0 : i32
      %dma_start3A_315 = tpu.memref_slice %arg8[%dma_start3A_312, %dma_start3A_313, %dma_start3A_314] : memref<12x80x64xf32, #tpu.memory_space<vmem>> -> memref<1x80x64xf32, #tpu.memory_space<vmem>>
      %dma_start3A_316 = tpu.memref_squeeze %dma_start3A_315 : memref<1x80x64xf32, #tpu.memory_space<vmem>> -> memref<80x64xf32, #tpu.memory_space<vmem>>
      %dma_start3A_317 = arith.constant 0 : i32
      %dma_start3A_318 = tpu.memref_slice %arg6[%add3A_311, %dma_start3A_317] : memref<125x80xi32, #tpu.memory_space<vmem>> -> memref<1x80xi32, #tpu.memory_space<vmem>>
      %dma_start3A_319 = tpu.memref_squeeze %dma_start3A_318 : memref<1x80xi32, #tpu.memory_space<vmem>> -> memref<80xi32, #tpu.memory_space<vmem>>
      %dma_start3A_320 = arith.constant 0 : i32
      %dma_start3A_321 = arith.constant 0 : i32
      %dma_start3A_322 = tpu.memref_slice %arg2[%dma_start3A_320, %dma_start3A_321] : memref<20000x64xf32, #tpu.memory_space<hbm>> -> memref<20000x64xf32, #tpu.memory_space<hbm>>
      tpu.enqueue_indirect_dma source(%dma_start3A_322 : memref<20000x64xf32, #tpu.memory_space<hbm>>) target(%dma_start3A_316 : memref<80x64xf32, #tpu.memory_space<vmem>>) offsets(%dma_start3A_319 : memref<80xi32, #tpu.memory_space<vmem>>) semaphore(%arg11 : memref<!tpu.dma_semaphore, #tpu.memory_space<semaphore_mem>>)
      %add3A_323 = arith.constant 1 : i32
      %add3A_324 = arith.addi %mul3A_309, %add3A_323 : i32
      %dma_start3A_325 = arith.constant 1 : i32
      %dma_start3A_326 = arith.constant 0 : i32
      %dma_start3A_327 = arith.constant 0 : i32
      %dma_start3A_328 = tpu.memref_slice %arg8[%dma_start3A_325, %dma_start3A_326, %dma_start3A_327] : memref<12x80x64xf32, #tpu.memory_space<vmem>> -> memref<1x80x64xf32, #tpu.memory_space<vmem>>
      %dma_start3A_329 = tpu.memref_squeeze %dma_start3A_328 : memref<1x80x64xf32, #tpu.memory_space<vmem>> -> memref<80x64xf32, #tpu.memory_space<vmem>>
      %dma_start3A_330 = arith.constant 0 : i32
      %dma_start3A_331 = tpu.memref_slice %arg6[%add3A_324, %dma_start3A_330] : memref<125x80xi32, #tpu.memory_space<vmem>> -> memref<1x80xi32, #tpu.memory_space<vmem>>
      %dma_start3A_332 = tpu.memref_squeeze %dma_start3A_331 : memref<1x80xi32, #tpu.memory_space<vmem>> -> memref<80xi32, #tpu.memory_space<vmem>>
      %dma_start3A_333 = arith.constant 0 : i32
      %dma_start3A_334 = arith.constant 0 : i32
      %dma_start3A_335 = tpu.memref_slice %arg2[%dma_start3A_333, %dma_start3A_334] : memref<20000x64xf32, #tpu.memory_space<hbm>> -> memref<20000x64xf32, #tpu.memory_space<hbm>>
      tpu.enqueue_indirect_dma source(%dma_start3A_335 : memref<20000x64xf32, #tpu.memory_space<hbm>>) target(%dma_start3A_329 : memref<80x64xf32, #tpu.memory_space<vmem>>) offsets(%dma_start3A_332 : memref<80xi32, #tpu.memory_space<vmem>>) semaphore(%arg12 : memref<!tpu.dma_semaphore, #tpu.memory_space<semaphore_mem>>)
      %add3A_336 = arith.constant 2 : i32
      %add3A_337 = arith.addi %mul3A_309, %add3A_336 : i32
      %dma_start3A_338 = arith.constant 2 : i32
      %dma_start3A_339 = arith.constant 0 : i32
      %dma_start3A_340 = arith.constant 0 : i32
      %dma_start3A_341 = tpu.memref_slice %arg8[%dma_start3A_338, %dma_start3A_339, %dma_start3A_340] : memref<12x80x64xf32, #tpu.memory_space<vmem>> -> memref<1x80x64xf32, #tpu.memory_space<vmem>>
      %dma_start3A_342 = tpu.memref_squeeze %dma_start3A_341 : memref<1x80x64xf32, #tpu.memory_space<vmem>> -> memref<80x64xf32, #tpu.memory_space<vmem>>
      %dma_start3A_343 = arith.constant 0 : i32
      %dma_start3A_344 = tpu.memref_slice %arg6[%add3A_337, %dma_start3A_343] : memref<125x80xi32, #tpu.memory_space<vmem>> -> memref<1x80xi32, #tpu.memory_space<vmem>>
      %dma_start3A_345 = tpu.memref_squeeze %dma_start3A_344 : memref<1x80xi32, #tpu.memory_space<vmem>> -> memref<80xi32, #tpu.memory_space<vmem>>
      %dma_start3A_346 = arith.constant 0 : i32
      %dma_start3A_347 = arith.constant 0 : i32
      %dma_start3A_348 = tpu.memref_slice %arg2[%dma_start3A_346, %dma_start3A_347] : memref<20000x64xf32, #tpu.memory_space<hbm>> -> memref<20000x64xf32, #tpu.memory_space<hbm>>
      tpu.enqueue_indirect_dma source(%dma_start3A_348 : memref<20000x64xf32, #tpu.memory_space<hbm>>) target(%dma_start3A_342 : memref<80x64xf32, #tpu.memory_space<vmem>>) offsets(%dma_start3A_345 : memref<80xi32, #tpu.memory_space<vmem>>) semaphore(%arg13 : memref<!tpu.dma_semaphore, #tpu.memory_space<semaphore_mem>>)
      %add3A_349 = arith.constant 3 : i32
      %add3A_350 = arith.addi %mul3A_309, %add3A_349 : i32
      %dma_start3A_351 = arith.constant 3 : i32
      %dma_start3A_352 = arith.constant 0 : i32
      %dma_start3A_353 = arith.constant 0 : i32
      %dma_start3A_354 = tpu.memref_slice %arg8[%dma_start3A_351, %dma_start3A_352, %dma_start3A_353] : memref<12x80x64xf32, #tpu.memory_space<vmem>> -> memref<1x80x64xf32, #tpu.memory_space<vmem>>
      %dma_start3A_355 = tpu.memref_squeeze %dma_start3A_354 : memref<1x80x64xf32, #tpu.memory_space<vmem>> -> memref<80x64xf32, #tpu.memory_space<vmem>>
      %dma_start3A_356 = arith.constant 0 : i32
      %dma_start3A_357 = tpu.memref_slice %arg6[%add3A_350, %dma_start3A_356] : memref<125x80xi32, #tpu.memory_space<vmem>> -> memref<1x80xi32, #tpu.memory_space<vmem>>
      %dma_start3A_358 = tpu.memref_squeeze %dma_start3A_357 : memref<1x80xi32, #tpu.memory_space<vmem>> -> memref<80xi32, #tpu.memory_space<vmem>>
      %dma_start3A_359 = arith.constant 0 : i32
      %dma_start3A_360 = arith.constant 0 : i32
      %dma_start3A_361 = tpu.memref_slice %arg2[%dma_start3A_359, %dma_start3A_360] : memref<20000x64xf32, #tpu.memory_space<hbm>> -> memref<20000x64xf32, #tpu.memory_space<hbm>>
      tpu.enqueue_indirect_dma source(%dma_start3A_361 : memref<20000x64xf32, #tpu.memory_space<hbm>>) target(%dma_start3A_355 : memref<80x64xf32, #tpu.memory_space<vmem>>) offsets(%dma_start3A_358 : memref<80xi32, #tpu.memory_space<vmem>>) semaphore(%arg14 : memref<!tpu.dma_semaphore, #tpu.memory_space<semaphore_mem>>)
      %add3A_362 = arith.constant 4 : i32
      %add3A_363 = arith.addi %mul3A_309, %add3A_362 : i32
      %dma_start3A_364 = arith.constant 4 : i32
      %dma_start3A_365 = arith.constant 0 : i32
      %dma_start3A_366 = arith.constant 0 : i32
      %dma_start3A_367 = tpu.memref_slice %arg8[%dma_start3A_364, %dma_start3A_365, %dma_start3A_366] : memref<12x80x64xf32, #tpu.memory_space<vmem>> -> memref<1x80x64xf32, #tpu.memory_space<vmem>>
      %dma_start3A_368 = tpu.memref_squeeze %dma_start3A_367 : memref<1x80x64xf32, #tpu.memory_space<vmem>> -> memref<80x64xf32, #tpu.memory_space<vmem>>
      %dma_start3A_369 = arith.constant 0 : i32
      %dma_start3A_370 = tpu.memref_slice %arg6[%add3A_363, %dma_start3A_369] : memref<125x80xi32, #tpu.memory_space<vmem>> -> memref<1x80xi32, #tpu.memory_space<vmem>>
      %dma_start3A_371 = tpu.memref_squeeze %dma_start3A_370 : memref<1x80xi32, #tpu.memory_space<vmem>> -> memref<80xi32, #tpu.memory_space<vmem>>
      %dma_start3A_372 = arith.constant 0 : i32
      %dma_start3A_373 = arith.constant 0 : i32
      %dma_start3A_374 = tpu.memref_slice %arg2[%dma_start3A_372, %dma_start3A_373] : memref<20000x64xf32, #tpu.memory_space<hbm>> -> memref<20000x64xf32, #tpu.memory_space<hbm>>
      tpu.enqueue_indirect_dma source(%dma_start3A_374 : memref<20000x64xf32, #tpu.memory_space<hbm>>) target(%dma_start3A_368 : memref<80x64xf32, #tpu.memory_space<vmem>>) offsets(%dma_start3A_371 : memref<80xi32, #tpu.memory_space<vmem>>) semaphore(%arg15 : memref<!tpu.dma_semaphore, #tpu.memory_space<semaphore_mem>>)
      %add3A_375 = arith.constant 5 : i32
      %add3A_376 = arith.addi %mul3A_309, %add3A_375 : i32
      %dma_start3A_377 = arith.constant 5 : i32
      %dma_start3A_378 = arith.constant 0 : i32
      %dma_start3A_379 = arith.constant 0 : i32
      %dma_start3A_380 = tpu.memref_slice %arg8[%dma_start3A_377, %dma_start3A_378, %dma_start3A_379] : memref<12x80x64xf32, #tpu.memory_space<vmem>> -> memref<1x80x64xf32, #tpu.memory_space<vmem>>
      %dma_start3A_381 = tpu.memref_squeeze %dma_start3A_380 : memref<1x80x64xf32, #tpu.memory_space<vmem>> -> memref<80x64xf32, #tpu.memory_space<vmem>>
      %dma_start3A_382 = arith.constant 0 : i32
      %dma_start3A_383 = tpu.memref_slice %arg6[%add3A_376, %dma_start3A_382] : memref<125x80xi32, #tpu.memory_space<vmem>> -> memref<1x80xi32, #tpu.memory_space<vmem>>
      %dma_start3A_384 = tpu.memref_squeeze %dma_start3A_383 : memref<1x80xi32, #tpu.memory_space<vmem>> -> memref<80xi32, #tpu.memory_space<vmem>>
      %dma_start3A_385 = arith.constant 0 : i32
      %dma_start3A_386 = arith.constant 0 : i32
      %dma_start3A_387 = tpu.memref_slice %arg2[%dma_start3A_385, %dma_start3A_386] : memref<20000x64xf32, #tpu.memory_space<hbm>> -> memref<20000x64xf32, #tpu.memory_space<hbm>>
      tpu.enqueue_indirect_dma source(%dma_start3A_387 : memref<20000x64xf32, #tpu.memory_space<hbm>>) target(%dma_start3A_381 : memref<80x64xf32, #tpu.memory_space<vmem>>) offsets(%dma_start3A_384 : memref<80xi32, #tpu.memory_space<vmem>>) semaphore(%arg16 : memref<!tpu.dma_semaphore, #tpu.memory_space<semaphore_mem>>)
      %add3A_388 = arith.constant 6 : i32
      %add3A_389 = arith.addi %mul3A_309, %add3A_388 : i32
      %dma_start3A_390 = arith.constant 6 : i32
      %dma_start3A_391 = arith.constant 0 : i32
      %dma_start3A_392 = arith.constant 0 : i32
      %dma_start3A_393 = tpu.memref_slice %arg8[%dma_start3A_390, %dma_start3A_391, %dma_start3A_392] : memref<12x80x64xf32, #tpu.memory_space<vmem>> -> memref<1x80x64xf32, #tpu.memory_space<vmem>>
      %dma_start3A_394 = tpu.memref_squeeze %dma_start3A_393 : memref<1x80x64xf32, #tpu.memory_space<vmem>> -> memref<80x64xf32, #tpu.memory_space<vmem>>
      %dma_start3A_395 = arith.constant 0 : i32
      %dma_start3A_396 = tpu.memref_slice %arg6[%add3A_389, %dma_start3A_395] : memref<125x80xi32, #tpu.memory_space<vmem>> -> memref<1x80xi32, #tpu.memory_space<vmem>>
      %dma_start3A_397 = tpu.memref_squeeze %dma_start3A_396 : memref<1x80xi32, #tpu.memory_space<vmem>> -> memref<80xi32, #tpu.memory_space<vmem>>
      %dma_start3A_398 = arith.constant 0 : i32
      %dma_start3A_399 = arith.constant 0 : i32
      %dma_start3A_400 = tpu.memref_slice %arg2[%dma_start3A_398, %dma_start3A_399] : memref<20000x64xf32, #tpu.memory_space<hbm>> -> memref<20000x64xf32, #tpu.memory_space<hbm>>
      tpu.enqueue_indirect_dma source(%dma_start3A_400 : memref<20000x64xf32, #tpu.memory_space<hbm>>) target(%dma_start3A_394 : memref<80x64xf32, #tpu.memory_space<vmem>>) offsets(%dma_start3A_397 : memref<80xi32, #tpu.memory_space<vmem>>) semaphore(%arg17 : memref<!tpu.dma_semaphore, #tpu.memory_space<semaphore_mem>>)
      %add3A_401 = arith.constant 7 : i32
      %add3A_402 = arith.addi %mul3A_309, %add3A_401 : i32
      %dma_start3A_403 = arith.constant 7 : i32
      %dma_start3A_404 = arith.constant 0 : i32
      %dma_start3A_405 = arith.constant 0 : i32
      %dma_start3A_406 = tpu.memref_slice %arg8[%dma_start3A_403, %dma_start3A_404, %dma_start3A_405] : memref<12x80x64xf32, #tpu.memory_space<vmem>> -> memref<1x80x64xf32, #tpu.memory_space<vmem>>
      %dma_start3A_407 = tpu.memref_squeeze %dma_start3A_406 : memref<1x80x64xf32, #tpu.memory_space<vmem>> -> memref<80x64xf32, #tpu.memory_space<vmem>>
      %dma_start3A_408 = arith.constant 0 : i32
      %dma_start3A_409 = tpu.memref_slice %arg6[%add3A_402, %dma_start3A_408] : memref<125x80xi32, #tpu.memory_space<vmem>> -> memref<1x80xi32, #tpu.memory_space<vmem>>
      %dma_start3A_410 = tpu.memref_squeeze %dma_start3A_409 : memref<1x80xi32, #tpu.memory_space<vmem>> -> memref<80xi32, #tpu.memory_space<vmem>>
      %dma_start3A_411 = arith.constant 0 : i32
      %dma_start3A_412 = arith.constant 0 : i32
      %dma_start3A_413 = tpu.memref_slice %arg2[%dma_start3A_411, %dma_start3A_412] : memref<20000x64xf32, #tpu.memory_space<hbm>> -> memref<20000x64xf32, #tpu.memory_space<hbm>>
      tpu.enqueue_indirect_dma source(%dma_start3A_413 : memref<20000x64xf32, #tpu.memory_space<hbm>>) target(%dma_start3A_407 : memref<80x64xf32, #tpu.memory_space<vmem>>) offsets(%dma_start3A_410 : memref<80xi32, #tpu.memory_space<vmem>>) semaphore(%arg18 : memref<!tpu.dma_semaphore, #tpu.memory_space<semaphore_mem>>)
      %add3A_414 = arith.constant 8 : i32
      %add3A_415 = arith.addi %mul3A_309, %add3A_414 : i32
      %dma_start3A_416 = arith.constant 8 : i32
      %dma_start3A_417 = arith.constant 0 : i32
      %dma_start3A_418 = arith.constant 0 : i32
      %dma_start3A_419 = tpu.memref_slice %arg8[%dma_start3A_416, %dma_start3A_417, %dma_start3A_418] : memref<12x80x64xf32, #tpu.memory_space<vmem>> -> memref<1x80x64xf32, #tpu.memory_space<vmem>>
      %dma_start3A_420 = tpu.memref_squeeze %dma_start3A_419 : memref<1x80x64xf32, #tpu.memory_space<vmem>> -> memref<80x64xf32, #tpu.memory_space<vmem>>
      %dma_start3A_421 = arith.constant 0 : i32
      %dma_start3A_422 = tpu.memref_slice %arg6[%add3A_415, %dma_start3A_421] : memref<125x80xi32, #tpu.memory_space<vmem>> -> memref<1x80xi32, #tpu.memory_space<vmem>>
      %dma_start3A_423 = tpu.memref_squeeze %dma_start3A_422 : memref<1x80xi32, #tpu.memory_space<vmem>> -> memref<80xi32, #tpu.memory_space<vmem>>
      %dma_start3A_424 = arith.constant 0 : i32
      %dma_start3A_425 = arith.constant 0 : i32
      %dma_start3A_426 = tpu.memref_slice %arg2[%dma_start3A_424, %dma_start3A_425] : memref<20000x64xf32, #tpu.memory_space<hbm>> -> memref<20000x64xf32, #tpu.memory_space<hbm>>
      tpu.enqueue_indirect_dma source(%dma_start3A_426 : memref<20000x64xf32, #tpu.memory_space<hbm>>) target(%dma_start3A_420 : memref<80x64xf32, #tpu.memory_space<vmem>>) offsets(%dma_start3A_423 : memref<80xi32, #tpu.memory_space<vmem>>) semaphore(%arg19 : memref<!tpu.dma_semaphore, #tpu.memory_space<semaphore_mem>>)
      %add3A_427 = arith.constant 9 : i32
      %add3A_428 = arith.addi %mul3A_309, %add3A_427 : i32
      %dma_start3A_429 = arith.constant 9 : i32
      %dma_start3A_430 = arith.constant 0 : i32
      %dma_start3A_431 = arith.constant 0 : i32
      %dma_start3A_432 = tpu.memref_slice %arg8[%dma_start3A_429, %dma_start3A_430, %dma_start3A_431] : memref<12x80x64xf32, #tpu.memory_space<vmem>> -> memref<1x80x64xf32, #tpu.memory_space<vmem>>
      %dma_start3A_433 = tpu.memref_squeeze %dma_start3A_432 : memref<1x80x64xf32, #tpu.memory_space<vmem>> -> memref<80x64xf32, #tpu.memory_space<vmem>>
      %dma_start3A_434 = arith.constant 0 : i32
      %dma_start3A_435 = tpu.memref_slice %arg6[%add3A_428, %dma_start3A_434] : memref<125x80xi32, #tpu.memory_space<vmem>> -> memref<1x80xi32, #tpu.memory_space<vmem>>
      %dma_start3A_436 = tpu.memref_squeeze %dma_start3A_435 : memref<1x80xi32, #tpu.memory_space<vmem>> -> memref<80xi32, #tpu.memory_space<vmem>>
      %dma_start3A_437 = arith.constant 0 : i32
      %dma_start3A_438 = arith.constant 0 : i32
      %dma_start3A_439 = tpu.memref_slice %arg2[%dma_start3A_437, %dma_start3A_438] : memref<20000x64xf32, #tpu.memory_space<hbm>> -> memref<20000x64xf32, #tpu.memory_space<hbm>>
      tpu.enqueue_indirect_dma source(%dma_start3A_439 : memref<20000x64xf32, #tpu.memory_space<hbm>>) target(%dma_start3A_433 : memref<80x64xf32, #tpu.memory_space<vmem>>) offsets(%dma_start3A_436 : memref<80xi32, #tpu.memory_space<vmem>>) semaphore(%arg20 : memref<!tpu.dma_semaphore, #tpu.memory_space<semaphore_mem>>)
      %add3A_440 = arith.constant 10 : i32
      %add3A_441 = arith.addi %mul3A_309, %add3A_440 : i32
      %dma_start3A_442 = arith.constant 10 : i32
      %dma_start3A_443 = arith.constant 0 : i32
      %dma_start3A_444 = arith.constant 0 : i32
      %dma_start3A_445 = tpu.memref_slice %arg8[%dma_start3A_442, %dma_start3A_443, %dma_start3A_444] : memref<12x80x64xf32, #tpu.memory_space<vmem>> -> memref<1x80x64xf32, #tpu.memory_space<vmem>>
      %dma_start3A_446 = tpu.memref_squeeze %dma_start3A_445 : memref<1x80x64xf32, #tpu.memory_space<vmem>> -> memref<80x64xf32, #tpu.memory_space<vmem>>
      %dma_start3A_447 = arith.constant 0 : i32
      %dma_start3A_448 = tpu.memref_slice %arg6[%add3A_441, %dma_start3A_447] : memref<125x80xi32, #tpu.memory_space<vmem>> -> memref<1x80xi32, #tpu.memory_space<vmem>>
      %dma_start3A_449 = tpu.memref_squeeze %dma_start3A_448 : memref<1x80xi32, #tpu.memory_space<vmem>> -> memref<80xi32, #tpu.memory_space<vmem>>
      %dma_start3A_450 = arith.constant 0 : i32
      %dma_start3A_451 = arith.constant 0 : i32
      %dma_start3A_452 = tpu.memref_slice %arg2[%dma_start3A_450, %dma_start3A_451] : memref<20000x64xf32, #tpu.memory_space<hbm>> -> memref<20000x64xf32, #tpu.memory_space<hbm>>
      tpu.enqueue_indirect_dma source(%dma_start3A_452 : memref<20000x64xf32, #tpu.memory_space<hbm>>) target(%dma_start3A_446 : memref<80x64xf32, #tpu.memory_space<vmem>>) offsets(%dma_start3A_449 : memref<80xi32, #tpu.memory_space<vmem>>) semaphore(%arg21 : memref<!tpu.dma_semaphore, #tpu.memory_space<semaphore_mem>>)
      %add3A_453 = arith.constant 11 : i32
      %add3A_454 = arith.addi %mul3A_309, %add3A_453 : i32
      %dma_start3A_455 = arith.constant 11 : i32
      %dma_start3A_456 = arith.constant 0 : i32
      %dma_start3A_457 = arith.constant 0 : i32
      %dma_start3A_458 = tpu.memref_slice %arg8[%dma_start3A_455, %dma_start3A_456, %dma_start3A_457] : memref<12x80x64xf32, #tpu.memory_space<vmem>> -> memref<1x80x64xf32, #tpu.memory_space<vmem>>
      %dma_start3A_459 = tpu.memref_squeeze %dma_start3A_458 : memref<1x80x64xf32, #tpu.memory_space<vmem>> -> memref<80x64xf32, #tpu.memory_space<vmem>>
      %dma_start3A_460 = arith.constant 0 : i32
      %dma_start3A_461 = tpu.memref_slice %arg6[%add3A_454, %dma_start3A_460] : memref<125x80xi32, #tpu.memory_space<vmem>> -> memref<1x80xi32, #tpu.memory_space<vmem>>
      %dma_start3A_462 = tpu.memref_squeeze %dma_start3A_461 : memref<1x80xi32, #tpu.memory_space<vmem>> -> memref<80xi32, #tpu.memory_space<vmem>>
      %dma_start3A_463 = arith.constant 0 : i32
      %dma_start3A_464 = arith.constant 0 : i32
      %dma_start3A_465 = tpu.memref_slice %arg2[%dma_start3A_463, %dma_start3A_464] : memref<20000x64xf32, #tpu.memory_space<hbm>> -> memref<20000x64xf32, #tpu.memory_space<hbm>>
      tpu.enqueue_indirect_dma source(%dma_start3A_465 : memref<20000x64xf32, #tpu.memory_space<hbm>>) target(%dma_start3A_459 : memref<80x64xf32, #tpu.memory_space<vmem>>) offsets(%dma_start3A_462 : memref<80xi32, #tpu.memory_space<vmem>>) semaphore(%arg22 : memref<!tpu.dma_semaphore, #tpu.memory_space<semaphore_mem>>)
      %dma_wait3A_466 = arith.constant 0 : i32
      %dma_wait3A_467 = arith.constant 0 : i32
      %dma_wait3A_468 = arith.constant 0 : i32
      %dma_wait3A_469 = tpu.memref_slice %arg8[%dma_wait3A_466, %dma_wait3A_467, %dma_wait3A_468] : memref<12x80x64xf32, #tpu.memory_space<vmem>> -> memref<1x80x64xf32, #tpu.memory_space<vmem>>
      %dma_wait3A_470 = tpu.memref_squeeze %dma_wait3A_469 : memref<1x80x64xf32, #tpu.memory_space<vmem>> -> memref<80x64xf32, #tpu.memory_space<vmem>>
      %dma_wait3A_471 = arith.constant 0 : i32
      %dma_wait3A_472 = tpu.memref_slice %arg6[%add3A_311, %dma_wait3A_471] : memref<125x80xi32, #tpu.memory_space<vmem>> -> memref<1x80xi32, #tpu.memory_space<vmem>>
      %dma_wait3A_473 = tpu.memref_squeeze %dma_wait3A_472 : memref<1x80xi32, #tpu.memory_space<vmem>> -> memref<80xi32, #tpu.memory_space<vmem>>
      %dma_wait3A_474 = arith.constant 0 : i32
      %dma_wait3A_475 = arith.constant 0 : i32
      %dma_wait3A_476 = tpu.memref_slice %arg2[%dma_wait3A_474, %dma_wait3A_475] : memref<20000x64xf32, #tpu.memory_space<hbm>> -> memref<20000x64xf32, #tpu.memory_space<hbm>>
      tpu.wait_indirect_dma semaphore(%arg11 : memref<!tpu.dma_semaphore, #tpu.memory_space<semaphore_mem>>) src(%dma_wait3A_476 : memref<20000x64xf32, #tpu.memory_space<hbm>>) dst(%dma_wait3A_470 : memref<80x64xf32, #tpu.memory_space<vmem>>)
      %add3A_477 = arith.constant 0 : i32
      %add3A_478 = arith.addi %mul3A_309, %add3A_477 : i32
      %dma_start3A_479 = arith.constant 0 : i32
      %dma_start3A_480 = arith.constant 0 : i32
      %dma_start3A_481 = arith.constant 0 : i32
      %dma_start3A_482 = tpu.memref_slice %arg8[%dma_start3A_479, %dma_start3A_480, %dma_start3A_481] : memref<12x80x64xf32, #tpu.memory_space<vmem>> -> memref<1x80x64xf32, #tpu.memory_space<vmem>>
      %dma_start3A_483 = tpu.memref_squeeze %dma_start3A_482 : memref<1x80x64xf32, #tpu.memory_space<vmem>> -> memref<80x64xf32, #tpu.memory_space<vmem>>
      %dma_start3A_484 = arith.constant 0 : i32
      %dma_start3A_485 = tpu.memref_slice %arg7[%add3A_478, %dma_start3A_484] : memref<125x80xi32, #tpu.memory_space<vmem>> -> memref<1x80xi32, #tpu.memory_space<vmem>>
      %dma_start3A_486 = tpu.memref_squeeze %dma_start3A_485 : memref<1x80xi32, #tpu.memory_space<vmem>> -> memref<80xi32, #tpu.memory_space<vmem>>
      %dma_start3A_487 = arith.constant 0 : i32
      %dma_start3A_488 = arith.constant 0 : i32
      %dma_start3A_489 = tpu.memref_slice %arg10[%dma_start3A_487, %dma_start3A_488] : memref<10000x64xf32, #tpu.memory_space<vmem_shared>> -> memref<10000x64xf32, #tpu.memory_space<vmem_shared>>
      tpu.enqueue_indirect_dma source(%dma_start3A_483 : memref<80x64xf32, #tpu.memory_space<vmem>>) target(%dma_start3A_489 : memref<10000x64xf32, #tpu.memory_space<vmem_shared>>) offsets(%dma_start3A_486 : memref<80xi32, #tpu.memory_space<vmem>>) semaphore(%arg23 : memref<!tpu.dma_semaphore, #tpu.memory_space<semaphore_mem>>) {add = true}
      %dma_wait3A_490 = arith.constant 1 : i32
      %dma_wait3A_491 = arith.constant 0 : i32
      %dma_wait3A_492 = arith.constant 0 : i32
      %dma_wait3A_493 = tpu.memref_slice %arg8[%dma_wait3A_490, %dma_wait3A_491, %dma_wait3A_492] : memref<12x80x64xf32, #tpu.memory_space<vmem>> -> memref<1x80x64xf32, #tpu.memory_space<vmem>>
      %dma_wait3A_494 = tpu.memref_squeeze %dma_wait3A_493 : memref<1x80x64xf32, #tpu.memory_space<vmem>> -> memref<80x64xf32, #tpu.memory_space<vmem>>
      %dma_wait3A_495 = arith.constant 0 : i32
      %dma_wait3A_496 = tpu.memref_slice %arg6[%add3A_324, %dma_wait3A_495] : memref<125x80xi32, #tpu.memory_space<vmem>> -> memref<1x80xi32, #tpu.memory_space<vmem>>
      %dma_wait3A_497 = tpu.memref_squeeze %dma_wait3A_496 : memref<1x80xi32, #tpu.memory_space<vmem>> -> memref<80xi32, #tpu.memory_space<vmem>>
      %dma_wait3A_498 = arith.constant 0 : i32
      %dma_wait3A_499 = arith.constant 0 : i32
      %dma_wait3A_500 = tpu.memref_slice %arg2[%dma_wait3A_498, %dma_wait3A_499] : memref<20000x64xf32, #tpu.memory_space<hbm>> -> memref<20000x64xf32, #tpu.memory_space<hbm>>
      tpu.wait_indirect_dma semaphore(%arg12 : memref<!tpu.dma_semaphore, #tpu.memory_space<semaphore_mem>>) src(%dma_wait3A_500 : memref<20000x64xf32, #tpu.memory_space<hbm>>) dst(%dma_wait3A_494 : memref<80x64xf32, #tpu.memory_space<vmem>>)
      %add3A_501 = arith.constant 1 : i32
      %add3A_502 = arith.addi %mul3A_309, %add3A_501 : i32
      %dma_start3A_503 = arith.constant 1 : i32
      %dma_start3A_504 = arith.constant 0 : i32
      %dma_start3A_505 = arith.constant 0 : i32
      %dma_start3A_506 = tpu.memref_slice %arg8[%dma_start3A_503, %dma_start3A_504, %dma_start3A_505] : memref<12x80x64xf32, #tpu.memory_space<vmem>> -> memref<1x80x64xf32, #tpu.memory_space<vmem>>
      %dma_start3A_507 = tpu.memref_squeeze %dma_start3A_506 : memref<1x80x64xf32, #tpu.memory_space<vmem>> -> memref<80x64xf32, #tpu.memory_space<vmem>>
      %dma_start3A_508 = arith.constant 0 : i32
      %dma_start3A_509 = tpu.memref_slice %arg7[%add3A_502, %dma_start3A_508] : memref<125x80xi32, #tpu.memory_space<vmem>> -> memref<1x80xi32, #tpu.memory_space<vmem>>
      %dma_start3A_510 = tpu.memref_squeeze %dma_start3A_509 : memref<1x80xi32, #tpu.memory_space<vmem>> -> memref<80xi32, #tpu.memory_space<vmem>>
      %dma_start3A_511 = arith.constant 0 : i32
      %dma_start3A_512 = arith.constant 0 : i32
      %dma_start3A_513 = tpu.memref_slice %arg10[%dma_start3A_511, %dma_start3A_512] : memref<10000x64xf32, #tpu.memory_space<vmem_shared>> -> memref<10000x64xf32, #tpu.memory_space<vmem_shared>>
      tpu.enqueue_indirect_dma source(%dma_start3A_507 : memref<80x64xf32, #tpu.memory_space<vmem>>) target(%dma_start3A_513 : memref<10000x64xf32, #tpu.memory_space<vmem_shared>>) offsets(%dma_start3A_510 : memref<80xi32, #tpu.memory_space<vmem>>) semaphore(%arg24 : memref<!tpu.dma_semaphore, #tpu.memory_space<semaphore_mem>>) {add = true}
      %dma_wait3A_514 = arith.constant 2 : i32
      %dma_wait3A_515 = arith.constant 0 : i32
      %dma_wait3A_516 = arith.constant 0 : i32
      %dma_wait3A_517 = tpu.memref_slice %arg8[%dma_wait3A_514, %dma_wait3A_515, %dma_wait3A_516] : memref<12x80x64xf32, #tpu.memory_space<vmem>> -> memref<1x80x64xf32, #tpu.memory_space<vmem>>
      %dma_wait3A_518 = tpu.memref_squeeze %dma_wait3A_517 : memref<1x80x64xf32, #tpu.memory_space<vmem>> -> memref<80x64xf32, #tpu.memory_space<vmem>>
      %dma_wait3A_519 = arith.constant 0 : i32
      %dma_wait3A_520 = tpu.memref_slice %arg6[%add3A_337, %dma_wait3A_519] : memref<125x80xi32, #tpu.memory_space<vmem>> -> memref<1x80xi32, #tpu.memory_space<vmem>>
      %dma_wait3A_521 = tpu.memref_squeeze %dma_wait3A_520 : memref<1x80xi32, #tpu.memory_space<vmem>> -> memref<80xi32, #tpu.memory_space<vmem>>
      %dma_wait3A_522 = arith.constant 0 : i32
      %dma_wait3A_523 = arith.constant 0 : i32
      %dma_wait3A_524 = tpu.memref_slice %arg2[%dma_wait3A_522, %dma_wait3A_523] : memref<20000x64xf32, #tpu.memory_space<hbm>> -> memref<20000x64xf32, #tpu.memory_space<hbm>>
      tpu.wait_indirect_dma semaphore(%arg13 : memref<!tpu.dma_semaphore, #tpu.memory_space<semaphore_mem>>) src(%dma_wait3A_524 : memref<20000x64xf32, #tpu.memory_space<hbm>>) dst(%dma_wait3A_518 : memref<80x64xf32, #tpu.memory_space<vmem>>)
      %add3A_525 = arith.constant 2 : i32
      %add3A_526 = arith.addi %mul3A_309, %add3A_525 : i32
      %dma_start3A_527 = arith.constant 2 : i32
      %dma_start3A_528 = arith.constant 0 : i32
      %dma_start3A_529 = arith.constant 0 : i32
      %dma_start3A_530 = tpu.memref_slice %arg8[%dma_start3A_527, %dma_start3A_528, %dma_start3A_529] : memref<12x80x64xf32, #tpu.memory_space<vmem>> -> memref<1x80x64xf32, #tpu.memory_space<vmem>>
      %dma_start3A_531 = tpu.memref_squeeze %dma_start3A_530 : memref<1x80x64xf32, #tpu.memory_space<vmem>> -> memref<80x64xf32, #tpu.memory_space<vmem>>
      %dma_start3A_532 = arith.constant 0 : i32
      %dma_start3A_533 = tpu.memref_slice %arg7[%add3A_526, %dma_start3A_532] : memref<125x80xi32, #tpu.memory_space<vmem>> -> memref<1x80xi32, #tpu.memory_space<vmem>>
      %dma_start3A_534 = tpu.memref_squeeze %dma_start3A_533 : memref<1x80xi32, #tpu.memory_space<vmem>> -> memref<80xi32, #tpu.memory_space<vmem>>
      %dma_start3A_535 = arith.constant 0 : i32
      %dma_start3A_536 = arith.constant 0 : i32
      %dma_start3A_537 = tpu.memref_slice %arg10[%dma_start3A_535, %dma_start3A_536] : memref<10000x64xf32, #tpu.memory_space<vmem_shared>> -> memref<10000x64xf32, #tpu.memory_space<vmem_shared>>
      tpu.enqueue_indirect_dma source(%dma_start3A_531 : memref<80x64xf32, #tpu.memory_space<vmem>>) target(%dma_start3A_537 : memref<10000x64xf32, #tpu.memory_space<vmem_shared>>) offsets(%dma_start3A_534 : memref<80xi32, #tpu.memory_space<vmem>>) semaphore(%arg25 : memref<!tpu.dma_semaphore, #tpu.memory_space<semaphore_mem>>) {add = true}
      %dma_wait3A_538 = arith.constant 3 : i32
      %dma_wait3A_539 = arith.constant 0 : i32
      %dma_wait3A_540 = arith.constant 0 : i32
      %dma_wait3A_541 = tpu.memref_slice %arg8[%dma_wait3A_538, %dma_wait3A_539, %dma_wait3A_540] : memref<12x80x64xf32, #tpu.memory_space<vmem>> -> memref<1x80x64xf32, #tpu.memory_space<vmem>>
      %dma_wait3A_542 = tpu.memref_squeeze %dma_wait3A_541 : memref<1x80x64xf32, #tpu.memory_space<vmem>> -> memref<80x64xf32, #tpu.memory_space<vmem>>
      %dma_wait3A_543 = arith.constant 0 : i32
      %dma_wait3A_544 = tpu.memref_slice %arg6[%add3A_350, %dma_wait3A_543] : memref<125x80xi32, #tpu.memory_space<vmem>> -> memref<1x80xi32, #tpu.memory_space<vmem>>
      %dma_wait3A_545 = tpu.memref_squeeze %dma_wait3A_544 : memref<1x80xi32, #tpu.memory_space<vmem>> -> memref<80xi32, #tpu.memory_space<vmem>>
      %dma_wait3A_546 = arith.constant 0 : i32
      %dma_wait3A_547 = arith.constant 0 : i32
      %dma_wait3A_548 = tpu.memref_slice %arg2[%dma_wait3A_546, %dma_wait3A_547] : memref<20000x64xf32, #tpu.memory_space<hbm>> -> memref<20000x64xf32, #tpu.memory_space<hbm>>
      tpu.wait_indirect_dma semaphore(%arg14 : memref<!tpu.dma_semaphore, #tpu.memory_space<semaphore_mem>>) src(%dma_wait3A_548 : memref<20000x64xf32, #tpu.memory_space<hbm>>) dst(%dma_wait3A_542 : memref<80x64xf32, #tpu.memory_space<vmem>>)
      %add3A_549 = arith.constant 3 : i32
      %add3A_550 = arith.addi %mul3A_309, %add3A_549 : i32
      %dma_start3A_551 = arith.constant 3 : i32
      %dma_start3A_552 = arith.constant 0 : i32
      %dma_start3A_553 = arith.constant 0 : i32
      %dma_start3A_554 = tpu.memref_slice %arg8[%dma_start3A_551, %dma_start3A_552, %dma_start3A_553] : memref<12x80x64xf32, #tpu.memory_space<vmem>> -> memref<1x80x64xf32, #tpu.memory_space<vmem>>
      %dma_start3A_555 = tpu.memref_squeeze %dma_start3A_554 : memref<1x80x64xf32, #tpu.memory_space<vmem>> -> memref<80x64xf32, #tpu.memory_space<vmem>>
      %dma_start3A_556 = arith.constant 0 : i32
      %dma_start3A_557 = tpu.memref_slice %arg7[%add3A_550, %dma_start3A_556] : memref<125x80xi32, #tpu.memory_space<vmem>> -> memref<1x80xi32, #tpu.memory_space<vmem>>
      %dma_start3A_558 = tpu.memref_squeeze %dma_start3A_557 : memref<1x80xi32, #tpu.memory_space<vmem>> -> memref<80xi32, #tpu.memory_space<vmem>>
      %dma_start3A_559 = arith.constant 0 : i32
      %dma_start3A_560 = arith.constant 0 : i32
      %dma_start3A_561 = tpu.memref_slice %arg10[%dma_start3A_559, %dma_start3A_560] : memref<10000x64xf32, #tpu.memory_space<vmem_shared>> -> memref<10000x64xf32, #tpu.memory_space<vmem_shared>>
      tpu.enqueue_indirect_dma source(%dma_start3A_555 : memref<80x64xf32, #tpu.memory_space<vmem>>) target(%dma_start3A_561 : memref<10000x64xf32, #tpu.memory_space<vmem_shared>>) offsets(%dma_start3A_558 : memref<80xi32, #tpu.memory_space<vmem>>) semaphore(%arg26 : memref<!tpu.dma_semaphore, #tpu.memory_space<semaphore_mem>>) {add = true}
      %dma_wait3A_562 = arith.constant 4 : i32
      %dma_wait3A_563 = arith.constant 0 : i32
      %dma_wait3A_564 = arith.constant 0 : i32
      %dma_wait3A_565 = tpu.memref_slice %arg8[%dma_wait3A_562, %dma_wait3A_563, %dma_wait3A_564] : memref<12x80x64xf32, #tpu.memory_space<vmem>> -> memref<1x80x64xf32, #tpu.memory_space<vmem>>
      %dma_wait3A_566 = tpu.memref_squeeze %dma_wait3A_565 : memref<1x80x64xf32, #tpu.memory_space<vmem>> -> memref<80x64xf32, #tpu.memory_space<vmem>>
      %dma_wait3A_567 = arith.constant 0 : i32
      %dma_wait3A_568 = tpu.memref_slice %arg6[%add3A_363, %dma_wait3A_567] : memref<125x80xi32, #tpu.memory_space<vmem>> -> memref<1x80xi32, #tpu.memory_space<vmem>>
      %dma_wait3A_569 = tpu.memref_squeeze %dma_wait3A_568 : memref<1x80xi32, #tpu.memory_space<vmem>> -> memref<80xi32, #tpu.memory_space<vmem>>
      %dma_wait3A_570 = arith.constant 0 : i32
      %dma_wait3A_571 = arith.constant 0 : i32
      %dma_wait3A_572 = tpu.memref_slice %arg2[%dma_wait3A_570, %dma_wait3A_571] : memref<20000x64xf32, #tpu.memory_space<hbm>> -> memref<20000x64xf32, #tpu.memory_space<hbm>>
      tpu.wait_indirect_dma semaphore(%arg15 : memref<!tpu.dma_semaphore, #tpu.memory_space<semaphore_mem>>) src(%dma_wait3A_572 : memref<20000x64xf32, #tpu.memory_space<hbm>>) dst(%dma_wait3A_566 : memref<80x64xf32, #tpu.memory_space<vmem>>)
      %add3A_573 = arith.constant 4 : i32
      %add3A_574 = arith.addi %mul3A_309, %add3A_573 : i32
      %dma_start3A_575 = arith.constant 4 : i32
      %dma_start3A_576 = arith.constant 0 : i32
      %dma_start3A_577 = arith.constant 0 : i32
      %dma_start3A_578 = tpu.memref_slice %arg8[%dma_start3A_575, %dma_start3A_576, %dma_start3A_577] : memref<12x80x64xf32, #tpu.memory_space<vmem>> -> memref<1x80x64xf32, #tpu.memory_space<vmem>>
      %dma_start3A_579 = tpu.memref_squeeze %dma_start3A_578 : memref<1x80x64xf32, #tpu.memory_space<vmem>> -> memref<80x64xf32, #tpu.memory_space<vmem>>
      %dma_start3A_580 = arith.constant 0 : i32
      %dma_start3A_581 = tpu.memref_slice %arg7[%add3A_574, %dma_start3A_580] : memref<125x80xi32, #tpu.memory_space<vmem>> -> memref<1x80xi32, #tpu.memory_space<vmem>>
      %dma_start3A_582 = tpu.memref_squeeze %dma_start3A_581 : memref<1x80xi32, #tpu.memory_space<vmem>> -> memref<80xi32, #tpu.memory_space<vmem>>
      %dma_start3A_583 = arith.constant 0 : i32
      %dma_start3A_584 = arith.constant 0 : i32
      %dma_start3A_585 = tpu.memref_slice %arg10[%dma_start3A_583, %dma_start3A_584] : memref<10000x64xf32, #tpu.memory_space<vmem_shared>> -> memref<10000x64xf32, #tpu.memory_space<vmem_shared>>
      tpu.enqueue_indirect_dma source(%dma_start3A_579 : memref<80x64xf32, #tpu.memory_space<vmem>>) target(%dma_start3A_585 : memref<10000x64xf32, #tpu.memory_space<vmem_shared>>) offsets(%dma_start3A_582 : memref<80xi32, #tpu.memory_space<vmem>>) semaphore(%arg27 : memref<!tpu.dma_semaphore, #tpu.memory_space<semaphore_mem>>) {add = true}
      %dma_wait3A_586 = arith.constant 5 : i32
      %dma_wait3A_587 = arith.constant 0 : i32
      %dma_wait3A_588 = arith.constant 0 : i32
      %dma_wait3A_589 = tpu.memref_slice %arg8[%dma_wait3A_586, %dma_wait3A_587, %dma_wait3A_588] : memref<12x80x64xf32, #tpu.memory_space<vmem>> -> memref<1x80x64xf32, #tpu.memory_space<vmem>>
      %dma_wait3A_590 = tpu.memref_squeeze %dma_wait3A_589 : memref<1x80x64xf32, #tpu.memory_space<vmem>> -> memref<80x64xf32, #tpu.memory_space<vmem>>
      %dma_wait3A_591 = arith.constant 0 : i32
      %dma_wait3A_592 = tpu.memref_slice %arg6[%add3A_376, %dma_wait3A_591] : memref<125x80xi32, #tpu.memory_space<vmem>> -> memref<1x80xi32, #tpu.memory_space<vmem>>
      %dma_wait3A_593 = tpu.memref_squeeze %dma_wait3A_592 : memref<1x80xi32, #tpu.memory_space<vmem>> -> memref<80xi32, #tpu.memory_space<vmem>>
      %dma_wait3A_594 = arith.constant 0 : i32
      %dma_wait3A_595 = arith.constant 0 : i32
      %dma_wait3A_596 = tpu.memref_slice %arg2[%dma_wait3A_594, %dma_wait3A_595] : memref<20000x64xf32, #tpu.memory_space<hbm>> -> memref<20000x64xf32, #tpu.memory_space<hbm>>
      tpu.wait_indirect_dma semaphore(%arg16 : memref<!tpu.dma_semaphore, #tpu.memory_space<semaphore_mem>>) src(%dma_wait3A_596 : memref<20000x64xf32, #tpu.memory_space<hbm>>) dst(%dma_wait3A_590 : memref<80x64xf32, #tpu.memory_space<vmem>>)
      %add3A_597 = arith.constant 5 : i32
      %add3A_598 = arith.addi %mul3A_309, %add3A_597 : i32
      %dma_start3A_599 = arith.constant 5 : i32
      %dma_start3A_600 = arith.constant 0 : i32
      %dma_start3A_601 = arith.constant 0 : i32
      %dma_start3A_602 = tpu.memref_slice %arg8[%dma_start3A_599, %dma_start3A_600, %dma_start3A_601] : memref<12x80x64xf32, #tpu.memory_space<vmem>> -> memref<1x80x64xf32, #tpu.memory_space<vmem>>
      %dma_start3A_603 = tpu.memref_squeeze %dma_start3A_602 : memref<1x80x64xf32, #tpu.memory_space<vmem>> -> memref<80x64xf32, #tpu.memory_space<vmem>>
      %dma_start3A_604 = arith.constant 0 : i32
      %dma_start3A_605 = tpu.memref_slice %arg7[%add3A_598, %dma_start3A_604] : memref<125x80xi32, #tpu.memory_space<vmem>> -> memref<1x80xi32, #tpu.memory_space<vmem>>
      %dma_start3A_606 = tpu.memref_squeeze %dma_start3A_605 : memref<1x80xi32, #tpu.memory_space<vmem>> -> memref<80xi32, #tpu.memory_space<vmem>>
      %dma_start3A_607 = arith.constant 0 : i32
      %dma_start3A_608 = arith.constant 0 : i32
      %dma_start3A_609 = tpu.memref_slice %arg10[%dma_start3A_607, %dma_start3A_608] : memref<10000x64xf32, #tpu.memory_space<vmem_shared>> -> memref<10000x64xf32, #tpu.memory_space<vmem_shared>>
      tpu.enqueue_indirect_dma source(%dma_start3A_603 : memref<80x64xf32, #tpu.memory_space<vmem>>) target(%dma_start3A_609 : memref<10000x64xf32, #tpu.memory_space<vmem_shared>>) offsets(%dma_start3A_606 : memref<80xi32, #tpu.memory_space<vmem>>) semaphore(%arg28 : memref<!tpu.dma_semaphore, #tpu.memory_space<semaphore_mem>>) {add = true}
      %dma_wait3A_610 = arith.constant 6 : i32
      %dma_wait3A_611 = arith.constant 0 : i32
      %dma_wait3A_612 = arith.constant 0 : i32
      %dma_wait3A_613 = tpu.memref_slice %arg8[%dma_wait3A_610, %dma_wait3A_611, %dma_wait3A_612] : memref<12x80x64xf32, #tpu.memory_space<vmem>> -> memref<1x80x64xf32, #tpu.memory_space<vmem>>
      %dma_wait3A_614 = tpu.memref_squeeze %dma_wait3A_613 : memref<1x80x64xf32, #tpu.memory_space<vmem>> -> memref<80x64xf32, #tpu.memory_space<vmem>>
      %dma_wait3A_615 = arith.constant 0 : i32
      %dma_wait3A_616 = tpu.memref_slice %arg6[%add3A_389, %dma_wait3A_615] : memref<125x80xi32, #tpu.memory_space<vmem>> -> memref<1x80xi32, #tpu.memory_space<vmem>>
      %dma_wait3A_617 = tpu.memref_squeeze %dma_wait3A_616 : memref<1x80xi32, #tpu.memory_space<vmem>> -> memref<80xi32, #tpu.memory_space<vmem>>
      %dma_wait3A_618 = arith.constant 0 : i32
      %dma_wait3A_619 = arith.constant 0 : i32
      %dma_wait3A_620 = tpu.memref_slice %arg2[%dma_wait3A_618, %dma_wait3A_619] : memref<20000x64xf32, #tpu.memory_space<hbm>> -> memref<20000x64xf32, #tpu.memory_space<hbm>>
      tpu.wait_indirect_dma semaphore(%arg17 : memref<!tpu.dma_semaphore, #tpu.memory_space<semaphore_mem>>) src(%dma_wait3A_620 : memref<20000x64xf32, #tpu.memory_space<hbm>>) dst(%dma_wait3A_614 : memref<80x64xf32, #tpu.memory_space<vmem>>)
      %add3A_621 = arith.constant 6 : i32
      %add3A_622 = arith.addi %mul3A_309, %add3A_621 : i32
      %dma_start3A_623 = arith.constant 6 : i32
      %dma_start3A_624 = arith.constant 0 : i32
      %dma_start3A_625 = arith.constant 0 : i32
      %dma_start3A_626 = tpu.memref_slice %arg8[%dma_start3A_623, %dma_start3A_624, %dma_start3A_625] : memref<12x80x64xf32, #tpu.memory_space<vmem>> -> memref<1x80x64xf32, #tpu.memory_space<vmem>>
      %dma_start3A_627 = tpu.memref_squeeze %dma_start3A_626 : memref<1x80x64xf32, #tpu.memory_space<vmem>> -> memref<80x64xf32, #tpu.memory_space<vmem>>
      %dma_start3A_628 = arith.constant 0 : i32
      %dma_start3A_629 = tpu.memref_slice %arg7[%add3A_622, %dma_start3A_628] : memref<125x80xi32, #tpu.memory_space<vmem>> -> memref<1x80xi32, #tpu.memory_space<vmem>>
      %dma_start3A_630 = tpu.memref_squeeze %dma_start3A_629 : memref<1x80xi32, #tpu.memory_space<vmem>> -> memref<80xi32, #tpu.memory_space<vmem>>
      %dma_start3A_631 = arith.constant 0 : i32
      %dma_start3A_632 = arith.constant 0 : i32
      %dma_start3A_633 = tpu.memref_slice %arg10[%dma_start3A_631, %dma_start3A_632] : memref<10000x64xf32, #tpu.memory_space<vmem_shared>> -> memref<10000x64xf32, #tpu.memory_space<vmem_shared>>
      tpu.enqueue_indirect_dma source(%dma_start3A_627 : memref<80x64xf32, #tpu.memory_space<vmem>>) target(%dma_start3A_633 : memref<10000x64xf32, #tpu.memory_space<vmem_shared>>) offsets(%dma_start3A_630 : memref<80xi32, #tpu.memory_space<vmem>>) semaphore(%arg29 : memref<!tpu.dma_semaphore, #tpu.memory_space<semaphore_mem>>) {add = true}
      %dma_wait3A_634 = arith.constant 7 : i32
      %dma_wait3A_635 = arith.constant 0 : i32
      %dma_wait3A_636 = arith.constant 0 : i32
      %dma_wait3A_637 = tpu.memref_slice %arg8[%dma_wait3A_634, %dma_wait3A_635, %dma_wait3A_636] : memref<12x80x64xf32, #tpu.memory_space<vmem>> -> memref<1x80x64xf32, #tpu.memory_space<vmem>>
      %dma_wait3A_638 = tpu.memref_squeeze %dma_wait3A_637 : memref<1x80x64xf32, #tpu.memory_space<vmem>> -> memref<80x64xf32, #tpu.memory_space<vmem>>
      %dma_wait3A_639 = arith.constant 0 : i32
      %dma_wait3A_640 = tpu.memref_slice %arg6[%add3A_402, %dma_wait3A_639] : memref<125x80xi32, #tpu.memory_space<vmem>> -> memref<1x80xi32, #tpu.memory_space<vmem>>
      %dma_wait3A_641 = tpu.memref_squeeze %dma_wait3A_640 : memref<1x80xi32, #tpu.memory_space<vmem>> -> memref<80xi32, #tpu.memory_space<vmem>>
      %dma_wait3A_642 = arith.constant 0 : i32
      %dma_wait3A_643 = arith.constant 0 : i32
      %dma_wait3A_644 = tpu.memref_slice %arg2[%dma_wait3A_642, %dma_wait3A_643] : memref<20000x64xf32, #tpu.memory_space<hbm>> -> memref<20000x64xf32, #tpu.memory_space<hbm>>
      tpu.wait_indirect_dma semaphore(%arg18 : memref<!tpu.dma_semaphore, #tpu.memory_space<semaphore_mem>>) src(%dma_wait3A_644 : memref<20000x64xf32, #tpu.memory_space<hbm>>) dst(%dma_wait3A_638 : memref<80x64xf32, #tpu.memory_space<vmem>>)
      %add3A_645 = arith.constant 7 : i32
      %add3A_646 = arith.addi %mul3A_309, %add3A_645 : i32
      %dma_start3A_647 = arith.constant 7 : i32
      %dma_start3A_648 = arith.constant 0 : i32
      %dma_start3A_649 = arith.constant 0 : i32
      %dma_start3A_650 = tpu.memref_slice %arg8[%dma_start3A_647, %dma_start3A_648, %dma_start3A_649] : memref<12x80x64xf32, #tpu.memory_space<vmem>> -> memref<1x80x64xf32, #tpu.memory_space<vmem>>
      %dma_start3A_651 = tpu.memref_squeeze %dma_start3A_650 : memref<1x80x64xf32, #tpu.memory_space<vmem>> -> memref<80x64xf32, #tpu.memory_space<vmem>>
      %dma_start3A_652 = arith.constant 0 : i32
      %dma_start3A_653 = tpu.memref_slice %arg7[%add3A_646, %dma_start3A_652] : memref<125x80xi32, #tpu.memory_space<vmem>> -> memref<1x80xi32, #tpu.memory_space<vmem>>
      %dma_start3A_654 = tpu.memref_squeeze %dma_start3A_653 : memref<1x80xi32, #tpu.memory_space<vmem>> -> memref<80xi32, #tpu.memory_space<vmem>>
      %dma_start3A_655 = arith.constant 0 : i32
      %dma_start3A_656 = arith.constant 0 : i32
      %dma_start3A_657 = tpu.memref_slice %arg10[%dma_start3A_655, %dma_start3A_656] : memref<10000x64xf32, #tpu.memory_space<vmem_shared>> -> memref<10000x64xf32, #tpu.memory_space<vmem_shared>>
      tpu.enqueue_indirect_dma source(%dma_start3A_651 : memref<80x64xf32, #tpu.memory_space<vmem>>) target(%dma_start3A_657 : memref<10000x64xf32, #tpu.memory_space<vmem_shared>>) offsets(%dma_start3A_654 : memref<80xi32, #tpu.memory_space<vmem>>) semaphore(%arg30 : memref<!tpu.dma_semaphore, #tpu.memory_space<semaphore_mem>>) {add = true}
      %dma_wait3A_658 = arith.constant 8 : i32
      %dma_wait3A_659 = arith.constant 0 : i32
      %dma_wait3A_660 = arith.constant 0 : i32
      %dma_wait3A_661 = tpu.memref_slice %arg8[%dma_wait3A_658, %dma_wait3A_659, %dma_wait3A_660] : memref<12x80x64xf32, #tpu.memory_space<vmem>> -> memref<1x80x64xf32, #tpu.memory_space<vmem>>
      %dma_wait3A_662 = tpu.memref_squeeze %dma_wait3A_661 : memref<1x80x64xf32, #tpu.memory_space<vmem>> -> memref<80x64xf32, #tpu.memory_space<vmem>>
      %dma_wait3A_663 = arith.constant 0 : i32
      %dma_wait3A_664 = tpu.memref_slice %arg6[%add3A_415, %dma_wait3A_663] : memref<125x80xi32, #tpu.memory_space<vmem>> -> memref<1x80xi32, #tpu.memory_space<vmem>>
      %dma_wait3A_665 = tpu.memref_squeeze %dma_wait3A_664 : memref<1x80xi32, #tpu.memory_space<vmem>> -> memref<80xi32, #tpu.memory_space<vmem>>
      %dma_wait3A_666 = arith.constant 0 : i32
      %dma_wait3A_667 = arith.constant 0 : i32
      %dma_wait3A_668 = tpu.memref_slice %arg2[%dma_wait3A_666, %dma_wait3A_667] : memref<20000x64xf32, #tpu.memory_space<hbm>> -> memref<20000x64xf32, #tpu.memory_space<hbm>>
      tpu.wait_indirect_dma semaphore(%arg19 : memref<!tpu.dma_semaphore, #tpu.memory_space<semaphore_mem>>) src(%dma_wait3A_668 : memref<20000x64xf32, #tpu.memory_space<hbm>>) dst(%dma_wait3A_662 : memref<80x64xf32, #tpu.memory_space<vmem>>)
      %add3A_669 = arith.constant 8 : i32
      %add3A_670 = arith.addi %mul3A_309, %add3A_669 : i32
      %dma_start3A_671 = arith.constant 8 : i32
      %dma_start3A_672 = arith.constant 0 : i32
      %dma_start3A_673 = arith.constant 0 : i32
      %dma_start3A_674 = tpu.memref_slice %arg8[%dma_start3A_671, %dma_start3A_672, %dma_start3A_673] : memref<12x80x64xf32, #tpu.memory_space<vmem>> -> memref<1x80x64xf32, #tpu.memory_space<vmem>>
      %dma_start3A_675 = tpu.memref_squeeze %dma_start3A_674 : memref<1x80x64xf32, #tpu.memory_space<vmem>> -> memref<80x64xf32, #tpu.memory_space<vmem>>
      %dma_start3A_676 = arith.constant 0 : i32
      %dma_start3A_677 = tpu.memref_slice %arg7[%add3A_670, %dma_start3A_676] : memref<125x80xi32, #tpu.memory_space<vmem>> -> memref<1x80xi32, #tpu.memory_space<vmem>>
      %dma_start3A_678 = tpu.memref_squeeze %dma_start3A_677 : memref<1x80xi32, #tpu.memory_space<vmem>> -> memref<80xi32, #tpu.memory_space<vmem>>
      %dma_start3A_679 = arith.constant 0 : i32
      %dma_start3A_680 = arith.constant 0 : i32
      %dma_start3A_681 = tpu.memref_slice %arg10[%dma_start3A_679, %dma_start3A_680] : memref<10000x64xf32, #tpu.memory_space<vmem_shared>> -> memref<10000x64xf32, #tpu.memory_space<vmem_shared>>
      tpu.enqueue_indirect_dma source(%dma_start3A_675 : memref<80x64xf32, #tpu.memory_space<vmem>>) target(%dma_start3A_681 : memref<10000x64xf32, #tpu.memory_space<vmem_shared>>) offsets(%dma_start3A_678 : memref<80xi32, #tpu.memory_space<vmem>>) semaphore(%arg31 : memref<!tpu.dma_semaphore, #tpu.memory_space<semaphore_mem>>) {add = true}
      %dma_wait3A_682 = arith.constant 9 : i32
      %dma_wait3A_683 = arith.constant 0 : i32
      %dma_wait3A_684 = arith.constant 0 : i32
      %dma_wait3A_685 = tpu.memref_slice %arg8[%dma_wait3A_682, %dma_wait3A_683, %dma_wait3A_684] : memref<12x80x64xf32, #tpu.memory_space<vmem>> -> memref<1x80x64xf32, #tpu.memory_space<vmem>>
      %dma_wait3A_686 = tpu.memref_squeeze %dma_wait3A_685 : memref<1x80x64xf32, #tpu.memory_space<vmem>> -> memref<80x64xf32, #tpu.memory_space<vmem>>
      %dma_wait3A_687 = arith.constant 0 : i32
      %dma_wait3A_688 = tpu.memref_slice %arg6[%add3A_428, %dma_wait3A_687] : memref<125x80xi32, #tpu.memory_space<vmem>> -> memref<1x80xi32, #tpu.memory_space<vmem>>
      %dma_wait3A_689 = tpu.memref_squeeze %dma_wait3A_688 : memref<1x80xi32, #tpu.memory_space<vmem>> -> memref<80xi32, #tpu.memory_space<vmem>>
      %dma_wait3A_690 = arith.constant 0 : i32
      %dma_wait3A_691 = arith.constant 0 : i32
      %dma_wait3A_692 = tpu.memref_slice %arg2[%dma_wait3A_690, %dma_wait3A_691] : memref<20000x64xf32, #tpu.memory_space<hbm>> -> memref<20000x64xf32, #tpu.memory_space<hbm>>
      tpu.wait_indirect_dma semaphore(%arg20 : memref<!tpu.dma_semaphore, #tpu.memory_space<semaphore_mem>>) src(%dma_wait3A_692 : memref<20000x64xf32, #tpu.memory_space<hbm>>) dst(%dma_wait3A_686 : memref<80x64xf32, #tpu.memory_space<vmem>>)
      %add3A_693 = arith.constant 9 : i32
      %add3A_694 = arith.addi %mul3A_309, %add3A_693 : i32
      %dma_start3A_695 = arith.constant 9 : i32
      %dma_start3A_696 = arith.constant 0 : i32
      %dma_start3A_697 = arith.constant 0 : i32
      %dma_start3A_698 = tpu.memref_slice %arg8[%dma_start3A_695, %dma_start3A_696, %dma_start3A_697] : memref<12x80x64xf32, #tpu.memory_space<vmem>> -> memref<1x80x64xf32, #tpu.memory_space<vmem>>
      %dma_start3A_699 = tpu.memref_squeeze %dma_start3A_698 : memref<1x80x64xf32, #tpu.memory_space<vmem>> -> memref<80x64xf32, #tpu.memory_space<vmem>>
      %dma_start3A_700 = arith.constant 0 : i32
      %dma_start3A_701 = tpu.memref_slice %arg7[%add3A_694, %dma_start3A_700] : memref<125x80xi32, #tpu.memory_space<vmem>> -> memref<1x80xi32, #tpu.memory_space<vmem>>
      %dma_start3A_702 = tpu.memref_squeeze %dma_start3A_701 : memref<1x80xi32, #tpu.memory_space<vmem>> -> memref<80xi32, #tpu.memory_space<vmem>>
      %dma_start3A_703 = arith.constant 0 : i32
      %dma_start3A_704 = arith.constant 0 : i32
      %dma_start3A_705 = tpu.memref_slice %arg10[%dma_start3A_703, %dma_start3A_704] : memref<10000x64xf32, #tpu.memory_space<vmem_shared>> -> memref<10000x64xf32, #tpu.memory_space<vmem_shared>>
      tpu.enqueue_indirect_dma source(%dma_start3A_699 : memref<80x64xf32, #tpu.memory_space<vmem>>) target(%dma_start3A_705 : memref<10000x64xf32, #tpu.memory_space<vmem_shared>>) offsets(%dma_start3A_702 : memref<80xi32, #tpu.memory_space<vmem>>) semaphore(%arg32 : memref<!tpu.dma_semaphore, #tpu.memory_space<semaphore_mem>>) {add = true}
      %dma_wait3A_706 = arith.constant 10 : i32
      %dma_wait3A_707 = arith.constant 0 : i32
      %dma_wait3A_708 = arith.constant 0 : i32
      %dma_wait3A_709 = tpu.memref_slice %arg8[%dma_wait3A_706, %dma_wait3A_707, %dma_wait3A_708] : memref<12x80x64xf32, #tpu.memory_space<vmem>> -> memref<1x80x64xf32, #tpu.memory_space<vmem>>
      %dma_wait3A_710 = tpu.memref_squeeze %dma_wait3A_709 : memref<1x80x64xf32, #tpu.memory_space<vmem>> -> memref<80x64xf32, #tpu.memory_space<vmem>>
      %dma_wait3A_711 = arith.constant 0 : i32
      %dma_wait3A_712 = tpu.memref_slice %arg6[%add3A_441, %dma_wait3A_711] : memref<125x80xi32, #tpu.memory_space<vmem>> -> memref<1x80xi32, #tpu.memory_space<vmem>>
      %dma_wait3A_713 = tpu.memref_squeeze %dma_wait3A_712 : memref<1x80xi32, #tpu.memory_space<vmem>> -> memref<80xi32, #tpu.memory_space<vmem>>
      %dma_wait3A_714 = arith.constant 0 : i32
      %dma_wait3A_715 = arith.constant 0 : i32
      %dma_wait3A_716 = tpu.memref_slice %arg2[%dma_wait3A_714, %dma_wait3A_715] : memref<20000x64xf32, #tpu.memory_space<hbm>> -> memref<20000x64xf32, #tpu.memory_space<hbm>>
      tpu.wait_indirect_dma semaphore(%arg21 : memref<!tpu.dma_semaphore, #tpu.memory_space<semaphore_mem>>) src(%dma_wait3A_716 : memref<20000x64xf32, #tpu.memory_space<hbm>>) dst(%dma_wait3A_710 : memref<80x64xf32, #tpu.memory_space<vmem>>)
      %add3A_717 = arith.constant 10 : i32
      %add3A_718 = arith.addi %mul3A_309, %add3A_717 : i32
      %dma_start3A_719 = arith.constant 10 : i32
      %dma_start3A_720 = arith.constant 0 : i32
      %dma_start3A_721 = arith.constant 0 : i32
      %dma_start3A_722 = tpu.memref_slice %arg8[%dma_start3A_719, %dma_start3A_720, %dma_start3A_721] : memref<12x80x64xf32, #tpu.memory_space<vmem>> -> memref<1x80x64xf32, #tpu.memory_space<vmem>>
      %dma_start3A_723 = tpu.memref_squeeze %dma_start3A_722 : memref<1x80x64xf32, #tpu.memory_space<vmem>> -> memref<80x64xf32, #tpu.memory_space<vmem>>
      %dma_start3A_724 = arith.constant 0 : i32
      %dma_start3A_725 = tpu.memref_slice %arg7[%add3A_718, %dma_start3A_724] : memref<125x80xi32, #tpu.memory_space<vmem>> -> memref<1x80xi32, #tpu.memory_space<vmem>>
      %dma_start3A_726 = tpu.memref_squeeze %dma_start3A_725 : memref<1x80xi32, #tpu.memory_space<vmem>> -> memref<80xi32, #tpu.memory_space<vmem>>
      %dma_start3A_727 = arith.constant 0 : i32
      %dma_start3A_728 = arith.constant 0 : i32
      %dma_start3A_729 = tpu.memref_slice %arg10[%dma_start3A_727, %dma_start3A_728] : memref<10000x64xf32, #tpu.memory_space<vmem_shared>> -> memref<10000x64xf32, #tpu.memory_space<vmem_shared>>
      tpu.enqueue_indirect_dma source(%dma_start3A_723 : memref<80x64xf32, #tpu.memory_space<vmem>>) target(%dma_start3A_729 : memref<10000x64xf32, #tpu.memory_space<vmem_shared>>) offsets(%dma_start3A_726 : memref<80xi32, #tpu.memory_space<vmem>>) semaphore(%arg33 : memref<!tpu.dma_semaphore, #tpu.memory_space<semaphore_mem>>) {add = true}
      %dma_wait3A_730 = arith.constant 11 : i32
      %dma_wait3A_731 = arith.constant 0 : i32
      %dma_wait3A_732 = arith.constant 0 : i32
      %dma_wait3A_733 = tpu.memref_slice %arg8[%dma_wait3A_730, %dma_wait3A_731, %dma_wait3A_732] : memref<12x80x64xf32, #tpu.memory_space<vmem>> -> memref<1x80x64xf32, #tpu.memory_space<vmem>>
      %dma_wait3A_734 = tpu.memref_squeeze %dma_wait3A_733 : memref<1x80x64xf32, #tpu.memory_space<vmem>> -> memref<80x64xf32, #tpu.memory_space<vmem>>
      %dma_wait3A_735 = arith.constant 0 : i32
      %dma_wait3A_736 = tpu.memref_slice %arg6[%add3A_454, %dma_wait3A_735] : memref<125x80xi32, #tpu.memory_space<vmem>> -> memref<1x80xi32, #tpu.memory_space<vmem>>
      %dma_wait3A_737 = tpu.memref_squeeze %dma_wait3A_736 : memref<1x80xi32, #tpu.memory_space<vmem>> -> memref<80xi32, #tpu.memory_space<vmem>>
      %dma_wait3A_738 = arith.constant 0 : i32
      %dma_wait3A_739 = arith.constant 0 : i32
      %dma_wait3A_740 = tpu.memref_slice %arg2[%dma_wait3A_738, %dma_wait3A_739] : memref<20000x64xf32, #tpu.memory_space<hbm>> -> memref<20000x64xf32, #tpu.memory_space<hbm>>
      tpu.wait_indirect_dma semaphore(%arg22 : memref<!tpu.dma_semaphore, #tpu.memory_space<semaphore_mem>>) src(%dma_wait3A_740 : memref<20000x64xf32, #tpu.memory_space<hbm>>) dst(%dma_wait3A_734 : memref<80x64xf32, #tpu.memory_space<vmem>>)
      %add3A_741 = arith.constant 11 : i32
      %add3A_742 = arith.addi %mul3A_309, %add3A_741 : i32
      %dma_start3A_743 = arith.constant 11 : i32
      %dma_start3A_744 = arith.constant 0 : i32
      %dma_start3A_745 = arith.constant 0 : i32
      %dma_start3A_746 = tpu.memref_slice %arg8[%dma_start3A_743, %dma_start3A_744, %dma_start3A_745] : memref<12x80x64xf32, #tpu.memory_space<vmem>> -> memref<1x80x64xf32, #tpu.memory_space<vmem>>
      %dma_start3A_747 = tpu.memref_squeeze %dma_start3A_746 : memref<1x80x64xf32, #tpu.memory_space<vmem>> -> memref<80x64xf32, #tpu.memory_space<vmem>>
      %dma_start3A_748 = arith.constant 0 : i32
      %dma_start3A_749 = tpu.memref_slice %arg7[%add3A_742, %dma_start3A_748] : memref<125x80xi32, #tpu.memory_space<vmem>> -> memref<1x80xi32, #tpu.memory_space<vmem>>
      %dma_start3A_750 = tpu.memref_squeeze %dma_start3A_749 : memref<1x80xi32, #tpu.memory_space<vmem>> -> memref<80xi32, #tpu.memory_space<vmem>>
      %dma_start3A_751 = arith.constant 0 : i32
      %dma_start3A_752 = arith.constant 0 : i32
      %dma_start3A_753 = tpu.memref_slice %arg10[%dma_start3A_751, %dma_start3A_752] : memref<10000x64xf32, #tpu.memory_space<vmem_shared>> -> memref<10000x64xf32, #tpu.memory_space<vmem_shared>>
      tpu.enqueue_indirect_dma source(%dma_start3A_747 : memref<80x64xf32, #tpu.memory_space<vmem>>) target(%dma_start3A_753 : memref<10000x64xf32, #tpu.memory_space<vmem_shared>>) offsets(%dma_start3A_750 : memref<80xi32, #tpu.memory_space<vmem>>) semaphore(%arg34 : memref<!tpu.dma_semaphore, #tpu.memory_space<semaphore_mem>>) {add = true}
      %dma_wait3A_754 = arith.constant 0 : i32
      %dma_wait3A_755 = arith.constant 0 : i32
      %dma_wait3A_756 = arith.constant 0 : i32
      %dma_wait3A_757 = tpu.memref_slice %arg8[%dma_wait3A_754, %dma_wait3A_755, %dma_wait3A_756] : memref<12x80x64xf32, #tpu.memory_space<vmem>> -> memref<1x80x64xf32, #tpu.memory_space<vmem>>
      %dma_wait3A_758 = tpu.memref_squeeze %dma_wait3A_757 : memref<1x80x64xf32, #tpu.memory_space<vmem>> -> memref<80x64xf32, #tpu.memory_space<vmem>>
      %dma_wait3A_759 = arith.constant 0 : i32
      %dma_wait3A_760 = tpu.memref_slice %arg7[%add3A_478, %dma_wait3A_759] : memref<125x80xi32, #tpu.memory_space<vmem>> -> memref<1x80xi32, #tpu.memory_space<vmem>>
      %dma_wait3A_761 = tpu.memref_squeeze %dma_wait3A_760 : memref<1x80xi32, #tpu.memory_space<vmem>> -> memref<80xi32, #tpu.memory_space<vmem>>
      %dma_wait3A_762 = arith.constant 0 : i32
      %dma_wait3A_763 = arith.constant 0 : i32
      %dma_wait3A_764 = tpu.memref_slice %arg10[%dma_wait3A_762, %dma_wait3A_763] : memref<10000x64xf32, #tpu.memory_space<vmem_shared>> -> memref<10000x64xf32, #tpu.memory_space<vmem_shared>>
      tpu.wait_indirect_dma semaphore(%arg23 : memref<!tpu.dma_semaphore, #tpu.memory_space<semaphore_mem>>) src(%dma_wait3A_758 : memref<80x64xf32, #tpu.memory_space<vmem>>) dst(%dma_wait3A_764 : memref<10000x64xf32, #tpu.memory_space<vmem_shared>>)
      %dma_wait3A_765 = arith.constant 1 : i32
      %dma_wait3A_766 = arith.constant 0 : i32
      %dma_wait3A_767 = arith.constant 0 : i32
      %dma_wait3A_768 = tpu.memref_slice %arg8[%dma_wait3A_765, %dma_wait3A_766, %dma_wait3A_767] : memref<12x80x64xf32, #tpu.memory_space<vmem>> -> memref<1x80x64xf32, #tpu.memory_space<vmem>>
      %dma_wait3A_769 = tpu.memref_squeeze %dma_wait3A_768 : memref<1x80x64xf32, #tpu.memory_space<vmem>> -> memref<80x64xf32, #tpu.memory_space<vmem>>
      %dma_wait3A_770 = arith.constant 0 : i32
      %dma_wait3A_771 = tpu.memref_slice %arg7[%add3A_502, %dma_wait3A_770] : memref<125x80xi32, #tpu.memory_space<vmem>> -> memref<1x80xi32, #tpu.memory_space<vmem>>
      %dma_wait3A_772 = tpu.memref_squeeze %dma_wait3A_771 : memref<1x80xi32, #tpu.memory_space<vmem>> -> memref<80xi32, #tpu.memory_space<vmem>>
      %dma_wait3A_773 = arith.constant 0 : i32
      %dma_wait3A_774 = arith.constant 0 : i32
      %dma_wait3A_775 = tpu.memref_slice %arg10[%dma_wait3A_773, %dma_wait3A_774] : memref<10000x64xf32, #tpu.memory_space<vmem_shared>> -> memref<10000x64xf32, #tpu.memory_space<vmem_shared>>
      tpu.wait_indirect_dma semaphore(%arg24 : memref<!tpu.dma_semaphore, #tpu.memory_space<semaphore_mem>>) src(%dma_wait3A_769 : memref<80x64xf32, #tpu.memory_space<vmem>>) dst(%dma_wait3A_775 : memref<10000x64xf32, #tpu.memory_space<vmem_shared>>)
      %dma_wait3A_776 = arith.constant 2 : i32
      %dma_wait3A_777 = arith.constant 0 : i32
      %dma_wait3A_778 = arith.constant 0 : i32
      %dma_wait3A_779 = tpu.memref_slice %arg8[%dma_wait3A_776, %dma_wait3A_777, %dma_wait3A_778] : memref<12x80x64xf32, #tpu.memory_space<vmem>> -> memref<1x80x64xf32, #tpu.memory_space<vmem>>
      %dma_wait3A_780 = tpu.memref_squeeze %dma_wait3A_779 : memref<1x80x64xf32, #tpu.memory_space<vmem>> -> memref<80x64xf32, #tpu.memory_space<vmem>>
      %dma_wait3A_781 = arith.constant 0 : i32
      %dma_wait3A_782 = tpu.memref_slice %arg7[%add3A_526, %dma_wait3A_781] : memref<125x80xi32, #tpu.memory_space<vmem>> -> memref<1x80xi32, #tpu.memory_space<vmem>>
      %dma_wait3A_783 = tpu.memref_squeeze %dma_wait3A_782 : memref<1x80xi32, #tpu.memory_space<vmem>> -> memref<80xi32, #tpu.memory_space<vmem>>
      %dma_wait3A_784 = arith.constant 0 : i32
      %dma_wait3A_785 = arith.constant 0 : i32
      %dma_wait3A_786 = tpu.memref_slice %arg10[%dma_wait3A_784, %dma_wait3A_785] : memref<10000x64xf32, #tpu.memory_space<vmem_shared>> -> memref<10000x64xf32, #tpu.memory_space<vmem_shared>>
      tpu.wait_indirect_dma semaphore(%arg25 : memref<!tpu.dma_semaphore, #tpu.memory_space<semaphore_mem>>) src(%dma_wait3A_780 : memref<80x64xf32, #tpu.memory_space<vmem>>) dst(%dma_wait3A_786 : memref<10000x64xf32, #tpu.memory_space<vmem_shared>>)
      %dma_wait3A_787 = arith.constant 3 : i32
      %dma_wait3A_788 = arith.constant 0 : i32
      %dma_wait3A_789 = arith.constant 0 : i32
      %dma_wait3A_790 = tpu.memref_slice %arg8[%dma_wait3A_787, %dma_wait3A_788, %dma_wait3A_789] : memref<12x80x64xf32, #tpu.memory_space<vmem>> -> memref<1x80x64xf32, #tpu.memory_space<vmem>>
      %dma_wait3A_791 = tpu.memref_squeeze %dma_wait3A_790 : memref<1x80x64xf32, #tpu.memory_space<vmem>> -> memref<80x64xf32, #tpu.memory_space<vmem>>
      %dma_wait3A_792 = arith.constant 0 : i32
      %dma_wait3A_793 = tpu.memref_slice %arg7[%add3A_550, %dma_wait3A_792] : memref<125x80xi32, #tpu.memory_space<vmem>> -> memref<1x80xi32, #tpu.memory_space<vmem>>
      %dma_wait3A_794 = tpu.memref_squeeze %dma_wait3A_793 : memref<1x80xi32, #tpu.memory_space<vmem>> -> memref<80xi32, #tpu.memory_space<vmem>>
      %dma_wait3A_795 = arith.constant 0 : i32
      %dma_wait3A_796 = arith.constant 0 : i32
      %dma_wait3A_797 = tpu.memref_slice %arg10[%dma_wait3A_795, %dma_wait3A_796] : memref<10000x64xf32, #tpu.memory_space<vmem_shared>> -> memref<10000x64xf32, #tpu.memory_space<vmem_shared>>
      tpu.wait_indirect_dma semaphore(%arg26 : memref<!tpu.dma_semaphore, #tpu.memory_space<semaphore_mem>>) src(%dma_wait3A_791 : memref<80x64xf32, #tpu.memory_space<vmem>>) dst(%dma_wait3A_797 : memref<10000x64xf32, #tpu.memory_space<vmem_shared>>)
      %dma_wait3A_798 = arith.constant 4 : i32
      %dma_wait3A_799 = arith.constant 0 : i32
      %dma_wait3A_800 = arith.constant 0 : i32
      %dma_wait3A_801 = tpu.memref_slice %arg8[%dma_wait3A_798, %dma_wait3A_799, %dma_wait3A_800] : memref<12x80x64xf32, #tpu.memory_space<vmem>> -> memref<1x80x64xf32, #tpu.memory_space<vmem>>
      %dma_wait3A_802 = tpu.memref_squeeze %dma_wait3A_801 : memref<1x80x64xf32, #tpu.memory_space<vmem>> -> memref<80x64xf32, #tpu.memory_space<vmem>>
      %dma_wait3A_803 = arith.constant 0 : i32
      %dma_wait3A_804 = tpu.memref_slice %arg7[%add3A_574, %dma_wait3A_803] : memref<125x80xi32, #tpu.memory_space<vmem>> -> memref<1x80xi32, #tpu.memory_space<vmem>>
      %dma_wait3A_805 = tpu.memref_squeeze %dma_wait3A_804 : memref<1x80xi32, #tpu.memory_space<vmem>> -> memref<80xi32, #tpu.memory_space<vmem>>
      %dma_wait3A_806 = arith.constant 0 : i32
      %dma_wait3A_807 = arith.constant 0 : i32
      %dma_wait3A_808 = tpu.memref_slice %arg10[%dma_wait3A_806, %dma_wait3A_807] : memref<10000x64xf32, #tpu.memory_space<vmem_shared>> -> memref<10000x64xf32, #tpu.memory_space<vmem_shared>>
      tpu.wait_indirect_dma semaphore(%arg27 : memref<!tpu.dma_semaphore, #tpu.memory_space<semaphore_mem>>) src(%dma_wait3A_802 : memref<80x64xf32, #tpu.memory_space<vmem>>) dst(%dma_wait3A_808 : memref<10000x64xf32, #tpu.memory_space<vmem_shared>>)
      %dma_wait3A_809 = arith.constant 5 : i32
      %dma_wait3A_810 = arith.constant 0 : i32
      %dma_wait3A_811 = arith.constant 0 : i32
      %dma_wait3A_812 = tpu.memref_slice %arg8[%dma_wait3A_809, %dma_wait3A_810, %dma_wait3A_811] : memref<12x80x64xf32, #tpu.memory_space<vmem>> -> memref<1x80x64xf32, #tpu.memory_space<vmem>>
      %dma_wait3A_813 = tpu.memref_squeeze %dma_wait3A_812 : memref<1x80x64xf32, #tpu.memory_space<vmem>> -> memref<80x64xf32, #tpu.memory_space<vmem>>
      %dma_wait3A_814 = arith.constant 0 : i32
      %dma_wait3A_815 = tpu.memref_slice %arg7[%add3A_598, %dma_wait3A_814] : memref<125x80xi32, #tpu.memory_space<vmem>> -> memref<1x80xi32, #tpu.memory_space<vmem>>
      %dma_wait3A_816 = tpu.memref_squeeze %dma_wait3A_815 : memref<1x80xi32, #tpu.memory_space<vmem>> -> memref<80xi32, #tpu.memory_space<vmem>>
      %dma_wait3A_817 = arith.constant 0 : i32
      %dma_wait3A_818 = arith.constant 0 : i32
      %dma_wait3A_819 = tpu.memref_slice %arg10[%dma_wait3A_817, %dma_wait3A_818] : memref<10000x64xf32, #tpu.memory_space<vmem_shared>> -> memref<10000x64xf32, #tpu.memory_space<vmem_shared>>
      tpu.wait_indirect_dma semaphore(%arg28 : memref<!tpu.dma_semaphore, #tpu.memory_space<semaphore_mem>>) src(%dma_wait3A_813 : memref<80x64xf32, #tpu.memory_space<vmem>>) dst(%dma_wait3A_819 : memref<10000x64xf32, #tpu.memory_space<vmem_shared>>)
      %dma_wait3A_820 = arith.constant 6 : i32
      %dma_wait3A_821 = arith.constant 0 : i32
      %dma_wait3A_822 = arith.constant 0 : i32
      %dma_wait3A_823 = tpu.memref_slice %arg8[%dma_wait3A_820, %dma_wait3A_821, %dma_wait3A_822] : memref<12x80x64xf32, #tpu.memory_space<vmem>> -> memref<1x80x64xf32, #tpu.memory_space<vmem>>
      %dma_wait3A_824 = tpu.memref_squeeze %dma_wait3A_823 : memref<1x80x64xf32, #tpu.memory_space<vmem>> -> memref<80x64xf32, #tpu.memory_space<vmem>>
      %dma_wait3A_825 = arith.constant 0 : i32
      %dma_wait3A_826 = tpu.memref_slice %arg7[%add3A_622, %dma_wait3A_825] : memref<125x80xi32, #tpu.memory_space<vmem>> -> memref<1x80xi32, #tpu.memory_space<vmem>>
      %dma_wait3A_827 = tpu.memref_squeeze %dma_wait3A_826 : memref<1x80xi32, #tpu.memory_space<vmem>> -> memref<80xi32, #tpu.memory_space<vmem>>
      %dma_wait3A_828 = arith.constant 0 : i32
      %dma_wait3A_829 = arith.constant 0 : i32
      %dma_wait3A_830 = tpu.memref_slice %arg10[%dma_wait3A_828, %dma_wait3A_829] : memref<10000x64xf32, #tpu.memory_space<vmem_shared>> -> memref<10000x64xf32, #tpu.memory_space<vmem_shared>>
      tpu.wait_indirect_dma semaphore(%arg29 : memref<!tpu.dma_semaphore, #tpu.memory_space<semaphore_mem>>) src(%dma_wait3A_824 : memref<80x64xf32, #tpu.memory_space<vmem>>) dst(%dma_wait3A_830 : memref<10000x64xf32, #tpu.memory_space<vmem_shared>>)
      %dma_wait3A_831 = arith.constant 7 : i32
      %dma_wait3A_832 = arith.constant 0 : i32
      %dma_wait3A_833 = arith.constant 0 : i32
      %dma_wait3A_834 = tpu.memref_slice %arg8[%dma_wait3A_831, %dma_wait3A_832, %dma_wait3A_833] : memref<12x80x64xf32, #tpu.memory_space<vmem>> -> memref<1x80x64xf32, #tpu.memory_space<vmem>>
      %dma_wait3A_835 = tpu.memref_squeeze %dma_wait3A_834 : memref<1x80x64xf32, #tpu.memory_space<vmem>> -> memref<80x64xf32, #tpu.memory_space<vmem>>
      %dma_wait3A_836 = arith.constant 0 : i32
      %dma_wait3A_837 = tpu.memref_slice %arg7[%add3A_646, %dma_wait3A_836] : memref<125x80xi32, #tpu.memory_space<vmem>> -> memref<1x80xi32, #tpu.memory_space<vmem>>
      %dma_wait3A_838 = tpu.memref_squeeze %dma_wait3A_837 : memref<1x80xi32, #tpu.memory_space<vmem>> -> memref<80xi32, #tpu.memory_space<vmem>>
      %dma_wait3A_839 = arith.constant 0 : i32
      %dma_wait3A_840 = arith.constant 0 : i32
      %dma_wait3A_841 = tpu.memref_slice %arg10[%dma_wait3A_839, %dma_wait3A_840] : memref<10000x64xf32, #tpu.memory_space<vmem_shared>> -> memref<10000x64xf32, #tpu.memory_space<vmem_shared>>
      tpu.wait_indirect_dma semaphore(%arg30 : memref<!tpu.dma_semaphore, #tpu.memory_space<semaphore_mem>>) src(%dma_wait3A_835 : memref<80x64xf32, #tpu.memory_space<vmem>>) dst(%dma_wait3A_841 : memref<10000x64xf32, #tpu.memory_space<vmem_shared>>)
      %dma_wait3A_842 = arith.constant 8 : i32
      %dma_wait3A_843 = arith.constant 0 : i32
      %dma_wait3A_844 = arith.constant 0 : i32
      %dma_wait3A_845 = tpu.memref_slice %arg8[%dma_wait3A_842, %dma_wait3A_843, %dma_wait3A_844] : memref<12x80x64xf32, #tpu.memory_space<vmem>> -> memref<1x80x64xf32, #tpu.memory_space<vmem>>
      %dma_wait3A_846 = tpu.memref_squeeze %dma_wait3A_845 : memref<1x80x64xf32, #tpu.memory_space<vmem>> -> memref<80x64xf32, #tpu.memory_space<vmem>>
      %dma_wait3A_847 = arith.constant 0 : i32
      %dma_wait3A_848 = tpu.memref_slice %arg7[%add3A_670, %dma_wait3A_847] : memref<125x80xi32, #tpu.memory_space<vmem>> -> memref<1x80xi32, #tpu.memory_space<vmem>>
      %dma_wait3A_849 = tpu.memref_squeeze %dma_wait3A_848 : memref<1x80xi32, #tpu.memory_space<vmem>> -> memref<80xi32, #tpu.memory_space<vmem>>
      %dma_wait3A_850 = arith.constant 0 : i32
      %dma_wait3A_851 = arith.constant 0 : i32
      %dma_wait3A_852 = tpu.memref_slice %arg10[%dma_wait3A_850, %dma_wait3A_851] : memref<10000x64xf32, #tpu.memory_space<vmem_shared>> -> memref<10000x64xf32, #tpu.memory_space<vmem_shared>>
      tpu.wait_indirect_dma semaphore(%arg31 : memref<!tpu.dma_semaphore, #tpu.memory_space<semaphore_mem>>) src(%dma_wait3A_846 : memref<80x64xf32, #tpu.memory_space<vmem>>) dst(%dma_wait3A_852 : memref<10000x64xf32, #tpu.memory_space<vmem_shared>>)
      %dma_wait3A_853 = arith.constant 9 : i32
      %dma_wait3A_854 = arith.constant 0 : i32
      %dma_wait3A_855 = arith.constant 0 : i32
      %dma_wait3A_856 = tpu.memref_slice %arg8[%dma_wait3A_853, %dma_wait3A_854, %dma_wait3A_855] : memref<12x80x64xf32, #tpu.memory_space<vmem>> -> memref<1x80x64xf32, #tpu.memory_space<vmem>>
      %dma_wait3A_857 = tpu.memref_squeeze %dma_wait3A_856 : memref<1x80x64xf32, #tpu.memory_space<vmem>> -> memref<80x64xf32, #tpu.memory_space<vmem>>
      %dma_wait3A_858 = arith.constant 0 : i32
      %dma_wait3A_859 = tpu.memref_slice %arg7[%add3A_694, %dma_wait3A_858] : memref<125x80xi32, #tpu.memory_space<vmem>> -> memref<1x80xi32, #tpu.memory_space<vmem>>
      %dma_wait3A_860 = tpu.memref_squeeze %dma_wait3A_859 : memref<1x80xi32, #tpu.memory_space<vmem>> -> memref<80xi32, #tpu.memory_space<vmem>>
      %dma_wait3A_861 = arith.constant 0 : i32
      %dma_wait3A_862 = arith.constant 0 : i32
      %dma_wait3A_863 = tpu.memref_slice %arg10[%dma_wait3A_861, %dma_wait3A_862] : memref<10000x64xf32, #tpu.memory_space<vmem_shared>> -> memref<10000x64xf32, #tpu.memory_space<vmem_shared>>
      tpu.wait_indirect_dma semaphore(%arg32 : memref<!tpu.dma_semaphore, #tpu.memory_space<semaphore_mem>>) src(%dma_wait3A_857 : memref<80x64xf32, #tpu.memory_space<vmem>>) dst(%dma_wait3A_863 : memref<10000x64xf32, #tpu.memory_space<vmem_shared>>)
      %dma_wait3A_864 = arith.constant 10 : i32
      %dma_wait3A_865 = arith.constant 0 : i32
      %dma_wait3A_866 = arith.constant 0 : i32
      %dma_wait3A_867 = tpu.memref_slice %arg8[%dma_wait3A_864, %dma_wait3A_865, %dma_wait3A_866] : memref<12x80x64xf32, #tpu.memory_space<vmem>> -> memref<1x80x64xf32, #tpu.memory_space<vmem>>
      %dma_wait3A_868 = tpu.memref_squeeze %dma_wait3A_867 : memref<1x80x64xf32, #tpu.memory_space<vmem>> -> memref<80x64xf32, #tpu.memory_space<vmem>>
      %dma_wait3A_869 = arith.constant 0 : i32
      %dma_wait3A_870 = tpu.memref_slice %arg7[%add3A_718, %dma_wait3A_869] : memref<125x80xi32, #tpu.memory_space<vmem>> -> memref<1x80xi32, #tpu.memory_space<vmem>>
      %dma_wait3A_871 = tpu.memref_squeeze %dma_wait3A_870 : memref<1x80xi32, #tpu.memory_space<vmem>> -> memref<80xi32, #tpu.memory_space<vmem>>
      %dma_wait3A_872 = arith.constant 0 : i32
      %dma_wait3A_873 = arith.constant 0 : i32
      %dma_wait3A_874 = tpu.memref_slice %arg10[%dma_wait3A_872, %dma_wait3A_873] : memref<10000x64xf32, #tpu.memory_space<vmem_shared>> -> memref<10000x64xf32, #tpu.memory_space<vmem_shared>>
      tpu.wait_indirect_dma semaphore(%arg33 : memref<!tpu.dma_semaphore, #tpu.memory_space<semaphore_mem>>) src(%dma_wait3A_868 : memref<80x64xf32, #tpu.memory_space<vmem>>) dst(%dma_wait3A_874 : memref<10000x64xf32, #tpu.memory_space<vmem_shared>>)
      %dma_wait3A_875 = arith.constant 11 : i32
      %dma_wait3A_876 = arith.constant 0 : i32
      %dma_wait3A_877 = arith.constant 0 : i32
      %dma_wait3A_878 = tpu.memref_slice %arg8[%dma_wait3A_875, %dma_wait3A_876, %dma_wait3A_877] : memref<12x80x64xf32, #tpu.memory_space<vmem>> -> memref<1x80x64xf32, #tpu.memory_space<vmem>>
      %dma_wait3A_879 = tpu.memref_squeeze %dma_wait3A_878 : memref<1x80x64xf32, #tpu.memory_space<vmem>> -> memref<80x64xf32, #tpu.memory_space<vmem>>
      %dma_wait3A_880 = arith.constant 0 : i32
      %dma_wait3A_881 = tpu.memref_slice %arg7[%add3A_742, %dma_wait3A_880] : memref<125x80xi32, #tpu.memory_space<vmem>> -> memref<1x80xi32, #tpu.memory_space<vmem>>
      %dma_wait3A_882 = tpu.memref_squeeze %dma_wait3A_881 : memref<1x80xi32, #tpu.memory_space<vmem>> -> memref<80xi32, #tpu.memory_space<vmem>>
      %dma_wait3A_883 = arith.constant 0 : i32
      %dma_wait3A_884 = arith.constant 0 : i32
      %dma_wait3A_885 = tpu.memref_slice %arg10[%dma_wait3A_883, %dma_wait3A_884] : memref<10000x64xf32, #tpu.memory_space<vmem_shared>> -> memref<10000x64xf32, #tpu.memory_space<vmem_shared>>
      tpu.wait_indirect_dma semaphore(%arg34 : memref<!tpu.dma_semaphore, #tpu.memory_space<semaphore_mem>>) src(%dma_wait3A_879 : memref<80x64xf32, #tpu.memory_space<vmem>>) dst(%dma_wait3A_885 : memref<10000x64xf32, #tpu.memory_space<vmem_shared>>)
    }
    %scan3A_59 = arith.constant 10 : i32
    %dma_start3A_60 = arith.constant 120 : i32
    %dma_start3A_61 = arith.constant 0 : i32
    %dma_start3A_62 = arith.constant 0 : i32
    %dma_start3A_63 = arith.constant 0 : i32
    %dma_start3A_64 = tpu.memref_slice %arg8[%dma_start3A_61, %dma_start3A_62, %dma_start3A_63] : memref<12x80x64xf32, #tpu.memory_space<vmem>> -> memref<1x80x64xf32, #tpu.memory_space<vmem>>
    %dma_start3A_65 = tpu.memref_squeeze %dma_start3A_64 : memref<1x80x64xf32, #tpu.memory_space<vmem>> -> memref<80x64xf32, #tpu.memory_space<vmem>>
    %dma_start3A_66 = arith.constant 0 : i32
    %dma_start3A_67 = tpu.memref_slice %arg6[%dma_start3A_60, %dma_start3A_66] : memref<125x80xi32, #tpu.memory_space<vmem>> -> memref<1x80xi32, #tpu.memory_space<vmem>>
    %dma_start3A_68 = tpu.memref_squeeze %dma_start3A_67 : memref<1x80xi32, #tpu.memory_space<vmem>> -> memref<80xi32, #tpu.memory_space<vmem>>
    %dma_start3A_69 = arith.constant 0 : i32
    %dma_start3A_70 = arith.constant 0 : i32
    %dma_start3A_71 = tpu.memref_slice %arg2[%dma_start3A_69, %dma_start3A_70] : memref<20000x64xf32, #tpu.memory_space<hbm>> -> memref<20000x64xf32, #tpu.memory_space<hbm>>
    tpu.enqueue_indirect_dma source(%dma_start3A_71 : memref<20000x64xf32, #tpu.memory_space<hbm>>) target(%dma_start3A_65 : memref<80x64xf32, #tpu.memory_space<vmem>>) offsets(%dma_start3A_68 : memref<80xi32, #tpu.memory_space<vmem>>) semaphore(%arg11 : memref<!tpu.dma_semaphore, #tpu.memory_space<semaphore_mem>>)
    %dma_start3A_72 = arith.constant 121 : i32
    %dma_start3A_73 = arith.constant 1 : i32
    %dma_start3A_74 = arith.constant 0 : i32
    %dma_start3A_75 = arith.constant 0 : i32
    %dma_start3A_76 = tpu.memref_slice %arg8[%dma_start3A_73, %dma_start3A_74, %dma_start3A_75] : memref<12x80x64xf32, #tpu.memory_space<vmem>> -> memref<1x80x64xf32, #tpu.memory_space<vmem>>
    %dma_start3A_77 = tpu.memref_squeeze %dma_start3A_76 : memref<1x80x64xf32, #tpu.memory_space<vmem>> -> memref<80x64xf32, #tpu.memory_space<vmem>>
    %dma_start3A_78 = arith.constant 0 : i32
    %dma_start3A_79 = tpu.memref_slice %arg6[%dma_start3A_72, %dma_start3A_78] : memref<125x80xi32, #tpu.memory_space<vmem>> -> memref<1x80xi32, #tpu.memory_space<vmem>>
    %dma_start3A_80 = tpu.memref_squeeze %dma_start3A_79 : memref<1x80xi32, #tpu.memory_space<vmem>> -> memref<80xi32, #tpu.memory_space<vmem>>
    %dma_start3A_81 = arith.constant 0 : i32
    %dma_start3A_82 = arith.constant 0 : i32
    %dma_start3A_83 = tpu.memref_slice %arg2[%dma_start3A_81, %dma_start3A_82] : memref<20000x64xf32, #tpu.memory_space<hbm>> -> memref<20000x64xf32, #tpu.memory_space<hbm>>
    tpu.enqueue_indirect_dma source(%dma_start3A_83 : memref<20000x64xf32, #tpu.memory_space<hbm>>) target(%dma_start3A_77 : memref<80x64xf32, #tpu.memory_space<vmem>>) offsets(%dma_start3A_80 : memref<80xi32, #tpu.memory_space<vmem>>) semaphore(%arg12 : memref<!tpu.dma_semaphore, #tpu.memory_space<semaphore_mem>>)
    %dma_start3A_84 = arith.constant 122 : i32
    %dma_start3A_85 = arith.constant 2 : i32
    %dma_start3A_86 = arith.constant 0 : i32
    %dma_start3A_87 = arith.constant 0 : i32
    %dma_start3A_88 = tpu.memref_slice %arg8[%dma_start3A_85, %dma_start3A_86, %dma_start3A_87] : memref<12x80x64xf32, #tpu.memory_space<vmem>> -> memref<1x80x64xf32, #tpu.memory_space<vmem>>
    %dma_start3A_89 = tpu.memref_squeeze %dma_start3A_88 : memref<1x80x64xf32, #tpu.memory_space<vmem>> -> memref<80x64xf32, #tpu.memory_space<vmem>>
    %dma_start3A_90 = arith.constant 0 : i32
    %dma_start3A_91 = tpu.memref_slice %arg6[%dma_start3A_84, %dma_start3A_90] : memref<125x80xi32, #tpu.memory_space<vmem>> -> memref<1x80xi32, #tpu.memory_space<vmem>>
    %dma_start3A_92 = tpu.memref_squeeze %dma_start3A_91 : memref<1x80xi32, #tpu.memory_space<vmem>> -> memref<80xi32, #tpu.memory_space<vmem>>
    %dma_start3A_93 = arith.constant 0 : i32
    %dma_start3A_94 = arith.constant 0 : i32
    %dma_start3A_95 = tpu.memref_slice %arg2[%dma_start3A_93, %dma_start3A_94] : memref<20000x64xf32, #tpu.memory_space<hbm>> -> memref<20000x64xf32, #tpu.memory_space<hbm>>
    tpu.enqueue_indirect_dma source(%dma_start3A_95 : memref<20000x64xf32, #tpu.memory_space<hbm>>) target(%dma_start3A_89 : memref<80x64xf32, #tpu.memory_space<vmem>>) offsets(%dma_start3A_92 : memref<80xi32, #tpu.memory_space<vmem>>) semaphore(%arg13 : memref<!tpu.dma_semaphore, #tpu.memory_space<semaphore_mem>>)
    %dma_start3A_96 = arith.constant 123 : i32
    %dma_start3A_97 = arith.constant 3 : i32
    %dma_start3A_98 = arith.constant 0 : i32
    %dma_start3A_99 = arith.constant 0 : i32
    %dma_start3A_100 = tpu.memref_slice %arg8[%dma_start3A_97, %dma_start3A_98, %dma_start3A_99] : memref<12x80x64xf32, #tpu.memory_space<vmem>> -> memref<1x80x64xf32, #tpu.memory_space<vmem>>
    %dma_start3A_101 = tpu.memref_squeeze %dma_start3A_100 : memref<1x80x64xf32, #tpu.memory_space<vmem>> -> memref<80x64xf32, #tpu.memory_space<vmem>>
    %dma_start3A_102 = arith.constant 0 : i32
    %dma_start3A_103 = tpu.memref_slice %arg6[%dma_start3A_96, %dma_start3A_102] : memref<125x80xi32, #tpu.memory_space<vmem>> -> memref<1x80xi32, #tpu.memory_space<vmem>>
    %dma_start3A_104 = tpu.memref_squeeze %dma_start3A_103 : memref<1x80xi32, #tpu.memory_space<vmem>> -> memref<80xi32, #tpu.memory_space<vmem>>
    %dma_start3A_105 = arith.constant 0 : i32
    %dma_start3A_106 = arith.constant 0 : i32
    %dma_start3A_107 = tpu.memref_slice %arg2[%dma_start3A_105, %dma_start3A_106] : memref<20000x64xf32, #tpu.memory_space<hbm>> -> memref<20000x64xf32, #tpu.memory_space<hbm>>
    tpu.enqueue_indirect_dma source(%dma_start3A_107 : memref<20000x64xf32, #tpu.memory_space<hbm>>) target(%dma_start3A_101 : memref<80x64xf32, #tpu.memory_space<vmem>>) offsets(%dma_start3A_104 : memref<80xi32, #tpu.memory_space<vmem>>) semaphore(%arg14 : memref<!tpu.dma_semaphore, #tpu.memory_space<semaphore_mem>>)
    %dma_start3A_108 = arith.constant 124 : i32
    %dma_start3A_109 = arith.constant 4 : i32
    %dma_start3A_110 = arith.constant 0 : i32
    %dma_start3A_111 = arith.constant 0 : i32
    %dma_start3A_112 = tpu.memref_slice %arg8[%dma_start3A_109, %dma_start3A_110, %dma_start3A_111] : memref<12x80x64xf32, #tpu.memory_space<vmem>> -> memref<1x80x64xf32, #tpu.memory_space<vmem>>
    %dma_start3A_113 = tpu.memref_squeeze %dma_start3A_112 : memref<1x80x64xf32, #tpu.memory_space<vmem>> -> memref<80x64xf32, #tpu.memory_space<vmem>>
    %dma_start3A_114 = arith.constant 0 : i32
    %dma_start3A_115 = tpu.memref_slice %arg6[%dma_start3A_108, %dma_start3A_114] : memref<125x80xi32, #tpu.memory_space<vmem>> -> memref<1x80xi32, #tpu.memory_space<vmem>>
    %dma_start3A_116 = tpu.memref_squeeze %dma_start3A_115 : memref<1x80xi32, #tpu.memory_space<vmem>> -> memref<80xi32, #tpu.memory_space<vmem>>
    %dma_start3A_117 = arith.constant 0 : i32
    %dma_start3A_118 = arith.constant 0 : i32
    %dma_start3A_119 = tpu.memref_slice %arg2[%dma_start3A_117, %dma_start3A_118] : memref<20000x64xf32, #tpu.memory_space<hbm>> -> memref<20000x64xf32, #tpu.memory_space<hbm>>
    tpu.enqueue_indirect_dma source(%dma_start3A_119 : memref<20000x64xf32, #tpu.memory_space<hbm>>) target(%dma_start3A_113 : memref<80x64xf32, #tpu.memory_space<vmem>>) offsets(%dma_start3A_116 : memref<80xi32, #tpu.memory_space<vmem>>) semaphore(%arg15 : memref<!tpu.dma_semaphore, #tpu.memory_space<semaphore_mem>>)
    %dma_wait3A_120 = arith.constant 120 : i32
    %dma_wait3A_121 = arith.constant 0 : i32
    %dma_wait3A_122 = arith.constant 0 : i32
    %dma_wait3A_123 = arith.constant 0 : i32
    %dma_wait3A_124 = tpu.memref_slice %arg8[%dma_wait3A_121, %dma_wait3A_122, %dma_wait3A_123] : memref<12x80x64xf32, #tpu.memory_space<vmem>> -> memref<1x80x64xf32, #tpu.memory_space<vmem>>
    %dma_wait3A_125 = tpu.memref_squeeze %dma_wait3A_124 : memref<1x80x64xf32, #tpu.memory_space<vmem>> -> memref<80x64xf32, #tpu.memory_space<vmem>>
    %dma_wait3A_126 = arith.constant 0 : i32
    %dma_wait3A_127 = tpu.memref_slice %arg6[%dma_wait3A_120, %dma_wait3A_126] : memref<125x80xi32, #tpu.memory_space<vmem>> -> memref<1x80xi32, #tpu.memory_space<vmem>>
    %dma_wait3A_128 = tpu.memref_squeeze %dma_wait3A_127 : memref<1x80xi32, #tpu.memory_space<vmem>> -> memref<80xi32, #tpu.memory_space<vmem>>
    %dma_wait3A_129 = arith.constant 0 : i32
    %dma_wait3A_130 = arith.constant 0 : i32
    %dma_wait3A_131 = tpu.memref_slice %arg2[%dma_wait3A_129, %dma_wait3A_130] : memref<20000x64xf32, #tpu.memory_space<hbm>> -> memref<20000x64xf32, #tpu.memory_space<hbm>>
    tpu.wait_indirect_dma semaphore(%arg11 : memref<!tpu.dma_semaphore, #tpu.memory_space<semaphore_mem>>) src(%dma_wait3A_131 : memref<20000x64xf32, #tpu.memory_space<hbm>>) dst(%dma_wait3A_125 : memref<80x64xf32, #tpu.memory_space<vmem>>)
    %dma_start3A_132 = arith.constant 0 : i32
    %dma_start3A_133 = arith.constant 120 : i32
    %dma_start3A_134 = arith.constant 0 : i32
    %dma_start3A_135 = arith.constant 0 : i32
    %dma_start3A_136 = tpu.memref_slice %arg8[%dma_start3A_132, %dma_start3A_134, %dma_start3A_135] : memref<12x80x64xf32, #tpu.memory_space<vmem>> -> memref<1x80x64xf32, #tpu.memory_space<vmem>>
    %dma_start3A_137 = tpu.memref_squeeze %dma_start3A_136 : memref<1x80x64xf32, #tpu.memory_space<vmem>> -> memref<80x64xf32, #tpu.memory_space<vmem>>
    %dma_start3A_138 = arith.constant 0 : i32
    %dma_start3A_139 = tpu.memref_slice %arg7[%dma_start3A_133, %dma_start3A_138] : memref<125x80xi32, #tpu.memory_space<vmem>> -> memref<1x80xi32, #tpu.memory_space<vmem>>
    %dma_start3A_140 = tpu.memref_squeeze %dma_start3A_139 : memref<1x80xi32, #tpu.memory_space<vmem>> -> memref<80xi32, #tpu.memory_space<vmem>>
    %dma_start3A_141 = arith.constant 0 : i32
    %dma_start3A_142 = arith.constant 0 : i32
    %dma_start3A_143 = tpu.memref_slice %arg10[%dma_start3A_141, %dma_start3A_142] : memref<10000x64xf32, #tpu.memory_space<vmem_shared>> -> memref<10000x64xf32, #tpu.memory_space<vmem_shared>>
    tpu.enqueue_indirect_dma source(%dma_start3A_137 : memref<80x64xf32, #tpu.memory_space<vmem>>) target(%dma_start3A_143 : memref<10000x64xf32, #tpu.memory_space<vmem_shared>>) offsets(%dma_start3A_140 : memref<80xi32, #tpu.memory_space<vmem>>) semaphore(%arg23 : memref<!tpu.dma_semaphore, #tpu.memory_space<semaphore_mem>>) {add = true}
    %dma_wait3A_144 = arith.constant 121 : i32
    %dma_wait3A_145 = arith.constant 1 : i32
    %dma_wait3A_146 = arith.constant 0 : i32
    %dma_wait3A_147 = arith.constant 0 : i32
    %dma_wait3A_148 = tpu.memref_slice %arg8[%dma_wait3A_145, %dma_wait3A_146, %dma_wait3A_147] : memref<12x80x64xf32, #tpu.memory_space<vmem>> -> memref<1x80x64xf32, #tpu.memory_space<vmem>>
    %dma_wait3A_149 = tpu.memref_squeeze %dma_wait3A_148 : memref<1x80x64xf32, #tpu.memory_space<vmem>> -> memref<80x64xf32, #tpu.memory_space<vmem>>
    %dma_wait3A_150 = arith.constant 0 : i32
    %dma_wait3A_151 = tpu.memref_slice %arg6[%dma_wait3A_144, %dma_wait3A_150] : memref<125x80xi32, #tpu.memory_space<vmem>> -> memref<1x80xi32, #tpu.memory_space<vmem>>
    %dma_wait3A_152 = tpu.memref_squeeze %dma_wait3A_151 : memref<1x80xi32, #tpu.memory_space<vmem>> -> memref<80xi32, #tpu.memory_space<vmem>>
    %dma_wait3A_153 = arith.constant 0 : i32
    %dma_wait3A_154 = arith.constant 0 : i32
    %dma_wait3A_155 = tpu.memref_slice %arg2[%dma_wait3A_153, %dma_wait3A_154] : memref<20000x64xf32, #tpu.memory_space<hbm>> -> memref<20000x64xf32, #tpu.memory_space<hbm>>
    tpu.wait_indirect_dma semaphore(%arg12 : memref<!tpu.dma_semaphore, #tpu.memory_space<semaphore_mem>>) src(%dma_wait3A_155 : memref<20000x64xf32, #tpu.memory_space<hbm>>) dst(%dma_wait3A_149 : memref<80x64xf32, #tpu.memory_space<vmem>>)
    %dma_start3A_156 = arith.constant 1 : i32
    %dma_start3A_157 = arith.constant 121 : i32
    %dma_start3A_158 = arith.constant 0 : i32
    %dma_start3A_159 = arith.constant 0 : i32
    %dma_start3A_160 = tpu.memref_slice %arg8[%dma_start3A_156, %dma_start3A_158, %dma_start3A_159] : memref<12x80x64xf32, #tpu.memory_space<vmem>> -> memref<1x80x64xf32, #tpu.memory_space<vmem>>
    %dma_start3A_161 = tpu.memref_squeeze %dma_start3A_160 : memref<1x80x64xf32, #tpu.memory_space<vmem>> -> memref<80x64xf32, #tpu.memory_space<vmem>>
    %dma_start3A_162 = arith.constant 0 : i32
    %dma_start3A_163 = tpu.memref_slice %arg7[%dma_start3A_157, %dma_start3A_162] : memref<125x80xi32, #tpu.memory_space<vmem>> -> memref<1x80xi32, #tpu.memory_space<vmem>>
    %dma_start3A_164 = tpu.memref_squeeze %dma_start3A_163 : memref<1x80xi32, #tpu.memory_space<vmem>> -> memref<80xi32, #tpu.memory_space<vmem>>
    %dma_start3A_165 = arith.constant 0 : i32
    %dma_start3A_166 = arith.constant 0 : i32
    %dma_start3A_167 = tpu.memref_slice %arg10[%dma_start3A_165, %dma_start3A_166] : memref<10000x64xf32, #tpu.memory_space<vmem_shared>> -> memref<10000x64xf32, #tpu.memory_space<vmem_shared>>
    tpu.enqueue_indirect_dma source(%dma_start3A_161 : memref<80x64xf32, #tpu.memory_space<vmem>>) target(%dma_start3A_167 : memref<10000x64xf32, #tpu.memory_space<vmem_shared>>) offsets(%dma_start3A_164 : memref<80xi32, #tpu.memory_space<vmem>>) semaphore(%arg24 : memref<!tpu.dma_semaphore, #tpu.memory_space<semaphore_mem>>) {add = true}
    %dma_wait3A_168 = arith.constant 122 : i32
    %dma_wait3A_169 = arith.constant 2 : i32
    %dma_wait3A_170 = arith.constant 0 : i32
    %dma_wait3A_171 = arith.constant 0 : i32
    %dma_wait3A_172 = tpu.memref_slice %arg8[%dma_wait3A_169, %dma_wait3A_170, %dma_wait3A_171] : memref<12x80x64xf32, #tpu.memory_space<vmem>> -> memref<1x80x64xf32, #tpu.memory_space<vmem>>
    %dma_wait3A_173 = tpu.memref_squeeze %dma_wait3A_172 : memref<1x80x64xf32, #tpu.memory_space<vmem>> -> memref<80x64xf32, #tpu.memory_space<vmem>>
    %dma_wait3A_174 = arith.constant 0 : i32
    %dma_wait3A_175 = tpu.memref_slice %arg6[%dma_wait3A_168, %dma_wait3A_174] : memref<125x80xi32, #tpu.memory_space<vmem>> -> memref<1x80xi32, #tpu.memory_space<vmem>>
    %dma_wait3A_176 = tpu.memref_squeeze %dma_wait3A_175 : memref<1x80xi32, #tpu.memory_space<vmem>> -> memref<80xi32, #tpu.memory_space<vmem>>
    %dma_wait3A_177 = arith.constant 0 : i32
    %dma_wait3A_178 = arith.constant 0 : i32
    %dma_wait3A_179 = tpu.memref_slice %arg2[%dma_wait3A_177, %dma_wait3A_178] : memref<20000x64xf32, #tpu.memory_space<hbm>> -> memref<20000x64xf32, #tpu.memory_space<hbm>>
    tpu.wait_indirect_dma semaphore(%arg13 : memref<!tpu.dma_semaphore, #tpu.memory_space<semaphore_mem>>) src(%dma_wait3A_179 : memref<20000x64xf32, #tpu.memory_space<hbm>>) dst(%dma_wait3A_173 : memref<80x64xf32, #tpu.memory_space<vmem>>)
    %dma_start3A_180 = arith.constant 2 : i32
    %dma_start3A_181 = arith.constant 122 : i32
    %dma_start3A_182 = arith.constant 0 : i32
    %dma_start3A_183 = arith.constant 0 : i32
    %dma_start3A_184 = tpu.memref_slice %arg8[%dma_start3A_180, %dma_start3A_182, %dma_start3A_183] : memref<12x80x64xf32, #tpu.memory_space<vmem>> -> memref<1x80x64xf32, #tpu.memory_space<vmem>>
    %dma_start3A_185 = tpu.memref_squeeze %dma_start3A_184 : memref<1x80x64xf32, #tpu.memory_space<vmem>> -> memref<80x64xf32, #tpu.memory_space<vmem>>
    %dma_start3A_186 = arith.constant 0 : i32
    %dma_start3A_187 = tpu.memref_slice %arg7[%dma_start3A_181, %dma_start3A_186] : memref<125x80xi32, #tpu.memory_space<vmem>> -> memref<1x80xi32, #tpu.memory_space<vmem>>
    %dma_start3A_188 = tpu.memref_squeeze %dma_start3A_187 : memref<1x80xi32, #tpu.memory_space<vmem>> -> memref<80xi32, #tpu.memory_space<vmem>>
    %dma_start3A_189 = arith.constant 0 : i32
    %dma_start3A_190 = arith.constant 0 : i32
    %dma_start3A_191 = tpu.memref_slice %arg10[%dma_start3A_189, %dma_start3A_190] : memref<10000x64xf32, #tpu.memory_space<vmem_shared>> -> memref<10000x64xf32, #tpu.memory_space<vmem_shared>>
    tpu.enqueue_indirect_dma source(%dma_start3A_185 : memref<80x64xf32, #tpu.memory_space<vmem>>) target(%dma_start3A_191 : memref<10000x64xf32, #tpu.memory_space<vmem_shared>>) offsets(%dma_start3A_188 : memref<80xi32, #tpu.memory_space<vmem>>) semaphore(%arg25 : memref<!tpu.dma_semaphore, #tpu.memory_space<semaphore_mem>>) {add = true}
    %dma_wait3A_192 = arith.constant 123 : i32
    %dma_wait3A_193 = arith.constant 3 : i32
    %dma_wait3A_194 = arith.constant 0 : i32
    %dma_wait3A_195 = arith.constant 0 : i32
    %dma_wait3A_196 = tpu.memref_slice %arg8[%dma_wait3A_193, %dma_wait3A_194, %dma_wait3A_195] : memref<12x80x64xf32, #tpu.memory_space<vmem>> -> memref<1x80x64xf32, #tpu.memory_space<vmem>>
    %dma_wait3A_197 = tpu.memref_squeeze %dma_wait3A_196 : memref<1x80x64xf32, #tpu.memory_space<vmem>> -> memref<80x64xf32, #tpu.memory_space<vmem>>
    %dma_wait3A_198 = arith.constant 0 : i32
    %dma_wait3A_199 = tpu.memref_slice %arg6[%dma_wait3A_192, %dma_wait3A_198] : memref<125x80xi32, #tpu.memory_space<vmem>> -> memref<1x80xi32, #tpu.memory_space<vmem>>
    %dma_wait3A_200 = tpu.memref_squeeze %dma_wait3A_199 : memref<1x80xi32, #tpu.memory_space<vmem>> -> memref<80xi32, #tpu.memory_space<vmem>>
    %dma_wait3A_201 = arith.constant 0 : i32
    %dma_wait3A_202 = arith.constant 0 : i32
    %dma_wait3A_203 = tpu.memref_slice %arg2[%dma_wait3A_201, %dma_wait3A_202] : memref<20000x64xf32, #tpu.memory_space<hbm>> -> memref<20000x64xf32, #tpu.memory_space<hbm>>
    tpu.wait_indirect_dma semaphore(%arg14 : memref<!tpu.dma_semaphore, #tpu.memory_space<semaphore_mem>>) src(%dma_wait3A_203 : memref<20000x64xf32, #tpu.memory_space<hbm>>) dst(%dma_wait3A_197 : memref<80x64xf32, #tpu.memory_space<vmem>>)
    %dma_start3A_204 = arith.constant 3 : i32
    %dma_start3A_205 = arith.constant 123 : i32
    %dma_start3A_206 = arith.constant 0 : i32
    %dma_start3A_207 = arith.constant 0 : i32
    %dma_start3A_208 = tpu.memref_slice %arg8[%dma_start3A_204, %dma_start3A_206, %dma_start3A_207] : memref<12x80x64xf32, #tpu.memory_space<vmem>> -> memref<1x80x64xf32, #tpu.memory_space<vmem>>
    %dma_start3A_209 = tpu.memref_squeeze %dma_start3A_208 : memref<1x80x64xf32, #tpu.memory_space<vmem>> -> memref<80x64xf32, #tpu.memory_space<vmem>>
    %dma_start3A_210 = arith.constant 0 : i32
    %dma_start3A_211 = tpu.memref_slice %arg7[%dma_start3A_205, %dma_start3A_210] : memref<125x80xi32, #tpu.memory_space<vmem>> -> memref<1x80xi32, #tpu.memory_space<vmem>>
    %dma_start3A_212 = tpu.memref_squeeze %dma_start3A_211 : memref<1x80xi32, #tpu.memory_space<vmem>> -> memref<80xi32, #tpu.memory_space<vmem>>
    %dma_start3A_213 = arith.constant 0 : i32
    %dma_start3A_214 = arith.constant 0 : i32
    %dma_start3A_215 = tpu.memref_slice %arg10[%dma_start3A_213, %dma_start3A_214] : memref<10000x64xf32, #tpu.memory_space<vmem_shared>> -> memref<10000x64xf32, #tpu.memory_space<vmem_shared>>
    tpu.enqueue_indirect_dma source(%dma_start3A_209 : memref<80x64xf32, #tpu.memory_space<vmem>>) target(%dma_start3A_215 : memref<10000x64xf32, #tpu.memory_space<vmem_shared>>) offsets(%dma_start3A_212 : memref<80xi32, #tpu.memory_space<vmem>>) semaphore(%arg26 : memref<!tpu.dma_semaphore, #tpu.memory_space<semaphore_mem>>) {add = true}
    %dma_wait3A_216 = arith.constant 124 : i32
    %dma_wait3A_217 = arith.constant 4 : i32
    %dma_wait3A_218 = arith.constant 0 : i32
    %dma_wait3A_219 = arith.constant 0 : i32
    %dma_wait3A_220 = tpu.memref_slice %arg8[%dma_wait3A_217, %dma_wait3A_218, %dma_wait3A_219] : memref<12x80x64xf32, #tpu.memory_space<vmem>> -> memref<1x80x64xf32, #tpu.memory_space<vmem>>
    %dma_wait3A_221 = tpu.memref_squeeze %dma_wait3A_220 : memref<1x80x64xf32, #tpu.memory_space<vmem>> -> memref<80x64xf32, #tpu.memory_space<vmem>>
    %dma_wait3A_222 = arith.constant 0 : i32
    %dma_wait3A_223 = tpu.memref_slice %arg6[%dma_wait3A_216, %dma_wait3A_222] : memref<125x80xi32, #tpu.memory_space<vmem>> -> memref<1x80xi32, #tpu.memory_space<vmem>>
    %dma_wait3A_224 = tpu.memref_squeeze %dma_wait3A_223 : memref<1x80xi32, #tpu.memory_space<vmem>> -> memref<80xi32, #tpu.memory_space<vmem>>
    %dma_wait3A_225 = arith.constant 0 : i32
    %dma_wait3A_226 = arith.constant 0 : i32
    %dma_wait3A_227 = tpu.memref_slice %arg2[%dma_wait3A_225, %dma_wait3A_226] : memref<20000x64xf32, #tpu.memory_space<hbm>> -> memref<20000x64xf32, #tpu.memory_space<hbm>>
    tpu.wait_indirect_dma semaphore(%arg15 : memref<!tpu.dma_semaphore, #tpu.memory_space<semaphore_mem>>) src(%dma_wait3A_227 : memref<20000x64xf32, #tpu.memory_space<hbm>>) dst(%dma_wait3A_221 : memref<80x64xf32, #tpu.memory_space<vmem>>)
    %dma_start3A_228 = arith.constant 4 : i32
    %dma_start3A_229 = arith.constant 124 : i32
    %dma_start3A_230 = arith.constant 0 : i32
    %dma_start3A_231 = arith.constant 0 : i32
    %dma_start3A_232 = tpu.memref_slice %arg8[%dma_start3A_228, %dma_start3A_230, %dma_start3A_231] : memref<12x80x64xf32, #tpu.memory_space<vmem>> -> memref<1x80x64xf32, #tpu.memory_space<vmem>>
    %dma_start3A_233 = tpu.memref_squeeze %dma_start3A_232 : memref<1x80x64xf32, #tpu.memory_space<vmem>> -> memref<80x64xf32, #tpu.memory_space<vmem>>
    %dma_start3A_234 = arith.constant 0 : i32
    %dma_start3A_235 = tpu.memref_slice %arg7[%dma_start3A_229, %dma_start3A_234] : memref<125x80xi32, #tpu.memory_space<vmem>> -> memref<1x80xi32, #tpu.memory_space<vmem>>
    %dma_start3A_236 = tpu.memref_squeeze %dma_start3A_235 : memref<1x80xi32, #tpu.memory_space<vmem>> -> memref<80xi32, #tpu.memory_space<vmem>>
    %dma_start3A_237 = arith.constant 0 : i32
    %dma_start3A_238 = arith.constant 0 : i32
    %dma_start3A_239 = tpu.memref_slice %arg10[%dma_start3A_237, %dma_start3A_238] : memref<10000x64xf32, #tpu.memory_space<vmem_shared>> -> memref<10000x64xf32, #tpu.memory_space<vmem_shared>>
    tpu.enqueue_indirect_dma source(%dma_start3A_233 : memref<80x64xf32, #tpu.memory_space<vmem>>) target(%dma_start3A_239 : memref<10000x64xf32, #tpu.memory_space<vmem_shared>>) offsets(%dma_start3A_236 : memref<80xi32, #tpu.memory_space<vmem>>) semaphore(%arg27 : memref<!tpu.dma_semaphore, #tpu.memory_space<semaphore_mem>>) {add = true}
    %dma_wait3A_240 = arith.constant 0 : i32
    %dma_wait3A_241 = arith.constant 120 : i32
    %dma_wait3A_242 = arith.constant 0 : i32
    %dma_wait3A_243 = arith.constant 0 : i32
    %dma_wait3A_244 = tpu.memref_slice %arg8[%dma_wait3A_240, %dma_wait3A_242, %dma_wait3A_243] : memref<12x80x64xf32, #tpu.memory_space<vmem>> -> memref<1x80x64xf32, #tpu.memory_space<vmem>>
    %dma_wait3A_245 = tpu.memref_squeeze %dma_wait3A_244 : memref<1x80x64xf32, #tpu.memory_space<vmem>> -> memref<80x64xf32, #tpu.memory_space<vmem>>
    %dma_wait3A_246 = arith.constant 0 : i32
    %dma_wait3A_247 = tpu.memref_slice %arg7[%dma_wait3A_241, %dma_wait3A_246] : memref<125x80xi32, #tpu.memory_space<vmem>> -> memref<1x80xi32, #tpu.memory_space<vmem>>
    %dma_wait3A_248 = tpu.memref_squeeze %dma_wait3A_247 : memref<1x80xi32, #tpu.memory_space<vmem>> -> memref<80xi32, #tpu.memory_space<vmem>>
    %dma_wait3A_249 = arith.constant 0 : i32
    %dma_wait3A_250 = arith.constant 0 : i32
    %dma_wait3A_251 = tpu.memref_slice %arg10[%dma_wait3A_249, %dma_wait3A_250] : memref<10000x64xf32, #tpu.memory_space<vmem_shared>> -> memref<10000x64xf32, #tpu.memory_space<vmem_shared>>
    tpu.wait_indirect_dma semaphore(%arg23 : memref<!tpu.dma_semaphore, #tpu.memory_space<semaphore_mem>>) src(%dma_wait3A_245 : memref<80x64xf32, #tpu.memory_space<vmem>>) dst(%dma_wait3A_251 : memref<10000x64xf32, #tpu.memory_space<vmem_shared>>)
    %dma_wait3A_252 = arith.constant 1 : i32
    %dma_wait3A_253 = arith.constant 121 : i32
    %dma_wait3A_254 = arith.constant 0 : i32
    %dma_wait3A_255 = arith.constant 0 : i32
    %dma_wait3A_256 = tpu.memref_slice %arg8[%dma_wait3A_252, %dma_wait3A_254, %dma_wait3A_255] : memref<12x80x64xf32, #tpu.memory_space<vmem>> -> memref<1x80x64xf32, #tpu.memory_space<vmem>>
    %dma_wait3A_257 = tpu.memref_squeeze %dma_wait3A_256 : memref<1x80x64xf32, #tpu.memory_space<vmem>> -> memref<80x64xf32, #tpu.memory_space<vmem>>
    %dma_wait3A_258 = arith.constant 0 : i32
    %dma_wait3A_259 = tpu.memref_slice %arg7[%dma_wait3A_253, %dma_wait3A_258] : memref<125x80xi32, #tpu.memory_space<vmem>> -> memref<1x80xi32, #tpu.memory_space<vmem>>
    %dma_wait3A_260 = tpu.memref_squeeze %dma_wait3A_259 : memref<1x80xi32, #tpu.memory_space<vmem>> -> memref<80xi32, #tpu.memory_space<vmem>>
    %dma_wait3A_261 = arith.constant 0 : i32
    %dma_wait3A_262 = arith.constant 0 : i32
    %dma_wait3A_263 = tpu.memref_slice %arg10[%dma_wait3A_261, %dma_wait3A_262] : memref<10000x64xf32, #tpu.memory_space<vmem_shared>> -> memref<10000x64xf32, #tpu.memory_space<vmem_shared>>
    tpu.wait_indirect_dma semaphore(%arg24 : memref<!tpu.dma_semaphore, #tpu.memory_space<semaphore_mem>>) src(%dma_wait3A_257 : memref<80x64xf32, #tpu.memory_space<vmem>>) dst(%dma_wait3A_263 : memref<10000x64xf32, #tpu.memory_space<vmem_shared>>)
    %dma_wait3A_264 = arith.constant 2 : i32
    %dma_wait3A_265 = arith.constant 122 : i32
    %dma_wait3A_266 = arith.constant 0 : i32
    %dma_wait3A_267 = arith.constant 0 : i32
    %dma_wait3A_268 = tpu.memref_slice %arg8[%dma_wait3A_264, %dma_wait3A_266, %dma_wait3A_267] : memref<12x80x64xf32, #tpu.memory_space<vmem>> -> memref<1x80x64xf32, #tpu.memory_space<vmem>>
    %dma_wait3A_269 = tpu.memref_squeeze %dma_wait3A_268 : memref<1x80x64xf32, #tpu.memory_space<vmem>> -> memref<80x64xf32, #tpu.memory_space<vmem>>
    %dma_wait3A_270 = arith.constant 0 : i32
    %dma_wait3A_271 = tpu.memref_slice %arg7[%dma_wait3A_265, %dma_wait3A_270] : memref<125x80xi32, #tpu.memory_space<vmem>> -> memref<1x80xi32, #tpu.memory_space<vmem>>
    %dma_wait3A_272 = tpu.memref_squeeze %dma_wait3A_271 : memref<1x80xi32, #tpu.memory_space<vmem>> -> memref<80xi32, #tpu.memory_space<vmem>>
    %dma_wait3A_273 = arith.constant 0 : i32
    %dma_wait3A_274 = arith.constant 0 : i32
    %dma_wait3A_275 = tpu.memref_slice %arg10[%dma_wait3A_273, %dma_wait3A_274] : memref<10000x64xf32, #tpu.memory_space<vmem_shared>> -> memref<10000x64xf32, #tpu.memory_space<vmem_shared>>
    tpu.wait_indirect_dma semaphore(%arg25 : memref<!tpu.dma_semaphore, #tpu.memory_space<semaphore_mem>>) src(%dma_wait3A_269 : memref<80x64xf32, #tpu.memory_space<vmem>>) dst(%dma_wait3A_275 : memref<10000x64xf32, #tpu.memory_space<vmem_shared>>)
    %dma_wait3A_276 = arith.constant 3 : i32
    %dma_wait3A_277 = arith.constant 123 : i32
    %dma_wait3A_278 = arith.constant 0 : i32
    %dma_wait3A_279 = arith.constant 0 : i32
    %dma_wait3A_280 = tpu.memref_slice %arg8[%dma_wait3A_276, %dma_wait3A_278, %dma_wait3A_279] : memref<12x80x64xf32, #tpu.memory_space<vmem>> -> memref<1x80x64xf32, #tpu.memory_space<vmem>>
    %dma_wait3A_281 = tpu.memref_squeeze %dma_wait3A_280 : memref<1x80x64xf32, #tpu.memory_space<vmem>> -> memref<80x64xf32, #tpu.memory_space<vmem>>
    %dma_wait3A_282 = arith.constant 0 : i32
    %dma_wait3A_283 = tpu.memref_slice %arg7[%dma_wait3A_277, %dma_wait3A_282] : memref<125x80xi32, #tpu.memory_space<vmem>> -> memref<1x80xi32, #tpu.memory_space<vmem>>
    %dma_wait3A_284 = tpu.memref_squeeze %dma_wait3A_283 : memref<1x80xi32, #tpu.memory_space<vmem>> -> memref<80xi32, #tpu.memory_space<vmem>>
    %dma_wait3A_285 = arith.constant 0 : i32
    %dma_wait3A_286 = arith.constant 0 : i32
    %dma_wait3A_287 = tpu.memref_slice %arg10[%dma_wait3A_285, %dma_wait3A_286] : memref<10000x64xf32, #tpu.memory_space<vmem_shared>> -> memref<10000x64xf32, #tpu.memory_space<vmem_shared>>
    tpu.wait_indirect_dma semaphore(%arg26 : memref<!tpu.dma_semaphore, #tpu.memory_space<semaphore_mem>>) src(%dma_wait3A_281 : memref<80x64xf32, #tpu.memory_space<vmem>>) dst(%dma_wait3A_287 : memref<10000x64xf32, #tpu.memory_space<vmem_shared>>)
    %dma_wait3A_288 = arith.constant 4 : i32
    %dma_wait3A_289 = arith.constant 124 : i32
    %dma_wait3A_290 = arith.constant 0 : i32
    %dma_wait3A_291 = arith.constant 0 : i32
    %dma_wait3A_292 = tpu.memref_slice %arg8[%dma_wait3A_288, %dma_wait3A_290, %dma_wait3A_291] : memref<12x80x64xf32, #tpu.memory_space<vmem>> -> memref<1x80x64xf32, #tpu.memory_space<vmem>>
    %dma_wait3A_293 = tpu.memref_squeeze %dma_wait3A_292 : memref<1x80x64xf32, #tpu.memory_space<vmem>> -> memref<80x64xf32, #tpu.memory_space<vmem>>
    %dma_wait3A_294 = arith.constant 0 : i32
    %dma_wait3A_295 = tpu.memref_slice %arg7[%dma_wait3A_289, %dma_wait3A_294] : memref<125x80xi32, #tpu.memory_space<vmem>> -> memref<1x80xi32, #tpu.memory_space<vmem>>
    %dma_wait3A_296 = tpu.memref_squeeze %dma_wait3A_295 : memref<1x80xi32, #tpu.memory_space<vmem>> -> memref<80xi32, #tpu.memory_space<vmem>>
    %dma_wait3A_297 = arith.constant 0 : i32
    %dma_wait3A_298 = arith.constant 0 : i32
    %dma_wait3A_299 = tpu.memref_slice %arg10[%dma_wait3A_297, %dma_wait3A_298] : memref<10000x64xf32, #tpu.memory_space<vmem_shared>> -> memref<10000x64xf32, #tpu.memory_space<vmem_shared>>
    tpu.wait_indirect_dma semaphore(%arg27 : memref<!tpu.dma_semaphore, #tpu.memory_space<semaphore_mem>>) src(%dma_wait3A_293 : memref<80x64xf32, #tpu.memory_space<vmem>>) dst(%dma_wait3A_299 : memref<10000x64xf32, #tpu.memory_space<vmem_shared>>)
    %barrier3A_300 = arith.constant 0 : index
    tpu.barrier barrier_id(%barrier3A_300)
    %mul3A_301 = arith.constant 625 : i32
    %mul3A_302 = arith.muli %arg1, %mul3A_301 : i32
    %mul3A_303 = arith.constant 625 : i32
    %mul3A_304 = arith.muli %arg1, %mul3A_303 : i32
    %mul3A_305 = arith.constant 64 : i32
    %mul3A_306 = arith.muli %arg0, %mul3A_305 : i32
    "tpu.region"() ({
      %run_scoped3A = tpu.sem_alloc : memref<!tpu.dma_semaphore, #tpu.memory_space<semaphore_mem>>
      %dma_start3A_307 = tpu.memref_slice %arg5[%mul3A_304, %mul3A_306] : memref<10000x128xf32, #tpu.memory_space<hbm>> -> memref<625x64xf32, #tpu.memory_space<hbm>>
      %dma_start3A_308 = arith.constant 0 : i32
      %dma_start3A_309 = tpu.memref_slice %arg10[%mul3A_302, %dma_start3A_308] : memref<10000x64xf32, #tpu.memory_space<vmem_shared>> -> memref<625x64xf32, #tpu.memory_space<vmem_shared>>
      tpu.enqueue_dma source(%dma_start3A_309 : memref<625x64xf32, #tpu.memory_space<vmem_shared>>) target(%dma_start3A_307 : memref<625x64xf32, #tpu.memory_space<hbm>>) target_semaphore(%run_scoped3A : memref<!tpu.dma_semaphore, #tpu.memory_space<semaphore_mem>>)
      %dma_wait3A_310 = tpu.memref_slice %arg5[%mul3A_304, %mul3A_306] : memref<10000x128xf32, #tpu.memory_space<hbm>> -> memref<625x64xf32, #tpu.memory_space<hbm>>
      %dma_wait3A_311 = arith.constant 0 : i32
      %dma_wait3A_312 = tpu.memref_slice %arg10[%mul3A_302, %dma_wait3A_311] : memref<10000x64xf32, #tpu.memory_space<vmem_shared>> -> memref<625x64xf32, #tpu.memory_space<vmem_shared>>
      tpu.wait_dma2 semaphore(%run_scoped3A : memref<!tpu.dma_semaphore, #tpu.memory_space<semaphore_mem>>) src(%dma_wait3A_312 : memref<625x64xf32, #tpu.memory_space<vmem_shared>>) dst(%dma_wait3A_310 : memref<625x64xf32, #tpu.memory_space<hbm>>)
      tpu.yield
    }) : () -> ()
    return
  }
}

#map = affine_map<(d0, d1) -> (0, 0, 0, 0)>
#map1 = affine_map<(d0, d1) -> (0, 0)>
module attributes {stable_mosaic.version = 14 : i64} {
  func.func @_deg_call(%arg0: i32, %arg1: i32, %arg2: memref<2x16x125x40xi32, #tpu.memory_space<hbm>>, %arg3: memref<2x10000xf32, #tpu.memory_space<hbm>>, %arg4: memref<125x40xi32, #tpu.memory_space<vmem>>, %arg5: memref<40xf32, #tpu.memory_space<vmem>>, %arg6: memref<624xf32, #tpu.memory_space<vmem>>, %arg7: memref<10000xf32, #tpu.memory_space<vmem_shared>>) attributes {dimension_semantics = [#tpu.dimension_semantics<core_parallel>, #tpu.dimension_semantics<subcore_parallel>], iteration_bounds = array<i64: 2, 16>, scalar_prefetch = 0 : i64, scratch_operands = 4 : i64, tpu.core_type = #tpu.core_type<sc_vector_subcore>, window_params = [{transform_indices = #map}, {transform_indices = #map1}]} {
    %broadcast_in_dim3A = arith.constant 0.000000e+00 : f32
    %broadcast_in_dim3A_0 = vector.broadcast %broadcast_in_dim3A : f32 to vector<16xf32>
    %swap3A = arith.constant 0 : index
    %swap3A_1 = tpu.vector_load %arg6[%swap3A] {strides = array<i32>} : memref<624xf32, #tpu.memory_space<vmem>>, vector<16xf32>,
    %swap3A_2 = vector.shape_cast %swap3A_1 : vector<16xf32> to vector<16xf32>
    %swap3A_3 = vector.shape_cast %broadcast_in_dim3A_0 : vector<16xf32> to vector<16xf32>
    tpu.vector_store %arg6[%swap3A], %swap3A_3 {strides = array<i32>} : memref<624xf32, #tpu.memory_space<vmem>>, vector<16xf32>,
    %swap3A_4 = arith.constant 16 : index
    %swap3A_5 = tpu.vector_load %arg6[%swap3A_4] {strides = array<i32>} : memref<624xf32, #tpu.memory_space<vmem>>, vector<16xf32>,
    %swap3A_6 = vector.shape_cast %swap3A_5 : vector<16xf32> to vector<16xf32>
    %swap3A_7 = vector.shape_cast %broadcast_in_dim3A_0 : vector<16xf32> to vector<16xf32>
    tpu.vector_store %arg6[%swap3A_4], %swap3A_7 {strides = array<i32>} : memref<624xf32, #tpu.memory_space<vmem>>, vector<16xf32>,
    %swap3A_8 = arith.constant 32 : index
    %swap3A_9 = tpu.vector_load %arg6[%swap3A_8] {strides = array<i32>} : memref<624xf32, #tpu.memory_space<vmem>>, vector<16xf32>,
    %swap3A_10 = vector.shape_cast %swap3A_9 : vector<16xf32> to vector<16xf32>
    %swap3A_11 = vector.shape_cast %broadcast_in_dim3A_0 : vector<16xf32> to vector<16xf32>
    tpu.vector_store %arg6[%swap3A_8], %swap3A_11 {strides = array<i32>} : memref<624xf32, #tpu.memory_space<vmem>>, vector<16xf32>,
    %swap3A_12 = arith.constant 48 : index
    %swap3A_13 = tpu.vector_load %arg6[%swap3A_12] {strides = array<i32>} : memref<624xf32, #tpu.memory_space<vmem>>, vector<16xf32>,
    %swap3A_14 = vector.shape_cast %swap3A_13 : vector<16xf32> to vector<16xf32>
    %swap3A_15 = vector.shape_cast %broadcast_in_dim3A_0 : vector<16xf32> to vector<16xf32>
    tpu.vector_store %arg6[%swap3A_12], %swap3A_15 {strides = array<i32>} : memref<624xf32, #tpu.memory_space<vmem>>, vector<16xf32>,
    %swap3A_16 = arith.constant 64 : index
    %swap3A_17 = tpu.vector_load %arg6[%swap3A_16] {strides = array<i32>} : memref<624xf32, #tpu.memory_space<vmem>>, vector<16xf32>,
    %swap3A_18 = vector.shape_cast %swap3A_17 : vector<16xf32> to vector<16xf32>
    %swap3A_19 = vector.shape_cast %broadcast_in_dim3A_0 : vector<16xf32> to vector<16xf32>
    tpu.vector_store %arg6[%swap3A_16], %swap3A_19 {strides = array<i32>} : memref<624xf32, #tpu.memory_space<vmem>>, vector<16xf32>,
    %swap3A_20 = arith.constant 80 : index
    %swap3A_21 = tpu.vector_load %arg6[%swap3A_20] {strides = array<i32>} : memref<624xf32, #tpu.memory_space<vmem>>, vector<16xf32>,
    %swap3A_22 = vector.shape_cast %swap3A_21 : vector<16xf32> to vector<16xf32>
    %swap3A_23 = vector.shape_cast %broadcast_in_dim3A_0 : vector<16xf32> to vector<16xf32>
    tpu.vector_store %arg6[%swap3A_20], %swap3A_23 {strides = array<i32>} : memref<624xf32, #tpu.memory_space<vmem>>, vector<16xf32>,
    %swap3A_24 = arith.constant 96 : index
    %swap3A_25 = tpu.vector_load %arg6[%swap3A_24] {strides = array<i32>} : memref<624xf32, #tpu.memory_space<vmem>>, vector<16xf32>,
    %swap3A_26 = vector.shape_cast %swap3A_25 : vector<16xf32> to vector<16xf32>
    %swap3A_27 = vector.shape_cast %broadcast_in_dim3A_0 : vector<16xf32> to vector<16xf32>
    tpu.vector_store %arg6[%swap3A_24], %swap3A_27 {strides = array<i32>} : memref<624xf32, #tpu.memory_space<vmem>>, vector<16xf32>,
    %swap3A_28 = arith.constant 112 : index
    %swap3A_29 = tpu.vector_load %arg6[%swap3A_28] {strides = array<i32>} : memref<624xf32, #tpu.memory_space<vmem>>, vector<16xf32>,
    %swap3A_30 = vector.shape_cast %swap3A_29 : vector<16xf32> to vector<16xf32>
    %swap3A_31 = vector.shape_cast %broadcast_in_dim3A_0 : vector<16xf32> to vector<16xf32>
    tpu.vector_store %arg6[%swap3A_28], %swap3A_31 {strides = array<i32>} : memref<624xf32, #tpu.memory_space<vmem>>, vector<16xf32>,
    %swap3A_32 = arith.constant 128 : index
    %swap3A_33 = tpu.vector_load %arg6[%swap3A_32] {strides = array<i32>} : memref<624xf32, #tpu.memory_space<vmem>>, vector<16xf32>,
    %swap3A_34 = vector.shape_cast %swap3A_33 : vector<16xf32> to vector<16xf32>
    %swap3A_35 = vector.shape_cast %broadcast_in_dim3A_0 : vector<16xf32> to vector<16xf32>
    tpu.vector_store %arg6[%swap3A_32], %swap3A_35 {strides = array<i32>} : memref<624xf32, #tpu.memory_space<vmem>>, vector<16xf32>,
    %swap3A_36 = arith.constant 144 : index
    %swap3A_37 = tpu.vector_load %arg6[%swap3A_36] {strides = array<i32>} : memref<624xf32, #tpu.memory_space<vmem>>, vector<16xf32>,
    %swap3A_38 = vector.shape_cast %swap3A_37 : vector<16xf32> to vector<16xf32>
    %swap3A_39 = vector.shape_cast %broadcast_in_dim3A_0 : vector<16xf32> to vector<16xf32>
    tpu.vector_store %arg6[%swap3A_36], %swap3A_39 {strides = array<i32>} : memref<624xf32, #tpu.memory_space<vmem>>, vector<16xf32>,
    %swap3A_40 = arith.constant 160 : index
    %swap3A_41 = tpu.vector_load %arg6[%swap3A_40] {strides = array<i32>} : memref<624xf32, #tpu.memory_space<vmem>>, vector<16xf32>,
    %swap3A_42 = vector.shape_cast %swap3A_41 : vector<16xf32> to vector<16xf32>
    %swap3A_43 = vector.shape_cast %broadcast_in_dim3A_0 : vector<16xf32> to vector<16xf32>
    tpu.vector_store %arg6[%swap3A_40], %swap3A_43 {strides = array<i32>} : memref<624xf32, #tpu.memory_space<vmem>>, vector<16xf32>,
    %swap3A_44 = arith.constant 176 : index
    %swap3A_45 = tpu.vector_load %arg6[%swap3A_44] {strides = array<i32>} : memref<624xf32, #tpu.memory_space<vmem>>, vector<16xf32>,
    %swap3A_46 = vector.shape_cast %swap3A_45 : vector<16xf32> to vector<16xf32>
    %swap3A_47 = vector.shape_cast %broadcast_in_dim3A_0 : vector<16xf32> to vector<16xf32>
    tpu.vector_store %arg6[%swap3A_44], %swap3A_47 {strides = array<i32>} : memref<624xf32, #tpu.memory_space<vmem>>, vector<16xf32>,
    %swap3A_48 = arith.constant 192 : index
    %swap3A_49 = tpu.vector_load %arg6[%swap3A_48] {strides = array<i32>} : memref<624xf32, #tpu.memory_space<vmem>>, vector<16xf32>,
    %swap3A_50 = vector.shape_cast %swap3A_49 : vector<16xf32> to vector<16xf32>
    %swap3A_51 = vector.shape_cast %broadcast_in_dim3A_0 : vector<16xf32> to vector<16xf32>
    tpu.vector_store %arg6[%swap3A_48], %swap3A_51 {strides = array<i32>} : memref<624xf32, #tpu.memory_space<vmem>>, vector<16xf32>,
    %swap3A_52 = arith.constant 208 : index
    %swap3A_53 = tpu.vector_load %arg6[%swap3A_52] {strides = array<i32>} : memref<624xf32, #tpu.memory_space<vmem>>, vector<16xf32>,
    %swap3A_54 = vector.shape_cast %swap3A_53 : vector<16xf32> to vector<16xf32>
    %swap3A_55 = vector.shape_cast %broadcast_in_dim3A_0 : vector<16xf32> to vector<16xf32>
    tpu.vector_store %arg6[%swap3A_52], %swap3A_55 {strides = array<i32>} : memref<624xf32, #tpu.memory_space<vmem>>, vector<16xf32>,
    %swap3A_56 = arith.constant 224 : index
    %swap3A_57 = tpu.vector_load %arg6[%swap3A_56] {strides = array<i32>} : memref<624xf32, #tpu.memory_space<vmem>>, vector<16xf32>,
    %swap3A_58 = vector.shape_cast %swap3A_57 : vector<16xf32> to vector<16xf32>
    %swap3A_59 = vector.shape_cast %broadcast_in_dim3A_0 : vector<16xf32> to vector<16xf32>
    tpu.vector_store %arg6[%swap3A_56], %swap3A_59 {strides = array<i32>} : memref<624xf32, #tpu.memory_space<vmem>>, vector<16xf32>,
    %swap3A_60 = arith.constant 240 : index
    %swap3A_61 = tpu.vector_load %arg6[%swap3A_60] {strides = array<i32>} : memref<624xf32, #tpu.memory_space<vmem>>, vector<16xf32>,
    %swap3A_62 = vector.shape_cast %swap3A_61 : vector<16xf32> to vector<16xf32>
    %swap3A_63 = vector.shape_cast %broadcast_in_dim3A_0 : vector<16xf32> to vector<16xf32>
    tpu.vector_store %arg6[%swap3A_60], %swap3A_63 {strides = array<i32>} : memref<624xf32, #tpu.memory_space<vmem>>, vector<16xf32>,
    %swap3A_64 = arith.constant 256 : index
    %swap3A_65 = tpu.vector_load %arg6[%swap3A_64] {strides = array<i32>} : memref<624xf32, #tpu.memory_space<vmem>>, vector<16xf32>,
    %swap3A_66 = vector.shape_cast %swap3A_65 : vector<16xf32> to vector<16xf32>
    %swap3A_67 = vector.shape_cast %broadcast_in_dim3A_0 : vector<16xf32> to vector<16xf32>
    tpu.vector_store %arg6[%swap3A_64], %swap3A_67 {strides = array<i32>} : memref<624xf32, #tpu.memory_space<vmem>>, vector<16xf32>,
    %swap3A_68 = arith.constant 272 : index
    %swap3A_69 = tpu.vector_load %arg6[%swap3A_68] {strides = array<i32>} : memref<624xf32, #tpu.memory_space<vmem>>, vector<16xf32>,
    %swap3A_70 = vector.shape_cast %swap3A_69 : vector<16xf32> to vector<16xf32>
    %swap3A_71 = vector.shape_cast %broadcast_in_dim3A_0 : vector<16xf32> to vector<16xf32>
    tpu.vector_store %arg6[%swap3A_68], %swap3A_71 {strides = array<i32>} : memref<624xf32, #tpu.memory_space<vmem>>, vector<16xf32>,
    %swap3A_72 = arith.constant 288 : index
    %swap3A_73 = tpu.vector_load %arg6[%swap3A_72] {strides = array<i32>} : memref<624xf32, #tpu.memory_space<vmem>>, vector<16xf32>,
    %swap3A_74 = vector.shape_cast %swap3A_73 : vector<16xf32> to vector<16xf32>
    %swap3A_75 = vector.shape_cast %broadcast_in_dim3A_0 : vector<16xf32> to vector<16xf32>
    tpu.vector_store %arg6[%swap3A_72], %swap3A_75 {strides = array<i32>} : memref<624xf32, #tpu.memory_space<vmem>>, vector<16xf32>,
    %swap3A_76 = arith.constant 304 : index
    %swap3A_77 = tpu.vector_load %arg6[%swap3A_76] {strides = array<i32>} : memref<624xf32, #tpu.memory_space<vmem>>, vector<16xf32>,
    %swap3A_78 = vector.shape_cast %swap3A_77 : vector<16xf32> to vector<16xf32>
    %swap3A_79 = vector.shape_cast %broadcast_in_dim3A_0 : vector<16xf32> to vector<16xf32>
    tpu.vector_store %arg6[%swap3A_76], %swap3A_79 {strides = array<i32>} : memref<624xf32, #tpu.memory_space<vmem>>, vector<16xf32>,
    %swap3A_80 = arith.constant 320 : index
    %swap3A_81 = tpu.vector_load %arg6[%swap3A_80] {strides = array<i32>} : memref<624xf32, #tpu.memory_space<vmem>>, vector<16xf32>,
    %swap3A_82 = vector.shape_cast %swap3A_81 : vector<16xf32> to vector<16xf32>
    %swap3A_83 = vector.shape_cast %broadcast_in_dim3A_0 : vector<16xf32> to vector<16xf32>
    tpu.vector_store %arg6[%swap3A_80], %swap3A_83 {strides = array<i32>} : memref<624xf32, #tpu.memory_space<vmem>>, vector<16xf32>,
    %swap3A_84 = arith.constant 336 : index
    %swap3A_85 = tpu.vector_load %arg6[%swap3A_84] {strides = array<i32>} : memref<624xf32, #tpu.memory_space<vmem>>, vector<16xf32>,
    %swap3A_86 = vector.shape_cast %swap3A_85 : vector<16xf32> to vector<16xf32>
    %swap3A_87 = vector.shape_cast %broadcast_in_dim3A_0 : vector<16xf32> to vector<16xf32>
    tpu.vector_store %arg6[%swap3A_84], %swap3A_87 {strides = array<i32>} : memref<624xf32, #tpu.memory_space<vmem>>, vector<16xf32>,
    %swap3A_88 = arith.constant 352 : index
    %swap3A_89 = tpu.vector_load %arg6[%swap3A_88] {strides = array<i32>} : memref<624xf32, #tpu.memory_space<vmem>>, vector<16xf32>,
    %swap3A_90 = vector.shape_cast %swap3A_89 : vector<16xf32> to vector<16xf32>
    %swap3A_91 = vector.shape_cast %broadcast_in_dim3A_0 : vector<16xf32> to vector<16xf32>
    tpu.vector_store %arg6[%swap3A_88], %swap3A_91 {strides = array<i32>} : memref<624xf32, #tpu.memory_space<vmem>>, vector<16xf32>,
    %swap3A_92 = arith.constant 368 : index
    %swap3A_93 = tpu.vector_load %arg6[%swap3A_92] {strides = array<i32>} : memref<624xf32, #tpu.memory_space<vmem>>, vector<16xf32>,
    %swap3A_94 = vector.shape_cast %swap3A_93 : vector<16xf32> to vector<16xf32>
    %swap3A_95 = vector.shape_cast %broadcast_in_dim3A_0 : vector<16xf32> to vector<16xf32>
    tpu.vector_store %arg6[%swap3A_92], %swap3A_95 {strides = array<i32>} : memref<624xf32, #tpu.memory_space<vmem>>, vector<16xf32>,
    %swap3A_96 = arith.constant 384 : index
    %swap3A_97 = tpu.vector_load %arg6[%swap3A_96] {strides = array<i32>} : memref<624xf32, #tpu.memory_space<vmem>>, vector<16xf32>,
    %swap3A_98 = vector.shape_cast %swap3A_97 : vector<16xf32> to vector<16xf32>
    %swap3A_99 = vector.shape_cast %broadcast_in_dim3A_0 : vector<16xf32> to vector<16xf32>
    tpu.vector_store %arg6[%swap3A_96], %swap3A_99 {strides = array<i32>} : memref<624xf32, #tpu.memory_space<vmem>>, vector<16xf32>,
    %swap3A_100 = arith.constant 400 : index
    %swap3A_101 = tpu.vector_load %arg6[%swap3A_100] {strides = array<i32>} : memref<624xf32, #tpu.memory_space<vmem>>, vector<16xf32>,
    %swap3A_102 = vector.shape_cast %swap3A_101 : vector<16xf32> to vector<16xf32>
    %swap3A_103 = vector.shape_cast %broadcast_in_dim3A_0 : vector<16xf32> to vector<16xf32>
    tpu.vector_store %arg6[%swap3A_100], %swap3A_103 {strides = array<i32>} : memref<624xf32, #tpu.memory_space<vmem>>, vector<16xf32>,
    %swap3A_104 = arith.constant 416 : index
    %swap3A_105 = tpu.vector_load %arg6[%swap3A_104] {strides = array<i32>} : memref<624xf32, #tpu.memory_space<vmem>>, vector<16xf32>,
    %swap3A_106 = vector.shape_cast %swap3A_105 : vector<16xf32> to vector<16xf32>
    %swap3A_107 = vector.shape_cast %broadcast_in_dim3A_0 : vector<16xf32> to vector<16xf32>
    tpu.vector_store %arg6[%swap3A_104], %swap3A_107 {strides = array<i32>} : memref<624xf32, #tpu.memory_space<vmem>>, vector<16xf32>,
    %swap3A_108 = arith.constant 432 : index
    %swap3A_109 = tpu.vector_load %arg6[%swap3A_108] {strides = array<i32>} : memref<624xf32, #tpu.memory_space<vmem>>, vector<16xf32>,
    %swap3A_110 = vector.shape_cast %swap3A_109 : vector<16xf32> to vector<16xf32>
    %swap3A_111 = vector.shape_cast %broadcast_in_dim3A_0 : vector<16xf32> to vector<16xf32>
    tpu.vector_store %arg6[%swap3A_108], %swap3A_111 {strides = array<i32>} : memref<624xf32, #tpu.memory_space<vmem>>, vector<16xf32>,
    %swap3A_112 = arith.constant 448 : index
    %swap3A_113 = tpu.vector_load %arg6[%swap3A_112] {strides = array<i32>} : memref<624xf32, #tpu.memory_space<vmem>>, vector<16xf32>,
    %swap3A_114 = vector.shape_cast %swap3A_113 : vector<16xf32> to vector<16xf32>
    %swap3A_115 = vector.shape_cast %broadcast_in_dim3A_0 : vector<16xf32> to vector<16xf32>
    tpu.vector_store %arg6[%swap3A_112], %swap3A_115 {strides = array<i32>} : memref<624xf32, #tpu.memory_space<vmem>>, vector<16xf32>,
    %swap3A_116 = arith.constant 464 : index
    %swap3A_117 = tpu.vector_load %arg6[%swap3A_116] {strides = array<i32>} : memref<624xf32, #tpu.memory_space<vmem>>, vector<16xf32>,
    %swap3A_118 = vector.shape_cast %swap3A_117 : vector<16xf32> to vector<16xf32>
    %swap3A_119 = vector.shape_cast %broadcast_in_dim3A_0 : vector<16xf32> to vector<16xf32>
    tpu.vector_store %arg6[%swap3A_116], %swap3A_119 {strides = array<i32>} : memref<624xf32, #tpu.memory_space<vmem>>, vector<16xf32>,
    %swap3A_120 = arith.constant 480 : index
    %swap3A_121 = tpu.vector_load %arg6[%swap3A_120] {strides = array<i32>} : memref<624xf32, #tpu.memory_space<vmem>>, vector<16xf32>,
    %swap3A_122 = vector.shape_cast %swap3A_121 : vector<16xf32> to vector<16xf32>
    %swap3A_123 = vector.shape_cast %broadcast_in_dim3A_0 : vector<16xf32> to vector<16xf32>
    tpu.vector_store %arg6[%swap3A_120], %swap3A_123 {strides = array<i32>} : memref<624xf32, #tpu.memory_space<vmem>>, vector<16xf32>,
    %swap3A_124 = arith.constant 496 : index
    %swap3A_125 = tpu.vector_load %arg6[%swap3A_124] {strides = array<i32>} : memref<624xf32, #tpu.memory_space<vmem>>, vector<16xf32>,
    %swap3A_126 = vector.shape_cast %swap3A_125 : vector<16xf32> to vector<16xf32>
    %swap3A_127 = vector.shape_cast %broadcast_in_dim3A_0 : vector<16xf32> to vector<16xf32>
    tpu.vector_store %arg6[%swap3A_124], %swap3A_127 {strides = array<i32>} : memref<624xf32, #tpu.memory_space<vmem>>, vector<16xf32>,
    %swap3A_128 = arith.constant 512 : index
    %swap3A_129 = tpu.vector_load %arg6[%swap3A_128] {strides = array<i32>} : memref<624xf32, #tpu.memory_space<vmem>>, vector<16xf32>,
    %swap3A_130 = vector.shape_cast %swap3A_129 : vector<16xf32> to vector<16xf32>
    %swap3A_131 = vector.shape_cast %broadcast_in_dim3A_0 : vector<16xf32> to vector<16xf32>
    tpu.vector_store %arg6[%swap3A_128], %swap3A_131 {strides = array<i32>} : memref<624xf32, #tpu.memory_space<vmem>>, vector<16xf32>,
    %swap3A_132 = arith.constant 528 : index
    %swap3A_133 = tpu.vector_load %arg6[%swap3A_132] {strides = array<i32>} : memref<624xf32, #tpu.memory_space<vmem>>, vector<16xf32>,
    %swap3A_134 = vector.shape_cast %swap3A_133 : vector<16xf32> to vector<16xf32>
    %swap3A_135 = vector.shape_cast %broadcast_in_dim3A_0 : vector<16xf32> to vector<16xf32>
    tpu.vector_store %arg6[%swap3A_132], %swap3A_135 {strides = array<i32>} : memref<624xf32, #tpu.memory_space<vmem>>, vector<16xf32>,
    %swap3A_136 = arith.constant 544 : index
    %swap3A_137 = tpu.vector_load %arg6[%swap3A_136] {strides = array<i32>} : memref<624xf32, #tpu.memory_space<vmem>>, vector<16xf32>,
    %swap3A_138 = vector.shape_cast %swap3A_137 : vector<16xf32> to vector<16xf32>
    %swap3A_139 = vector.shape_cast %broadcast_in_dim3A_0 : vector<16xf32> to vector<16xf32>
    tpu.vector_store %arg6[%swap3A_136], %swap3A_139 {strides = array<i32>} : memref<624xf32, #tpu.memory_space<vmem>>, vector<16xf32>,
    %swap3A_140 = arith.constant 560 : index
    %swap3A_141 = tpu.vector_load %arg6[%swap3A_140] {strides = array<i32>} : memref<624xf32, #tpu.memory_space<vmem>>, vector<16xf32>,
    %swap3A_142 = vector.shape_cast %swap3A_141 : vector<16xf32> to vector<16xf32>
    %swap3A_143 = vector.shape_cast %broadcast_in_dim3A_0 : vector<16xf32> to vector<16xf32>
    tpu.vector_store %arg6[%swap3A_140], %swap3A_143 {strides = array<i32>} : memref<624xf32, #tpu.memory_space<vmem>>, vector<16xf32>,
    %swap3A_144 = arith.constant 576 : index
    %swap3A_145 = tpu.vector_load %arg6[%swap3A_144] {strides = array<i32>} : memref<624xf32, #tpu.memory_space<vmem>>, vector<16xf32>,
    %swap3A_146 = vector.shape_cast %swap3A_145 : vector<16xf32> to vector<16xf32>
    %swap3A_147 = vector.shape_cast %broadcast_in_dim3A_0 : vector<16xf32> to vector<16xf32>
    tpu.vector_store %arg6[%swap3A_144], %swap3A_147 {strides = array<i32>} : memref<624xf32, #tpu.memory_space<vmem>>, vector<16xf32>,
    %swap3A_148 = arith.constant 592 : index
    %swap3A_149 = tpu.vector_load %arg6[%swap3A_148] {strides = array<i32>} : memref<624xf32, #tpu.memory_space<vmem>>, vector<16xf32>,
    %swap3A_150 = vector.shape_cast %swap3A_149 : vector<16xf32> to vector<16xf32>
    %swap3A_151 = vector.shape_cast %broadcast_in_dim3A_0 : vector<16xf32> to vector<16xf32>
    tpu.vector_store %arg6[%swap3A_148], %swap3A_151 {strides = array<i32>} : memref<624xf32, #tpu.memory_space<vmem>>, vector<16xf32>,
    %swap3A_152 = arith.constant 608 : index
    %swap3A_153 = tpu.vector_load %arg6[%swap3A_152] {strides = array<i32>} : memref<624xf32, #tpu.memory_space<vmem>>, vector<16xf32>,
    %swap3A_154 = vector.shape_cast %swap3A_153 : vector<16xf32> to vector<16xf32>
    %swap3A_155 = vector.shape_cast %broadcast_in_dim3A_0 : vector<16xf32> to vector<16xf32>
    tpu.vector_store %arg6[%swap3A_152], %swap3A_155 {strides = array<i32>} : memref<624xf32, #tpu.memory_space<vmem>>, vector<16xf32>,
    %mul3A = arith.constant 624 : i32
    %mul3A_156 = arith.muli %arg1, %mul3A : i32
    "tpu.region"() ({
      %run_scoped3A = tpu.sem_alloc : memref<!tpu.dma_semaphore, #tpu.memory_space<semaphore_mem>>
      %dma_start3A = tpu.memref_slice %arg7[%mul3A_156] : memref<10000xf32, #tpu.memory_space<vmem_shared>> -> memref<624xf32, #tpu.memory_space<vmem_shared>>
      %dma_start3A_188 = tpu.memref_slice %arg7[%mul3A_156] : memref<10000xf32, #tpu.memory_space<vmem_shared>> -> memref<624xf32, #tpu.memory_space<vmem_shared>>
      tpu.enqueue_dma source(%arg6 : memref<624xf32, #tpu.memory_space<vmem>>) target(%dma_start3A_188 : memref<624xf32, #tpu.memory_space<vmem_shared>>) target_semaphore(%run_scoped3A : memref<!tpu.dma_semaphore, #tpu.memory_space<semaphore_mem>>)
      %dma_wait3A = tpu.memref_slice %arg7[%mul3A_156] : memref<10000xf32, #tpu.memory_space<vmem_shared>> -> memref<624xf32, #tpu.memory_space<vmem_shared>>
      %dma_wait3A_189 = tpu.memref_slice %arg7[%mul3A_156] : memref<10000xf32, #tpu.memory_space<vmem_shared>> -> memref<624xf32, #tpu.memory_space<vmem_shared>>
      tpu.wait_dma2 semaphore(%run_scoped3A : memref<!tpu.dma_semaphore, #tpu.memory_space<semaphore_mem>>) src(%arg6 : memref<624xf32, #tpu.memory_space<vmem>>) dst(%dma_wait3A_189 : memref<624xf32, #tpu.memory_space<vmem_shared>>)
      tpu.yield
    }) : () -> ()
    %eq3A = arith.constant 0 : i32
    %eq3A_157 = arith.cmpi eq, %arg1, %eq3A : i32
    %convert_element_type3A = arith.extui %eq3A_157 : i1 to i32
    %cond3A = arith.constant 0 : i32
    %cond3A_158 = arith.cmpi ne, %convert_element_type3A, %cond3A : i32
    scf.if %cond3A_158 {
      "tpu.region"() ({
        %run_scoped3A = tpu.sem_alloc : memref<!tpu.dma_semaphore, #tpu.memory_space<semaphore_mem>>
        %dma_start3A = arith.constant 0 : i32
        %dma_start3A_188 = tpu.memref_slice %arg6[%dma_start3A] : memref<624xf32, #tpu.memory_space<vmem>> -> memref<16xf32, #tpu.memory_space<vmem>>
        %dma_start3A_189 = arith.constant 9984 : i32
        %dma_start3A_190 = tpu.memref_slice %arg7[%dma_start3A_189] : memref<10000xf32, #tpu.memory_space<vmem_shared>> -> memref<16xf32, #tpu.memory_space<vmem_shared>>
        %dma_start3A_191 = arith.constant 9984 : i32
        %dma_start3A_192 = tpu.memref_slice %arg7[%dma_start3A_191] : memref<10000xf32, #tpu.memory_space<vmem_shared>> -> memref<16xf32, #tpu.memory_space<vmem_shared>>
        %dma_start3A_193 = arith.constant 0 : i32
        %dma_start3A_194 = tpu.memref_slice %arg6[%dma_start3A_193] : memref<624xf32, #tpu.memory_space<vmem>> -> memref<16xf32, #tpu.memory_space<vmem>>
        tpu.enqueue_dma source(%dma_start3A_194 : memref<16xf32, #tpu.memory_space<vmem>>) target(%dma_start3A_192 : memref<16xf32, #tpu.memory_space<vmem_shared>>) target_semaphore(%run_scoped3A : memref<!tpu.dma_semaphore, #tpu.memory_space<semaphore_mem>>)
        %dma_wait3A = arith.constant 0 : i32
        %dma_wait3A_195 = tpu.memref_slice %arg6[%dma_wait3A] : memref<624xf32, #tpu.memory_space<vmem>> -> memref<16xf32, #tpu.memory_space<vmem>>
        %dma_wait3A_196 = arith.constant 9984 : i32
        %dma_wait3A_197 = tpu.memref_slice %arg7[%dma_wait3A_196] : memref<10000xf32, #tpu.memory_space<vmem_shared>> -> memref<16xf32, #tpu.memory_space<vmem_shared>>
        %dma_wait3A_198 = arith.constant 9984 : i32
        %dma_wait3A_199 = tpu.memref_slice %arg7[%dma_wait3A_198] : memref<10000xf32, #tpu.memory_space<vmem_shared>> -> memref<16xf32, #tpu.memory_space<vmem_shared>>
        %dma_wait3A_200 = arith.constant 0 : i32
        %dma_wait3A_201 = tpu.memref_slice %arg6[%dma_wait3A_200] : memref<624xf32, #tpu.memory_space<vmem>> -> memref<16xf32, #tpu.memory_space<vmem>>
        tpu.wait_dma2 semaphore(%run_scoped3A : memref<!tpu.dma_semaphore, #tpu.memory_space<semaphore_mem>>) src(%dma_wait3A_201 : memref<16xf32, #tpu.memory_space<vmem>>) dst(%dma_wait3A_199 : memref<16xf32, #tpu.memory_space<vmem_shared>>)
        tpu.yield
      }) : () -> ()
    } else {
    }
    %broadcast_in_dim3A_159 = arith.constant 1.000000e+00 : f32
    %broadcast_in_dim3A_160 = vector.broadcast %broadcast_in_dim3A_159 : f32 to vector<16xf32>
    %swap3A_161 = arith.constant 0 : index
    %swap3A_162 = tpu.vector_load %arg5[%swap3A_161] {strides = array<i32>} : memref<40xf32, #tpu.memory_space<vmem>>, vector<16xf32>,
    %swap3A_163 = vector.shape_cast %swap3A_162 : vector<16xf32> to vector<16xf32>
    %swap3A_164 = vector.shape_cast %broadcast_in_dim3A_160 : vector<16xf32> to vector<16xf32>
    tpu.vector_store %arg5[%swap3A_161], %swap3A_164 {strides = array<i32>} : memref<40xf32, #tpu.memory_space<vmem>>, vector<16xf32>,
    %swap3A_165 = arith.constant 16 : index
    %swap3A_166 = tpu.vector_load %arg5[%swap3A_165] {strides = array<i32>} : memref<40xf32, #tpu.memory_space<vmem>>, vector<16xf32>,
    %swap3A_167 = vector.shape_cast %swap3A_166 : vector<16xf32> to vector<16xf32>
    %swap3A_168 = vector.shape_cast %broadcast_in_dim3A_160 : vector<16xf32> to vector<16xf32>
    tpu.vector_store %arg5[%swap3A_165], %swap3A_168 {strides = array<i32>} : memref<40xf32, #tpu.memory_space<vmem>>, vector<16xf32>,
    %swap3A_169 = arith.constant 24 : index
    %swap3A_170 = tpu.vector_load %arg5[%swap3A_169] {strides = array<i32>} : memref<40xf32, #tpu.memory_space<vmem>>, vector<16xf32>,
    %swap3A_171 = vector.shape_cast %swap3A_170 : vector<16xf32> to vector<16xf32>
    %swap3A_172 = vector.shape_cast %broadcast_in_dim3A_160 : vector<16xf32> to vector<16xf32>
    tpu.vector_store %arg5[%swap3A_169], %swap3A_172 {strides = array<i32>} : memref<40xf32, #tpu.memory_space<vmem>>, vector<16xf32>,
    "tpu.region"() ({
      %run_scoped3A = tpu.sem_alloc : memref<!tpu.dma_semaphore, #tpu.memory_space<semaphore_mem>>
      %dma_start3A = arith.constant 0 : i32
      %dma_start3A_188 = arith.constant 0 : i32
      %dma_start3A_189 = tpu.memref_slice %arg2[%arg0, %arg1, %dma_start3A, %dma_start3A_188] : memref<2x16x125x40xi32, #tpu.memory_space<hbm>> -> memref<1x1x125x40xi32, #tpu.memory_space<hbm>>
      %dma_start3A_190 = tpu.memref_squeeze %dma_start3A_189 : memref<1x1x125x40xi32, #tpu.memory_space<hbm>> -> memref<125x40xi32, #tpu.memory_space<hbm>>
      %dma_start3A_191 = arith.constant 0 : i32
      %dma_start3A_192 = arith.constant 0 : i32
      %dma_start3A_193 = tpu.memref_slice %arg2[%arg0, %arg1, %dma_start3A_191, %dma_start3A_192] : memref<2x16x125x40xi32, #tpu.memory_space<hbm>> -> memref<1x1x125x40xi32, #tpu.memory_space<hbm>>
      %dma_start3A_194 = tpu.memref_squeeze %dma_start3A_193 : memref<1x1x125x40xi32, #tpu.memory_space<hbm>> -> memref<125x40xi32, #tpu.memory_space<hbm>>
      tpu.enqueue_dma source(%dma_start3A_194 : memref<125x40xi32, #tpu.memory_space<hbm>>) target(%arg4 : memref<125x40xi32, #tpu.memory_space<vmem>>) target_semaphore(%run_scoped3A : memref<!tpu.dma_semaphore, #tpu.memory_space<semaphore_mem>>)
      %dma_wait3A = arith.constant 0 : i32
      %dma_wait3A_195 = arith.constant 0 : i32
      %dma_wait3A_196 = tpu.memref_slice %arg2[%arg0, %arg1, %dma_wait3A, %dma_wait3A_195] : memref<2x16x125x40xi32, #tpu.memory_space<hbm>> -> memref<1x1x125x40xi32, #tpu.memory_space<hbm>>
      %dma_wait3A_197 = tpu.memref_squeeze %dma_wait3A_196 : memref<1x1x125x40xi32, #tpu.memory_space<hbm>> -> memref<125x40xi32, #tpu.memory_space<hbm>>
      %dma_wait3A_198 = arith.constant 0 : i32
      %dma_wait3A_199 = arith.constant 0 : i32
      %dma_wait3A_200 = tpu.memref_slice %arg2[%arg0, %arg1, %dma_wait3A_198, %dma_wait3A_199] : memref<2x16x125x40xi32, #tpu.memory_space<hbm>> -> memref<1x1x125x40xi32, #tpu.memory_space<hbm>>
      %dma_wait3A_201 = tpu.memref_squeeze %dma_wait3A_200 : memref<1x1x125x40xi32, #tpu.memory_space<hbm>> -> memref<125x40xi32, #tpu.memory_space<hbm>>
      tpu.wait_dma2 semaphore(%run_scoped3A : memref<!tpu.dma_semaphore, #tpu.memory_space<semaphore_mem>>) src(%dma_wait3A_201 : memref<125x40xi32, #tpu.memory_space<hbm>>) dst(%arg4 : memref<125x40xi32, #tpu.memory_space<vmem>>)
      tpu.yield
    }) : () -> ()
    %barrier3A = arith.constant 0 : index
    tpu.barrier barrier_id(%barrier3A)
    %scan3A = arith.constant 0 : i32
    %scan3A_173 = arith.constant 0 : i32
    %scan3A_174 = arith.constant 125 : i32
    %scan3A_175 = arith.addi %scan3A_173, %scan3A_174 : i32
    %scan3A_176 = arith.constant 1 : i32
    scf.for %scan3A_188 = %scan3A_173 to %scan3A_175 step %scan3A_176  : i32 {
      "tpu.region"() ({
        %run_scoped3A = tpu.sem_alloc : memref<!tpu.dma_semaphore, #tpu.memory_space<semaphore_mem>>
        %dma_start3A = arith.constant 0 : i32
        %dma_start3A_189 = tpu.memref_slice %arg4[%scan3A_188, %dma_start3A] : memref<125x40xi32, #tpu.memory_space<vmem>> -> memref<1x40xi32, #tpu.memory_space<vmem>>
        %dma_start3A_190 = tpu.memref_squeeze %dma_start3A_189 : memref<1x40xi32, #tpu.memory_space<vmem>> -> memref<40xi32, #tpu.memory_space<vmem>>
        %dma_start3A_191 = arith.constant 0 : i32
        %dma_start3A_192 = tpu.memref_slice %arg7[%dma_start3A_191] : memref<10000xf32, #tpu.memory_space<vmem_shared>> -> memref<10000xf32, #tpu.memory_space<vmem_shared>>
        tpu.enqueue_indirect_dma source(%arg5 : memref<40xf32, #tpu.memory_space<vmem>>) target(%dma_start3A_192 : memref<10000xf32, #tpu.memory_space<vmem_shared>>) offsets(%dma_start3A_190 : memref<40xi32, #tpu.memory_space<vmem>>) semaphore(%run_scoped3A : memref<!tpu.dma_semaphore, #tpu.memory_space<semaphore_mem>>) {add = true}
        %dma_wait3A = arith.constant 0 : i32
        %dma_wait3A_193 = tpu.memref_slice %arg4[%scan3A_188, %dma_wait3A] : memref<125x40xi32, #tpu.memory_space<vmem>> -> memref<1x40xi32, #tpu.memory_space<vmem>>
        %dma_wait3A_194 = tpu.memref_squeeze %dma_wait3A_193 : memref<1x40xi32, #tpu.memory_space<vmem>> -> memref<40xi32, #tpu.memory_space<vmem>>
        %dma_wait3A_195 = arith.constant 0 : i32
        %dma_wait3A_196 = tpu.memref_slice %arg7[%dma_wait3A_195] : memref<10000xf32, #tpu.memory_space<vmem_shared>> -> memref<10000xf32, #tpu.memory_space<vmem_shared>>
        tpu.wait_indirect_dma semaphore(%run_scoped3A : memref<!tpu.dma_semaphore, #tpu.memory_space<semaphore_mem>>) src(%arg5 : memref<40xf32, #tpu.memory_space<vmem>>) dst(%dma_wait3A_196 : memref<10000xf32, #tpu.memory_space<vmem_shared>>)
        tpu.yield
      }) : () -> ()
    }
    %scan3A_177 = arith.constant 125 : i32
    %barrier3A_178 = arith.constant 0 : index
    tpu.barrier barrier_id(%barrier3A_178)
    %mul3A_179 = arith.constant 624 : i32
    %mul3A_180 = arith.muli %arg1, %mul3A_179 : i32
    %mul3A_181 = arith.constant 624 : i32
    %mul3A_182 = arith.muli %arg1, %mul3A_181 : i32
    "tpu.region"() ({
      %run_scoped3A = tpu.sem_alloc : memref<!tpu.dma_semaphore, #tpu.memory_space<semaphore_mem>>
      %dma_start3A = tpu.memref_slice %arg3[%arg0, %mul3A_182] : memref<2x10000xf32, #tpu.memory_space<hbm>> -> memref<1x624xf32, #tpu.memory_space<hbm>>
      %dma_start3A_188 = tpu.memref_squeeze %dma_start3A : memref<1x624xf32, #tpu.memory_space<hbm>> -> memref<624xf32, #tpu.memory_space<hbm>>
      %dma_start3A_189 = tpu.memref_slice %arg7[%mul3A_180] : memref<10000xf32, #tpu.memory_space<vmem_shared>> -> memref<624xf32, #tpu.memory_space<vmem_shared>>
      tpu.enqueue_dma source(%dma_start3A_189 : memref<624xf32, #tpu.memory_space<vmem_shared>>) target(%dma_start3A_188 : memref<624xf32, #tpu.memory_space<hbm>>) target_semaphore(%run_scoped3A : memref<!tpu.dma_semaphore, #tpu.memory_space<semaphore_mem>>)
      %dma_wait3A = tpu.memref_slice %arg3[%arg0, %mul3A_182] : memref<2x10000xf32, #tpu.memory_space<hbm>> -> memref<1x624xf32, #tpu.memory_space<hbm>>
      %dma_wait3A_190 = tpu.memref_squeeze %dma_wait3A : memref<1x624xf32, #tpu.memory_space<hbm>> -> memref<624xf32, #tpu.memory_space<hbm>>
      %dma_wait3A_191 = tpu.memref_slice %arg7[%mul3A_180] : memref<10000xf32, #tpu.memory_space<vmem_shared>> -> memref<624xf32, #tpu.memory_space<vmem_shared>>
      tpu.wait_dma2 semaphore(%run_scoped3A : memref<!tpu.dma_semaphore, #tpu.memory_space<semaphore_mem>>) src(%dma_wait3A_191 : memref<624xf32, #tpu.memory_space<vmem_shared>>) dst(%dma_wait3A_190 : memref<624xf32, #tpu.memory_space<hbm>>)
      tpu.yield
    }) : () -> ()
    %eq3A_183 = arith.constant 0 : i32
    %eq3A_184 = arith.cmpi eq, %arg1, %eq3A_183 : i32
    %convert_element_type3A_185 = arith.extui %eq3A_184 : i1 to i32
    %cond3A_186 = arith.constant 0 : i32
    %cond3A_187 = arith.cmpi ne, %convert_element_type3A_185, %cond3A_186 : i32
    scf.if %cond3A_187 {
      "tpu.region"() ({
        %run_scoped3A = tpu.sem_alloc : memref<!tpu.dma_semaphore, #tpu.memory_space<semaphore_mem>>
        %dma_start3A = arith.constant 9984 : i32
        %dma_start3A_188 = tpu.memref_slice %arg3[%arg0, %dma_start3A] : memref<2x10000xf32, #tpu.memory_space<hbm>> -> memref<1x16xf32, #tpu.memory_space<hbm>>
        %dma_start3A_189 = tpu.memref_squeeze %dma_start3A_188 : memref<1x16xf32, #tpu.memory_space<hbm>> -> memref<16xf32, #tpu.memory_space<hbm>>
        %dma_start3A_190 = arith.constant 9984 : i32
        %dma_start3A_191 = tpu.memref_slice %arg7[%dma_start3A_190] : memref<10000xf32, #tpu.memory_space<vmem_shared>> -> memref<16xf32, #tpu.memory_space<vmem_shared>>
        tpu.enqueue_dma source(%dma_start3A_191 : memref<16xf32, #tpu.memory_space<vmem_shared>>) target(%dma_start3A_189 : memref<16xf32, #tpu.memory_space<hbm>>) target_semaphore(%run_scoped3A : memref<!tpu.dma_semaphore, #tpu.memory_space<semaphore_mem>>)
        %dma_wait3A = arith.constant 9984 : i32
        %dma_wait3A_192 = tpu.memref_slice %arg3[%arg0, %dma_wait3A] : memref<2x10000xf32, #tpu.memory_space<hbm>> -> memref<1x16xf32, #tpu.memory_space<hbm>>
        %dma_wait3A_193 = tpu.memref_squeeze %dma_wait3A_192 : memref<1x16xf32, #tpu.memory_space<hbm>> -> memref<16xf32, #tpu.memory_space<hbm>>
        %dma_wait3A_194 = arith.constant 9984 : i32
        %dma_wait3A_195 = tpu.memref_slice %arg7[%dma_wait3A_194] : memref<10000xf32, #tpu.memory_space<vmem_shared>> -> memref<16xf32, #tpu.memory_space<vmem_shared>>
        tpu.wait_dma2 semaphore(%run_scoped3A : memref<!tpu.dma_semaphore, #tpu.memory_space<semaphore_mem>>) src(%dma_wait3A_195 : memref<16xf32, #tpu.memory_space<vmem_shared>>) dst(%dma_wait3A_193 : memref<16xf32, #tpu.memory_space<hbm>>)
        tpu.yield
      }) : () -> ()
    } else {
    }
    return
  }
}

#map = affine_map<(d0, d1) -> (0, 0)>
#map1 = affine_map<(d0, d1) -> (0, 0, 0, 0)>
#map2 = affine_map<(d0, d1) -> (0, 0, 0)>
module attributes {stable_mosaic.version = 14 : i64} {
  func.func @_scatter_call(%arg0: i32, %arg1: i32, %arg2: memref<20000x64xf32, #tpu.memory_space<hbm>>, %arg3: memref<2x16x125x80xi32, #tpu.memory_space<hbm>>, %arg4: memref<16x125x80xi32, #tpu.memory_space<hbm>>, %arg5: memref<10000x128xf32, #tpu.memory_space<hbm>>, %arg6: memref<125x80xi32, #tpu.memory_space<vmem>>, %arg7: memref<125x80xi32, #tpu.memory_space<vmem>>, %arg8: memref<12x80x64xf32, #tpu.memory_space<vmem>>, %arg9: memref<125x64xf32, #tpu.memory_space<vmem>>, %arg10: memref<10000x64xf32, #tpu.memory_space<vmem_shared>>, %arg11: memref<!tpu.dma_semaphore, #tpu.memory_space<semaphore_mem>>, %arg12: memref<!tpu.dma_semaphore, #tpu.memory_space<semaphore_mem>>, %arg13: memref<!tpu.dma_semaphore, #tpu.memory_space<semaphore_mem>>, %arg14: memref<!tpu.dma_semaphore, #tpu.memory_space<semaphore_mem>>, %arg15: memref<!tpu.dma_semaphore, #tpu.memory_space<semaphore_mem>>, %arg16: memref<!tpu.dma_semaphore, #tpu.memory_space<semaphore_mem>>, %arg17: memref<!tpu.dma_semaphore, #tpu.memory_space<semaphore_mem>>, %arg18: memref<!tpu.dma_semaphore, #tpu.memory_space<semaphore_mem>>, %arg19: memref<!tpu.dma_semaphore, #tpu.memory_space<semaphore_mem>>, %arg20: memref<!tpu.dma_semaphore, #tpu.memory_space<semaphore_mem>>, %arg21: memref<!tpu.dma_semaphore, #tpu.memory_space<semaphore_mem>>, %arg22: memref<!tpu.dma_semaphore, #tpu.memory_space<semaphore_mem>>, %arg23: memref<!tpu.dma_semaphore, #tpu.memory_space<semaphore_mem>>, %arg24: memref<!tpu.dma_semaphore, #tpu.memory_space<semaphore_mem>>, %arg25: memref<!tpu.dma_semaphore, #tpu.memory_space<semaphore_mem>>, %arg26: memref<!tpu.dma_semaphore, #tpu.memory_space<semaphore_mem>>, %arg27: memref<!tpu.dma_semaphore, #tpu.memory_space<semaphore_mem>>, %arg28: memref<!tpu.dma_semaphore, #tpu.memory_space<semaphore_mem>>, %arg29: memref<!tpu.dma_semaphore, #tpu.memory_space<semaphore_mem>>, %arg30: memref<!tpu.dma_semaphore, #tpu.memory_space<semaphore_mem>>, %arg31: memref<!tpu.dma_semaphore, #tpu.memory_space<semaphore_mem>>, %arg32: memref<!tpu.dma_semaphore, #tpu.memory_space<semaphore_mem>>, %arg33: memref<!tpu.dma_semaphore, #tpu.memory_space<semaphore_mem>>, %arg34: memref<!tpu.dma_semaphore, #tpu.memory_space<semaphore_mem>>) attributes {dimension_semantics = [#tpu.dimension_semantics<core_parallel>, #tpu.dimension_semantics<subcore_parallel>], iteration_bounds = array<i64: 2, 16>, scalar_prefetch = 0 : i64, scratch_operands = 29 : i64, tpu.core_type = #tpu.core_type<sc_vector_subcore>, window_params = [{transform_indices = #map}, {transform_indices = #map1}, {transform_indices = #map2}, {transform_indices = #map}]} {
    %dma_start3A = arith.constant 0 : i32
    %dma_start3A_0 = arith.constant 0 : i32
    %dma_start3A_1 = tpu.memref_slice %arg3[%arg0, %arg1, %dma_start3A, %dma_start3A_0] : memref<2x16x125x80xi32, #tpu.memory_space<hbm>> -> memref<1x1x125x80xi32, #tpu.memory_space<hbm>>
    %dma_start3A_2 = tpu.memref_squeeze %dma_start3A_1 : memref<1x1x125x80xi32, #tpu.memory_space<hbm>> -> memref<125x80xi32, #tpu.memory_space<hbm>>
    %dma_start3A_3 = arith.constant 0 : i32
    %dma_start3A_4 = arith.constant 0 : i32
    %dma_start3A_5 = tpu.memref_slice %arg3[%arg0, %arg1, %dma_start3A_3, %dma_start3A_4] : memref<2x16x125x80xi32, #tpu.memory_space<hbm>> -> memref<1x1x125x80xi32, #tpu.memory_space<hbm>>
    %dma_start3A_6 = tpu.memref_squeeze %dma_start3A_5 : memref<1x1x125x80xi32, #tpu.memory_space<hbm>> -> memref<125x80xi32, #tpu.memory_space<hbm>>
    tpu.enqueue_dma source(%dma_start3A_6 : memref<125x80xi32, #tpu.memory_space<hbm>>) target(%arg6 : memref<125x80xi32, #tpu.memory_space<vmem>>) target_semaphore(%arg11 : memref<!tpu.dma_semaphore, #tpu.memory_space<semaphore_mem>>)
    %dma_start3A_7 = arith.constant 0 : i32
    %dma_start3A_8 = arith.constant 0 : i32
    %dma_start3A_9 = tpu.memref_slice %arg4[%arg1, %dma_start3A_7, %dma_start3A_8] : memref<16x125x80xi32, #tpu.memory_space<hbm>> -> memref<1x125x80xi32, #tpu.memory_space<hbm>>
    %dma_start3A_10 = tpu.memref_squeeze %dma_start3A_9 : memref<1x125x80xi32, #tpu.memory_space<hbm>> -> memref<125x80xi32, #tpu.memory_space<hbm>>
    %dma_start3A_11 = arith.constant 0 : i32
    %dma_start3A_12 = arith.constant 0 : i32
    %dma_start3A_13 = tpu.memref_slice %arg4[%arg1, %dma_start3A_11, %dma_start3A_12] : memref<16x125x80xi32, #tpu.memory_space<hbm>> -> memref<1x125x80xi32, #tpu.memory_space<hbm>>
    %dma_start3A_14 = tpu.memref_squeeze %dma_start3A_13 : memref<1x125x80xi32, #tpu.memory_space<hbm>> -> memref<125x80xi32, #tpu.memory_space<hbm>>
    tpu.enqueue_dma source(%dma_start3A_14 : memref<125x80xi32, #tpu.memory_space<hbm>>) target(%arg7 : memref<125x80xi32, #tpu.memory_space<vmem>>) target_semaphore(%arg12 : memref<!tpu.dma_semaphore, #tpu.memory_space<semaphore_mem>>)
    %broadcast_in_dim3A = arith.constant 0.000000e+00 : f32
    %broadcast_in_dim3A_15 = vector.broadcast %broadcast_in_dim3A : f32 to vector<16xf32>
    %scan3A = arith.constant 0 : i32
    %scan3A_16 = arith.constant 0 : i32
    %scan3A_17 = arith.constant 125 : i32
    %scan3A_18 = arith.addi %scan3A_16, %scan3A_17 : i32
    %scan3A_19 = arith.constant 1 : i32
    scf.for %scan3A_307 = %scan3A_16 to %scan3A_18 step %scan3A_19  : i32 {
      %swap3A = arith.index_cast %scan3A_307 : i32 to index
      %swap3A_308 = arith.constant 0 : index
      %swap3A_309 = tpu.vector_load %arg9[%swap3A, %swap3A_308] {strides = array<i32>} : memref<125x64xf32, #tpu.memory_space<vmem>>, vector<1x16xf32>,
      %swap3A_310 = vector.shape_cast %swap3A_309 : vector<1x16xf32> to vector<16xf32>
      %swap3A_311 = vector.shape_cast %broadcast_in_dim3A_15 : vector<16xf32> to vector<1x16xf32>
      tpu.vector_store %arg9[%swap3A, %swap3A_308], %swap3A_311 {strides = array<i32>} : memref<125x64xf32, #tpu.memory_space<vmem>>, vector<1x16xf32>,
      %swap3A_312 = arith.index_cast %scan3A_307 : i32 to index
      %swap3A_313 = arith.constant 16 : index
      %swap3A_314 = tpu.vector_load %arg9[%swap3A_312, %swap3A_313] {strides = array<i32>} : memref<125x64xf32, #tpu.memory_space<vmem>>, vector<1x16xf32>,
      %swap3A_315 = vector.shape_cast %swap3A_314 : vector<1x16xf32> to vector<16xf32>
      %swap3A_316 = vector.shape_cast %broadcast_in_dim3A_15 : vector<16xf32> to vector<1x16xf32>
      tpu.vector_store %arg9[%swap3A_312, %swap3A_313], %swap3A_316 {strides = array<i32>} : memref<125x64xf32, #tpu.memory_space<vmem>>, vector<1x16xf32>,
      %swap3A_317 = arith.index_cast %scan3A_307 : i32 to index
      %swap3A_318 = arith.constant 32 : index
      %swap3A_319 = tpu.vector_load %arg9[%swap3A_317, %swap3A_318] {strides = array<i32>} : memref<125x64xf32, #tpu.memory_space<vmem>>, vector<1x16xf32>,
      %swap3A_320 = vector.shape_cast %swap3A_319 : vector<1x16xf32> to vector<16xf32>
      %swap3A_321 = vector.shape_cast %broadcast_in_dim3A_15 : vector<16xf32> to vector<1x16xf32>
      tpu.vector_store %arg9[%swap3A_317, %swap3A_318], %swap3A_321 {strides = array<i32>} : memref<125x64xf32, #tpu.memory_space<vmem>>, vector<1x16xf32>,
      %swap3A_322 = arith.index_cast %scan3A_307 : i32 to index
      %swap3A_323 = arith.constant 48 : index
      %swap3A_324 = tpu.vector_load %arg9[%swap3A_322, %swap3A_323] {strides = array<i32>} : memref<125x64xf32, #tpu.memory_space<vmem>>, vector<1x16xf32>,
      %swap3A_325 = vector.shape_cast %swap3A_324 : vector<1x16xf32> to vector<16xf32>
      %swap3A_326 = vector.shape_cast %broadcast_in_dim3A_15 : vector<16xf32> to vector<1x16xf32>
      tpu.vector_store %arg9[%swap3A_322, %swap3A_323], %swap3A_326 {strides = array<i32>} : memref<125x64xf32, #tpu.memory_space<vmem>>, vector<1x16xf32>,
    }
    %scan3A_20 = arith.constant 125 : i32
    %mul3A = arith.constant 625 : i32
    %mul3A_21 = arith.muli %arg1, %mul3A : i32
    %add3A = arith.constant 0 : i32
    %add3A_22 = arith.addi %mul3A_21, %add3A : i32
    "tpu.region"() ({
      %run_scoped3A = tpu.sem_alloc : memref<!tpu.dma_semaphore, #tpu.memory_space<semaphore_mem>>
      %dma_start3A_307 = arith.constant 0 : i32
      %dma_start3A_308 = tpu.memref_slice %arg10[%add3A_22, %dma_start3A_307] : memref<10000x64xf32, #tpu.memory_space<vmem_shared>> -> memref<125x64xf32, #tpu.memory_space<vmem_shared>>
      %dma_start3A_309 = arith.constant 0 : i32
      %dma_start3A_310 = tpu.memref_slice %arg10[%add3A_22, %dma_start3A_309] : memref<10000x64xf32, #tpu.memory_space<vmem_shared>> -> memref<125x64xf32, #tpu.memory_space<vmem_shared>>
      tpu.enqueue_dma source(%arg9 : memref<125x64xf32, #tpu.memory_space<vmem>>) target(%dma_start3A_310 : memref<125x64xf32, #tpu.memory_space<vmem_shared>>) target_semaphore(%run_scoped3A : memref<!tpu.dma_semaphore, #tpu.memory_space<semaphore_mem>>)
      %dma_wait3A_311 = arith.constant 0 : i32
      %dma_wait3A_312 = tpu.memref_slice %arg10[%add3A_22, %dma_wait3A_311] : memref<10000x64xf32, #tpu.memory_space<vmem_shared>> -> memref<125x64xf32, #tpu.memory_space<vmem_shared>>
      %dma_wait3A_313 = arith.constant 0 : i32
      %dma_wait3A_314 = tpu.memref_slice %arg10[%add3A_22, %dma_wait3A_313] : memref<10000x64xf32, #tpu.memory_space<vmem_shared>> -> memref<125x64xf32, #tpu.memory_space<vmem_shared>>
      tpu.wait_dma2 semaphore(%run_scoped3A : memref<!tpu.dma_semaphore, #tpu.memory_space<semaphore_mem>>) src(%arg9 : memref<125x64xf32, #tpu.memory_space<vmem>>) dst(%dma_wait3A_314 : memref<125x64xf32, #tpu.memory_space<vmem_shared>>)
      tpu.yield
    }) : () -> ()
    %mul3A_23 = arith.constant 625 : i32
    %mul3A_24 = arith.muli %arg1, %mul3A_23 : i32
    %add3A_25 = arith.constant 125 : i32
    %add3A_26 = arith.addi %mul3A_24, %add3A_25 : i32
    "tpu.region"() ({
      %run_scoped3A = tpu.sem_alloc : memref<!tpu.dma_semaphore, #tpu.memory_space<semaphore_mem>>
      %dma_start3A_307 = arith.constant 0 : i32
      %dma_start3A_308 = tpu.memref_slice %arg10[%add3A_26, %dma_start3A_307] : memref<10000x64xf32, #tpu.memory_space<vmem_shared>> -> memref<125x64xf32, #tpu.memory_space<vmem_shared>>
      %dma_start3A_309 = arith.constant 0 : i32
      %dma_start3A_310 = tpu.memref_slice %arg10[%add3A_26, %dma_start3A_309] : memref<10000x64xf32, #tpu.memory_space<vmem_shared>> -> memref<125x64xf32, #tpu.memory_space<vmem_shared>>
      tpu.enqueue_dma source(%arg9 : memref<125x64xf32, #tpu.memory_space<vmem>>) target(%dma_start3A_310 : memref<125x64xf32, #tpu.memory_space<vmem_shared>>) target_semaphore(%run_scoped3A : memref<!tpu.dma_semaphore, #tpu.memory_space<semaphore_mem>>)
      %dma_wait3A_311 = arith.constant 0 : i32
      %dma_wait3A_312 = tpu.memref_slice %arg10[%add3A_26, %dma_wait3A_311] : memref<10000x64xf32, #tpu.memory_space<vmem_shared>> -> memref<125x64xf32, #tpu.memory_space<vmem_shared>>
      %dma_wait3A_313 = arith.constant 0 : i32
      %dma_wait3A_314 = tpu.memref_slice %arg10[%add3A_26, %dma_wait3A_313] : memref<10000x64xf32, #tpu.memory_space<vmem_shared>> -> memref<125x64xf32, #tpu.memory_space<vmem_shared>>
      tpu.wait_dma2 semaphore(%run_scoped3A : memref<!tpu.dma_semaphore, #tpu.memory_space<semaphore_mem>>) src(%arg9 : memref<125x64xf32, #tpu.memory_space<vmem>>) dst(%dma_wait3A_314 : memref<125x64xf32, #tpu.memory_space<vmem_shared>>)
      tpu.yield
    }) : () -> ()
    %mul3A_27 = arith.constant 625 : i32
    %mul3A_28 = arith.muli %arg1, %mul3A_27 : i32
    %add3A_29 = arith.constant 250 : i32
    %add3A_30 = arith.addi %mul3A_28, %add3A_29 : i32
    "tpu.region"() ({
      %run_scoped3A = tpu.sem_alloc : memref<!tpu.dma_semaphore, #tpu.memory_space<semaphore_mem>>
      %dma_start3A_307 = arith.constant 0 : i32
      %dma_start3A_308 = tpu.memref_slice %arg10[%add3A_30, %dma_start3A_307] : memref<10000x64xf32, #tpu.memory_space<vmem_shared>> -> memref<125x64xf32, #tpu.memory_space<vmem_shared>>
      %dma_start3A_309 = arith.constant 0 : i32
      %dma_start3A_310 = tpu.memref_slice %arg10[%add3A_30, %dma_start3A_309] : memref<10000x64xf32, #tpu.memory_space<vmem_shared>> -> memref<125x64xf32, #tpu.memory_space<vmem_shared>>
      tpu.enqueue_dma source(%arg9 : memref<125x64xf32, #tpu.memory_space<vmem>>) target(%dma_start3A_310 : memref<125x64xf32, #tpu.memory_space<vmem_shared>>) target_semaphore(%run_scoped3A : memref<!tpu.dma_semaphore, #tpu.memory_space<semaphore_mem>>)
      %dma_wait3A_311 = arith.constant 0 : i32
      %dma_wait3A_312 = tpu.memref_slice %arg10[%add3A_30, %dma_wait3A_311] : memref<10000x64xf32, #tpu.memory_space<vmem_shared>> -> memref<125x64xf32, #tpu.memory_space<vmem_shared>>
      %dma_wait3A_313 = arith.constant 0 : i32
      %dma_wait3A_314 = tpu.memref_slice %arg10[%add3A_30, %dma_wait3A_313] : memref<10000x64xf32, #tpu.memory_space<vmem_shared>> -> memref<125x64xf32, #tpu.memory_space<vmem_shared>>
      tpu.wait_dma2 semaphore(%run_scoped3A : memref<!tpu.dma_semaphore, #tpu.memory_space<semaphore_mem>>) src(%arg9 : memref<125x64xf32, #tpu.memory_space<vmem>>) dst(%dma_wait3A_314 : memref<125x64xf32, #tpu.memory_space<vmem_shared>>)
      tpu.yield
    }) : () -> ()
    %mul3A_31 = arith.constant 625 : i32
    %mul3A_32 = arith.muli %arg1, %mul3A_31 : i32
    %add3A_33 = arith.constant 375 : i32
    %add3A_34 = arith.addi %mul3A_32, %add3A_33 : i32
    "tpu.region"() ({
      %run_scoped3A = tpu.sem_alloc : memref<!tpu.dma_semaphore, #tpu.memory_space<semaphore_mem>>
      %dma_start3A_307 = arith.constant 0 : i32
      %dma_start3A_308 = tpu.memref_slice %arg10[%add3A_34, %dma_start3A_307] : memref<10000x64xf32, #tpu.memory_space<vmem_shared>> -> memref<125x64xf32, #tpu.memory_space<vmem_shared>>
      %dma_start3A_309 = arith.constant 0 : i32
      %dma_start3A_310 = tpu.memref_slice %arg10[%add3A_34, %dma_start3A_309] : memref<10000x64xf32, #tpu.memory_space<vmem_shared>> -> memref<125x64xf32, #tpu.memory_space<vmem_shared>>
      tpu.enqueue_dma source(%arg9 : memref<125x64xf32, #tpu.memory_space<vmem>>) target(%dma_start3A_310 : memref<125x64xf32, #tpu.memory_space<vmem_shared>>) target_semaphore(%run_scoped3A : memref<!tpu.dma_semaphore, #tpu.memory_space<semaphore_mem>>)
      %dma_wait3A_311 = arith.constant 0 : i32
      %dma_wait3A_312 = tpu.memref_slice %arg10[%add3A_34, %dma_wait3A_311] : memref<10000x64xf32, #tpu.memory_space<vmem_shared>> -> memref<125x64xf32, #tpu.memory_space<vmem_shared>>
      %dma_wait3A_313 = arith.constant 0 : i32
      %dma_wait3A_314 = tpu.memref_slice %arg10[%add3A_34, %dma_wait3A_313] : memref<10000x64xf32, #tpu.memory_space<vmem_shared>> -> memref<125x64xf32, #tpu.memory_space<vmem_shared>>
      tpu.wait_dma2 semaphore(%run_scoped3A : memref<!tpu.dma_semaphore, #tpu.memory_space<semaphore_mem>>) src(%arg9 : memref<125x64xf32, #tpu.memory_space<vmem>>) dst(%dma_wait3A_314 : memref<125x64xf32, #tpu.memory_space<vmem_shared>>)
      tpu.yield
    }) : () -> ()
    %mul3A_35 = arith.constant 625 : i32
    %mul3A_36 = arith.muli %arg1, %mul3A_35 : i32
    %add3A_37 = arith.constant 500 : i32
    %add3A_38 = arith.addi %mul3A_36, %add3A_37 : i32
    "tpu.region"() ({
      %run_scoped3A = tpu.sem_alloc : memref<!tpu.dma_semaphore, #tpu.memory_space<semaphore_mem>>
      %dma_start3A_307 = arith.constant 0 : i32
      %dma_start3A_308 = tpu.memref_slice %arg10[%add3A_38, %dma_start3A_307] : memref<10000x64xf32, #tpu.memory_space<vmem_shared>> -> memref<125x64xf32, #tpu.memory_space<vmem_shared>>
      %dma_start3A_309 = arith.constant 0 : i32
      %dma_start3A_310 = tpu.memref_slice %arg10[%add3A_38, %dma_start3A_309] : memref<10000x64xf32, #tpu.memory_space<vmem_shared>> -> memref<125x64xf32, #tpu.memory_space<vmem_shared>>
      tpu.enqueue_dma source(%arg9 : memref<125x64xf32, #tpu.memory_space<vmem>>) target(%dma_start3A_310 : memref<125x64xf32, #tpu.memory_space<vmem_shared>>) target_semaphore(%run_scoped3A : memref<!tpu.dma_semaphore, #tpu.memory_space<semaphore_mem>>)
      %dma_wait3A_311 = arith.constant 0 : i32
      %dma_wait3A_312 = tpu.memref_slice %arg10[%add3A_38, %dma_wait3A_311] : memref<10000x64xf32, #tpu.memory_space<vmem_shared>> -> memref<125x64xf32, #tpu.memory_space<vmem_shared>>
      %dma_wait3A_313 = arith.constant 0 : i32
      %dma_wait3A_314 = tpu.memref_slice %arg10[%add3A_38, %dma_wait3A_313] : memref<10000x64xf32, #tpu.memory_space<vmem_shared>> -> memref<125x64xf32, #tpu.memory_space<vmem_shared>>
      tpu.wait_dma2 semaphore(%run_scoped3A : memref<!tpu.dma_semaphore, #tpu.memory_space<semaphore_mem>>) src(%arg9 : memref<125x64xf32, #tpu.memory_space<vmem>>) dst(%dma_wait3A_314 : memref<125x64xf32, #tpu.memory_space<vmem_shared>>)
      tpu.yield
    }) : () -> ()
    %dma_wait3A = arith.constant 0 : i32
    %dma_wait3A_39 = arith.constant 0 : i32
    %dma_wait3A_40 = tpu.memref_slice %arg3[%arg0, %arg1, %dma_wait3A, %dma_wait3A_39] : memref<2x16x125x80xi32, #tpu.memory_space<hbm>> -> memref<1x1x125x80xi32, #tpu.memory_space<hbm>>
    %dma_wait3A_41 = tpu.memref_squeeze %dma_wait3A_40 : memref<1x1x125x80xi32, #tpu.memory_space<hbm>> -> memref<125x80xi32, #tpu.memory_space<hbm>>
    %dma_wait3A_42 = arith.constant 0 : i32
    %dma_wait3A_43 = arith.constant 0 : i32
    %dma_wait3A_44 = tpu.memref_slice %arg3[%arg0, %arg1, %dma_wait3A_42, %dma_wait3A_43] : memref<2x16x125x80xi32, #tpu.memory_space<hbm>> -> memref<1x1x125x80xi32, #tpu.memory_space<hbm>>
    %dma_wait3A_45 = tpu.memref_squeeze %dma_wait3A_44 : memref<1x1x125x80xi32, #tpu.memory_space<hbm>> -> memref<125x80xi32, #tpu.memory_space<hbm>>
    tpu.wait_dma2 semaphore(%arg11 : memref<!tpu.dma_semaphore, #tpu.memory_space<semaphore_mem>>) src(%dma_wait3A_45 : memref<125x80xi32, #tpu.memory_space<hbm>>) dst(%arg6 : memref<125x80xi32, #tpu.memory_space<vmem>>)
    %dma_wait3A_46 = arith.constant 0 : i32
    %dma_wait3A_47 = arith.constant 0 : i32
    %dma_wait3A_48 = tpu.memref_slice %arg4[%arg1, %dma_wait3A_46, %dma_wait3A_47] : memref<16x125x80xi32, #tpu.memory_space<hbm>> -> memref<1x125x80xi32, #tpu.memory_space<hbm>>
    %dma_wait3A_49 = tpu.memref_squeeze %dma_wait3A_48 : memref<1x125x80xi32, #tpu.memory_space<hbm>> -> memref<125x80xi32, #tpu.memory_space<hbm>>
    %dma_wait3A_50 = arith.constant 0 : i32
    %dma_wait3A_51 = arith.constant 0 : i32
    %dma_wait3A_52 = tpu.memref_slice %arg4[%arg1, %dma_wait3A_50, %dma_wait3A_51] : memref<16x125x80xi32, #tpu.memory_space<hbm>> -> memref<1x125x80xi32, #tpu.memory_space<hbm>>
    %dma_wait3A_53 = tpu.memref_squeeze %dma_wait3A_52 : memref<1x125x80xi32, #tpu.memory_space<hbm>> -> memref<125x80xi32, #tpu.memory_space<hbm>>
    tpu.wait_dma2 semaphore(%arg12 : memref<!tpu.dma_semaphore, #tpu.memory_space<semaphore_mem>>) src(%dma_wait3A_53 : memref<125x80xi32, #tpu.memory_space<hbm>>) dst(%arg7 : memref<125x80xi32, #tpu.memory_space<vmem>>)
    %barrier3A = arith.constant 0 : index
    tpu.barrier barrier_id(%barrier3A)
    %scan3A_54 = arith.constant 0 : i32
    %scan3A_55 = arith.constant 0 : i32
    %scan3A_56 = arith.constant 10 : i32
    %scan3A_57 = arith.addi %scan3A_55, %scan3A_56 : i32
    %scan3A_58 = arith.constant 1 : i32
    scf.for %scan3A_307 = %scan3A_55 to %scan3A_57 step %scan3A_58  : i32 {
      %mul3A_308 = arith.constant 12 : i32
      %mul3A_309 = arith.muli %mul3A_308, %scan3A_307 : i32
      %add3A_310 = arith.constant 0 : i32
      %add3A_311 = arith.addi %mul3A_309, %add3A_310 : i32
      %dma_start3A_312 = arith.constant 0 : i32
      %dma_start3A_313 = arith.constant 0 : i32
      %dma_start3A_314 = arith.constant 0 : i32
      %dma_start3A_315 = tpu.memref_slice %arg8[%dma_start3A_312, %dma_start3A_313, %dma_start3A_314] : memref<12x80x64xf32, #tpu.memory_space<vmem>> -> memref<1x80x64xf32, #tpu.memory_space<vmem>>
      %dma_start3A_316 = tpu.memref_squeeze %dma_start3A_315 : memref<1x80x64xf32, #tpu.memory_space<vmem>> -> memref<80x64xf32, #tpu.memory_space<vmem>>
      %dma_start3A_317 = arith.constant 0 : i32
      %dma_start3A_318 = tpu.memref_slice %arg6[%add3A_311, %dma_start3A_317] : memref<125x80xi32, #tpu.memory_space<vmem>> -> memref<1x80xi32, #tpu.memory_space<vmem>>
      %dma_start3A_319 = tpu.memref_squeeze %dma_start3A_318 : memref<1x80xi32, #tpu.memory_space<vmem>> -> memref<80xi32, #tpu.memory_space<vmem>>
      %dma_start3A_320 = arith.constant 0 : i32
      %dma_start3A_321 = arith.constant 0 : i32
      %dma_start3A_322 = tpu.memref_slice %arg2[%dma_start3A_320, %dma_start3A_321] : memref<20000x64xf32, #tpu.memory_space<hbm>> -> memref<20000x64xf32, #tpu.memory_space<hbm>>
      tpu.enqueue_indirect_dma source(%dma_start3A_322 : memref<20000x64xf32, #tpu.memory_space<hbm>>) target(%dma_start3A_316 : memref<80x64xf32, #tpu.memory_space<vmem>>) offsets(%dma_start3A_319 : memref<80xi32, #tpu.memory_space<vmem>>) semaphore(%arg11 : memref<!tpu.dma_semaphore, #tpu.memory_space<semaphore_mem>>)
      %add3A_323 = arith.constant 1 : i32
      %add3A_324 = arith.addi %mul3A_309, %add3A_323 : i32
      %dma_start3A_325 = arith.constant 1 : i32
      %dma_start3A_326 = arith.constant 0 : i32
      %dma_start3A_327 = arith.constant 0 : i32
      %dma_start3A_328 = tpu.memref_slice %arg8[%dma_start3A_325, %dma_start3A_326, %dma_start3A_327] : memref<12x80x64xf32, #tpu.memory_space<vmem>> -> memref<1x80x64xf32, #tpu.memory_space<vmem>>
      %dma_start3A_329 = tpu.memref_squeeze %dma_start3A_328 : memref<1x80x64xf32, #tpu.memory_space<vmem>> -> memref<80x64xf32, #tpu.memory_space<vmem>>
      %dma_start3A_330 = arith.constant 0 : i32
      %dma_start3A_331 = tpu.memref_slice %arg6[%add3A_324, %dma_start3A_330] : memref<125x80xi32, #tpu.memory_space<vmem>> -> memref<1x80xi32, #tpu.memory_space<vmem>>
      %dma_start3A_332 = tpu.memref_squeeze %dma_start3A_331 : memref<1x80xi32, #tpu.memory_space<vmem>> -> memref<80xi32, #tpu.memory_space<vmem>>
      %dma_start3A_333 = arith.constant 0 : i32
      %dma_start3A_334 = arith.constant 0 : i32
      %dma_start3A_335 = tpu.memref_slice %arg2[%dma_start3A_333, %dma_start3A_334] : memref<20000x64xf32, #tpu.memory_space<hbm>> -> memref<20000x64xf32, #tpu.memory_space<hbm>>
      tpu.enqueue_indirect_dma source(%dma_start3A_335 : memref<20000x64xf32, #tpu.memory_space<hbm>>) target(%dma_start3A_329 : memref<80x64xf32, #tpu.memory_space<vmem>>) offsets(%dma_start3A_332 : memref<80xi32, #tpu.memory_space<vmem>>) semaphore(%arg12 : memref<!tpu.dma_semaphore, #tpu.memory_space<semaphore_mem>>)
      %add3A_336 = arith.constant 2 : i32
      %add3A_337 = arith.addi %mul3A_309, %add3A_336 : i32
      %dma_start3A_338 = arith.constant 2 : i32
      %dma_start3A_339 = arith.constant 0 : i32
      %dma_start3A_340 = arith.constant 0 : i32
      %dma_start3A_341 = tpu.memref_slice %arg8[%dma_start3A_338, %dma_start3A_339, %dma_start3A_340] : memref<12x80x64xf32, #tpu.memory_space<vmem>> -> memref<1x80x64xf32, #tpu.memory_space<vmem>>
      %dma_start3A_342 = tpu.memref_squeeze %dma_start3A_341 : memref<1x80x64xf32, #tpu.memory_space<vmem>> -> memref<80x64xf32, #tpu.memory_space<vmem>>
      %dma_start3A_343 = arith.constant 0 : i32
      %dma_start3A_344 = tpu.memref_slice %arg6[%add3A_337, %dma_start3A_343] : memref<125x80xi32, #tpu.memory_space<vmem>> -> memref<1x80xi32, #tpu.memory_space<vmem>>
      %dma_start3A_345 = tpu.memref_squeeze %dma_start3A_344 : memref<1x80xi32, #tpu.memory_space<vmem>> -> memref<80xi32, #tpu.memory_space<vmem>>
      %dma_start3A_346 = arith.constant 0 : i32
      %dma_start3A_347 = arith.constant 0 : i32
      %dma_start3A_348 = tpu.memref_slice %arg2[%dma_start3A_346, %dma_start3A_347] : memref<20000x64xf32, #tpu.memory_space<hbm>> -> memref<20000x64xf32, #tpu.memory_space<hbm>>
      tpu.enqueue_indirect_dma source(%dma_start3A_348 : memref<20000x64xf32, #tpu.memory_space<hbm>>) target(%dma_start3A_342 : memref<80x64xf32, #tpu.memory_space<vmem>>) offsets(%dma_start3A_345 : memref<80xi32, #tpu.memory_space<vmem>>) semaphore(%arg13 : memref<!tpu.dma_semaphore, #tpu.memory_space<semaphore_mem>>)
      %add3A_349 = arith.constant 3 : i32
      %add3A_350 = arith.addi %mul3A_309, %add3A_349 : i32
      %dma_start3A_351 = arith.constant 3 : i32
      %dma_start3A_352 = arith.constant 0 : i32
      %dma_start3A_353 = arith.constant 0 : i32
      %dma_start3A_354 = tpu.memref_slice %arg8[%dma_start3A_351, %dma_start3A_352, %dma_start3A_353] : memref<12x80x64xf32, #tpu.memory_space<vmem>> -> memref<1x80x64xf32, #tpu.memory_space<vmem>>
      %dma_start3A_355 = tpu.memref_squeeze %dma_start3A_354 : memref<1x80x64xf32, #tpu.memory_space<vmem>> -> memref<80x64xf32, #tpu.memory_space<vmem>>
      %dma_start3A_356 = arith.constant 0 : i32
      %dma_start3A_357 = tpu.memref_slice %arg6[%add3A_350, %dma_start3A_356] : memref<125x80xi32, #tpu.memory_space<vmem>> -> memref<1x80xi32, #tpu.memory_space<vmem>>
      %dma_start3A_358 = tpu.memref_squeeze %dma_start3A_357 : memref<1x80xi32, #tpu.memory_space<vmem>> -> memref<80xi32, #tpu.memory_space<vmem>>
      %dma_start3A_359 = arith.constant 0 : i32
      %dma_start3A_360 = arith.constant 0 : i32
      %dma_start3A_361 = tpu.memref_slice %arg2[%dma_start3A_359, %dma_start3A_360] : memref<20000x64xf32, #tpu.memory_space<hbm>> -> memref<20000x64xf32, #tpu.memory_space<hbm>>
      tpu.enqueue_indirect_dma source(%dma_start3A_361 : memref<20000x64xf32, #tpu.memory_space<hbm>>) target(%dma_start3A_355 : memref<80x64xf32, #tpu.memory_space<vmem>>) offsets(%dma_start3A_358 : memref<80xi32, #tpu.memory_space<vmem>>) semaphore(%arg14 : memref<!tpu.dma_semaphore, #tpu.memory_space<semaphore_mem>>)
      %add3A_362 = arith.constant 4 : i32
      %add3A_363 = arith.addi %mul3A_309, %add3A_362 : i32
      %dma_start3A_364 = arith.constant 4 : i32
      %dma_start3A_365 = arith.constant 0 : i32
      %dma_start3A_366 = arith.constant 0 : i32
      %dma_start3A_367 = tpu.memref_slice %arg8[%dma_start3A_364, %dma_start3A_365, %dma_start3A_366] : memref<12x80x64xf32, #tpu.memory_space<vmem>> -> memref<1x80x64xf32, #tpu.memory_space<vmem>>
      %dma_start3A_368 = tpu.memref_squeeze %dma_start3A_367 : memref<1x80x64xf32, #tpu.memory_space<vmem>> -> memref<80x64xf32, #tpu.memory_space<vmem>>
      %dma_start3A_369 = arith.constant 0 : i32
      %dma_start3A_370 = tpu.memref_slice %arg6[%add3A_363, %dma_start3A_369] : memref<125x80xi32, #tpu.memory_space<vmem>> -> memref<1x80xi32, #tpu.memory_space<vmem>>
      %dma_start3A_371 = tpu.memref_squeeze %dma_start3A_370 : memref<1x80xi32, #tpu.memory_space<vmem>> -> memref<80xi32, #tpu.memory_space<vmem>>
      %dma_start3A_372 = arith.constant 0 : i32
      %dma_start3A_373 = arith.constant 0 : i32
      %dma_start3A_374 = tpu.memref_slice %arg2[%dma_start3A_372, %dma_start3A_373] : memref<20000x64xf32, #tpu.memory_space<hbm>> -> memref<20000x64xf32, #tpu.memory_space<hbm>>
      tpu.enqueue_indirect_dma source(%dma_start3A_374 : memref<20000x64xf32, #tpu.memory_space<hbm>>) target(%dma_start3A_368 : memref<80x64xf32, #tpu.memory_space<vmem>>) offsets(%dma_start3A_371 : memref<80xi32, #tpu.memory_space<vmem>>) semaphore(%arg15 : memref<!tpu.dma_semaphore, #tpu.memory_space<semaphore_mem>>)
      %add3A_375 = arith.constant 5 : i32
      %add3A_376 = arith.addi %mul3A_309, %add3A_375 : i32
      %dma_start3A_377 = arith.constant 5 : i32
      %dma_start3A_378 = arith.constant 0 : i32
      %dma_start3A_379 = arith.constant 0 : i32
      %dma_start3A_380 = tpu.memref_slice %arg8[%dma_start3A_377, %dma_start3A_378, %dma_start3A_379] : memref<12x80x64xf32, #tpu.memory_space<vmem>> -> memref<1x80x64xf32, #tpu.memory_space<vmem>>
      %dma_start3A_381 = tpu.memref_squeeze %dma_start3A_380 : memref<1x80x64xf32, #tpu.memory_space<vmem>> -> memref<80x64xf32, #tpu.memory_space<vmem>>
      %dma_start3A_382 = arith.constant 0 : i32
      %dma_start3A_383 = tpu.memref_slice %arg6[%add3A_376, %dma_start3A_382] : memref<125x80xi32, #tpu.memory_space<vmem>> -> memref<1x80xi32, #tpu.memory_space<vmem>>
      %dma_start3A_384 = tpu.memref_squeeze %dma_start3A_383 : memref<1x80xi32, #tpu.memory_space<vmem>> -> memref<80xi32, #tpu.memory_space<vmem>>
      %dma_start3A_385 = arith.constant 0 : i32
      %dma_start3A_386 = arith.constant 0 : i32
      %dma_start3A_387 = tpu.memref_slice %arg2[%dma_start3A_385, %dma_start3A_386] : memref<20000x64xf32, #tpu.memory_space<hbm>> -> memref<20000x64xf32, #tpu.memory_space<hbm>>
      tpu.enqueue_indirect_dma source(%dma_start3A_387 : memref<20000x64xf32, #tpu.memory_space<hbm>>) target(%dma_start3A_381 : memref<80x64xf32, #tpu.memory_space<vmem>>) offsets(%dma_start3A_384 : memref<80xi32, #tpu.memory_space<vmem>>) semaphore(%arg16 : memref<!tpu.dma_semaphore, #tpu.memory_space<semaphore_mem>>)
      %add3A_388 = arith.constant 6 : i32
      %add3A_389 = arith.addi %mul3A_309, %add3A_388 : i32
      %dma_start3A_390 = arith.constant 6 : i32
      %dma_start3A_391 = arith.constant 0 : i32
      %dma_start3A_392 = arith.constant 0 : i32
      %dma_start3A_393 = tpu.memref_slice %arg8[%dma_start3A_390, %dma_start3A_391, %dma_start3A_392] : memref<12x80x64xf32, #tpu.memory_space<vmem>> -> memref<1x80x64xf32, #tpu.memory_space<vmem>>
      %dma_start3A_394 = tpu.memref_squeeze %dma_start3A_393 : memref<1x80x64xf32, #tpu.memory_space<vmem>> -> memref<80x64xf32, #tpu.memory_space<vmem>>
      %dma_start3A_395 = arith.constant 0 : i32
      %dma_start3A_396 = tpu.memref_slice %arg6[%add3A_389, %dma_start3A_395] : memref<125x80xi32, #tpu.memory_space<vmem>> -> memref<1x80xi32, #tpu.memory_space<vmem>>
      %dma_start3A_397 = tpu.memref_squeeze %dma_start3A_396 : memref<1x80xi32, #tpu.memory_space<vmem>> -> memref<80xi32, #tpu.memory_space<vmem>>
      %dma_start3A_398 = arith.constant 0 : i32
      %dma_start3A_399 = arith.constant 0 : i32
      %dma_start3A_400 = tpu.memref_slice %arg2[%dma_start3A_398, %dma_start3A_399] : memref<20000x64xf32, #tpu.memory_space<hbm>> -> memref<20000x64xf32, #tpu.memory_space<hbm>>
      tpu.enqueue_indirect_dma source(%dma_start3A_400 : memref<20000x64xf32, #tpu.memory_space<hbm>>) target(%dma_start3A_394 : memref<80x64xf32, #tpu.memory_space<vmem>>) offsets(%dma_start3A_397 : memref<80xi32, #tpu.memory_space<vmem>>) semaphore(%arg17 : memref<!tpu.dma_semaphore, #tpu.memory_space<semaphore_mem>>)
      %add3A_401 = arith.constant 7 : i32
      %add3A_402 = arith.addi %mul3A_309, %add3A_401 : i32
      %dma_start3A_403 = arith.constant 7 : i32
      %dma_start3A_404 = arith.constant 0 : i32
      %dma_start3A_405 = arith.constant 0 : i32
      %dma_start3A_406 = tpu.memref_slice %arg8[%dma_start3A_403, %dma_start3A_404, %dma_start3A_405] : memref<12x80x64xf32, #tpu.memory_space<vmem>> -> memref<1x80x64xf32, #tpu.memory_space<vmem>>
      %dma_start3A_407 = tpu.memref_squeeze %dma_start3A_406 : memref<1x80x64xf32, #tpu.memory_space<vmem>> -> memref<80x64xf32, #tpu.memory_space<vmem>>
      %dma_start3A_408 = arith.constant 0 : i32
      %dma_start3A_409 = tpu.memref_slice %arg6[%add3A_402, %dma_start3A_408] : memref<125x80xi32, #tpu.memory_space<vmem>> -> memref<1x80xi32, #tpu.memory_space<vmem>>
      %dma_start3A_410 = tpu.memref_squeeze %dma_start3A_409 : memref<1x80xi32, #tpu.memory_space<vmem>> -> memref<80xi32, #tpu.memory_space<vmem>>
      %dma_start3A_411 = arith.constant 0 : i32
      %dma_start3A_412 = arith.constant 0 : i32
      %dma_start3A_413 = tpu.memref_slice %arg2[%dma_start3A_411, %dma_start3A_412] : memref<20000x64xf32, #tpu.memory_space<hbm>> -> memref<20000x64xf32, #tpu.memory_space<hbm>>
      tpu.enqueue_indirect_dma source(%dma_start3A_413 : memref<20000x64xf32, #tpu.memory_space<hbm>>) target(%dma_start3A_407 : memref<80x64xf32, #tpu.memory_space<vmem>>) offsets(%dma_start3A_410 : memref<80xi32, #tpu.memory_space<vmem>>) semaphore(%arg18 : memref<!tpu.dma_semaphore, #tpu.memory_space<semaphore_mem>>)
      %add3A_414 = arith.constant 8 : i32
      %add3A_415 = arith.addi %mul3A_309, %add3A_414 : i32
      %dma_start3A_416 = arith.constant 8 : i32
      %dma_start3A_417 = arith.constant 0 : i32
      %dma_start3A_418 = arith.constant 0 : i32
      %dma_start3A_419 = tpu.memref_slice %arg8[%dma_start3A_416, %dma_start3A_417, %dma_start3A_418] : memref<12x80x64xf32, #tpu.memory_space<vmem>> -> memref<1x80x64xf32, #tpu.memory_space<vmem>>
      %dma_start3A_420 = tpu.memref_squeeze %dma_start3A_419 : memref<1x80x64xf32, #tpu.memory_space<vmem>> -> memref<80x64xf32, #tpu.memory_space<vmem>>
      %dma_start3A_421 = arith.constant 0 : i32
      %dma_start3A_422 = tpu.memref_slice %arg6[%add3A_415, %dma_start3A_421] : memref<125x80xi32, #tpu.memory_space<vmem>> -> memref<1x80xi32, #tpu.memory_space<vmem>>
      %dma_start3A_423 = tpu.memref_squeeze %dma_start3A_422 : memref<1x80xi32, #tpu.memory_space<vmem>> -> memref<80xi32, #tpu.memory_space<vmem>>
      %dma_start3A_424 = arith.constant 0 : i32
      %dma_start3A_425 = arith.constant 0 : i32
      %dma_start3A_426 = tpu.memref_slice %arg2[%dma_start3A_424, %dma_start3A_425] : memref<20000x64xf32, #tpu.memory_space<hbm>> -> memref<20000x64xf32, #tpu.memory_space<hbm>>
      tpu.enqueue_indirect_dma source(%dma_start3A_426 : memref<20000x64xf32, #tpu.memory_space<hbm>>) target(%dma_start3A_420 : memref<80x64xf32, #tpu.memory_space<vmem>>) offsets(%dma_start3A_423 : memref<80xi32, #tpu.memory_space<vmem>>) semaphore(%arg19 : memref<!tpu.dma_semaphore, #tpu.memory_space<semaphore_mem>>)
      %add3A_427 = arith.constant 9 : i32
      %add3A_428 = arith.addi %mul3A_309, %add3A_427 : i32
      %dma_start3A_429 = arith.constant 9 : i32
      %dma_start3A_430 = arith.constant 0 : i32
      %dma_start3A_431 = arith.constant 0 : i32
      %dma_start3A_432 = tpu.memref_slice %arg8[%dma_start3A_429, %dma_start3A_430, %dma_start3A_431] : memref<12x80x64xf32, #tpu.memory_space<vmem>> -> memref<1x80x64xf32, #tpu.memory_space<vmem>>
      %dma_start3A_433 = tpu.memref_squeeze %dma_start3A_432 : memref<1x80x64xf32, #tpu.memory_space<vmem>> -> memref<80x64xf32, #tpu.memory_space<vmem>>
      %dma_start3A_434 = arith.constant 0 : i32
      %dma_start3A_435 = tpu.memref_slice %arg6[%add3A_428, %dma_start3A_434] : memref<125x80xi32, #tpu.memory_space<vmem>> -> memref<1x80xi32, #tpu.memory_space<vmem>>
      %dma_start3A_436 = tpu.memref_squeeze %dma_start3A_435 : memref<1x80xi32, #tpu.memory_space<vmem>> -> memref<80xi32, #tpu.memory_space<vmem>>
      %dma_start3A_437 = arith.constant 0 : i32
      %dma_start3A_438 = arith.constant 0 : i32
      %dma_start3A_439 = tpu.memref_slice %arg2[%dma_start3A_437, %dma_start3A_438] : memref<20000x64xf32, #tpu.memory_space<hbm>> -> memref<20000x64xf32, #tpu.memory_space<hbm>>
      tpu.enqueue_indirect_dma source(%dma_start3A_439 : memref<20000x64xf32, #tpu.memory_space<hbm>>) target(%dma_start3A_433 : memref<80x64xf32, #tpu.memory_space<vmem>>) offsets(%dma_start3A_436 : memref<80xi32, #tpu.memory_space<vmem>>) semaphore(%arg20 : memref<!tpu.dma_semaphore, #tpu.memory_space<semaphore_mem>>)
      %add3A_440 = arith.constant 10 : i32
      %add3A_441 = arith.addi %mul3A_309, %add3A_440 : i32
      %dma_start3A_442 = arith.constant 10 : i32
      %dma_start3A_443 = arith.constant 0 : i32
      %dma_start3A_444 = arith.constant 0 : i32
      %dma_start3A_445 = tpu.memref_slice %arg8[%dma_start3A_442, %dma_start3A_443, %dma_start3A_444] : memref<12x80x64xf32, #tpu.memory_space<vmem>> -> memref<1x80x64xf32, #tpu.memory_space<vmem>>
      %dma_start3A_446 = tpu.memref_squeeze %dma_start3A_445 : memref<1x80x64xf32, #tpu.memory_space<vmem>> -> memref<80x64xf32, #tpu.memory_space<vmem>>
      %dma_start3A_447 = arith.constant 0 : i32
      %dma_start3A_448 = tpu.memref_slice %arg6[%add3A_441, %dma_start3A_447] : memref<125x80xi32, #tpu.memory_space<vmem>> -> memref<1x80xi32, #tpu.memory_space<vmem>>
      %dma_start3A_449 = tpu.memref_squeeze %dma_start3A_448 : memref<1x80xi32, #tpu.memory_space<vmem>> -> memref<80xi32, #tpu.memory_space<vmem>>
      %dma_start3A_450 = arith.constant 0 : i32
      %dma_start3A_451 = arith.constant 0 : i32
      %dma_start3A_452 = tpu.memref_slice %arg2[%dma_start3A_450, %dma_start3A_451] : memref<20000x64xf32, #tpu.memory_space<hbm>> -> memref<20000x64xf32, #tpu.memory_space<hbm>>
      tpu.enqueue_indirect_dma source(%dma_start3A_452 : memref<20000x64xf32, #tpu.memory_space<hbm>>) target(%dma_start3A_446 : memref<80x64xf32, #tpu.memory_space<vmem>>) offsets(%dma_start3A_449 : memref<80xi32, #tpu.memory_space<vmem>>) semaphore(%arg21 : memref<!tpu.dma_semaphore, #tpu.memory_space<semaphore_mem>>)
      %add3A_453 = arith.constant 11 : i32
      %add3A_454 = arith.addi %mul3A_309, %add3A_453 : i32
      %dma_start3A_455 = arith.constant 11 : i32
      %dma_start3A_456 = arith.constant 0 : i32
      %dma_start3A_457 = arith.constant 0 : i32
      %dma_start3A_458 = tpu.memref_slice %arg8[%dma_start3A_455, %dma_start3A_456, %dma_start3A_457] : memref<12x80x64xf32, #tpu.memory_space<vmem>> -> memref<1x80x64xf32, #tpu.memory_space<vmem>>
      %dma_start3A_459 = tpu.memref_squeeze %dma_start3A_458 : memref<1x80x64xf32, #tpu.memory_space<vmem>> -> memref<80x64xf32, #tpu.memory_space<vmem>>
      %dma_start3A_460 = arith.constant 0 : i32
      %dma_start3A_461 = tpu.memref_slice %arg6[%add3A_454, %dma_start3A_460] : memref<125x80xi32, #tpu.memory_space<vmem>> -> memref<1x80xi32, #tpu.memory_space<vmem>>
      %dma_start3A_462 = tpu.memref_squeeze %dma_start3A_461 : memref<1x80xi32, #tpu.memory_space<vmem>> -> memref<80xi32, #tpu.memory_space<vmem>>
      %dma_start3A_463 = arith.constant 0 : i32
      %dma_start3A_464 = arith.constant 0 : i32
      %dma_start3A_465 = tpu.memref_slice %arg2[%dma_start3A_463, %dma_start3A_464] : memref<20000x64xf32, #tpu.memory_space<hbm>> -> memref<20000x64xf32, #tpu.memory_space<hbm>>
      tpu.enqueue_indirect_dma source(%dma_start3A_465 : memref<20000x64xf32, #tpu.memory_space<hbm>>) target(%dma_start3A_459 : memref<80x64xf32, #tpu.memory_space<vmem>>) offsets(%dma_start3A_462 : memref<80xi32, #tpu.memory_space<vmem>>) semaphore(%arg22 : memref<!tpu.dma_semaphore, #tpu.memory_space<semaphore_mem>>)
      %dma_wait3A_466 = arith.constant 0 : i32
      %dma_wait3A_467 = arith.constant 0 : i32
      %dma_wait3A_468 = arith.constant 0 : i32
      %dma_wait3A_469 = tpu.memref_slice %arg8[%dma_wait3A_466, %dma_wait3A_467, %dma_wait3A_468] : memref<12x80x64xf32, #tpu.memory_space<vmem>> -> memref<1x80x64xf32, #tpu.memory_space<vmem>>
      %dma_wait3A_470 = tpu.memref_squeeze %dma_wait3A_469 : memref<1x80x64xf32, #tpu.memory_space<vmem>> -> memref<80x64xf32, #tpu.memory_space<vmem>>
      %dma_wait3A_471 = arith.constant 0 : i32
      %dma_wait3A_472 = tpu.memref_slice %arg6[%add3A_311, %dma_wait3A_471] : memref<125x80xi32, #tpu.memory_space<vmem>> -> memref<1x80xi32, #tpu.memory_space<vmem>>
      %dma_wait3A_473 = tpu.memref_squeeze %dma_wait3A_472 : memref<1x80xi32, #tpu.memory_space<vmem>> -> memref<80xi32, #tpu.memory_space<vmem>>
      %dma_wait3A_474 = arith.constant 0 : i32
      %dma_wait3A_475 = arith.constant 0 : i32
      %dma_wait3A_476 = tpu.memref_slice %arg2[%dma_wait3A_474, %dma_wait3A_475] : memref<20000x64xf32, #tpu.memory_space<hbm>> -> memref<20000x64xf32, #tpu.memory_space<hbm>>
      tpu.wait_indirect_dma semaphore(%arg11 : memref<!tpu.dma_semaphore, #tpu.memory_space<semaphore_mem>>) src(%dma_wait3A_476 : memref<20000x64xf32, #tpu.memory_space<hbm>>) dst(%dma_wait3A_470 : memref<80x64xf32, #tpu.memory_space<vmem>>)
      %add3A_477 = arith.constant 0 : i32
      %add3A_478 = arith.addi %mul3A_309, %add3A_477 : i32
      %dma_start3A_479 = arith.constant 0 : i32
      %dma_start3A_480 = arith.constant 0 : i32
      %dma_start3A_481 = arith.constant 0 : i32
      %dma_start3A_482 = tpu.memref_slice %arg8[%dma_start3A_479, %dma_start3A_480, %dma_start3A_481] : memref<12x80x64xf32, #tpu.memory_space<vmem>> -> memref<1x80x64xf32, #tpu.memory_space<vmem>>
      %dma_start3A_483 = tpu.memref_squeeze %dma_start3A_482 : memref<1x80x64xf32, #tpu.memory_space<vmem>> -> memref<80x64xf32, #tpu.memory_space<vmem>>
      %dma_start3A_484 = arith.constant 0 : i32
      %dma_start3A_485 = tpu.memref_slice %arg7[%add3A_478, %dma_start3A_484] : memref<125x80xi32, #tpu.memory_space<vmem>> -> memref<1x80xi32, #tpu.memory_space<vmem>>
      %dma_start3A_486 = tpu.memref_squeeze %dma_start3A_485 : memref<1x80xi32, #tpu.memory_space<vmem>> -> memref<80xi32, #tpu.memory_space<vmem>>
      %dma_start3A_487 = arith.constant 0 : i32
      %dma_start3A_488 = arith.constant 0 : i32
      %dma_start3A_489 = tpu.memref_slice %arg10[%dma_start3A_487, %dma_start3A_488] : memref<10000x64xf32, #tpu.memory_space<vmem_shared>> -> memref<10000x64xf32, #tpu.memory_space<vmem_shared>>
      tpu.enqueue_indirect_dma source(%dma_start3A_483 : memref<80x64xf32, #tpu.memory_space<vmem>>) target(%dma_start3A_489 : memref<10000x64xf32, #tpu.memory_space<vmem_shared>>) offsets(%dma_start3A_486 : memref<80xi32, #tpu.memory_space<vmem>>) semaphore(%arg23 : memref<!tpu.dma_semaphore, #tpu.memory_space<semaphore_mem>>) {add = true}
      %dma_wait3A_490 = arith.constant 1 : i32
      %dma_wait3A_491 = arith.constant 0 : i32
      %dma_wait3A_492 = arith.constant 0 : i32
      %dma_wait3A_493 = tpu.memref_slice %arg8[%dma_wait3A_490, %dma_wait3A_491, %dma_wait3A_492] : memref<12x80x64xf32, #tpu.memory_space<vmem>> -> memref<1x80x64xf32, #tpu.memory_space<vmem>>
      %dma_wait3A_494 = tpu.memref_squeeze %dma_wait3A_493 : memref<1x80x64xf32, #tpu.memory_space<vmem>> -> memref<80x64xf32, #tpu.memory_space<vmem>>
      %dma_wait3A_495 = arith.constant 0 : i32
      %dma_wait3A_496 = tpu.memref_slice %arg6[%add3A_324, %dma_wait3A_495] : memref<125x80xi32, #tpu.memory_space<vmem>> -> memref<1x80xi32, #tpu.memory_space<vmem>>
      %dma_wait3A_497 = tpu.memref_squeeze %dma_wait3A_496 : memref<1x80xi32, #tpu.memory_space<vmem>> -> memref<80xi32, #tpu.memory_space<vmem>>
      %dma_wait3A_498 = arith.constant 0 : i32
      %dma_wait3A_499 = arith.constant 0 : i32
      %dma_wait3A_500 = tpu.memref_slice %arg2[%dma_wait3A_498, %dma_wait3A_499] : memref<20000x64xf32, #tpu.memory_space<hbm>> -> memref<20000x64xf32, #tpu.memory_space<hbm>>
      tpu.wait_indirect_dma semaphore(%arg12 : memref<!tpu.dma_semaphore, #tpu.memory_space<semaphore_mem>>) src(%dma_wait3A_500 : memref<20000x64xf32, #tpu.memory_space<hbm>>) dst(%dma_wait3A_494 : memref<80x64xf32, #tpu.memory_space<vmem>>)
      %add3A_501 = arith.constant 1 : i32
      %add3A_502 = arith.addi %mul3A_309, %add3A_501 : i32
      %dma_start3A_503 = arith.constant 1 : i32
      %dma_start3A_504 = arith.constant 0 : i32
      %dma_start3A_505 = arith.constant 0 : i32
      %dma_start3A_506 = tpu.memref_slice %arg8[%dma_start3A_503, %dma_start3A_504, %dma_start3A_505] : memref<12x80x64xf32, #tpu.memory_space<vmem>> -> memref<1x80x64xf32, #tpu.memory_space<vmem>>
      %dma_start3A_507 = tpu.memref_squeeze %dma_start3A_506 : memref<1x80x64xf32, #tpu.memory_space<vmem>> -> memref<80x64xf32, #tpu.memory_space<vmem>>
      %dma_start3A_508 = arith.constant 0 : i32
      %dma_start3A_509 = tpu.memref_slice %arg7[%add3A_502, %dma_start3A_508] : memref<125x80xi32, #tpu.memory_space<vmem>> -> memref<1x80xi32, #tpu.memory_space<vmem>>
      %dma_start3A_510 = tpu.memref_squeeze %dma_start3A_509 : memref<1x80xi32, #tpu.memory_space<vmem>> -> memref<80xi32, #tpu.memory_space<vmem>>
      %dma_start3A_511 = arith.constant 0 : i32
      %dma_start3A_512 = arith.constant 0 : i32
      %dma_start3A_513 = tpu.memref_slice %arg10[%dma_start3A_511, %dma_start3A_512] : memref<10000x64xf32, #tpu.memory_space<vmem_shared>> -> memref<10000x64xf32, #tpu.memory_space<vmem_shared>>
      tpu.enqueue_indirect_dma source(%dma_start3A_507 : memref<80x64xf32, #tpu.memory_space<vmem>>) target(%dma_start3A_513 : memref<10000x64xf32, #tpu.memory_space<vmem_shared>>) offsets(%dma_start3A_510 : memref<80xi32, #tpu.memory_space<vmem>>) semaphore(%arg24 : memref<!tpu.dma_semaphore, #tpu.memory_space<semaphore_mem>>) {add = true}
      %dma_wait3A_514 = arith.constant 2 : i32
      %dma_wait3A_515 = arith.constant 0 : i32
      %dma_wait3A_516 = arith.constant 0 : i32
      %dma_wait3A_517 = tpu.memref_slice %arg8[%dma_wait3A_514, %dma_wait3A_515, %dma_wait3A_516] : memref<12x80x64xf32, #tpu.memory_space<vmem>> -> memref<1x80x64xf32, #tpu.memory_space<vmem>>
      %dma_wait3A_518 = tpu.memref_squeeze %dma_wait3A_517 : memref<1x80x64xf32, #tpu.memory_space<vmem>> -> memref<80x64xf32, #tpu.memory_space<vmem>>
      %dma_wait3A_519 = arith.constant 0 : i32
      %dma_wait3A_520 = tpu.memref_slice %arg6[%add3A_337, %dma_wait3A_519] : memref<125x80xi32, #tpu.memory_space<vmem>> -> memref<1x80xi32, #tpu.memory_space<vmem>>
      %dma_wait3A_521 = tpu.memref_squeeze %dma_wait3A_520 : memref<1x80xi32, #tpu.memory_space<vmem>> -> memref<80xi32, #tpu.memory_space<vmem>>
      %dma_wait3A_522 = arith.constant 0 : i32
      %dma_wait3A_523 = arith.constant 0 : i32
      %dma_wait3A_524 = tpu.memref_slice %arg2[%dma_wait3A_522, %dma_wait3A_523] : memref<20000x64xf32, #tpu.memory_space<hbm>> -> memref<20000x64xf32, #tpu.memory_space<hbm>>
      tpu.wait_indirect_dma semaphore(%arg13 : memref<!tpu.dma_semaphore, #tpu.memory_space<semaphore_mem>>) src(%dma_wait3A_524 : memref<20000x64xf32, #tpu.memory_space<hbm>>) dst(%dma_wait3A_518 : memref<80x64xf32, #tpu.memory_space<vmem>>)
      %add3A_525 = arith.constant 2 : i32
      %add3A_526 = arith.addi %mul3A_309, %add3A_525 : i32
      %dma_start3A_527 = arith.constant 2 : i32
      %dma_start3A_528 = arith.constant 0 : i32
      %dma_start3A_529 = arith.constant 0 : i32
      %dma_start3A_530 = tpu.memref_slice %arg8[%dma_start3A_527, %dma_start3A_528, %dma_start3A_529] : memref<12x80x64xf32, #tpu.memory_space<vmem>> -> memref<1x80x64xf32, #tpu.memory_space<vmem>>
      %dma_start3A_531 = tpu.memref_squeeze %dma_start3A_530 : memref<1x80x64xf32, #tpu.memory_space<vmem>> -> memref<80x64xf32, #tpu.memory_space<vmem>>
      %dma_start3A_532 = arith.constant 0 : i32
      %dma_start3A_533 = tpu.memref_slice %arg7[%add3A_526, %dma_start3A_532] : memref<125x80xi32, #tpu.memory_space<vmem>> -> memref<1x80xi32, #tpu.memory_space<vmem>>
      %dma_start3A_534 = tpu.memref_squeeze %dma_start3A_533 : memref<1x80xi32, #tpu.memory_space<vmem>> -> memref<80xi32, #tpu.memory_space<vmem>>
      %dma_start3A_535 = arith.constant 0 : i32
      %dma_start3A_536 = arith.constant 0 : i32
      %dma_start3A_537 = tpu.memref_slice %arg10[%dma_start3A_535, %dma_start3A_536] : memref<10000x64xf32, #tpu.memory_space<vmem_shared>> -> memref<10000x64xf32, #tpu.memory_space<vmem_shared>>
      tpu.enqueue_indirect_dma source(%dma_start3A_531 : memref<80x64xf32, #tpu.memory_space<vmem>>) target(%dma_start3A_537 : memref<10000x64xf32, #tpu.memory_space<vmem_shared>>) offsets(%dma_start3A_534 : memref<80xi32, #tpu.memory_space<vmem>>) semaphore(%arg25 : memref<!tpu.dma_semaphore, #tpu.memory_space<semaphore_mem>>) {add = true}
      %dma_wait3A_538 = arith.constant 3 : i32
      %dma_wait3A_539 = arith.constant 0 : i32
      %dma_wait3A_540 = arith.constant 0 : i32
      %dma_wait3A_541 = tpu.memref_slice %arg8[%dma_wait3A_538, %dma_wait3A_539, %dma_wait3A_540] : memref<12x80x64xf32, #tpu.memory_space<vmem>> -> memref<1x80x64xf32, #tpu.memory_space<vmem>>
      %dma_wait3A_542 = tpu.memref_squeeze %dma_wait3A_541 : memref<1x80x64xf32, #tpu.memory_space<vmem>> -> memref<80x64xf32, #tpu.memory_space<vmem>>
      %dma_wait3A_543 = arith.constant 0 : i32
      %dma_wait3A_544 = tpu.memref_slice %arg6[%add3A_350, %dma_wait3A_543] : memref<125x80xi32, #tpu.memory_space<vmem>> -> memref<1x80xi32, #tpu.memory_space<vmem>>
      %dma_wait3A_545 = tpu.memref_squeeze %dma_wait3A_544 : memref<1x80xi32, #tpu.memory_space<vmem>> -> memref<80xi32, #tpu.memory_space<vmem>>
      %dma_wait3A_546 = arith.constant 0 : i32
      %dma_wait3A_547 = arith.constant 0 : i32
      %dma_wait3A_548 = tpu.memref_slice %arg2[%dma_wait3A_546, %dma_wait3A_547] : memref<20000x64xf32, #tpu.memory_space<hbm>> -> memref<20000x64xf32, #tpu.memory_space<hbm>>
      tpu.wait_indirect_dma semaphore(%arg14 : memref<!tpu.dma_semaphore, #tpu.memory_space<semaphore_mem>>) src(%dma_wait3A_548 : memref<20000x64xf32, #tpu.memory_space<hbm>>) dst(%dma_wait3A_542 : memref<80x64xf32, #tpu.memory_space<vmem>>)
      %add3A_549 = arith.constant 3 : i32
      %add3A_550 = arith.addi %mul3A_309, %add3A_549 : i32
      %dma_start3A_551 = arith.constant 3 : i32
      %dma_start3A_552 = arith.constant 0 : i32
      %dma_start3A_553 = arith.constant 0 : i32
      %dma_start3A_554 = tpu.memref_slice %arg8[%dma_start3A_551, %dma_start3A_552, %dma_start3A_553] : memref<12x80x64xf32, #tpu.memory_space<vmem>> -> memref<1x80x64xf32, #tpu.memory_space<vmem>>
      %dma_start3A_555 = tpu.memref_squeeze %dma_start3A_554 : memref<1x80x64xf32, #tpu.memory_space<vmem>> -> memref<80x64xf32, #tpu.memory_space<vmem>>
      %dma_start3A_556 = arith.constant 0 : i32
      %dma_start3A_557 = tpu.memref_slice %arg7[%add3A_550, %dma_start3A_556] : memref<125x80xi32, #tpu.memory_space<vmem>> -> memref<1x80xi32, #tpu.memory_space<vmem>>
      %dma_start3A_558 = tpu.memref_squeeze %dma_start3A_557 : memref<1x80xi32, #tpu.memory_space<vmem>> -> memref<80xi32, #tpu.memory_space<vmem>>
      %dma_start3A_559 = arith.constant 0 : i32
      %dma_start3A_560 = arith.constant 0 : i32
      %dma_start3A_561 = tpu.memref_slice %arg10[%dma_start3A_559, %dma_start3A_560] : memref<10000x64xf32, #tpu.memory_space<vmem_shared>> -> memref<10000x64xf32, #tpu.memory_space<vmem_shared>>
      tpu.enqueue_indirect_dma source(%dma_start3A_555 : memref<80x64xf32, #tpu.memory_space<vmem>>) target(%dma_start3A_561 : memref<10000x64xf32, #tpu.memory_space<vmem_shared>>) offsets(%dma_start3A_558 : memref<80xi32, #tpu.memory_space<vmem>>) semaphore(%arg26 : memref<!tpu.dma_semaphore, #tpu.memory_space<semaphore_mem>>) {add = true}
      %dma_wait3A_562 = arith.constant 4 : i32
      %dma_wait3A_563 = arith.constant 0 : i32
      %dma_wait3A_564 = arith.constant 0 : i32
      %dma_wait3A_565 = tpu.memref_slice %arg8[%dma_wait3A_562, %dma_wait3A_563, %dma_wait3A_564] : memref<12x80x64xf32, #tpu.memory_space<vmem>> -> memref<1x80x64xf32, #tpu.memory_space<vmem>>
      %dma_wait3A_566 = tpu.memref_squeeze %dma_wait3A_565 : memref<1x80x64xf32, #tpu.memory_space<vmem>> -> memref<80x64xf32, #tpu.memory_space<vmem>>
      %dma_wait3A_567 = arith.constant 0 : i32
      %dma_wait3A_568 = tpu.memref_slice %arg6[%add3A_363, %dma_wait3A_567] : memref<125x80xi32, #tpu.memory_space<vmem>> -> memref<1x80xi32, #tpu.memory_space<vmem>>
      %dma_wait3A_569 = tpu.memref_squeeze %dma_wait3A_568 : memref<1x80xi32, #tpu.memory_space<vmem>> -> memref<80xi32, #tpu.memory_space<vmem>>
      %dma_wait3A_570 = arith.constant 0 : i32
      %dma_wait3A_571 = arith.constant 0 : i32
      %dma_wait3A_572 = tpu.memref_slice %arg2[%dma_wait3A_570, %dma_wait3A_571] : memref<20000x64xf32, #tpu.memory_space<hbm>> -> memref<20000x64xf32, #tpu.memory_space<hbm>>
      tpu.wait_indirect_dma semaphore(%arg15 : memref<!tpu.dma_semaphore, #tpu.memory_space<semaphore_mem>>) src(%dma_wait3A_572 : memref<20000x64xf32, #tpu.memory_space<hbm>>) dst(%dma_wait3A_566 : memref<80x64xf32, #tpu.memory_space<vmem>>)
      %add3A_573 = arith.constant 4 : i32
      %add3A_574 = arith.addi %mul3A_309, %add3A_573 : i32
      %dma_start3A_575 = arith.constant 4 : i32
      %dma_start3A_576 = arith.constant 0 : i32
      %dma_start3A_577 = arith.constant 0 : i32
      %dma_start3A_578 = tpu.memref_slice %arg8[%dma_start3A_575, %dma_start3A_576, %dma_start3A_577] : memref<12x80x64xf32, #tpu.memory_space<vmem>> -> memref<1x80x64xf32, #tpu.memory_space<vmem>>
      %dma_start3A_579 = tpu.memref_squeeze %dma_start3A_578 : memref<1x80x64xf32, #tpu.memory_space<vmem>> -> memref<80x64xf32, #tpu.memory_space<vmem>>
      %dma_start3A_580 = arith.constant 0 : i32
      %dma_start3A_581 = tpu.memref_slice %arg7[%add3A_574, %dma_start3A_580] : memref<125x80xi32, #tpu.memory_space<vmem>> -> memref<1x80xi32, #tpu.memory_space<vmem>>
      %dma_start3A_582 = tpu.memref_squeeze %dma_start3A_581 : memref<1x80xi32, #tpu.memory_space<vmem>> -> memref<80xi32, #tpu.memory_space<vmem>>
      %dma_start3A_583 = arith.constant 0 : i32
      %dma_start3A_584 = arith.constant 0 : i32
      %dma_start3A_585 = tpu.memref_slice %arg10[%dma_start3A_583, %dma_start3A_584] : memref<10000x64xf32, #tpu.memory_space<vmem_shared>> -> memref<10000x64xf32, #tpu.memory_space<vmem_shared>>
      tpu.enqueue_indirect_dma source(%dma_start3A_579 : memref<80x64xf32, #tpu.memory_space<vmem>>) target(%dma_start3A_585 : memref<10000x64xf32, #tpu.memory_space<vmem_shared>>) offsets(%dma_start3A_582 : memref<80xi32, #tpu.memory_space<vmem>>) semaphore(%arg27 : memref<!tpu.dma_semaphore, #tpu.memory_space<semaphore_mem>>) {add = true}
      %dma_wait3A_586 = arith.constant 5 : i32
      %dma_wait3A_587 = arith.constant 0 : i32
      %dma_wait3A_588 = arith.constant 0 : i32
      %dma_wait3A_589 = tpu.memref_slice %arg8[%dma_wait3A_586, %dma_wait3A_587, %dma_wait3A_588] : memref<12x80x64xf32, #tpu.memory_space<vmem>> -> memref<1x80x64xf32, #tpu.memory_space<vmem>>
      %dma_wait3A_590 = tpu.memref_squeeze %dma_wait3A_589 : memref<1x80x64xf32, #tpu.memory_space<vmem>> -> memref<80x64xf32, #tpu.memory_space<vmem>>
      %dma_wait3A_591 = arith.constant 0 : i32
      %dma_wait3A_592 = tpu.memref_slice %arg6[%add3A_376, %dma_wait3A_591] : memref<125x80xi32, #tpu.memory_space<vmem>> -> memref<1x80xi32, #tpu.memory_space<vmem>>
      %dma_wait3A_593 = tpu.memref_squeeze %dma_wait3A_592 : memref<1x80xi32, #tpu.memory_space<vmem>> -> memref<80xi32, #tpu.memory_space<vmem>>
      %dma_wait3A_594 = arith.constant 0 : i32
      %dma_wait3A_595 = arith.constant 0 : i32
      %dma_wait3A_596 = tpu.memref_slice %arg2[%dma_wait3A_594, %dma_wait3A_595] : memref<20000x64xf32, #tpu.memory_space<hbm>> -> memref<20000x64xf32, #tpu.memory_space<hbm>>
      tpu.wait_indirect_dma semaphore(%arg16 : memref<!tpu.dma_semaphore, #tpu.memory_space<semaphore_mem>>) src(%dma_wait3A_596 : memref<20000x64xf32, #tpu.memory_space<hbm>>) dst(%dma_wait3A_590 : memref<80x64xf32, #tpu.memory_space<vmem>>)
      %add3A_597 = arith.constant 5 : i32
      %add3A_598 = arith.addi %mul3A_309, %add3A_597 : i32
      %dma_start3A_599 = arith.constant 5 : i32
      %dma_start3A_600 = arith.constant 0 : i32
      %dma_start3A_601 = arith.constant 0 : i32
      %dma_start3A_602 = tpu.memref_slice %arg8[%dma_start3A_599, %dma_start3A_600, %dma_start3A_601] : memref<12x80x64xf32, #tpu.memory_space<vmem>> -> memref<1x80x64xf32, #tpu.memory_space<vmem>>
      %dma_start3A_603 = tpu.memref_squeeze %dma_start3A_602 : memref<1x80x64xf32, #tpu.memory_space<vmem>> -> memref<80x64xf32, #tpu.memory_space<vmem>>
      %dma_start3A_604 = arith.constant 0 : i32
      %dma_start3A_605 = tpu.memref_slice %arg7[%add3A_598, %dma_start3A_604] : memref<125x80xi32, #tpu.memory_space<vmem>> -> memref<1x80xi32, #tpu.memory_space<vmem>>
      %dma_start3A_606 = tpu.memref_squeeze %dma_start3A_605 : memref<1x80xi32, #tpu.memory_space<vmem>> -> memref<80xi32, #tpu.memory_space<vmem>>
      %dma_start3A_607 = arith.constant 0 : i32
      %dma_start3A_608 = arith.constant 0 : i32
      %dma_start3A_609 = tpu.memref_slice %arg10[%dma_start3A_607, %dma_start3A_608] : memref<10000x64xf32, #tpu.memory_space<vmem_shared>> -> memref<10000x64xf32, #tpu.memory_space<vmem_shared>>
      tpu.enqueue_indirect_dma source(%dma_start3A_603 : memref<80x64xf32, #tpu.memory_space<vmem>>) target(%dma_start3A_609 : memref<10000x64xf32, #tpu.memory_space<vmem_shared>>) offsets(%dma_start3A_606 : memref<80xi32, #tpu.memory_space<vmem>>) semaphore(%arg28 : memref<!tpu.dma_semaphore, #tpu.memory_space<semaphore_mem>>) {add = true}
      %dma_wait3A_610 = arith.constant 6 : i32
      %dma_wait3A_611 = arith.constant 0 : i32
      %dma_wait3A_612 = arith.constant 0 : i32
      %dma_wait3A_613 = tpu.memref_slice %arg8[%dma_wait3A_610, %dma_wait3A_611, %dma_wait3A_612] : memref<12x80x64xf32, #tpu.memory_space<vmem>> -> memref<1x80x64xf32, #tpu.memory_space<vmem>>
      %dma_wait3A_614 = tpu.memref_squeeze %dma_wait3A_613 : memref<1x80x64xf32, #tpu.memory_space<vmem>> -> memref<80x64xf32, #tpu.memory_space<vmem>>
      %dma_wait3A_615 = arith.constant 0 : i32
      %dma_wait3A_616 = tpu.memref_slice %arg6[%add3A_389, %dma_wait3A_615] : memref<125x80xi32, #tpu.memory_space<vmem>> -> memref<1x80xi32, #tpu.memory_space<vmem>>
      %dma_wait3A_617 = tpu.memref_squeeze %dma_wait3A_616 : memref<1x80xi32, #tpu.memory_space<vmem>> -> memref<80xi32, #tpu.memory_space<vmem>>
      %dma_wait3A_618 = arith.constant 0 : i32
      %dma_wait3A_619 = arith.constant 0 : i32
      %dma_wait3A_620 = tpu.memref_slice %arg2[%dma_wait3A_618, %dma_wait3A_619] : memref<20000x64xf32, #tpu.memory_space<hbm>> -> memref<20000x64xf32, #tpu.memory_space<hbm>>
      tpu.wait_indirect_dma semaphore(%arg17 : memref<!tpu.dma_semaphore, #tpu.memory_space<semaphore_mem>>) src(%dma_wait3A_620 : memref<20000x64xf32, #tpu.memory_space<hbm>>) dst(%dma_wait3A_614 : memref<80x64xf32, #tpu.memory_space<vmem>>)
      %add3A_621 = arith.constant 6 : i32
      %add3A_622 = arith.addi %mul3A_309, %add3A_621 : i32
      %dma_start3A_623 = arith.constant 6 : i32
      %dma_start3A_624 = arith.constant 0 : i32
      %dma_start3A_625 = arith.constant 0 : i32
      %dma_start3A_626 = tpu.memref_slice %arg8[%dma_start3A_623, %dma_start3A_624, %dma_start3A_625] : memref<12x80x64xf32, #tpu.memory_space<vmem>> -> memref<1x80x64xf32, #tpu.memory_space<vmem>>
      %dma_start3A_627 = tpu.memref_squeeze %dma_start3A_626 : memref<1x80x64xf32, #tpu.memory_space<vmem>> -> memref<80x64xf32, #tpu.memory_space<vmem>>
      %dma_start3A_628 = arith.constant 0 : i32
      %dma_start3A_629 = tpu.memref_slice %arg7[%add3A_622, %dma_start3A_628] : memref<125x80xi32, #tpu.memory_space<vmem>> -> memref<1x80xi32, #tpu.memory_space<vmem>>
      %dma_start3A_630 = tpu.memref_squeeze %dma_start3A_629 : memref<1x80xi32, #tpu.memory_space<vmem>> -> memref<80xi32, #tpu.memory_space<vmem>>
      %dma_start3A_631 = arith.constant 0 : i32
      %dma_start3A_632 = arith.constant 0 : i32
      %dma_start3A_633 = tpu.memref_slice %arg10[%dma_start3A_631, %dma_start3A_632] : memref<10000x64xf32, #tpu.memory_space<vmem_shared>> -> memref<10000x64xf32, #tpu.memory_space<vmem_shared>>
      tpu.enqueue_indirect_dma source(%dma_start3A_627 : memref<80x64xf32, #tpu.memory_space<vmem>>) target(%dma_start3A_633 : memref<10000x64xf32, #tpu.memory_space<vmem_shared>>) offsets(%dma_start3A_630 : memref<80xi32, #tpu.memory_space<vmem>>) semaphore(%arg29 : memref<!tpu.dma_semaphore, #tpu.memory_space<semaphore_mem>>) {add = true}
      %dma_wait3A_634 = arith.constant 7 : i32
      %dma_wait3A_635 = arith.constant 0 : i32
      %dma_wait3A_636 = arith.constant 0 : i32
      %dma_wait3A_637 = tpu.memref_slice %arg8[%dma_wait3A_634, %dma_wait3A_635, %dma_wait3A_636] : memref<12x80x64xf32, #tpu.memory_space<vmem>> -> memref<1x80x64xf32, #tpu.memory_space<vmem>>
      %dma_wait3A_638 = tpu.memref_squeeze %dma_wait3A_637 : memref<1x80x64xf32, #tpu.memory_space<vmem>> -> memref<80x64xf32, #tpu.memory_space<vmem>>
      %dma_wait3A_639 = arith.constant 0 : i32
      %dma_wait3A_640 = tpu.memref_slice %arg6[%add3A_402, %dma_wait3A_639] : memref<125x80xi32, #tpu.memory_space<vmem>> -> memref<1x80xi32, #tpu.memory_space<vmem>>
      %dma_wait3A_641 = tpu.memref_squeeze %dma_wait3A_640 : memref<1x80xi32, #tpu.memory_space<vmem>> -> memref<80xi32, #tpu.memory_space<vmem>>
      %dma_wait3A_642 = arith.constant 0 : i32
      %dma_wait3A_643 = arith.constant 0 : i32
      %dma_wait3A_644 = tpu.memref_slice %arg2[%dma_wait3A_642, %dma_wait3A_643] : memref<20000x64xf32, #tpu.memory_space<hbm>> -> memref<20000x64xf32, #tpu.memory_space<hbm>>
      tpu.wait_indirect_dma semaphore(%arg18 : memref<!tpu.dma_semaphore, #tpu.memory_space<semaphore_mem>>) src(%dma_wait3A_644 : memref<20000x64xf32, #tpu.memory_space<hbm>>) dst(%dma_wait3A_638 : memref<80x64xf32, #tpu.memory_space<vmem>>)
      %add3A_645 = arith.constant 7 : i32
      %add3A_646 = arith.addi %mul3A_309, %add3A_645 : i32
      %dma_start3A_647 = arith.constant 7 : i32
      %dma_start3A_648 = arith.constant 0 : i32
      %dma_start3A_649 = arith.constant 0 : i32
      %dma_start3A_650 = tpu.memref_slice %arg8[%dma_start3A_647, %dma_start3A_648, %dma_start3A_649] : memref<12x80x64xf32, #tpu.memory_space<vmem>> -> memref<1x80x64xf32, #tpu.memory_space<vmem>>
      %dma_start3A_651 = tpu.memref_squeeze %dma_start3A_650 : memref<1x80x64xf32, #tpu.memory_space<vmem>> -> memref<80x64xf32, #tpu.memory_space<vmem>>
      %dma_start3A_652 = arith.constant 0 : i32
      %dma_start3A_653 = tpu.memref_slice %arg7[%add3A_646, %dma_start3A_652] : memref<125x80xi32, #tpu.memory_space<vmem>> -> memref<1x80xi32, #tpu.memory_space<vmem>>
      %dma_start3A_654 = tpu.memref_squeeze %dma_start3A_653 : memref<1x80xi32, #tpu.memory_space<vmem>> -> memref<80xi32, #tpu.memory_space<vmem>>
      %dma_start3A_655 = arith.constant 0 : i32
      %dma_start3A_656 = arith.constant 0 : i32
      %dma_start3A_657 = tpu.memref_slice %arg10[%dma_start3A_655, %dma_start3A_656] : memref<10000x64xf32, #tpu.memory_space<vmem_shared>> -> memref<10000x64xf32, #tpu.memory_space<vmem_shared>>
      tpu.enqueue_indirect_dma source(%dma_start3A_651 : memref<80x64xf32, #tpu.memory_space<vmem>>) target(%dma_start3A_657 : memref<10000x64xf32, #tpu.memory_space<vmem_shared>>) offsets(%dma_start3A_654 : memref<80xi32, #tpu.memory_space<vmem>>) semaphore(%arg30 : memref<!tpu.dma_semaphore, #tpu.memory_space<semaphore_mem>>) {add = true}
      %dma_wait3A_658 = arith.constant 8 : i32
      %dma_wait3A_659 = arith.constant 0 : i32
      %dma_wait3A_660 = arith.constant 0 : i32
      %dma_wait3A_661 = tpu.memref_slice %arg8[%dma_wait3A_658, %dma_wait3A_659, %dma_wait3A_660] : memref<12x80x64xf32, #tpu.memory_space<vmem>> -> memref<1x80x64xf32, #tpu.memory_space<vmem>>
      %dma_wait3A_662 = tpu.memref_squeeze %dma_wait3A_661 : memref<1x80x64xf32, #tpu.memory_space<vmem>> -> memref<80x64xf32, #tpu.memory_space<vmem>>
      %dma_wait3A_663 = arith.constant 0 : i32
      %dma_wait3A_664 = tpu.memref_slice %arg6[%add3A_415, %dma_wait3A_663] : memref<125x80xi32, #tpu.memory_space<vmem>> -> memref<1x80xi32, #tpu.memory_space<vmem>>
      %dma_wait3A_665 = tpu.memref_squeeze %dma_wait3A_664 : memref<1x80xi32, #tpu.memory_space<vmem>> -> memref<80xi32, #tpu.memory_space<vmem>>
      %dma_wait3A_666 = arith.constant 0 : i32
      %dma_wait3A_667 = arith.constant 0 : i32
      %dma_wait3A_668 = tpu.memref_slice %arg2[%dma_wait3A_666, %dma_wait3A_667] : memref<20000x64xf32, #tpu.memory_space<hbm>> -> memref<20000x64xf32, #tpu.memory_space<hbm>>
      tpu.wait_indirect_dma semaphore(%arg19 : memref<!tpu.dma_semaphore, #tpu.memory_space<semaphore_mem>>) src(%dma_wait3A_668 : memref<20000x64xf32, #tpu.memory_space<hbm>>) dst(%dma_wait3A_662 : memref<80x64xf32, #tpu.memory_space<vmem>>)
      %add3A_669 = arith.constant 8 : i32
      %add3A_670 = arith.addi %mul3A_309, %add3A_669 : i32
      %dma_start3A_671 = arith.constant 8 : i32
      %dma_start3A_672 = arith.constant 0 : i32
      %dma_start3A_673 = arith.constant 0 : i32
      %dma_start3A_674 = tpu.memref_slice %arg8[%dma_start3A_671, %dma_start3A_672, %dma_start3A_673] : memref<12x80x64xf32, #tpu.memory_space<vmem>> -> memref<1x80x64xf32, #tpu.memory_space<vmem>>
      %dma_start3A_675 = tpu.memref_squeeze %dma_start3A_674 : memref<1x80x64xf32, #tpu.memory_space<vmem>> -> memref<80x64xf32, #tpu.memory_space<vmem>>
      %dma_start3A_676 = arith.constant 0 : i32
      %dma_start3A_677 = tpu.memref_slice %arg7[%add3A_670, %dma_start3A_676] : memref<125x80xi32, #tpu.memory_space<vmem>> -> memref<1x80xi32, #tpu.memory_space<vmem>>
      %dma_start3A_678 = tpu.memref_squeeze %dma_start3A_677 : memref<1x80xi32, #tpu.memory_space<vmem>> -> memref<80xi32, #tpu.memory_space<vmem>>
      %dma_start3A_679 = arith.constant 0 : i32
      %dma_start3A_680 = arith.constant 0 : i32
      %dma_start3A_681 = tpu.memref_slice %arg10[%dma_start3A_679, %dma_start3A_680] : memref<10000x64xf32, #tpu.memory_space<vmem_shared>> -> memref<10000x64xf32, #tpu.memory_space<vmem_shared>>
      tpu.enqueue_indirect_dma source(%dma_start3A_675 : memref<80x64xf32, #tpu.memory_space<vmem>>) target(%dma_start3A_681 : memref<10000x64xf32, #tpu.memory_space<vmem_shared>>) offsets(%dma_start3A_678 : memref<80xi32, #tpu.memory_space<vmem>>) semaphore(%arg31 : memref<!tpu.dma_semaphore, #tpu.memory_space<semaphore_mem>>) {add = true}
      %dma_wait3A_682 = arith.constant 9 : i32
      %dma_wait3A_683 = arith.constant 0 : i32
      %dma_wait3A_684 = arith.constant 0 : i32
      %dma_wait3A_685 = tpu.memref_slice %arg8[%dma_wait3A_682, %dma_wait3A_683, %dma_wait3A_684] : memref<12x80x64xf32, #tpu.memory_space<vmem>> -> memref<1x80x64xf32, #tpu.memory_space<vmem>>
      %dma_wait3A_686 = tpu.memref_squeeze %dma_wait3A_685 : memref<1x80x64xf32, #tpu.memory_space<vmem>> -> memref<80x64xf32, #tpu.memory_space<vmem>>
      %dma_wait3A_687 = arith.constant 0 : i32
      %dma_wait3A_688 = tpu.memref_slice %arg6[%add3A_428, %dma_wait3A_687] : memref<125x80xi32, #tpu.memory_space<vmem>> -> memref<1x80xi32, #tpu.memory_space<vmem>>
      %dma_wait3A_689 = tpu.memref_squeeze %dma_wait3A_688 : memref<1x80xi32, #tpu.memory_space<vmem>> -> memref<80xi32, #tpu.memory_space<vmem>>
      %dma_wait3A_690 = arith.constant 0 : i32
      %dma_wait3A_691 = arith.constant 0 : i32
      %dma_wait3A_692 = tpu.memref_slice %arg2[%dma_wait3A_690, %dma_wait3A_691] : memref<20000x64xf32, #tpu.memory_space<hbm>> -> memref<20000x64xf32, #tpu.memory_space<hbm>>
      tpu.wait_indirect_dma semaphore(%arg20 : memref<!tpu.dma_semaphore, #tpu.memory_space<semaphore_mem>>) src(%dma_wait3A_692 : memref<20000x64xf32, #tpu.memory_space<hbm>>) dst(%dma_wait3A_686 : memref<80x64xf32, #tpu.memory_space<vmem>>)
      %add3A_693 = arith.constant 9 : i32
      %add3A_694 = arith.addi %mul3A_309, %add3A_693 : i32
      %dma_start3A_695 = arith.constant 9 : i32
      %dma_start3A_696 = arith.constant 0 : i32
      %dma_start3A_697 = arith.constant 0 : i32
      %dma_start3A_698 = tpu.memref_slice %arg8[%dma_start3A_695, %dma_start3A_696, %dma_start3A_697] : memref<12x80x64xf32, #tpu.memory_space<vmem>> -> memref<1x80x64xf32, #tpu.memory_space<vmem>>
      %dma_start3A_699 = tpu.memref_squeeze %dma_start3A_698 : memref<1x80x64xf32, #tpu.memory_space<vmem>> -> memref<80x64xf32, #tpu.memory_space<vmem>>
      %dma_start3A_700 = arith.constant 0 : i32
      %dma_start3A_701 = tpu.memref_slice %arg7[%add3A_694, %dma_start3A_700] : memref<125x80xi32, #tpu.memory_space<vmem>> -> memref<1x80xi32, #tpu.memory_space<vmem>>
      %dma_start3A_702 = tpu.memref_squeeze %dma_start3A_701 : memref<1x80xi32, #tpu.memory_space<vmem>> -> memref<80xi32, #tpu.memory_space<vmem>>
      %dma_start3A_703 = arith.constant 0 : i32
      %dma_start3A_704 = arith.constant 0 : i32
      %dma_start3A_705 = tpu.memref_slice %arg10[%dma_start3A_703, %dma_start3A_704] : memref<10000x64xf32, #tpu.memory_space<vmem_shared>> -> memref<10000x64xf32, #tpu.memory_space<vmem_shared>>
      tpu.enqueue_indirect_dma source(%dma_start3A_699 : memref<80x64xf32, #tpu.memory_space<vmem>>) target(%dma_start3A_705 : memref<10000x64xf32, #tpu.memory_space<vmem_shared>>) offsets(%dma_start3A_702 : memref<80xi32, #tpu.memory_space<vmem>>) semaphore(%arg32 : memref<!tpu.dma_semaphore, #tpu.memory_space<semaphore_mem>>) {add = true}
      %dma_wait3A_706 = arith.constant 10 : i32
      %dma_wait3A_707 = arith.constant 0 : i32
      %dma_wait3A_708 = arith.constant 0 : i32
      %dma_wait3A_709 = tpu.memref_slice %arg8[%dma_wait3A_706, %dma_wait3A_707, %dma_wait3A_708] : memref<12x80x64xf32, #tpu.memory_space<vmem>> -> memref<1x80x64xf32, #tpu.memory_space<vmem>>
      %dma_wait3A_710 = tpu.memref_squeeze %dma_wait3A_709 : memref<1x80x64xf32, #tpu.memory_space<vmem>> -> memref<80x64xf32, #tpu.memory_space<vmem>>
      %dma_wait3A_711 = arith.constant 0 : i32
      %dma_wait3A_712 = tpu.memref_slice %arg6[%add3A_441, %dma_wait3A_711] : memref<125x80xi32, #tpu.memory_space<vmem>> -> memref<1x80xi32, #tpu.memory_space<vmem>>
      %dma_wait3A_713 = tpu.memref_squeeze %dma_wait3A_712 : memref<1x80xi32, #tpu.memory_space<vmem>> -> memref<80xi32, #tpu.memory_space<vmem>>
      %dma_wait3A_714 = arith.constant 0 : i32
      %dma_wait3A_715 = arith.constant 0 : i32
      %dma_wait3A_716 = tpu.memref_slice %arg2[%dma_wait3A_714, %dma_wait3A_715] : memref<20000x64xf32, #tpu.memory_space<hbm>> -> memref<20000x64xf32, #tpu.memory_space<hbm>>
      tpu.wait_indirect_dma semaphore(%arg21 : memref<!tpu.dma_semaphore, #tpu.memory_space<semaphore_mem>>) src(%dma_wait3A_716 : memref<20000x64xf32, #tpu.memory_space<hbm>>) dst(%dma_wait3A_710 : memref<80x64xf32, #tpu.memory_space<vmem>>)
      %add3A_717 = arith.constant 10 : i32
      %add3A_718 = arith.addi %mul3A_309, %add3A_717 : i32
      %dma_start3A_719 = arith.constant 10 : i32
      %dma_start3A_720 = arith.constant 0 : i32
      %dma_start3A_721 = arith.constant 0 : i32
      %dma_start3A_722 = tpu.memref_slice %arg8[%dma_start3A_719, %dma_start3A_720, %dma_start3A_721] : memref<12x80x64xf32, #tpu.memory_space<vmem>> -> memref<1x80x64xf32, #tpu.memory_space<vmem>>
      %dma_start3A_723 = tpu.memref_squeeze %dma_start3A_722 : memref<1x80x64xf32, #tpu.memory_space<vmem>> -> memref<80x64xf32, #tpu.memory_space<vmem>>
      %dma_start3A_724 = arith.constant 0 : i32
      %dma_start3A_725 = tpu.memref_slice %arg7[%add3A_718, %dma_start3A_724] : memref<125x80xi32, #tpu.memory_space<vmem>> -> memref<1x80xi32, #tpu.memory_space<vmem>>
      %dma_start3A_726 = tpu.memref_squeeze %dma_start3A_725 : memref<1x80xi32, #tpu.memory_space<vmem>> -> memref<80xi32, #tpu.memory_space<vmem>>
      %dma_start3A_727 = arith.constant 0 : i32
      %dma_start3A_728 = arith.constant 0 : i32
      %dma_start3A_729 = tpu.memref_slice %arg10[%dma_start3A_727, %dma_start3A_728] : memref<10000x64xf32, #tpu.memory_space<vmem_shared>> -> memref<10000x64xf32, #tpu.memory_space<vmem_shared>>
      tpu.enqueue_indirect_dma source(%dma_start3A_723 : memref<80x64xf32, #tpu.memory_space<vmem>>) target(%dma_start3A_729 : memref<10000x64xf32, #tpu.memory_space<vmem_shared>>) offsets(%dma_start3A_726 : memref<80xi32, #tpu.memory_space<vmem>>) semaphore(%arg33 : memref<!tpu.dma_semaphore, #tpu.memory_space<semaphore_mem>>) {add = true}
      %dma_wait3A_730 = arith.constant 11 : i32
      %dma_wait3A_731 = arith.constant 0 : i32
      %dma_wait3A_732 = arith.constant 0 : i32
      %dma_wait3A_733 = tpu.memref_slice %arg8[%dma_wait3A_730, %dma_wait3A_731, %dma_wait3A_732] : memref<12x80x64xf32, #tpu.memory_space<vmem>> -> memref<1x80x64xf32, #tpu.memory_space<vmem>>
      %dma_wait3A_734 = tpu.memref_squeeze %dma_wait3A_733 : memref<1x80x64xf32, #tpu.memory_space<vmem>> -> memref<80x64xf32, #tpu.memory_space<vmem>>
      %dma_wait3A_735 = arith.constant 0 : i32
      %dma_wait3A_736 = tpu.memref_slice %arg6[%add3A_454, %dma_wait3A_735] : memref<125x80xi32, #tpu.memory_space<vmem>> -> memref<1x80xi32, #tpu.memory_space<vmem>>
      %dma_wait3A_737 = tpu.memref_squeeze %dma_wait3A_736 : memref<1x80xi32, #tpu.memory_space<vmem>> -> memref<80xi32, #tpu.memory_space<vmem>>
      %dma_wait3A_738 = arith.constant 0 : i32
      %dma_wait3A_739 = arith.constant 0 : i32
      %dma_wait3A_740 = tpu.memref_slice %arg2[%dma_wait3A_738, %dma_wait3A_739] : memref<20000x64xf32, #tpu.memory_space<hbm>> -> memref<20000x64xf32, #tpu.memory_space<hbm>>
      tpu.wait_indirect_dma semaphore(%arg22 : memref<!tpu.dma_semaphore, #tpu.memory_space<semaphore_mem>>) src(%dma_wait3A_740 : memref<20000x64xf32, #tpu.memory_space<hbm>>) dst(%dma_wait3A_734 : memref<80x64xf32, #tpu.memory_space<vmem>>)
      %add3A_741 = arith.constant 11 : i32
      %add3A_742 = arith.addi %mul3A_309, %add3A_741 : i32
      %dma_start3A_743 = arith.constant 11 : i32
      %dma_start3A_744 = arith.constant 0 : i32
      %dma_start3A_745 = arith.constant 0 : i32
      %dma_start3A_746 = tpu.memref_slice %arg8[%dma_start3A_743, %dma_start3A_744, %dma_start3A_745] : memref<12x80x64xf32, #tpu.memory_space<vmem>> -> memref<1x80x64xf32, #tpu.memory_space<vmem>>
      %dma_start3A_747 = tpu.memref_squeeze %dma_start3A_746 : memref<1x80x64xf32, #tpu.memory_space<vmem>> -> memref<80x64xf32, #tpu.memory_space<vmem>>
      %dma_start3A_748 = arith.constant 0 : i32
      %dma_start3A_749 = tpu.memref_slice %arg7[%add3A_742, %dma_start3A_748] : memref<125x80xi32, #tpu.memory_space<vmem>> -> memref<1x80xi32, #tpu.memory_space<vmem>>
      %dma_start3A_750 = tpu.memref_squeeze %dma_start3A_749 : memref<1x80xi32, #tpu.memory_space<vmem>> -> memref<80xi32, #tpu.memory_space<vmem>>
      %dma_start3A_751 = arith.constant 0 : i32
      %dma_start3A_752 = arith.constant 0 : i32
      %dma_start3A_753 = tpu.memref_slice %arg10[%dma_start3A_751, %dma_start3A_752] : memref<10000x64xf32, #tpu.memory_space<vmem_shared>> -> memref<10000x64xf32, #tpu.memory_space<vmem_shared>>
      tpu.enqueue_indirect_dma source(%dma_start3A_747 : memref<80x64xf32, #tpu.memory_space<vmem>>) target(%dma_start3A_753 : memref<10000x64xf32, #tpu.memory_space<vmem_shared>>) offsets(%dma_start3A_750 : memref<80xi32, #tpu.memory_space<vmem>>) semaphore(%arg34 : memref<!tpu.dma_semaphore, #tpu.memory_space<semaphore_mem>>) {add = true}
      %dma_wait3A_754 = arith.constant 0 : i32
      %dma_wait3A_755 = arith.constant 0 : i32
      %dma_wait3A_756 = arith.constant 0 : i32
      %dma_wait3A_757 = tpu.memref_slice %arg8[%dma_wait3A_754, %dma_wait3A_755, %dma_wait3A_756] : memref<12x80x64xf32, #tpu.memory_space<vmem>> -> memref<1x80x64xf32, #tpu.memory_space<vmem>>
      %dma_wait3A_758 = tpu.memref_squeeze %dma_wait3A_757 : memref<1x80x64xf32, #tpu.memory_space<vmem>> -> memref<80x64xf32, #tpu.memory_space<vmem>>
      %dma_wait3A_759 = arith.constant 0 : i32
      %dma_wait3A_760 = tpu.memref_slice %arg7[%add3A_478, %dma_wait3A_759] : memref<125x80xi32, #tpu.memory_space<vmem>> -> memref<1x80xi32, #tpu.memory_space<vmem>>
      %dma_wait3A_761 = tpu.memref_squeeze %dma_wait3A_760 : memref<1x80xi32, #tpu.memory_space<vmem>> -> memref<80xi32, #tpu.memory_space<vmem>>
      %dma_wait3A_762 = arith.constant 0 : i32
      %dma_wait3A_763 = arith.constant 0 : i32
      %dma_wait3A_764 = tpu.memref_slice %arg10[%dma_wait3A_762, %dma_wait3A_763] : memref<10000x64xf32, #tpu.memory_space<vmem_shared>> -> memref<10000x64xf32, #tpu.memory_space<vmem_shared>>
      tpu.wait_indirect_dma semaphore(%arg23 : memref<!tpu.dma_semaphore, #tpu.memory_space<semaphore_mem>>) src(%dma_wait3A_758 : memref<80x64xf32, #tpu.memory_space<vmem>>) dst(%dma_wait3A_764 : memref<10000x64xf32, #tpu.memory_space<vmem_shared>>)
      %dma_wait3A_765 = arith.constant 1 : i32
      %dma_wait3A_766 = arith.constant 0 : i32
      %dma_wait3A_767 = arith.constant 0 : i32
      %dma_wait3A_768 = tpu.memref_slice %arg8[%dma_wait3A_765, %dma_wait3A_766, %dma_wait3A_767] : memref<12x80x64xf32, #tpu.memory_space<vmem>> -> memref<1x80x64xf32, #tpu.memory_space<vmem>>
      %dma_wait3A_769 = tpu.memref_squeeze %dma_wait3A_768 : memref<1x80x64xf32, #tpu.memory_space<vmem>> -> memref<80x64xf32, #tpu.memory_space<vmem>>
      %dma_wait3A_770 = arith.constant 0 : i32
      %dma_wait3A_771 = tpu.memref_slice %arg7[%add3A_502, %dma_wait3A_770] : memref<125x80xi32, #tpu.memory_space<vmem>> -> memref<1x80xi32, #tpu.memory_space<vmem>>
      %dma_wait3A_772 = tpu.memref_squeeze %dma_wait3A_771 : memref<1x80xi32, #tpu.memory_space<vmem>> -> memref<80xi32, #tpu.memory_space<vmem>>
      %dma_wait3A_773 = arith.constant 0 : i32
      %dma_wait3A_774 = arith.constant 0 : i32
      %dma_wait3A_775 = tpu.memref_slice %arg10[%dma_wait3A_773, %dma_wait3A_774] : memref<10000x64xf32, #tpu.memory_space<vmem_shared>> -> memref<10000x64xf32, #tpu.memory_space<vmem_shared>>
      tpu.wait_indirect_dma semaphore(%arg24 : memref<!tpu.dma_semaphore, #tpu.memory_space<semaphore_mem>>) src(%dma_wait3A_769 : memref<80x64xf32, #tpu.memory_space<vmem>>) dst(%dma_wait3A_775 : memref<10000x64xf32, #tpu.memory_space<vmem_shared>>)
      %dma_wait3A_776 = arith.constant 2 : i32
      %dma_wait3A_777 = arith.constant 0 : i32
      %dma_wait3A_778 = arith.constant 0 : i32
      %dma_wait3A_779 = tpu.memref_slice %arg8[%dma_wait3A_776, %dma_wait3A_777, %dma_wait3A_778] : memref<12x80x64xf32, #tpu.memory_space<vmem>> -> memref<1x80x64xf32, #tpu.memory_space<vmem>>
      %dma_wait3A_780 = tpu.memref_squeeze %dma_wait3A_779 : memref<1x80x64xf32, #tpu.memory_space<vmem>> -> memref<80x64xf32, #tpu.memory_space<vmem>>
      %dma_wait3A_781 = arith.constant 0 : i32
      %dma_wait3A_782 = tpu.memref_slice %arg7[%add3A_526, %dma_wait3A_781] : memref<125x80xi32, #tpu.memory_space<vmem>> -> memref<1x80xi32, #tpu.memory_space<vmem>>
      %dma_wait3A_783 = tpu.memref_squeeze %dma_wait3A_782 : memref<1x80xi32, #tpu.memory_space<vmem>> -> memref<80xi32, #tpu.memory_space<vmem>>
      %dma_wait3A_784 = arith.constant 0 : i32
      %dma_wait3A_785 = arith.constant 0 : i32
      %dma_wait3A_786 = tpu.memref_slice %arg10[%dma_wait3A_784, %dma_wait3A_785] : memref<10000x64xf32, #tpu.memory_space<vmem_shared>> -> memref<10000x64xf32, #tpu.memory_space<vmem_shared>>
      tpu.wait_indirect_dma semaphore(%arg25 : memref<!tpu.dma_semaphore, #tpu.memory_space<semaphore_mem>>) src(%dma_wait3A_780 : memref<80x64xf32, #tpu.memory_space<vmem>>) dst(%dma_wait3A_786 : memref<10000x64xf32, #tpu.memory_space<vmem_shared>>)
      %dma_wait3A_787 = arith.constant 3 : i32
      %dma_wait3A_788 = arith.constant 0 : i32
      %dma_wait3A_789 = arith.constant 0 : i32
      %dma_wait3A_790 = tpu.memref_slice %arg8[%dma_wait3A_787, %dma_wait3A_788, %dma_wait3A_789] : memref<12x80x64xf32, #tpu.memory_space<vmem>> -> memref<1x80x64xf32, #tpu.memory_space<vmem>>
      %dma_wait3A_791 = tpu.memref_squeeze %dma_wait3A_790 : memref<1x80x64xf32, #tpu.memory_space<vmem>> -> memref<80x64xf32, #tpu.memory_space<vmem>>
      %dma_wait3A_792 = arith.constant 0 : i32
      %dma_wait3A_793 = tpu.memref_slice %arg7[%add3A_550, %dma_wait3A_792] : memref<125x80xi32, #tpu.memory_space<vmem>> -> memref<1x80xi32, #tpu.memory_space<vmem>>
      %dma_wait3A_794 = tpu.memref_squeeze %dma_wait3A_793 : memref<1x80xi32, #tpu.memory_space<vmem>> -> memref<80xi32, #tpu.memory_space<vmem>>
      %dma_wait3A_795 = arith.constant 0 : i32
      %dma_wait3A_796 = arith.constant 0 : i32
      %dma_wait3A_797 = tpu.memref_slice %arg10[%dma_wait3A_795, %dma_wait3A_796] : memref<10000x64xf32, #tpu.memory_space<vmem_shared>> -> memref<10000x64xf32, #tpu.memory_space<vmem_shared>>
      tpu.wait_indirect_dma semaphore(%arg26 : memref<!tpu.dma_semaphore, #tpu.memory_space<semaphore_mem>>) src(%dma_wait3A_791 : memref<80x64xf32, #tpu.memory_space<vmem>>) dst(%dma_wait3A_797 : memref<10000x64xf32, #tpu.memory_space<vmem_shared>>)
      %dma_wait3A_798 = arith.constant 4 : i32
      %dma_wait3A_799 = arith.constant 0 : i32
      %dma_wait3A_800 = arith.constant 0 : i32
      %dma_wait3A_801 = tpu.memref_slice %arg8[%dma_wait3A_798, %dma_wait3A_799, %dma_wait3A_800] : memref<12x80x64xf32, #tpu.memory_space<vmem>> -> memref<1x80x64xf32, #tpu.memory_space<vmem>>
      %dma_wait3A_802 = tpu.memref_squeeze %dma_wait3A_801 : memref<1x80x64xf32, #tpu.memory_space<vmem>> -> memref<80x64xf32, #tpu.memory_space<vmem>>
      %dma_wait3A_803 = arith.constant 0 : i32
      %dma_wait3A_804 = tpu.memref_slice %arg7[%add3A_574, %dma_wait3A_803] : memref<125x80xi32, #tpu.memory_space<vmem>> -> memref<1x80xi32, #tpu.memory_space<vmem>>
      %dma_wait3A_805 = tpu.memref_squeeze %dma_wait3A_804 : memref<1x80xi32, #tpu.memory_space<vmem>> -> memref<80xi32, #tpu.memory_space<vmem>>
      %dma_wait3A_806 = arith.constant 0 : i32
      %dma_wait3A_807 = arith.constant 0 : i32
      %dma_wait3A_808 = tpu.memref_slice %arg10[%dma_wait3A_806, %dma_wait3A_807] : memref<10000x64xf32, #tpu.memory_space<vmem_shared>> -> memref<10000x64xf32, #tpu.memory_space<vmem_shared>>
      tpu.wait_indirect_dma semaphore(%arg27 : memref<!tpu.dma_semaphore, #tpu.memory_space<semaphore_mem>>) src(%dma_wait3A_802 : memref<80x64xf32, #tpu.memory_space<vmem>>) dst(%dma_wait3A_808 : memref<10000x64xf32, #tpu.memory_space<vmem_shared>>)
      %dma_wait3A_809 = arith.constant 5 : i32
      %dma_wait3A_810 = arith.constant 0 : i32
      %dma_wait3A_811 = arith.constant 0 : i32
      %dma_wait3A_812 = tpu.memref_slice %arg8[%dma_wait3A_809, %dma_wait3A_810, %dma_wait3A_811] : memref<12x80x64xf32, #tpu.memory_space<vmem>> -> memref<1x80x64xf32, #tpu.memory_space<vmem>>
      %dma_wait3A_813 = tpu.memref_squeeze %dma_wait3A_812 : memref<1x80x64xf32, #tpu.memory_space<vmem>> -> memref<80x64xf32, #tpu.memory_space<vmem>>
      %dma_wait3A_814 = arith.constant 0 : i32
      %dma_wait3A_815 = tpu.memref_slice %arg7[%add3A_598, %dma_wait3A_814] : memref<125x80xi32, #tpu.memory_space<vmem>> -> memref<1x80xi32, #tpu.memory_space<vmem>>
      %dma_wait3A_816 = tpu.memref_squeeze %dma_wait3A_815 : memref<1x80xi32, #tpu.memory_space<vmem>> -> memref<80xi32, #tpu.memory_space<vmem>>
      %dma_wait3A_817 = arith.constant 0 : i32
      %dma_wait3A_818 = arith.constant 0 : i32
      %dma_wait3A_819 = tpu.memref_slice %arg10[%dma_wait3A_817, %dma_wait3A_818] : memref<10000x64xf32, #tpu.memory_space<vmem_shared>> -> memref<10000x64xf32, #tpu.memory_space<vmem_shared>>
      tpu.wait_indirect_dma semaphore(%arg28 : memref<!tpu.dma_semaphore, #tpu.memory_space<semaphore_mem>>) src(%dma_wait3A_813 : memref<80x64xf32, #tpu.memory_space<vmem>>) dst(%dma_wait3A_819 : memref<10000x64xf32, #tpu.memory_space<vmem_shared>>)
      %dma_wait3A_820 = arith.constant 6 : i32
      %dma_wait3A_821 = arith.constant 0 : i32
      %dma_wait3A_822 = arith.constant 0 : i32
      %dma_wait3A_823 = tpu.memref_slice %arg8[%dma_wait3A_820, %dma_wait3A_821, %dma_wait3A_822] : memref<12x80x64xf32, #tpu.memory_space<vmem>> -> memref<1x80x64xf32, #tpu.memory_space<vmem>>
      %dma_wait3A_824 = tpu.memref_squeeze %dma_wait3A_823 : memref<1x80x64xf32, #tpu.memory_space<vmem>> -> memref<80x64xf32, #tpu.memory_space<vmem>>
      %dma_wait3A_825 = arith.constant 0 : i32
      %dma_wait3A_826 = tpu.memref_slice %arg7[%add3A_622, %dma_wait3A_825] : memref<125x80xi32, #tpu.memory_space<vmem>> -> memref<1x80xi32, #tpu.memory_space<vmem>>
      %dma_wait3A_827 = tpu.memref_squeeze %dma_wait3A_826 : memref<1x80xi32, #tpu.memory_space<vmem>> -> memref<80xi32, #tpu.memory_space<vmem>>
      %dma_wait3A_828 = arith.constant 0 : i32
      %dma_wait3A_829 = arith.constant 0 : i32
      %dma_wait3A_830 = tpu.memref_slice %arg10[%dma_wait3A_828, %dma_wait3A_829] : memref<10000x64xf32, #tpu.memory_space<vmem_shared>> -> memref<10000x64xf32, #tpu.memory_space<vmem_shared>>
      tpu.wait_indirect_dma semaphore(%arg29 : memref<!tpu.dma_semaphore, #tpu.memory_space<semaphore_mem>>) src(%dma_wait3A_824 : memref<80x64xf32, #tpu.memory_space<vmem>>) dst(%dma_wait3A_830 : memref<10000x64xf32, #tpu.memory_space<vmem_shared>>)
      %dma_wait3A_831 = arith.constant 7 : i32
      %dma_wait3A_832 = arith.constant 0 : i32
      %dma_wait3A_833 = arith.constant 0 : i32
      %dma_wait3A_834 = tpu.memref_slice %arg8[%dma_wait3A_831, %dma_wait3A_832, %dma_wait3A_833] : memref<12x80x64xf32, #tpu.memory_space<vmem>> -> memref<1x80x64xf32, #tpu.memory_space<vmem>>
      %dma_wait3A_835 = tpu.memref_squeeze %dma_wait3A_834 : memref<1x80x64xf32, #tpu.memory_space<vmem>> -> memref<80x64xf32, #tpu.memory_space<vmem>>
      %dma_wait3A_836 = arith.constant 0 : i32
      %dma_wait3A_837 = tpu.memref_slice %arg7[%add3A_646, %dma_wait3A_836] : memref<125x80xi32, #tpu.memory_space<vmem>> -> memref<1x80xi32, #tpu.memory_space<vmem>>
      %dma_wait3A_838 = tpu.memref_squeeze %dma_wait3A_837 : memref<1x80xi32, #tpu.memory_space<vmem>> -> memref<80xi32, #tpu.memory_space<vmem>>
      %dma_wait3A_839 = arith.constant 0 : i32
      %dma_wait3A_840 = arith.constant 0 : i32
      %dma_wait3A_841 = tpu.memref_slice %arg10[%dma_wait3A_839, %dma_wait3A_840] : memref<10000x64xf32, #tpu.memory_space<vmem_shared>> -> memref<10000x64xf32, #tpu.memory_space<vmem_shared>>
      tpu.wait_indirect_dma semaphore(%arg30 : memref<!tpu.dma_semaphore, #tpu.memory_space<semaphore_mem>>) src(%dma_wait3A_835 : memref<80x64xf32, #tpu.memory_space<vmem>>) dst(%dma_wait3A_841 : memref<10000x64xf32, #tpu.memory_space<vmem_shared>>)
      %dma_wait3A_842 = arith.constant 8 : i32
      %dma_wait3A_843 = arith.constant 0 : i32
      %dma_wait3A_844 = arith.constant 0 : i32
      %dma_wait3A_845 = tpu.memref_slice %arg8[%dma_wait3A_842, %dma_wait3A_843, %dma_wait3A_844] : memref<12x80x64xf32, #tpu.memory_space<vmem>> -> memref<1x80x64xf32, #tpu.memory_space<vmem>>
      %dma_wait3A_846 = tpu.memref_squeeze %dma_wait3A_845 : memref<1x80x64xf32, #tpu.memory_space<vmem>> -> memref<80x64xf32, #tpu.memory_space<vmem>>
      %dma_wait3A_847 = arith.constant 0 : i32
      %dma_wait3A_848 = tpu.memref_slice %arg7[%add3A_670, %dma_wait3A_847] : memref<125x80xi32, #tpu.memory_space<vmem>> -> memref<1x80xi32, #tpu.memory_space<vmem>>
      %dma_wait3A_849 = tpu.memref_squeeze %dma_wait3A_848 : memref<1x80xi32, #tpu.memory_space<vmem>> -> memref<80xi32, #tpu.memory_space<vmem>>
      %dma_wait3A_850 = arith.constant 0 : i32
      %dma_wait3A_851 = arith.constant 0 : i32
      %dma_wait3A_852 = tpu.memref_slice %arg10[%dma_wait3A_850, %dma_wait3A_851] : memref<10000x64xf32, #tpu.memory_space<vmem_shared>> -> memref<10000x64xf32, #tpu.memory_space<vmem_shared>>
      tpu.wait_indirect_dma semaphore(%arg31 : memref<!tpu.dma_semaphore, #tpu.memory_space<semaphore_mem>>) src(%dma_wait3A_846 : memref<80x64xf32, #tpu.memory_space<vmem>>) dst(%dma_wait3A_852 : memref<10000x64xf32, #tpu.memory_space<vmem_shared>>)
      %dma_wait3A_853 = arith.constant 9 : i32
      %dma_wait3A_854 = arith.constant 0 : i32
      %dma_wait3A_855 = arith.constant 0 : i32
      %dma_wait3A_856 = tpu.memref_slice %arg8[%dma_wait3A_853, %dma_wait3A_854, %dma_wait3A_855] : memref<12x80x64xf32, #tpu.memory_space<vmem>> -> memref<1x80x64xf32, #tpu.memory_space<vmem>>
      %dma_wait3A_857 = tpu.memref_squeeze %dma_wait3A_856 : memref<1x80x64xf32, #tpu.memory_space<vmem>> -> memref<80x64xf32, #tpu.memory_space<vmem>>
      %dma_wait3A_858 = arith.constant 0 : i32
      %dma_wait3A_859 = tpu.memref_slice %arg7[%add3A_694, %dma_wait3A_858] : memref<125x80xi32, #tpu.memory_space<vmem>> -> memref<1x80xi32, #tpu.memory_space<vmem>>
      %dma_wait3A_860 = tpu.memref_squeeze %dma_wait3A_859 : memref<1x80xi32, #tpu.memory_space<vmem>> -> memref<80xi32, #tpu.memory_space<vmem>>
      %dma_wait3A_861 = arith.constant 0 : i32
      %dma_wait3A_862 = arith.constant 0 : i32
      %dma_wait3A_863 = tpu.memref_slice %arg10[%dma_wait3A_861, %dma_wait3A_862] : memref<10000x64xf32, #tpu.memory_space<vmem_shared>> -> memref<10000x64xf32, #tpu.memory_space<vmem_shared>>
      tpu.wait_indirect_dma semaphore(%arg32 : memref<!tpu.dma_semaphore, #tpu.memory_space<semaphore_mem>>) src(%dma_wait3A_857 : memref<80x64xf32, #tpu.memory_space<vmem>>) dst(%dma_wait3A_863 : memref<10000x64xf32, #tpu.memory_space<vmem_shared>>)
      %dma_wait3A_864 = arith.constant 10 : i32
      %dma_wait3A_865 = arith.constant 0 : i32
      %dma_wait3A_866 = arith.constant 0 : i32
      %dma_wait3A_867 = tpu.memref_slice %arg8[%dma_wait3A_864, %dma_wait3A_865, %dma_wait3A_866] : memref<12x80x64xf32, #tpu.memory_space<vmem>> -> memref<1x80x64xf32, #tpu.memory_space<vmem>>
      %dma_wait3A_868 = tpu.memref_squeeze %dma_wait3A_867 : memref<1x80x64xf32, #tpu.memory_space<vmem>> -> memref<80x64xf32, #tpu.memory_space<vmem>>
      %dma_wait3A_869 = arith.constant 0 : i32
      %dma_wait3A_870 = tpu.memref_slice %arg7[%add3A_718, %dma_wait3A_869] : memref<125x80xi32, #tpu.memory_space<vmem>> -> memref<1x80xi32, #tpu.memory_space<vmem>>
      %dma_wait3A_871 = tpu.memref_squeeze %dma_wait3A_870 : memref<1x80xi32, #tpu.memory_space<vmem>> -> memref<80xi32, #tpu.memory_space<vmem>>
      %dma_wait3A_872 = arith.constant 0 : i32
      %dma_wait3A_873 = arith.constant 0 : i32
      %dma_wait3A_874 = tpu.memref_slice %arg10[%dma_wait3A_872, %dma_wait3A_873] : memref<10000x64xf32, #tpu.memory_space<vmem_shared>> -> memref<10000x64xf32, #tpu.memory_space<vmem_shared>>
      tpu.wait_indirect_dma semaphore(%arg33 : memref<!tpu.dma_semaphore, #tpu.memory_space<semaphore_mem>>) src(%dma_wait3A_868 : memref<80x64xf32, #tpu.memory_space<vmem>>) dst(%dma_wait3A_874 : memref<10000x64xf32, #tpu.memory_space<vmem_shared>>)
      %dma_wait3A_875 = arith.constant 11 : i32
      %dma_wait3A_876 = arith.constant 0 : i32
      %dma_wait3A_877 = arith.constant 0 : i32
      %dma_wait3A_878 = tpu.memref_slice %arg8[%dma_wait3A_875, %dma_wait3A_876, %dma_wait3A_877] : memref<12x80x64xf32, #tpu.memory_space<vmem>> -> memref<1x80x64xf32, #tpu.memory_space<vmem>>
      %dma_wait3A_879 = tpu.memref_squeeze %dma_wait3A_878 : memref<1x80x64xf32, #tpu.memory_space<vmem>> -> memref<80x64xf32, #tpu.memory_space<vmem>>
      %dma_wait3A_880 = arith.constant 0 : i32
      %dma_wait3A_881 = tpu.memref_slice %arg7[%add3A_742, %dma_wait3A_880] : memref<125x80xi32, #tpu.memory_space<vmem>> -> memref<1x80xi32, #tpu.memory_space<vmem>>
      %dma_wait3A_882 = tpu.memref_squeeze %dma_wait3A_881 : memref<1x80xi32, #tpu.memory_space<vmem>> -> memref<80xi32, #tpu.memory_space<vmem>>
      %dma_wait3A_883 = arith.constant 0 : i32
      %dma_wait3A_884 = arith.constant 0 : i32
      %dma_wait3A_885 = tpu.memref_slice %arg10[%dma_wait3A_883, %dma_wait3A_884] : memref<10000x64xf32, #tpu.memory_space<vmem_shared>> -> memref<10000x64xf32, #tpu.memory_space<vmem_shared>>
      tpu.wait_indirect_dma semaphore(%arg34 : memref<!tpu.dma_semaphore, #tpu.memory_space<semaphore_mem>>) src(%dma_wait3A_879 : memref<80x64xf32, #tpu.memory_space<vmem>>) dst(%dma_wait3A_885 : memref<10000x64xf32, #tpu.memory_space<vmem_shared>>)
    }
    %scan3A_59 = arith.constant 10 : i32
    %dma_start3A_60 = arith.constant 120 : i32
    %dma_start3A_61 = arith.constant 0 : i32
    %dma_start3A_62 = arith.constant 0 : i32
    %dma_start3A_63 = arith.constant 0 : i32
    %dma_start3A_64 = tpu.memref_slice %arg8[%dma_start3A_61, %dma_start3A_62, %dma_start3A_63] : memref<12x80x64xf32, #tpu.memory_space<vmem>> -> memref<1x80x64xf32, #tpu.memory_space<vmem>>
    %dma_start3A_65 = tpu.memref_squeeze %dma_start3A_64 : memref<1x80x64xf32, #tpu.memory_space<vmem>> -> memref<80x64xf32, #tpu.memory_space<vmem>>
    %dma_start3A_66 = arith.constant 0 : i32
    %dma_start3A_67 = tpu.memref_slice %arg6[%dma_start3A_60, %dma_start3A_66] : memref<125x80xi32, #tpu.memory_space<vmem>> -> memref<1x80xi32, #tpu.memory_space<vmem>>
    %dma_start3A_68 = tpu.memref_squeeze %dma_start3A_67 : memref<1x80xi32, #tpu.memory_space<vmem>> -> memref<80xi32, #tpu.memory_space<vmem>>
    %dma_start3A_69 = arith.constant 0 : i32
    %dma_start3A_70 = arith.constant 0 : i32
    %dma_start3A_71 = tpu.memref_slice %arg2[%dma_start3A_69, %dma_start3A_70] : memref<20000x64xf32, #tpu.memory_space<hbm>> -> memref<20000x64xf32, #tpu.memory_space<hbm>>
    tpu.enqueue_indirect_dma source(%dma_start3A_71 : memref<20000x64xf32, #tpu.memory_space<hbm>>) target(%dma_start3A_65 : memref<80x64xf32, #tpu.memory_space<vmem>>) offsets(%dma_start3A_68 : memref<80xi32, #tpu.memory_space<vmem>>) semaphore(%arg11 : memref<!tpu.dma_semaphore, #tpu.memory_space<semaphore_mem>>)
    %dma_start3A_72 = arith.constant 121 : i32
    %dma_start3A_73 = arith.constant 1 : i32
    %dma_start3A_74 = arith.constant 0 : i32
    %dma_start3A_75 = arith.constant 0 : i32
    %dma_start3A_76 = tpu.memref_slice %arg8[%dma_start3A_73, %dma_start3A_74, %dma_start3A_75] : memref<12x80x64xf32, #tpu.memory_space<vmem>> -> memref<1x80x64xf32, #tpu.memory_space<vmem>>
    %dma_start3A_77 = tpu.memref_squeeze %dma_start3A_76 : memref<1x80x64xf32, #tpu.memory_space<vmem>> -> memref<80x64xf32, #tpu.memory_space<vmem>>
    %dma_start3A_78 = arith.constant 0 : i32
    %dma_start3A_79 = tpu.memref_slice %arg6[%dma_start3A_72, %dma_start3A_78] : memref<125x80xi32, #tpu.memory_space<vmem>> -> memref<1x80xi32, #tpu.memory_space<vmem>>
    %dma_start3A_80 = tpu.memref_squeeze %dma_start3A_79 : memref<1x80xi32, #tpu.memory_space<vmem>> -> memref<80xi32, #tpu.memory_space<vmem>>
    %dma_start3A_81 = arith.constant 0 : i32
    %dma_start3A_82 = arith.constant 0 : i32
    %dma_start3A_83 = tpu.memref_slice %arg2[%dma_start3A_81, %dma_start3A_82] : memref<20000x64xf32, #tpu.memory_space<hbm>> -> memref<20000x64xf32, #tpu.memory_space<hbm>>
    tpu.enqueue_indirect_dma source(%dma_start3A_83 : memref<20000x64xf32, #tpu.memory_space<hbm>>) target(%dma_start3A_77 : memref<80x64xf32, #tpu.memory_space<vmem>>) offsets(%dma_start3A_80 : memref<80xi32, #tpu.memory_space<vmem>>) semaphore(%arg12 : memref<!tpu.dma_semaphore, #tpu.memory_space<semaphore_mem>>)
    %dma_start3A_84 = arith.constant 122 : i32
    %dma_start3A_85 = arith.constant 2 : i32
    %dma_start3A_86 = arith.constant 0 : i32
    %dma_start3A_87 = arith.constant 0 : i32
    %dma_start3A_88 = tpu.memref_slice %arg8[%dma_start3A_85, %dma_start3A_86, %dma_start3A_87] : memref<12x80x64xf32, #tpu.memory_space<vmem>> -> memref<1x80x64xf32, #tpu.memory_space<vmem>>
    %dma_start3A_89 = tpu.memref_squeeze %dma_start3A_88 : memref<1x80x64xf32, #tpu.memory_space<vmem>> -> memref<80x64xf32, #tpu.memory_space<vmem>>
    %dma_start3A_90 = arith.constant 0 : i32
    %dma_start3A_91 = tpu.memref_slice %arg6[%dma_start3A_84, %dma_start3A_90] : memref<125x80xi32, #tpu.memory_space<vmem>> -> memref<1x80xi32, #tpu.memory_space<vmem>>
    %dma_start3A_92 = tpu.memref_squeeze %dma_start3A_91 : memref<1x80xi32, #tpu.memory_space<vmem>> -> memref<80xi32, #tpu.memory_space<vmem>>
    %dma_start3A_93 = arith.constant 0 : i32
    %dma_start3A_94 = arith.constant 0 : i32
    %dma_start3A_95 = tpu.memref_slice %arg2[%dma_start3A_93, %dma_start3A_94] : memref<20000x64xf32, #tpu.memory_space<hbm>> -> memref<20000x64xf32, #tpu.memory_space<hbm>>
    tpu.enqueue_indirect_dma source(%dma_start3A_95 : memref<20000x64xf32, #tpu.memory_space<hbm>>) target(%dma_start3A_89 : memref<80x64xf32, #tpu.memory_space<vmem>>) offsets(%dma_start3A_92 : memref<80xi32, #tpu.memory_space<vmem>>) semaphore(%arg13 : memref<!tpu.dma_semaphore, #tpu.memory_space<semaphore_mem>>)
    %dma_start3A_96 = arith.constant 123 : i32
    %dma_start3A_97 = arith.constant 3 : i32
    %dma_start3A_98 = arith.constant 0 : i32
    %dma_start3A_99 = arith.constant 0 : i32
    %dma_start3A_100 = tpu.memref_slice %arg8[%dma_start3A_97, %dma_start3A_98, %dma_start3A_99] : memref<12x80x64xf32, #tpu.memory_space<vmem>> -> memref<1x80x64xf32, #tpu.memory_space<vmem>>
    %dma_start3A_101 = tpu.memref_squeeze %dma_start3A_100 : memref<1x80x64xf32, #tpu.memory_space<vmem>> -> memref<80x64xf32, #tpu.memory_space<vmem>>
    %dma_start3A_102 = arith.constant 0 : i32
    %dma_start3A_103 = tpu.memref_slice %arg6[%dma_start3A_96, %dma_start3A_102] : memref<125x80xi32, #tpu.memory_space<vmem>> -> memref<1x80xi32, #tpu.memory_space<vmem>>
    %dma_start3A_104 = tpu.memref_squeeze %dma_start3A_103 : memref<1x80xi32, #tpu.memory_space<vmem>> -> memref<80xi32, #tpu.memory_space<vmem>>
    %dma_start3A_105 = arith.constant 0 : i32
    %dma_start3A_106 = arith.constant 0 : i32
    %dma_start3A_107 = tpu.memref_slice %arg2[%dma_start3A_105, %dma_start3A_106] : memref<20000x64xf32, #tpu.memory_space<hbm>> -> memref<20000x64xf32, #tpu.memory_space<hbm>>
    tpu.enqueue_indirect_dma source(%dma_start3A_107 : memref<20000x64xf32, #tpu.memory_space<hbm>>) target(%dma_start3A_101 : memref<80x64xf32, #tpu.memory_space<vmem>>) offsets(%dma_start3A_104 : memref<80xi32, #tpu.memory_space<vmem>>) semaphore(%arg14 : memref<!tpu.dma_semaphore, #tpu.memory_space<semaphore_mem>>)
    %dma_start3A_108 = arith.constant 124 : i32
    %dma_start3A_109 = arith.constant 4 : i32
    %dma_start3A_110 = arith.constant 0 : i32
    %dma_start3A_111 = arith.constant 0 : i32
    %dma_start3A_112 = tpu.memref_slice %arg8[%dma_start3A_109, %dma_start3A_110, %dma_start3A_111] : memref<12x80x64xf32, #tpu.memory_space<vmem>> -> memref<1x80x64xf32, #tpu.memory_space<vmem>>
    %dma_start3A_113 = tpu.memref_squeeze %dma_start3A_112 : memref<1x80x64xf32, #tpu.memory_space<vmem>> -> memref<80x64xf32, #tpu.memory_space<vmem>>
    %dma_start3A_114 = arith.constant 0 : i32
    %dma_start3A_115 = tpu.memref_slice %arg6[%dma_start3A_108, %dma_start3A_114] : memref<125x80xi32, #tpu.memory_space<vmem>> -> memref<1x80xi32, #tpu.memory_space<vmem>>
    %dma_start3A_116 = tpu.memref_squeeze %dma_start3A_115 : memref<1x80xi32, #tpu.memory_space<vmem>> -> memref<80xi32, #tpu.memory_space<vmem>>
    %dma_start3A_117 = arith.constant 0 : i32
    %dma_start3A_118 = arith.constant 0 : i32
    %dma_start3A_119 = tpu.memref_slice %arg2[%dma_start3A_117, %dma_start3A_118] : memref<20000x64xf32, #tpu.memory_space<hbm>> -> memref<20000x64xf32, #tpu.memory_space<hbm>>
    tpu.enqueue_indirect_dma source(%dma_start3A_119 : memref<20000x64xf32, #tpu.memory_space<hbm>>) target(%dma_start3A_113 : memref<80x64xf32, #tpu.memory_space<vmem>>) offsets(%dma_start3A_116 : memref<80xi32, #tpu.memory_space<vmem>>) semaphore(%arg15 : memref<!tpu.dma_semaphore, #tpu.memory_space<semaphore_mem>>)
    %dma_wait3A_120 = arith.constant 120 : i32
    %dma_wait3A_121 = arith.constant 0 : i32
    %dma_wait3A_122 = arith.constant 0 : i32
    %dma_wait3A_123 = arith.constant 0 : i32
    %dma_wait3A_124 = tpu.memref_slice %arg8[%dma_wait3A_121, %dma_wait3A_122, %dma_wait3A_123] : memref<12x80x64xf32, #tpu.memory_space<vmem>> -> memref<1x80x64xf32, #tpu.memory_space<vmem>>
    %dma_wait3A_125 = tpu.memref_squeeze %dma_wait3A_124 : memref<1x80x64xf32, #tpu.memory_space<vmem>> -> memref<80x64xf32, #tpu.memory_space<vmem>>
    %dma_wait3A_126 = arith.constant 0 : i32
    %dma_wait3A_127 = tpu.memref_slice %arg6[%dma_wait3A_120, %dma_wait3A_126] : memref<125x80xi32, #tpu.memory_space<vmem>> -> memref<1x80xi32, #tpu.memory_space<vmem>>
    %dma_wait3A_128 = tpu.memref_squeeze %dma_wait3A_127 : memref<1x80xi32, #tpu.memory_space<vmem>> -> memref<80xi32, #tpu.memory_space<vmem>>
    %dma_wait3A_129 = arith.constant 0 : i32
    %dma_wait3A_130 = arith.constant 0 : i32
    %dma_wait3A_131 = tpu.memref_slice %arg2[%dma_wait3A_129, %dma_wait3A_130] : memref<20000x64xf32, #tpu.memory_space<hbm>> -> memref<20000x64xf32, #tpu.memory_space<hbm>>
    tpu.wait_indirect_dma semaphore(%arg11 : memref<!tpu.dma_semaphore, #tpu.memory_space<semaphore_mem>>) src(%dma_wait3A_131 : memref<20000x64xf32, #tpu.memory_space<hbm>>) dst(%dma_wait3A_125 : memref<80x64xf32, #tpu.memory_space<vmem>>)
    %dma_start3A_132 = arith.constant 0 : i32
    %dma_start3A_133 = arith.constant 120 : i32
    %dma_start3A_134 = arith.constant 0 : i32
    %dma_start3A_135 = arith.constant 0 : i32
    %dma_start3A_136 = tpu.memref_slice %arg8[%dma_start3A_132, %dma_start3A_134, %dma_start3A_135] : memref<12x80x64xf32, #tpu.memory_space<vmem>> -> memref<1x80x64xf32, #tpu.memory_space<vmem>>
    %dma_start3A_137 = tpu.memref_squeeze %dma_start3A_136 : memref<1x80x64xf32, #tpu.memory_space<vmem>> -> memref<80x64xf32, #tpu.memory_space<vmem>>
    %dma_start3A_138 = arith.constant 0 : i32
    %dma_start3A_139 = tpu.memref_slice %arg7[%dma_start3A_133, %dma_start3A_138] : memref<125x80xi32, #tpu.memory_space<vmem>> -> memref<1x80xi32, #tpu.memory_space<vmem>>
    %dma_start3A_140 = tpu.memref_squeeze %dma_start3A_139 : memref<1x80xi32, #tpu.memory_space<vmem>> -> memref<80xi32, #tpu.memory_space<vmem>>
    %dma_start3A_141 = arith.constant 0 : i32
    %dma_start3A_142 = arith.constant 0 : i32
    %dma_start3A_143 = tpu.memref_slice %arg10[%dma_start3A_141, %dma_start3A_142] : memref<10000x64xf32, #tpu.memory_space<vmem_shared>> -> memref<10000x64xf32, #tpu.memory_space<vmem_shared>>
    tpu.enqueue_indirect_dma source(%dma_start3A_137 : memref<80x64xf32, #tpu.memory_space<vmem>>) target(%dma_start3A_143 : memref<10000x64xf32, #tpu.memory_space<vmem_shared>>) offsets(%dma_start3A_140 : memref<80xi32, #tpu.memory_space<vmem>>) semaphore(%arg23 : memref<!tpu.dma_semaphore, #tpu.memory_space<semaphore_mem>>) {add = true}
    %dma_wait3A_144 = arith.constant 121 : i32
    %dma_wait3A_145 = arith.constant 1 : i32
    %dma_wait3A_146 = arith.constant 0 : i32
    %dma_wait3A_147 = arith.constant 0 : i32
    %dma_wait3A_148 = tpu.memref_slice %arg8[%dma_wait3A_145, %dma_wait3A_146, %dma_wait3A_147] : memref<12x80x64xf32, #tpu.memory_space<vmem>> -> memref<1x80x64xf32, #tpu.memory_space<vmem>>
    %dma_wait3A_149 = tpu.memref_squeeze %dma_wait3A_148 : memref<1x80x64xf32, #tpu.memory_space<vmem>> -> memref<80x64xf32, #tpu.memory_space<vmem>>
    %dma_wait3A_150 = arith.constant 0 : i32
    %dma_wait3A_151 = tpu.memref_slice %arg6[%dma_wait3A_144, %dma_wait3A_150] : memref<125x80xi32, #tpu.memory_space<vmem>> -> memref<1x80xi32, #tpu.memory_space<vmem>>
    %dma_wait3A_152 = tpu.memref_squeeze %dma_wait3A_151 : memref<1x80xi32, #tpu.memory_space<vmem>> -> memref<80xi32, #tpu.memory_space<vmem>>
    %dma_wait3A_153 = arith.constant 0 : i32
    %dma_wait3A_154 = arith.constant 0 : i32
    %dma_wait3A_155 = tpu.memref_slice %arg2[%dma_wait3A_153, %dma_wait3A_154] : memref<20000x64xf32, #tpu.memory_space<hbm>> -> memref<20000x64xf32, #tpu.memory_space<hbm>>
    tpu.wait_indirect_dma semaphore(%arg12 : memref<!tpu.dma_semaphore, #tpu.memory_space<semaphore_mem>>) src(%dma_wait3A_155 : memref<20000x64xf32, #tpu.memory_space<hbm>>) dst(%dma_wait3A_149 : memref<80x64xf32, #tpu.memory_space<vmem>>)
    %dma_start3A_156 = arith.constant 1 : i32
    %dma_start3A_157 = arith.constant 121 : i32
    %dma_start3A_158 = arith.constant 0 : i32
    %dma_start3A_159 = arith.constant 0 : i32
    %dma_start3A_160 = tpu.memref_slice %arg8[%dma_start3A_156, %dma_start3A_158, %dma_start3A_159] : memref<12x80x64xf32, #tpu.memory_space<vmem>> -> memref<1x80x64xf32, #tpu.memory_space<vmem>>
    %dma_start3A_161 = tpu.memref_squeeze %dma_start3A_160 : memref<1x80x64xf32, #tpu.memory_space<vmem>> -> memref<80x64xf32, #tpu.memory_space<vmem>>
    %dma_start3A_162 = arith.constant 0 : i32
    %dma_start3A_163 = tpu.memref_slice %arg7[%dma_start3A_157, %dma_start3A_162] : memref<125x80xi32, #tpu.memory_space<vmem>> -> memref<1x80xi32, #tpu.memory_space<vmem>>
    %dma_start3A_164 = tpu.memref_squeeze %dma_start3A_163 : memref<1x80xi32, #tpu.memory_space<vmem>> -> memref<80xi32, #tpu.memory_space<vmem>>
    %dma_start3A_165 = arith.constant 0 : i32
    %dma_start3A_166 = arith.constant 0 : i32
    %dma_start3A_167 = tpu.memref_slice %arg10[%dma_start3A_165, %dma_start3A_166] : memref<10000x64xf32, #tpu.memory_space<vmem_shared>> -> memref<10000x64xf32, #tpu.memory_space<vmem_shared>>
    tpu.enqueue_indirect_dma source(%dma_start3A_161 : memref<80x64xf32, #tpu.memory_space<vmem>>) target(%dma_start3A_167 : memref<10000x64xf32, #tpu.memory_space<vmem_shared>>) offsets(%dma_start3A_164 : memref<80xi32, #tpu.memory_space<vmem>>) semaphore(%arg24 : memref<!tpu.dma_semaphore, #tpu.memory_space<semaphore_mem>>) {add = true}
    %dma_wait3A_168 = arith.constant 122 : i32
    %dma_wait3A_169 = arith.constant 2 : i32
    %dma_wait3A_170 = arith.constant 0 : i32
    %dma_wait3A_171 = arith.constant 0 : i32
    %dma_wait3A_172 = tpu.memref_slice %arg8[%dma_wait3A_169, %dma_wait3A_170, %dma_wait3A_171] : memref<12x80x64xf32, #tpu.memory_space<vmem>> -> memref<1x80x64xf32, #tpu.memory_space<vmem>>
    %dma_wait3A_173 = tpu.memref_squeeze %dma_wait3A_172 : memref<1x80x64xf32, #tpu.memory_space<vmem>> -> memref<80x64xf32, #tpu.memory_space<vmem>>
    %dma_wait3A_174 = arith.constant 0 : i32
    %dma_wait3A_175 = tpu.memref_slice %arg6[%dma_wait3A_168, %dma_wait3A_174] : memref<125x80xi32, #tpu.memory_space<vmem>> -> memref<1x80xi32, #tpu.memory_space<vmem>>
    %dma_wait3A_176 = tpu.memref_squeeze %dma_wait3A_175 : memref<1x80xi32, #tpu.memory_space<vmem>> -> memref<80xi32, #tpu.memory_space<vmem>>
    %dma_wait3A_177 = arith.constant 0 : i32
    %dma_wait3A_178 = arith.constant 0 : i32
    %dma_wait3A_179 = tpu.memref_slice %arg2[%dma_wait3A_177, %dma_wait3A_178] : memref<20000x64xf32, #tpu.memory_space<hbm>> -> memref<20000x64xf32, #tpu.memory_space<hbm>>
    tpu.wait_indirect_dma semaphore(%arg13 : memref<!tpu.dma_semaphore, #tpu.memory_space<semaphore_mem>>) src(%dma_wait3A_179 : memref<20000x64xf32, #tpu.memory_space<hbm>>) dst(%dma_wait3A_173 : memref<80x64xf32, #tpu.memory_space<vmem>>)
    %dma_start3A_180 = arith.constant 2 : i32
    %dma_start3A_181 = arith.constant 122 : i32
    %dma_start3A_182 = arith.constant 0 : i32
    %dma_start3A_183 = arith.constant 0 : i32
    %dma_start3A_184 = tpu.memref_slice %arg8[%dma_start3A_180, %dma_start3A_182, %dma_start3A_183] : memref<12x80x64xf32, #tpu.memory_space<vmem>> -> memref<1x80x64xf32, #tpu.memory_space<vmem>>
    %dma_start3A_185 = tpu.memref_squeeze %dma_start3A_184 : memref<1x80x64xf32, #tpu.memory_space<vmem>> -> memref<80x64xf32, #tpu.memory_space<vmem>>
    %dma_start3A_186 = arith.constant 0 : i32
    %dma_start3A_187 = tpu.memref_slice %arg7[%dma_start3A_181, %dma_start3A_186] : memref<125x80xi32, #tpu.memory_space<vmem>> -> memref<1x80xi32, #tpu.memory_space<vmem>>
    %dma_start3A_188 = tpu.memref_squeeze %dma_start3A_187 : memref<1x80xi32, #tpu.memory_space<vmem>> -> memref<80xi32, #tpu.memory_space<vmem>>
    %dma_start3A_189 = arith.constant 0 : i32
    %dma_start3A_190 = arith.constant 0 : i32
    %dma_start3A_191 = tpu.memref_slice %arg10[%dma_start3A_189, %dma_start3A_190] : memref<10000x64xf32, #tpu.memory_space<vmem_shared>> -> memref<10000x64xf32, #tpu.memory_space<vmem_shared>>
    tpu.enqueue_indirect_dma source(%dma_start3A_185 : memref<80x64xf32, #tpu.memory_space<vmem>>) target(%dma_start3A_191 : memref<10000x64xf32, #tpu.memory_space<vmem_shared>>) offsets(%dma_start3A_188 : memref<80xi32, #tpu.memory_space<vmem>>) semaphore(%arg25 : memref<!tpu.dma_semaphore, #tpu.memory_space<semaphore_mem>>) {add = true}
    %dma_wait3A_192 = arith.constant 123 : i32
    %dma_wait3A_193 = arith.constant 3 : i32
    %dma_wait3A_194 = arith.constant 0 : i32
    %dma_wait3A_195 = arith.constant 0 : i32
    %dma_wait3A_196 = tpu.memref_slice %arg8[%dma_wait3A_193, %dma_wait3A_194, %dma_wait3A_195] : memref<12x80x64xf32, #tpu.memory_space<vmem>> -> memref<1x80x64xf32, #tpu.memory_space<vmem>>
    %dma_wait3A_197 = tpu.memref_squeeze %dma_wait3A_196 : memref<1x80x64xf32, #tpu.memory_space<vmem>> -> memref<80x64xf32, #tpu.memory_space<vmem>>
    %dma_wait3A_198 = arith.constant 0 : i32
    %dma_wait3A_199 = tpu.memref_slice %arg6[%dma_wait3A_192, %dma_wait3A_198] : memref<125x80xi32, #tpu.memory_space<vmem>> -> memref<1x80xi32, #tpu.memory_space<vmem>>
    %dma_wait3A_200 = tpu.memref_squeeze %dma_wait3A_199 : memref<1x80xi32, #tpu.memory_space<vmem>> -> memref<80xi32, #tpu.memory_space<vmem>>
    %dma_wait3A_201 = arith.constant 0 : i32
    %dma_wait3A_202 = arith.constant 0 : i32
    %dma_wait3A_203 = tpu.memref_slice %arg2[%dma_wait3A_201, %dma_wait3A_202] : memref<20000x64xf32, #tpu.memory_space<hbm>> -> memref<20000x64xf32, #tpu.memory_space<hbm>>
    tpu.wait_indirect_dma semaphore(%arg14 : memref<!tpu.dma_semaphore, #tpu.memory_space<semaphore_mem>>) src(%dma_wait3A_203 : memref<20000x64xf32, #tpu.memory_space<hbm>>) dst(%dma_wait3A_197 : memref<80x64xf32, #tpu.memory_space<vmem>>)
    %dma_start3A_204 = arith.constant 3 : i32
    %dma_start3A_205 = arith.constant 123 : i32
    %dma_start3A_206 = arith.constant 0 : i32
    %dma_start3A_207 = arith.constant 0 : i32
    %dma_start3A_208 = tpu.memref_slice %arg8[%dma_start3A_204, %dma_start3A_206, %dma_start3A_207] : memref<12x80x64xf32, #tpu.memory_space<vmem>> -> memref<1x80x64xf32, #tpu.memory_space<vmem>>
    %dma_start3A_209 = tpu.memref_squeeze %dma_start3A_208 : memref<1x80x64xf32, #tpu.memory_space<vmem>> -> memref<80x64xf32, #tpu.memory_space<vmem>>
    %dma_start3A_210 = arith.constant 0 : i32
    %dma_start3A_211 = tpu.memref_slice %arg7[%dma_start3A_205, %dma_start3A_210] : memref<125x80xi32, #tpu.memory_space<vmem>> -> memref<1x80xi32, #tpu.memory_space<vmem>>
    %dma_start3A_212 = tpu.memref_squeeze %dma_start3A_211 : memref<1x80xi32, #tpu.memory_space<vmem>> -> memref<80xi32, #tpu.memory_space<vmem>>
    %dma_start3A_213 = arith.constant 0 : i32
    %dma_start3A_214 = arith.constant 0 : i32
    %dma_start3A_215 = tpu.memref_slice %arg10[%dma_start3A_213, %dma_start3A_214] : memref<10000x64xf32, #tpu.memory_space<vmem_shared>> -> memref<10000x64xf32, #tpu.memory_space<vmem_shared>>
    tpu.enqueue_indirect_dma source(%dma_start3A_209 : memref<80x64xf32, #tpu.memory_space<vmem>>) target(%dma_start3A_215 : memref<10000x64xf32, #tpu.memory_space<vmem_shared>>) offsets(%dma_start3A_212 : memref<80xi32, #tpu.memory_space<vmem>>) semaphore(%arg26 : memref<!tpu.dma_semaphore, #tpu.memory_space<semaphore_mem>>) {add = true}
    %dma_wait3A_216 = arith.constant 124 : i32
    %dma_wait3A_217 = arith.constant 4 : i32
    %dma_wait3A_218 = arith.constant 0 : i32
    %dma_wait3A_219 = arith.constant 0 : i32
    %dma_wait3A_220 = tpu.memref_slice %arg8[%dma_wait3A_217, %dma_wait3A_218, %dma_wait3A_219] : memref<12x80x64xf32, #tpu.memory_space<vmem>> -> memref<1x80x64xf32, #tpu.memory_space<vmem>>
    %dma_wait3A_221 = tpu.memref_squeeze %dma_wait3A_220 : memref<1x80x64xf32, #tpu.memory_space<vmem>> -> memref<80x64xf32, #tpu.memory_space<vmem>>
    %dma_wait3A_222 = arith.constant 0 : i32
    %dma_wait3A_223 = tpu.memref_slice %arg6[%dma_wait3A_216, %dma_wait3A_222] : memref<125x80xi32, #tpu.memory_space<vmem>> -> memref<1x80xi32, #tpu.memory_space<vmem>>
    %dma_wait3A_224 = tpu.memref_squeeze %dma_wait3A_223 : memref<1x80xi32, #tpu.memory_space<vmem>> -> memref<80xi32, #tpu.memory_space<vmem>>
    %dma_wait3A_225 = arith.constant 0 : i32
    %dma_wait3A_226 = arith.constant 0 : i32
    %dma_wait3A_227 = tpu.memref_slice %arg2[%dma_wait3A_225, %dma_wait3A_226] : memref<20000x64xf32, #tpu.memory_space<hbm>> -> memref<20000x64xf32, #tpu.memory_space<hbm>>
    tpu.wait_indirect_dma semaphore(%arg15 : memref<!tpu.dma_semaphore, #tpu.memory_space<semaphore_mem>>) src(%dma_wait3A_227 : memref<20000x64xf32, #tpu.memory_space<hbm>>) dst(%dma_wait3A_221 : memref<80x64xf32, #tpu.memory_space<vmem>>)
    %dma_start3A_228 = arith.constant 4 : i32
    %dma_start3A_229 = arith.constant 124 : i32
    %dma_start3A_230 = arith.constant 0 : i32
    %dma_start3A_231 = arith.constant 0 : i32
    %dma_start3A_232 = tpu.memref_slice %arg8[%dma_start3A_228, %dma_start3A_230, %dma_start3A_231] : memref<12x80x64xf32, #tpu.memory_space<vmem>> -> memref<1x80x64xf32, #tpu.memory_space<vmem>>
    %dma_start3A_233 = tpu.memref_squeeze %dma_start3A_232 : memref<1x80x64xf32, #tpu.memory_space<vmem>> -> memref<80x64xf32, #tpu.memory_space<vmem>>
    %dma_start3A_234 = arith.constant 0 : i32
    %dma_start3A_235 = tpu.memref_slice %arg7[%dma_start3A_229, %dma_start3A_234] : memref<125x80xi32, #tpu.memory_space<vmem>> -> memref<1x80xi32, #tpu.memory_space<vmem>>
    %dma_start3A_236 = tpu.memref_squeeze %dma_start3A_235 : memref<1x80xi32, #tpu.memory_space<vmem>> -> memref<80xi32, #tpu.memory_space<vmem>>
    %dma_start3A_237 = arith.constant 0 : i32
    %dma_start3A_238 = arith.constant 0 : i32
    %dma_start3A_239 = tpu.memref_slice %arg10[%dma_start3A_237, %dma_start3A_238] : memref<10000x64xf32, #tpu.memory_space<vmem_shared>> -> memref<10000x64xf32, #tpu.memory_space<vmem_shared>>
    tpu.enqueue_indirect_dma source(%dma_start3A_233 : memref<80x64xf32, #tpu.memory_space<vmem>>) target(%dma_start3A_239 : memref<10000x64xf32, #tpu.memory_space<vmem_shared>>) offsets(%dma_start3A_236 : memref<80xi32, #tpu.memory_space<vmem>>) semaphore(%arg27 : memref<!tpu.dma_semaphore, #tpu.memory_space<semaphore_mem>>) {add = true}
    %dma_wait3A_240 = arith.constant 0 : i32
    %dma_wait3A_241 = arith.constant 120 : i32
    %dma_wait3A_242 = arith.constant 0 : i32
    %dma_wait3A_243 = arith.constant 0 : i32
    %dma_wait3A_244 = tpu.memref_slice %arg8[%dma_wait3A_240, %dma_wait3A_242, %dma_wait3A_243] : memref<12x80x64xf32, #tpu.memory_space<vmem>> -> memref<1x80x64xf32, #tpu.memory_space<vmem>>
    %dma_wait3A_245 = tpu.memref_squeeze %dma_wait3A_244 : memref<1x80x64xf32, #tpu.memory_space<vmem>> -> memref<80x64xf32, #tpu.memory_space<vmem>>
    %dma_wait3A_246 = arith.constant 0 : i32
    %dma_wait3A_247 = tpu.memref_slice %arg7[%dma_wait3A_241, %dma_wait3A_246] : memref<125x80xi32, #tpu.memory_space<vmem>> -> memref<1x80xi32, #tpu.memory_space<vmem>>
    %dma_wait3A_248 = tpu.memref_squeeze %dma_wait3A_247 : memref<1x80xi32, #tpu.memory_space<vmem>> -> memref<80xi32, #tpu.memory_space<vmem>>
    %dma_wait3A_249 = arith.constant 0 : i32
    %dma_wait3A_250 = arith.constant 0 : i32
    %dma_wait3A_251 = tpu.memref_slice %arg10[%dma_wait3A_249, %dma_wait3A_250] : memref<10000x64xf32, #tpu.memory_space<vmem_shared>> -> memref<10000x64xf32, #tpu.memory_space<vmem_shared>>
    tpu.wait_indirect_dma semaphore(%arg23 : memref<!tpu.dma_semaphore, #tpu.memory_space<semaphore_mem>>) src(%dma_wait3A_245 : memref<80x64xf32, #tpu.memory_space<vmem>>) dst(%dma_wait3A_251 : memref<10000x64xf32, #tpu.memory_space<vmem_shared>>)
    %dma_wait3A_252 = arith.constant 1 : i32
    %dma_wait3A_253 = arith.constant 121 : i32
    %dma_wait3A_254 = arith.constant 0 : i32
    %dma_wait3A_255 = arith.constant 0 : i32
    %dma_wait3A_256 = tpu.memref_slice %arg8[%dma_wait3A_252, %dma_wait3A_254, %dma_wait3A_255] : memref<12x80x64xf32, #tpu.memory_space<vmem>> -> memref<1x80x64xf32, #tpu.memory_space<vmem>>
    %dma_wait3A_257 = tpu.memref_squeeze %dma_wait3A_256 : memref<1x80x64xf32, #tpu.memory_space<vmem>> -> memref<80x64xf32, #tpu.memory_space<vmem>>
    %dma_wait3A_258 = arith.constant 0 : i32
    %dma_wait3A_259 = tpu.memref_slice %arg7[%dma_wait3A_253, %dma_wait3A_258] : memref<125x80xi32, #tpu.memory_space<vmem>> -> memref<1x80xi32, #tpu.memory_space<vmem>>
    %dma_wait3A_260 = tpu.memref_squeeze %dma_wait3A_259 : memref<1x80xi32, #tpu.memory_space<vmem>> -> memref<80xi32, #tpu.memory_space<vmem>>
    %dma_wait3A_261 = arith.constant 0 : i32
    %dma_wait3A_262 = arith.constant 0 : i32
    %dma_wait3A_263 = tpu.memref_slice %arg10[%dma_wait3A_261, %dma_wait3A_262] : memref<10000x64xf32, #tpu.memory_space<vmem_shared>> -> memref<10000x64xf32, #tpu.memory_space<vmem_shared>>
    tpu.wait_indirect_dma semaphore(%arg24 : memref<!tpu.dma_semaphore, #tpu.memory_space<semaphore_mem>>) src(%dma_wait3A_257 : memref<80x64xf32, #tpu.memory_space<vmem>>) dst(%dma_wait3A_263 : memref<10000x64xf32, #tpu.memory_space<vmem_shared>>)
    %dma_wait3A_264 = arith.constant 2 : i32
    %dma_wait3A_265 = arith.constant 122 : i32
    %dma_wait3A_266 = arith.constant 0 : i32
    %dma_wait3A_267 = arith.constant 0 : i32
    %dma_wait3A_268 = tpu.memref_slice %arg8[%dma_wait3A_264, %dma_wait3A_266, %dma_wait3A_267] : memref<12x80x64xf32, #tpu.memory_space<vmem>> -> memref<1x80x64xf32, #tpu.memory_space<vmem>>
    %dma_wait3A_269 = tpu.memref_squeeze %dma_wait3A_268 : memref<1x80x64xf32, #tpu.memory_space<vmem>> -> memref<80x64xf32, #tpu.memory_space<vmem>>
    %dma_wait3A_270 = arith.constant 0 : i32
    %dma_wait3A_271 = tpu.memref_slice %arg7[%dma_wait3A_265, %dma_wait3A_270] : memref<125x80xi32, #tpu.memory_space<vmem>> -> memref<1x80xi32, #tpu.memory_space<vmem>>
    %dma_wait3A_272 = tpu.memref_squeeze %dma_wait3A_271 : memref<1x80xi32, #tpu.memory_space<vmem>> -> memref<80xi32, #tpu.memory_space<vmem>>
    %dma_wait3A_273 = arith.constant 0 : i32
    %dma_wait3A_274 = arith.constant 0 : i32
    %dma_wait3A_275 = tpu.memref_slice %arg10[%dma_wait3A_273, %dma_wait3A_274] : memref<10000x64xf32, #tpu.memory_space<vmem_shared>> -> memref<10000x64xf32, #tpu.memory_space<vmem_shared>>
    tpu.wait_indirect_dma semaphore(%arg25 : memref<!tpu.dma_semaphore, #tpu.memory_space<semaphore_mem>>) src(%dma_wait3A_269 : memref<80x64xf32, #tpu.memory_space<vmem>>) dst(%dma_wait3A_275 : memref<10000x64xf32, #tpu.memory_space<vmem_shared>>)
    %dma_wait3A_276 = arith.constant 3 : i32
    %dma_wait3A_277 = arith.constant 123 : i32
    %dma_wait3A_278 = arith.constant 0 : i32
    %dma_wait3A_279 = arith.constant 0 : i32
    %dma_wait3A_280 = tpu.memref_slice %arg8[%dma_wait3A_276, %dma_wait3A_278, %dma_wait3A_279] : memref<12x80x64xf32, #tpu.memory_space<vmem>> -> memref<1x80x64xf32, #tpu.memory_space<vmem>>
    %dma_wait3A_281 = tpu.memref_squeeze %dma_wait3A_280 : memref<1x80x64xf32, #tpu.memory_space<vmem>> -> memref<80x64xf32, #tpu.memory_space<vmem>>
    %dma_wait3A_282 = arith.constant 0 : i32
    %dma_wait3A_283 = tpu.memref_slice %arg7[%dma_wait3A_277, %dma_wait3A_282] : memref<125x80xi32, #tpu.memory_space<vmem>> -> memref<1x80xi32, #tpu.memory_space<vmem>>
    %dma_wait3A_284 = tpu.memref_squeeze %dma_wait3A_283 : memref<1x80xi32, #tpu.memory_space<vmem>> -> memref<80xi32, #tpu.memory_space<vmem>>
    %dma_wait3A_285 = arith.constant 0 : i32
    %dma_wait3A_286 = arith.constant 0 : i32
    %dma_wait3A_287 = tpu.memref_slice %arg10[%dma_wait3A_285, %dma_wait3A_286] : memref<10000x64xf32, #tpu.memory_space<vmem_shared>> -> memref<10000x64xf32, #tpu.memory_space<vmem_shared>>
    tpu.wait_indirect_dma semaphore(%arg26 : memref<!tpu.dma_semaphore, #tpu.memory_space<semaphore_mem>>) src(%dma_wait3A_281 : memref<80x64xf32, #tpu.memory_space<vmem>>) dst(%dma_wait3A_287 : memref<10000x64xf32, #tpu.memory_space<vmem_shared>>)
    %dma_wait3A_288 = arith.constant 4 : i32
    %dma_wait3A_289 = arith.constant 124 : i32
    %dma_wait3A_290 = arith.constant 0 : i32
    %dma_wait3A_291 = arith.constant 0 : i32
    %dma_wait3A_292 = tpu.memref_slice %arg8[%dma_wait3A_288, %dma_wait3A_290, %dma_wait3A_291] : memref<12x80x64xf32, #tpu.memory_space<vmem>> -> memref<1x80x64xf32, #tpu.memory_space<vmem>>
    %dma_wait3A_293 = tpu.memref_squeeze %dma_wait3A_292 : memref<1x80x64xf32, #tpu.memory_space<vmem>> -> memref<80x64xf32, #tpu.memory_space<vmem>>
    %dma_wait3A_294 = arith.constant 0 : i32
    %dma_wait3A_295 = tpu.memref_slice %arg7[%dma_wait3A_289, %dma_wait3A_294] : memref<125x80xi32, #tpu.memory_space<vmem>> -> memref<1x80xi32, #tpu.memory_space<vmem>>
    %dma_wait3A_296 = tpu.memref_squeeze %dma_wait3A_295 : memref<1x80xi32, #tpu.memory_space<vmem>> -> memref<80xi32, #tpu.memory_space<vmem>>
    %dma_wait3A_297 = arith.constant 0 : i32
    %dma_wait3A_298 = arith.constant 0 : i32
    %dma_wait3A_299 = tpu.memref_slice %arg10[%dma_wait3A_297, %dma_wait3A_298] : memref<10000x64xf32, #tpu.memory_space<vmem_shared>> -> memref<10000x64xf32, #tpu.memory_space<vmem_shared>>
    tpu.wait_indirect_dma semaphore(%arg27 : memref<!tpu.dma_semaphore, #tpu.memory_space<semaphore_mem>>) src(%dma_wait3A_293 : memref<80x64xf32, #tpu.memory_space<vmem>>) dst(%dma_wait3A_299 : memref<10000x64xf32, #tpu.memory_space<vmem_shared>>)
    %barrier3A_300 = arith.constant 0 : index
    tpu.barrier barrier_id(%barrier3A_300)
    %mul3A_301 = arith.constant 625 : i32
    %mul3A_302 = arith.muli %arg1, %mul3A_301 : i32
    %mul3A_303 = arith.constant 625 : i32
    %mul3A_304 = arith.muli %arg1, %mul3A_303 : i32
    %mul3A_305 = arith.constant 64 : i32
    %mul3A_306 = arith.muli %arg0, %mul3A_305 : i32
    "tpu.region"() ({
      %run_scoped3A = tpu.sem_alloc : memref<!tpu.dma_semaphore, #tpu.memory_space<semaphore_mem>>
      %dma_start3A_307 = tpu.memref_slice %arg5[%mul3A_304, %mul3A_306] : memref<10000x128xf32, #tpu.memory_space<hbm>> -> memref<625x64xf32, #tpu.memory_space<hbm>>
      %dma_start3A_308 = arith.constant 0 : i32
      %dma_start3A_309 = tpu.memref_slice %arg10[%mul3A_302, %dma_start3A_308] : memref<10000x64xf32, #tpu.memory_space<vmem_shared>> -> memref<625x64xf32, #tpu.memory_space<vmem_shared>>
      tpu.enqueue_dma source(%dma_start3A_309 : memref<625x64xf32, #tpu.memory_space<vmem_shared>>) target(%dma_start3A_307 : memref<625x64xf32, #tpu.memory_space<hbm>>) target_semaphore(%run_scoped3A : memref<!tpu.dma_semaphore, #tpu.memory_space<semaphore_mem>>)
      %dma_wait3A_310 = tpu.memref_slice %arg5[%mul3A_304, %mul3A_306] : memref<10000x128xf32, #tpu.memory_space<hbm>> -> memref<625x64xf32, #tpu.memory_space<hbm>>
      %dma_wait3A_311 = arith.constant 0 : i32
      %dma_wait3A_312 = tpu.memref_slice %arg10[%mul3A_302, %dma_wait3A_311] : memref<10000x64xf32, #tpu.memory_space<vmem_shared>> -> memref<625x64xf32, #tpu.memory_space<vmem_shared>>
      tpu.wait_dma2 semaphore(%run_scoped3A : memref<!tpu.dma_semaphore, #tpu.memory_space<semaphore_mem>>) src(%dma_wait3A_312 : memref<625x64xf32, #tpu.memory_space<vmem_shared>>) dst(%dma_wait3A_310 : memref<625x64xf32, #tpu.memory_space<hbm>>)
      tpu.yield
    }) : () -> ()
    return
  }
}

module attributes {stable_mosaic.version = 14 : i64} {
  func.func @_mm1_body(%arg0: i32, %arg1: memref<1000x400xf32, #tpu.memory_space<vmem>>, %arg2: memref<400x128xf32, #tpu.memory_space<vmem>>, %arg3: memref<1000x1xf32, #tpu.memory_space<vmem>>, %arg4: memref<1000x1xf32, #tpu.memory_space<vmem>>, %arg5: memref<1000x128xf32, #tpu.memory_space<vmem>>) attributes {dimension_semantics = [#tpu.dimension_semantics<arbitrary>], iteration_bounds = array<i64: 10>, scalar_prefetch = 0 : i64, scratch_operands = 0 : i64, tpu.core_type = #tpu.core_type<tc>, window_params = [{transform_indices = @transform_0, window_bounds = array<i64: 1000, 400>}, {pipeline_mode = #tpu.pipeline_mode<synchronous>, transform_indices = @transform_1, window_bounds = array<i64: 400, 128>}, {transform_indices = @transform_2, window_bounds = array<i64: 1000, 1>}, {transform_indices = @transform_3, window_bounds = array<i64: 1000, 1>}, {transform_indices = @transform_4, window_bounds = array<i64: 1000, 128>}]} {
    %get3A = arith.constant 0 : index
    %get3A_0 = arith.constant 0 : index
    %get3A_1 = vector.load %arg3[%get3A, %get3A_0] : memref<1000x1xf32, #tpu.memory_space<vmem>>, vector<1000x1xf32>
    %get3A_2 = arith.constant 0 : index
    %get3A_3 = arith.constant 0 : index
    %get3A_4 = vector.load %arg4[%get3A_2, %get3A_3] : memref<1000x1xf32, #tpu.memory_space<vmem>>, vector<1000x1xf32>
    %add3A = arith.addf %get3A_1, %get3A_4 : vector<1000x1xf32>
    %add3A_5 = arith.constant 1.000000e+00 : f32
    %add3A_6 = vector.broadcast %add3A_5 : f32 to vector<1000x1xf32>
    %add3A_7 = arith.addf %add3A, %add3A_6 : vector<1000x1xf32>
    %rsqrt3A = math.rsqrt %add3A_7 : vector<1000x1xf32>
    %get3A_8 = arith.constant 0 : index
    %get3A_9 = arith.constant 0 : index
    %get3A_10 = vector.load %arg1[%get3A_8, %get3A_9] : memref<1000x400xf32, #tpu.memory_space<vmem>>, vector<1000x400xf32>
    %get3A_11 = arith.constant 0 : index
    %get3A_12 = arith.constant 0 : index
    %get3A_13 = vector.load %arg2[%get3A_11, %get3A_12] : memref<400x128xf32, #tpu.memory_space<vmem>>, vector<400x128xf32>
    %dot_general3A = arith.constant dense<0.000000e+00> : vector<1000x128xf32>
    %dot_general3A_14 = tpu.matmul %get3A_10, %get3A_13, %dot_general3A {dimension_numbers = #tpu.dot_dimension_numbers<[1], [0], [0], [1], [0, 0, 1, 1], [], []>, transpose_lhs_hint = false} : vector<1000x400xf32>, vector<400x128xf32>, vector<1000x128xf32> -> vector<1000x128xf32>
    %mul3A = vector.broadcast %rsqrt3A : vector<1000x1xf32> to vector<1000x128xf32>
    %mul3A_15 = arith.mulf %dot_general3A_14, %mul3A : vector<1000x128xf32>
    %swap3A = arith.constant 0 : index
    %swap3A_16 = arith.constant 0 : index
    %swap3A_17 = vector.load %arg5[%swap3A, %swap3A_16] : memref<1000x128xf32, #tpu.memory_space<vmem>>, vector<1000x128xf32>
    tpu.vector_store %arg5[%swap3A, %swap3A_16], %mul3A_15 {strides = array<i32>} : memref<1000x128xf32, #tpu.memory_space<vmem>>, vector<1000x128xf32>,
    return
  }
  func.func @transform_0(%arg0: i32) -> (i32, i32) {
    %c0_i32 = arith.constant 0 : i32
    %c0_i32_0 = arith.constant 0 : i32
    return %arg0, %c0_i32 : i32, i32
  }
  func.func @transform_1(%arg0: i32) -> (i32, i32) {
    %c0_i32 = arith.constant 0 : i32
    %c0_i32_0 = arith.constant 0 : i32
    %c0_i32_1 = arith.constant 0 : i32
    return %c0_i32, %c0_i32_0 : i32, i32
  }
  func.func @transform_2(%arg0: i32) -> (i32, i32) {
    %c0_i32 = arith.constant 0 : i32
    %c0_i32_0 = arith.constant 0 : i32
    return %arg0, %c0_i32 : i32, i32
  }
  func.func @transform_3(%arg0: i32) -> (i32, i32) {
    %c0_i32 = arith.constant 0 : i32
    %c0_i32_0 = arith.constant 0 : i32
    return %arg0, %c0_i32 : i32, i32
  }
  func.func @transform_4(%arg0: i32) -> (i32, i32) {
    %c0_i32 = arith.constant 0 : i32
    %c0_i32_0 = arith.constant 0 : i32
    return %arg0, %c0_i32 : i32, i32
  }
}

module attributes {stable_mosaic.version = 14 : i64} {
  func.func @_mid_body(%arg0: i32, %arg1: memref<1000x128xf32, #tpu.memory_space<vmem>>, %arg2: memref<1000x128xf32, #tpu.memory_space<vmem>>, %arg3: memref<1000x1xf32, #tpu.memory_space<vmem>>, %arg4: memref<1000x1xf32, #tpu.memory_space<vmem>>, %arg5: memref<1x128xf32, #tpu.memory_space<vmem>>, %arg6: memref<128x128xf32, #tpu.memory_space<vmem>>, %arg7: memref<1000x128xf32, #tpu.memory_space<vmem>>) attributes {dimension_semantics = [#tpu.dimension_semantics<arbitrary>], iteration_bounds = array<i64: 10>, scalar_prefetch = 0 : i64, scratch_operands = 0 : i64, tpu.core_type = #tpu.core_type<tc>, window_params = [{transform_indices = @transform_0, window_bounds = array<i64: 1000, 128>}, {transform_indices = @transform_1, window_bounds = array<i64: 1000, 128>}, {transform_indices = @transform_2, window_bounds = array<i64: 1000, 1>}, {transform_indices = @transform_3, window_bounds = array<i64: 1000, 1>}, {pipeline_mode = #tpu.pipeline_mode<synchronous>, transform_indices = @transform_4, window_bounds = array<i64: 1, 128>}, {pipeline_mode = #tpu.pipeline_mode<synchronous>, transform_indices = @transform_5, window_bounds = array<i64: 128, 128>}, {transform_indices = @transform_6, window_bounds = array<i64: 1000, 128>}]} {
    %get3A = arith.constant 0 : index
    %get3A_0 = arith.constant 0 : index
    %get3A_1 = vector.load %arg3[%get3A, %get3A_0] : memref<1000x1xf32, #tpu.memory_space<vmem>>, vector<1000x1xf32>
    %get3A_2 = arith.constant 0 : index
    %get3A_3 = arith.constant 0 : index
    %get3A_4 = vector.load %arg4[%get3A_2, %get3A_3] : memref<1000x1xf32, #tpu.memory_space<vmem>>, vector<1000x1xf32>
    %add3A = arith.addf %get3A_1, %get3A_4 : vector<1000x1xf32>
    %add3A_5 = arith.constant 1.000000e+00 : f32
    %add3A_6 = vector.broadcast %add3A_5 : f32 to vector<1000x1xf32>
    %add3A_7 = arith.addf %add3A, %add3A_6 : vector<1000x1xf32>
    %rsqrt3A = math.rsqrt %add3A_7 : vector<1000x1xf32>
    %get3A_8 = arith.constant 0 : index
    %get3A_9 = arith.constant 0 : index
    %get3A_10 = vector.load %arg1[%get3A_8, %get3A_9] : memref<1000x128xf32, #tpu.memory_space<vmem>>, vector<1000x128xf32>
    %get3A_11 = arith.constant 0 : index
    %get3A_12 = arith.constant 0 : index
    %get3A_13 = vector.load %arg2[%get3A_11, %get3A_12] : memref<1000x128xf32, #tpu.memory_space<vmem>>, vector<1000x128xf32>
    %add3A_14 = arith.addf %get3A_10, %get3A_13 : vector<1000x128xf32>
    %mul3A = vector.broadcast %rsqrt3A : vector<1000x1xf32> to vector<1000x128xf32>
    %mul3A_15 = arith.mulf %mul3A, %add3A_14 : vector<1000x128xf32>
    %get3A_16 = arith.constant 0 : index
    %get3A_17 = arith.constant 0 : index
    %get3A_18 = vector.load %arg5[%get3A_16, %get3A_17] : memref<1x128xf32, #tpu.memory_space<vmem>>, vector<1x128xf32>
    %add3A_19 = vector.broadcast %get3A_18 : vector<1x128xf32> to vector<1000x128xf32>
    %add3A_20 = arith.addf %mul3A_15, %add3A_19 : vector<1000x128xf32>
    %max3A = arith.constant 0.000000e+00 : f32
    %max3A_21 = vector.broadcast %max3A : f32 to vector<1000x128xf32>
    %max3A_22 = arith.maximumf %add3A_20, %max3A_21 : vector<1000x128xf32>
    %get3A_23 = arith.constant 0 : index
    %get3A_24 = arith.constant 0 : index
    %get3A_25 = vector.load %arg6[%get3A_23, %get3A_24] : memref<128x128xf32, #tpu.memory_space<vmem>>, vector<128x128xf32>
    %dot_general3A = arith.constant dense<0.000000e+00> : vector<1000x128xf32>
    %dot_general3A_26 = tpu.matmul %max3A_22, %get3A_25, %dot_general3A {dimension_numbers = #tpu.dot_dimension_numbers<[1], [0], [0], [1], [0, 0, 1, 1], [], []>, transpose_lhs_hint = false} : vector<1000x128xf32>, vector<128x128xf32>, vector<1000x128xf32> -> vector<1000x128xf32>
    %mul3A_27 = vector.broadcast %rsqrt3A : vector<1000x1xf32> to vector<1000x128xf32>
    %mul3A_28 = arith.mulf %dot_general3A_26, %mul3A_27 : vector<1000x128xf32>
    %swap3A = arith.constant 0 : index
    %swap3A_29 = arith.constant 0 : index
    %swap3A_30 = vector.load %arg7[%swap3A, %swap3A_29] : memref<1000x128xf32, #tpu.memory_space<vmem>>, vector<1000x128xf32>
    tpu.vector_store %arg7[%swap3A, %swap3A_29], %mul3A_28 {strides = array<i32>} : memref<1000x128xf32, #tpu.memory_space<vmem>>, vector<1000x128xf32>,
    return
  }
  func.func @transform_0(%arg0: i32) -> (i32, i32) {
    %c0_i32 = arith.constant 0 : i32
    %c0_i32_0 = arith.constant 0 : i32
    return %arg0, %c0_i32 : i32, i32
  }
  func.func @transform_1(%arg0: i32) -> (i32, i32) {
    %c0_i32 = arith.constant 0 : i32
    %c0_i32_0 = arith.constant 0 : i32
    return %arg0, %c0_i32 : i32, i32
  }
  func.func @transform_2(%arg0: i32) -> (i32, i32) {
    %c0_i32 = arith.constant 0 : i32
    %c0_i32_0 = arith.constant 0 : i32
    return %arg0, %c0_i32 : i32, i32
  }
  func.func @transform_3(%arg0: i32) -> (i32, i32) {
    %c0_i32 = arith.constant 0 : i32
    %c0_i32_0 = arith.constant 0 : i32
    return %arg0, %c0_i32 : i32, i32
  }
  func.func @transform_4(%arg0: i32) -> (i32, i32) {
    %c0_i32 = arith.constant 0 : i32
    %c0_i32_0 = arith.constant 0 : i32
    %c0_i32_1 = arith.constant 0 : i32
    return %c0_i32, %c0_i32_0 : i32, i32
  }
  func.func @transform_5(%arg0: i32) -> (i32, i32) {
    %c0_i32 = arith.constant 0 : i32
    %c0_i32_0 = arith.constant 0 : i32
    %c0_i32_1 = arith.constant 0 : i32
    return %c0_i32, %c0_i32_0 : i32, i32
  }
  func.func @transform_6(%arg0: i32) -> (i32, i32) {
    %c0_i32 = arith.constant 0 : i32
    %c0_i32_0 = arith.constant 0 : i32
    return %arg0, %c0_i32 : i32, i32
  }
}

module attributes {stable_mosaic.version = 14 : i64} {
  func.func @_final_body(%arg0: i32, %arg1: memref<1000x128xf32, #tpu.memory_space<vmem>>, %arg2: memref<1000x128xf32, #tpu.memory_space<vmem>>, %arg3: memref<1000x1xf32, #tpu.memory_space<vmem>>, %arg4: memref<1000x1xf32, #tpu.memory_space<vmem>>, %arg5: memref<1x128xf32, #tpu.memory_space<vmem>>, %arg6: memref<1000x128xf32, #tpu.memory_space<vmem>>) attributes {dimension_semantics = [#tpu.dimension_semantics<arbitrary>], iteration_bounds = array<i64: 10>, scalar_prefetch = 0 : i64, scratch_operands = 0 : i64, tpu.core_type = #tpu.core_type<tc>, window_params = [{transform_indices = @transform_0, window_bounds = array<i64: 1000, 128>}, {transform_indices = @transform_1, window_bounds = array<i64: 1000, 128>}, {transform_indices = @transform_2, window_bounds = array<i64: 1000, 1>}, {transform_indices = @transform_3, window_bounds = array<i64: 1000, 1>}, {pipeline_mode = #tpu.pipeline_mode<synchronous>, transform_indices = @transform_4, window_bounds = array<i64: 1, 128>}, {transform_indices = @transform_5, window_bounds = array<i64: 1000, 128>}]} {
    %get3A = arith.constant 0 : index
    %get3A_0 = arith.constant 0 : index
    %get3A_1 = vector.load %arg3[%get3A, %get3A_0] : memref<1000x1xf32, #tpu.memory_space<vmem>>, vector<1000x1xf32>
    %get3A_2 = arith.constant 0 : index
    %get3A_3 = arith.constant 0 : index
    %get3A_4 = vector.load %arg4[%get3A_2, %get3A_3] : memref<1000x1xf32, #tpu.memory_space<vmem>>, vector<1000x1xf32>
    %add3A = arith.addf %get3A_1, %get3A_4 : vector<1000x1xf32>
    %add3A_5 = arith.constant 1.000000e+00 : f32
    %add3A_6 = vector.broadcast %add3A_5 : f32 to vector<1000x1xf32>
    %add3A_7 = arith.addf %add3A, %add3A_6 : vector<1000x1xf32>
    %rsqrt3A = math.rsqrt %add3A_7 : vector<1000x1xf32>
    %get3A_8 = arith.constant 0 : index
    %get3A_9 = arith.constant 0 : index
    %get3A_10 = vector.load %arg1[%get3A_8, %get3A_9] : memref<1000x128xf32, #tpu.memory_space<vmem>>, vector<1000x128xf32>
    %get3A_11 = arith.constant 0 : index
    %get3A_12 = arith.constant 0 : index
    %get3A_13 = vector.load %arg2[%get3A_11, %get3A_12] : memref<1000x128xf32, #tpu.memory_space<vmem>>, vector<1000x128xf32>
    %add3A_14 = arith.addf %get3A_10, %get3A_13 : vector<1000x128xf32>
    %mul3A = vector.broadcast %rsqrt3A : vector<1000x1xf32> to vector<1000x128xf32>
    %mul3A_15 = arith.mulf %mul3A, %add3A_14 : vector<1000x128xf32>
    %get3A_16 = arith.constant 0 : index
    %get3A_17 = arith.constant 0 : index
    %get3A_18 = vector.load %arg5[%get3A_16, %get3A_17] : memref<1x128xf32, #tpu.memory_space<vmem>>, vector<1x128xf32>
    %add3A_19 = vector.broadcast %get3A_18 : vector<1x128xf32> to vector<1000x128xf32>
    %add3A_20 = arith.addf %mul3A_15, %add3A_19 : vector<1000x128xf32>
    %max3A = arith.constant 0.000000e+00 : f32
    %max3A_21 = vector.broadcast %max3A : f32 to vector<1000x128xf32>
    %max3A_22 = arith.maximumf %add3A_20, %max3A_21 : vector<1000x128xf32>
    %swap3A = arith.constant 0 : index
    %swap3A_23 = arith.constant 0 : index
    %swap3A_24 = vector.load %arg6[%swap3A, %swap3A_23] : memref<1000x128xf32, #tpu.memory_space<vmem>>, vector<1000x128xf32>
    tpu.vector_store %arg6[%swap3A, %swap3A_23], %max3A_22 {strides = array<i32>} : memref<1000x128xf32, #tpu.memory_space<vmem>>, vector<1000x128xf32>,
    return
  }
  func.func @transform_0(%arg0: i32) -> (i32, i32) {
    %c0_i32 = arith.constant 0 : i32
    %c0_i32_0 = arith.constant 0 : i32
    return %arg0, %c0_i32 : i32, i32
  }
  func.func @transform_1(%arg0: i32) -> (i32, i32) {
    %c0_i32 = arith.constant 0 : i32
    %c0_i32_0 = arith.constant 0 : i32
    return %arg0, %c0_i32 : i32, i32
  }
  func.func @transform_2(%arg0: i32) -> (i32, i32) {
    %c0_i32 = arith.constant 0 : i32
    %c0_i32_0 = arith.constant 0 : i32
    return %arg0, %c0_i32 : i32, i32
  }
  func.func @transform_3(%arg0: i32) -> (i32, i32) {
    %c0_i32 = arith.constant 0 : i32
    %c0_i32_0 = arith.constant 0 : i32
    return %arg0, %c0_i32 : i32, i32
  }
  func.func @transform_4(%arg0: i32) -> (i32, i32) {
    %c0_i32 = arith.constant 0 : i32
    %c0_i32_0 = arith.constant 0 : i32
    %c0_i32_1 = arith.constant 0 : i32
    return %c0_i32, %c0_i32_0 : i32, i32
  }
  func.func @transform_5(%arg0: i32) -> (i32, i32) {
    %c0_i32 = arith.constant 0 : i32
    %c0_i32_0 = arith.constant 0 : i32
    return %arg0, %c0_i32 : i32, i32
  }
}

</mosaic_0001>

<sc_bundles>
// kernel: kernel.11.cloned.1.call-start
scs
__scs_entry_jumppad:
0x0: {  	(pc) =	sbr.rel $0x88, $3  }
0x1: {  	(tag) =	ssettag $0x0;
	lr =	simm.s32 $0x1  }
0x2: {  	[smem:$0x3F9B] =	sst lr;
	_ =	strace $0xD0000000  }
0x3: {  	_ = 	snop  }
0x4: {  	_ = 	snop  }
0x5: {  	_ = 	snop  }
0x6: {  	_ = 	snop  }
0x7: {  	_ = 	snop  }
__scs_overlays_trampoline_lowered:
0x8: {  	[smem:$0x3FAA] =	sst s0  }
0x9: {  	[smem:$0x3FAB] =	sst s1  }
0xa: {  	[smem:$0x3FAC] =	sst s2  }
0xb: {  	[smem:$0x3FAD] =	sst s3  }
0xc: {  	[smem:$0x3FAE] =	sst s4  }
0xd: {  	[smem:$0x3FAF] =	sst s5  }
0xe: {  	[smem:$0x3FB0] =	sst s6  }
0xf: {  	[smem:$0x3FB1] =	sst s7  }
0x10: {  	[smem:$0x3FB2] =	sst s8  }
0x11: {  	[smem:$0x3FB3] =	sst s9;
	s0 =	simm.s32 @!p0 $0x0  }
0x12: {  	s1 =	sld [smem:$0x3F99];
	s0 =	simm.s32 @p0 $0x1  }
0x13: {  	[smem:$0x3FB4] =	sst s0;
	s0 =	simm.s32 @!p1 $0x0  }
0x14: {  	s2 =	sld [smem:$0x3F98];
	s0 =	simm.s32 @p1 $0x1  }
0x15: {  	[smem:$0x3FB5] =	sst s0;
	s0 =	simm.s32 @!p2 $0x0  }
0x16: {  	s3 =	sld [smem:$0x3FDB];
	s0 =	simm.s32 @p2 $0x1  }
0x17: {  	s4 =	simm.s32 $0x1BF5;
	[smem:$0x3FB7] =	sst s0  }
0x18: {  	s0 =	sld [smem:$0x3F9A];
	_ =	swait.ge [sflag:s4], $0x0  }
0x19: {  	s7 =	sld [smem:$0x3F9B]  }
0x1a: {  	s8 =	sadd.s32 $0xFFFFE003, lr  }
0x1b: {  	s9 =	sadd.s32 $0xFFFFFEF7, lr;
	s5 =	simm.s32 $0xFFFFFFFF;
	p2 =	slt.u32 s8, $0xFFFFF086  }
0x1c: {  	p1 =	slt.u32 s9, $0xF7A;
	s5 =	simm.s32 @!p2 $0x0  }
0x1d: {  	s5 =	simm.s32 @p1 $0x1;
	p0 =	seq.s32 s7, s2  }
0x1e: {  	s7 =	smul.u32 @!p0 $0xF7A, s2;
	p2 =	seq.s32 @!p0 s5, $0x0  }
0x1f: {  	s9 =	smul.u32 $0xF7A, s1;
	s8 =	simm.s32 @!p0 $0x1BF5;
	p2 =	por !p2, p0  }
0x20: {  	[sflag:s8] =	ssyncset.s32 @!p0 $0xFFFFF086;
	s6 =	sadd.s32 @!p0 s3, s7;
	s7 =	simm.s32 @!p0 $0x108  }
0x21: {  	s3 =	sadd.s32 s3, s9;
	s6 =	sadd.s32 @!p0 $0x88, s6;
	s7 =	simm.s32 @p2 $0x1082  }
0x22: {  	[simem:s7], [sflag:s8] =	dma.local @!p0 [hbm:s6], $0xF7A  }
0x23: {  	s9 =	sor.u32 $0xD0000000, s2;
	s6 =	simm.s32 $0x108;
	_ =	swait.ge @!p0 [sflag:s8], $0x0  }
0x24: {  	s3 =	sadd.s32 $0x88, s3;
	s6 =	simm.s32 @!p1 $0x1082;
	[sflag:s4] =	ssyncset.s32 $0xFFFFF086  }
0x25: {  	[simem:s6], [sflag:s4] =	dma.local [hbm:s3], $0xF7A  }
0x26: {  	[smem:$0x3F9B] =	sst s1;
	(tag) =	ssettag s2;
	_ =	strace s9  }
0x27: {  	s1 =	sld [smem:$0x3FAB]  }
0x28: {  	s2 =	sld [smem:$0x3FAC]  }
0x29: {  	s4 =	sld [smem:$0x3FAE]  }
0x2a: {  	p0 =	seq.s32 s5, $0x0;
	s5 =	sld [smem:$0x3FAF]  }
0x2b: {  	s6 =	sld [smem:$0x3FB0]  }
0x2c: {  	s7 =	sld [smem:$0x3FB1]  }
0x2d: {  	s3 =	simm.s32 $0x108;
	s8 =	sld [smem:$0x3FB2]  }
0x2e: {  	s3 =	simm.s32 @!p0 $0x1082;
	s9 =	sld [smem:$0x3FB3]  }
0x2f: {  	lr =	sadd.s32 s0, s3;
	s0 =	sld [smem:$0x3FAA]  }
0x30: {  	s3 =	sld [smem:$0x3FAD]  }
0x31: {  	[smem:$0x3FB6] =	sst s10  }
0x32: {  	s10 =	sld [smem:$0x3FB4];
	_ =	sdelay $0x3  }
0x33: {  	p0 =	seq.s32 s10, $0x1;
	s10 =	sld [smem:$0x3FB6];
	_ =	sdelay $0x3  }
0x34: {  	[smem:$0x3FB6] =	sst s10  }
0x35: {  	s10 =	sld [smem:$0x3FB5];
	_ =	sdelay $0x3  }
0x36: {  	p1 =	seq.s32 s10, $0x1;
	s10 =	sld [smem:$0x3FB6];
	_ =	sdelay $0x3  }
0x37: {  	[smem:$0x3FB6] =	sst s10  }
0x38: {  	s10 =	sld [smem:$0x3FB7]  }
0x39: {  	_ = 	snop;
	(pc) =	sbr.ind lr, $3  }
0x3a: {  	_ = 	snop  }
0x3b: {  	_ = 	snop  }
0x3c: {  	p2 =	seq.s32 s10, $0x1;
	s10 =	sld [smem:$0x3FB6]  }
0x3d: {  	_ =	shalt  }
0x3e: {  	_ =	shalt  }
0x3f: {  	_ =	shalt  }
0x40: {  	_ =	shalt  }
0x41: {  	_ =	shalt  }
0x42: {  	_ =	shalt  }
0x43: {  	_ =	shalt  }
0x44: {  	_ =	shalt  }
0x45: {  	_ =	shalt  }
0x46: {  	_ =	shalt  }
0x47: {  	_ =	shalt  }
0x48: {  	_ =	shalt  }
0x49: {  	_ =	shalt  }
0x4a: {  	_ =	shalt  }
0x4b: {  	_ =	shalt  }
0x4c: {  	_ =	shalt  }
0x4d: {  	_ =	shalt  }
0x4e: {  	_ =	shalt  }
0x4f: {  	_ =	shalt  }
0x50: {  	_ =	shalt  }
0x51: {  	_ =	shalt  }
0x52: {  	_ =	shalt  }
0x53: {  	_ =	shalt  }
0x54: {  	_ =	shalt  }
0x55: {  	_ =	shalt  }
0x56: {  	_ =	shalt  }
0x57: {  	_ =	shalt  }
0x58: {  	_ =	shalt  }
0x59: {  	_ =	shalt  }
0x5a: {  	_ =	shalt  }
0x5b: {  	_ =	shalt  }
0x5c: {  	_ =	shalt  }
0x5d: {  	_ =	shalt  }
0x5e: {  	_ =	shalt  }
0x5f: {  	_ =	shalt  }
0x60: {  	_ =	shalt  }
0x61: {  	_ =	shalt  }
0x62: {  	_ =	shalt  }
0x63: {  	_ =	shalt  }
0x64: {  	_ =	shalt  }
0x65: {  	_ =	shalt  }
0x66: {  	_ =	shalt  }
0x67: {  	_ =	shalt  }
0x68: {  	_ =	shalt  }
0x69: {  	_ =	shalt  }
0x6a: {  	_ =	shalt  }
0x6b: {  	_ =	shalt  }
0x6c: {  	_ =	shalt  }
0x6d: {  	_ =	shalt  }
0x6e: {  	_ =	shalt  }
0x6f: {  	_ =	shalt  }
0x70: {  	_ =	shalt  }
0x71: {  	_ =	shalt  }
0x72: {  	_ =	shalt  }
0x73: {  	_ =	shalt  }
0x74: {  	_ =	shalt  }
0x75: {  	_ =	shalt  }
0x76: {  	_ =	shalt  }
0x77: {  	_ =	shalt  }
0x78: {  	_ =	shalt  }
0x79: {  	_ =	shalt  }
0x7a: {  	_ =	shalt  }
0x7b: {  	_ =	shalt  }
0x7c: {  	_ =	shalt  }
0x7d: {  	_ =	shalt  }
0x7e: {  	_ =	shalt  }
0x7f: {  	_ =	shalt  }
0x80: {  	_ =	shalt  }
0x81: {  	_ =	shalt  }
0x82: {  	_ =	shalt  }
0x83: {  	_ =	shalt  }
0x84: {  	_ =	shalt  }
0x85: {  	_ =	shalt  }
0x86: {  	_ =	shalt  }
0x87: {  	_ =	shalt  }
.Lfunc_end0:
.L_simem_size_0:
called_computation.1_lowered:
.L_overlay_start_0:
0x88: {  	s2 =	sld [smem:$0x3FD9]  }
0x89: {  	s3 =	sld [smem:$0x3FFE];
	_ =	sdelay $0x1  }
0x8a: {  	s1 =	srdreg.scid  }
0x8b: {  	s0 =	sand.u32 $0x1, s1  }
0x8c: {  	s17 =	sshll.u32 s0, $0xA;
	s2 =	sadd.s32 s3, s2  }
0x8d: {  	s2 =	sadd.s32 s2, s17  }
0x8e: {  	[smem:$0x3FC2] =	sst s2  }
0x8f: {  	_ = 	snop  }
0x90: {  	s2 =	sld [smem:$0x3FD0];
	(tm) =	ssettm $0x1  }
0x91: {  	s18 =	sld [smem:$0x3FFB];
	_ =	sdelay $0x3  }
0x92: {  	_ =	strace s18  }
0x93: {  	s3 =	sld [smem:$0x3FFC];
	_ =	sdelay $0x3  }
0x94: {  	_ =	strace s3  }
0x95: {  	s3 =	sld [smem:$0x3FFD];
	_ =	sdelay $0x3  }
0x96: {  	_ =	strace s3  }
0x97: {  	_ =	strace $0x8FFFFFFF  }
0x98: {  	s19 =	sld [smem:$0x3FDB];
	_ =	sdelay $0x1  }
0x99: {  	s4 =	simm.s32 $_scs_section_size  }
0x9a: {  	s5 =	simm.s32 $_size__tile_overlayer_lowered;
	s6 =	simm.s32 $_tile_overlayer_lowered  }
0x9b: {  	s22 =	simm.s32 $0x1BFF;
	s21 =	sshll.u32 s6, $0x1;
	s3 =	sadd.s32 s4, s19  }
0x9c: {  	s7 =	simm.s32 $0x0;
	s20 =	sshll.u32 s5, $0x1;
	s5 =	sadd.s32 s21, s3  }
0x9d: {  	[timem:s7], [sflag:s22] =	dma.local [hbm:s5], s20  }
0x9e: {  	_ =	swait.ge [sflag:s22], s20  }
0x9f: {  	s4 =	ssub.s32 $0x0, s20;
	[sflag:s22] =	ssyncset.done $0x0  }
0xa0: {  	[sflag:s22] =	ssyncadd.s32 s4;
	_ =	sdelay $0x1  }
0xa1: {  	s23 =	simm.s32 $0x1B8B  }
0xa2: {  	_ =	swait.ge [sflag:s23], $0x1  }
0xa3: {  	[sflag:s23] =	ssyncset.done $0x0  }
0xa4: {  	s25 =	simm.s32 $0x1B8E;
	s24 =	sld [smem:$0x3FFE];
	[sflag:s23] =	ssyncadd.s32 $0xFFFFFFFF  }
0xa5: {  	s26 =	simm.s32 $execute0_lowered;
	[smem:$0x3FD2] =	sst s25  }
0xa6: {  	s5 =	sshll.u32 s26, $0x1;
	_ =	strace $0x80000049;
	[dreg:$0x1] =	wrdreg $0xFFFFFFFF  }
0xa7: {  	s28 =	simm.s32 $_size_execute0_lowered;
	s3 =	sadd.s32 s3, s5;
	[dreg:$0x0] =	wrdreg $0x0  }
0xa8: {  	s5 =	sshll.u32 s28, $0x1;
	[dreg:$0x2] =	wrdreg s3  }
0xa9: {  	[dreg:$0x3] =	wrdreg s5  }
0xaa: {  	[dreg:$0x4] =	wrdreg $0xC0  }
0xab: {  	_ =	task [dreg:s7], $0x5FFFF  }
0xac: {  	[dreg:$0x1] =	wrdreg $0xFFFFFFFF  }
0xad: {  	[dreg:$0x0] =	wrdreg $0x60  }
0xae: {  	[dreg:$0x2] =	wrdreg s2  }
0xaf: {  	[dreg:$0x3] =	wrdreg s24  }
0xb0: {  	[dreg:$0x4] =	wrdreg $0x15D600  }
0xb1: {  	[dreg:$0x5] =	wrdreg $0x9  }
0xb2: {  	_ =	task.clear_ibuf [dreg:s7], $0x6FFFF;
	_ =	strace $0x90000049  }
0xb3: {  	s29 =	simm.s32 $0x9;
	_ =	strace $0x8000004B  }
0xb4: {  	_ =	swait.ge [sflag:s29], $0x1  }
0xb5: {  	[sflag:s29] =	ssyncadd.s32 $0xFFFFFFFF  }
0xb6: {  	_ =	strace $0x9000004B  }
0xb7: {  	_ =	sfence  }
0xb8: {  	s30 =	sld [smem:$0x0];
	_ =	sdelay $0x2  }
0xb9: {  	s31 =	sshll.u32 s1, $0xD;
	s1 =	sshrl.u32 s1, $0x2  }
0xba: {  	s3 =	sand.u32 $0x4000, s31;
	s1 =	sadd.s32 s1, s30  }
0xbb: {  	s0 =	sor.u32 s3, s0;
	s1 =	sshll.u32 s1, $0x11  }
0xbc: {  	s0 =	sor.u32 s1, s0  }
0xbd: {  	s0 =	sadd.s32 $0x8F2B, s0  }
0xbe: {  	[sflag:s0] =	ssyncadd.remote.s32 $0x1  }
0xbf: {  	_ =	sfence.sel $0xFFFF  }
0xc0: {  	[dreg:$0x0] =	wrdreg $0xFFFFFFFF;
	(pc) =	sbr.abs _section_cstart, $3  }
0xc1: {  	[dreg:$0x1] =	wrdreg $0xFFFFFFFF  }
0xc2: {  	_ =	task.clear_ibuf [dreg:s7], $0x2FFFF;
	_ =	strace $0x9FFFFFFF  }
0xc3: {  	(tm) =	ssettm $0x7FFFFFFF  }
tec
execute0_lowered:
.L_overlay_start_1:
0x0: {  	(tag) =	ssettag $0x1  }
0x1: {  	s1 =	rddreg [dreg:$0x0]  }
0x2: {  	s0 =	srdreg.scid;
	s2 =	rddreg [dreg:$0x1]  }
0x3: {  	s8 =	stileid.u32;
	s3 =	rddreg [dreg:$0x2];
	s6 =	simm.s32 $0x0  }
0x4: {  	s17 =	simm.s32 $0x1;
	s19 =	simm.s32 $0x50;
	s15 =	simm.s32 $0xF  }
0x5: {  	s16 =	simm.s32 $0x10;
	s20 =	simm.s32 $0x11;
	s4 =	smul.u32 $0x2710, s8  }
0x6: {  	s21 =	simm.s32 $0x12;
	s18 =	simm.s32 $0x18;
	s22 =	smul.u32 $0x13880, s8  }
0x7: {  	s0 =	sand.u32 $0x1, s0;
	[smem:$0x7FF] =	sst s6;
	s23 =	smul.u32 $0x27100, s8  }
0x8: {  	s5 =	smul.u32 $0x27100, s0;
	s7 =	sshll.u32 s0, $0x6;
	s0 =	ssub.s32 $0x2, s0  }
0x9: {  	_ =	strace $0x8000004A;
	s6 =	sor.u32 s7, s22;
	s24 =	sshrl.u32 s0, $0x1  }
0xa: {  	s25 =	sshrl.u32 s23, $0x2;
	s22 =	simm.s32 $0x13;
	s23 =	simm.s32 $0x14  }
0xb: {  	s5 =	sadd.s32 s4, s5;
	s4 =	sshrl.u32 s4, $0x3;
	s31 =	sadd.s32 s25, s3  }
0xc: {  	s6 =	sshrl.u32 s6, $0x3;
	s26 =	sadd.s32 $0x1F40, s31;
	[dreg:$0x6] =	wrdreg s31  }
0xd: {  	s0 =	ssub.s32 s0, s24;
	s28 =	sadd.s32 $0x3E80, s31;
	[dreg:$0x7] =	wrdreg s26  }
0xe: {  	s24 =	simm.s32 $0x15;
	s29 =	sadd.s32 $0x5DC0, s31;
	[dreg:$0x8] =	wrdreg s28  }
0xf: {  	s5 =	sshrl.u32 s5, $0x3;
	s30 =	sadd.s32 $0x7D00, s31;
	[dreg:$0x9] =	wrdreg s29  }
0x10: {  	s4 =	sadd.s32 s4, s2;
	s0 =	smax.u32 s0, $0x1;
	[dreg:$0xa] =	wrdreg s30  }
0x11: {  	s5 =	sadd.s32 s5, s2;
	s4 =	sadd.s32 $0x2400, s4;
	[dreg:$0xc] =	wrdreg s0  }
0x12: {  	s2 =	sadd.s32 s6, s2;
	s5 =	sadd.s32 $0xA3800, s5;
	[dreg:$0x5] =	wrdreg s4  }
0x13: {  	s25 =	simm.s32 $0x16;
	s2 =	sadd.s32 $0x7400, s2;
	[dreg:$0x4] =	wrdreg s5  }
0x14: {  	v0 =	vimm.f32 $0.0e+00;
	s26 =	simm.s32 $0x17;
	s0 =	simm.s32 $0x0;
	[dreg:$0xb] =	wrdreg s2  }
.LBB2_1:
0x15: {  	s2 =	simm.s32 $0x0;
	s29 =	rddreg [dreg:$0x4]  }
0x16: {  	[tilespmem:s2], [sflag:$0x1] =	stream.linear.gather [hbm4b:s29+s2], $0x2710, $0x38;
	[tilespmem:$0x1F9A0] =	vst v63  }
0x17: {  	s30 =	simm.s32 $0x2710;
	s29 =	rddreg [dreg:$0x5]  }
0x18: {  	[tilespmem:s30], [sflag:$0x2] =	stream.linear.gather [hbm4b:s29+s2], $0x2710, $0x38;
	[tilespmem:$0x1F9A0] =	vst v63  }
0x19: {  	[dreg:$0xd] =	wrdreg s0;
	s30 =	simm.s32 $0x100;
	s29 =	simm.s32 $0x0  }
.LBB2_2:
0x1a: {  	p0 =	sne.s32 s30, $0x7C00;
	[tilespmem:s29+$0x13E50] =	vst v0;
	s2 =	smov.u32 s30;
	s30 =	sadd.s32 $0x100, s30  }
.Ltmp0:
0x1b: {  	[tilespmem:s29+$0x13E40] =	vst v0;
	(pc) =	sbr.rel @p0 .LBB2_2-.Ltmp0, $3  }
0x1c: {  	[tilespmem:s29+$0x13E20] =	vst v0  }
0x1d: {  	[tilespmem:s29+$0x13E30] =	vst v0;
	_ =	sdelay $0x1  }
0x1e: {  	s29 =	sshra.s32 s2, $0x2  }
0x1f: {  	[tilespmem:s29+$0x13E50] =	vst v0  }
0x20: {  	[tilespmem:s29+$0x13E40] =	vst v0  }
0x21: {  	[tilespmem:s29+$0x13E20] =	vst v0  }
0x22: {  	[tilespmem:s29+$0x13E30] =	vst v0;
	s29 =	simm.s32 $0x13E20;
	s30 =	simm.s32 $0x19  }
0x23: {  	[spmem:s31] =	stream.linear.scatter [tilespmem:s29], [sflag:$0x19], $0x1F40, $0x38;
	[tilespmem:$0x1F9A0] =	vst v63  }
0x24: {  	_ =	swait.ge [sflag:s30], $0x1F40  }
0x25: {  	[sflag:s30] =	ssyncset.done $0x0  }
0x26: {  	s2 =	rddreg [dreg:$0x7];
	[sflag:s30] =	ssyncadd.s32 $0xFFFFE0C0  }
0x27: {  	[spmem:s2] =	stream.linear.scatter [tilespmem:s29], [sflag:$0x19], $0x1F40, $0x38;
	[tilespmem:$0x1F9A0] =	vst v63  }
0x28: {  	_ =	swait.ge [sflag:s30], $0x1F40  }
0x29: {  	[sflag:s30] =	ssyncset.done $0x0  }
0x2a: {  	s9 =	rddreg [dreg:$0x8];
	[sflag:s30] =	ssyncadd.s32 $0xFFFFE0C0  }
0x2b: {  	[spmem:s9] =	stream.linear.scatter [tilespmem:s29], [sflag:$0x19], $0x1F40, $0x38;
	[tilespmem:$0x1F9A0] =	vst v63  }
0x2c: {  	_ =	swait.ge [sflag:s30], $0x1F40  }
0x2d: {  	[sflag:s30] =	ssyncset.done $0x0  }
0x2e: {  	s10 =	rddreg [dreg:$0x9];
	[sflag:s30] =	ssyncadd.s32 $0xFFFFE0C0  }
0x2f: {  	[spmem:s10] =	stream.linear.scatter [tilespmem:s29], [sflag:$0x19], $0x1F40, $0x38;
	[tilespmem:$0x1F9A0] =	vst v63  }
0x30: {  	_ =	swait.ge [sflag:s30], $0x1F40  }
0x31: {  	[sflag:s30] =	ssyncset.done $0x0  }
0x32: {  	s11 =	rddreg [dreg:$0xa];
	[sflag:s30] =	ssyncadd.s32 $0xFFFFE0C0  }
0x33: {  	[spmem:s11] =	stream.linear.scatter [tilespmem:s29], [sflag:$0x19], $0x1F40, $0x38;
	[tilespmem:$0x1F9A0] =	vst v63  }
0x34: {  	_ =	swait.ge [sflag:s30], $0x1F40  }
0x35: {  	[sflag:s30] =	ssyncset.done $0x0  }
0x36: {  	[sflag:s30] =	ssyncadd.s32 $0xFFFFE0C0  }
0x37: {  	_ =	swait.ge [sflag:s17], $0x2710  }
0x38: {  	[sflag:s17] =	ssyncset.done $0x0  }
0x39: {  	s10 =	simm.s32 $0x2;
	[sflag:s17] =	ssyncadd.s32 $0xFFFFD8F0  }
0x3a: {  	_ =	swait.ge [sflag:s10], $0x2710  }
0x3b: {  	[sflag:s10] =	ssyncset.done $0x0  }
0x3c: {  	[sflag:s10] =	ssyncadd.s32 $0xFFFFD8F0  }
0x3d: {  	s12 =	simm.s32 $0x0;
	s8 =	simm.s32 $0x4E20;
	[bflag:$0x0] =	sbarrier.arrive $0xFFFF  }
0x3e: {  	[tilespmem:s8], [sflag:$0x1] =	stream.indirect.gather [hbm4b:s1+s19], $0x40, s12, s19, $0xb8;
	[tilespmem:$0x1F9A0] =	vst v63  }
0x3f: {  	s13 =	simm.s32 $0x50;
	s4 =	simm.s32 $0x6220  }
0x40: {  	[tilespmem:s4], [sflag:$0x2] =	stream.indirect.gather [hbm4b:s1+s19], $0x40, s13, s19, $0xb8;
	[tilespmem:$0x1F9A0] =	vst v63  }
0x41: {  	s14 =	simm.s32 $0xA0;
	s5 =	simm.s32 $0x7620  }
0x42: {  	[tilespmem:s5], [sflag:$0x3] =	stream.indirect.gather [hbm4b:s1+s19], $0x40, s14, s19, $0xb8;
	[tilespmem:$0x1F9A0] =	vst v63  }
0x43: {  	s6 =	simm.s32 $0x8A20;
	s17 =	simm.s32 $0xF0  }
0x44: {  	[tilespmem:s6], [sflag:$0x4] =	stream.indirect.gather [hbm4b:s1+s19], $0x40, s17, s19, $0xb8;
	[tilespmem:$0x1F9A0] =	vst v63  }
0x45: {  	s7 =	simm.s32 $0x9E20;
	s31 =	simm.s32 $0x140  }
0x46: {  	[tilespmem:s7], [sflag:$0x5] =	stream.indirect.gather [hbm4b:s1+s19], $0x40, s31, s19, $0xb8;
	[tilespmem:$0x1F9A0] =	vst v63  }
0x47: {  	s0 =	simm.s32 $0x190;
	s17 =	simm.s32 $0xB220  }
0x48: {  	[tilespmem:s17], [sflag:$0x6] =	stream.indirect.gather [hbm4b:s1+s19], $0x40, s0, s19, $0xb8;
	[tilespmem:$0x1F9A0] =	vst v63  }
0x49: {  	s28 =	simm.s32 $0xC620;
	s11 =	simm.s32 $0x1E0  }
0x4a: {  	[tilespmem:s28], [sflag:$0x7] =	stream.indirect.gather [hbm4b:s1+s19], $0x40, s11, s19, $0xb8;
	[tilespmem:$0x1F9A0] =	vst v63  }
0x4b: {  	s12 =	simm.s32 $0x230;
	s14 =	simm.s32 $0xDA20  }
0x4c: {  	[tilespmem:s14], [sflag:$0x8] =	stream.indirect.gather [hbm4b:s1+s19], $0x40, s12, s19, $0xb8;
	[tilespmem:$0x1F9A0] =	vst v63  }
0x4d: {  	s13 =	simm.s32 $0x280;
	s11 =	simm.s32 $0xEE20  }
0x4e: {  	[tilespmem:s11], [sflag:$0x9] =	stream.indirect.gather [hbm4b:s1+s19], $0x40, s13, s19, $0xb8;
	[tilespmem:$0x1F9A0] =	vst v63  }
0x4f: {  	s31 =	simm.s32 $0x2D0;
	s12 =	simm.s32 $0x10220  }
0x50: {  	[tilespmem:s12], [sflag:$0xA] =	stream.indirect.gather [hbm4b:s1+s19], $0x40, s31, s19, $0xb8;
	[tilespmem:$0x1F9A0] =	vst v63  }
0x51: {  	s0 =	simm.s32 $0x320;
	s13 =	simm.s32 $0x11620  }
0x52: {  	[tilespmem:s13], [sflag:$0xB] =	stream.indirect.gather [hbm4b:s1+s19], $0x40, s0, s19, $0xb8;
	[tilespmem:$0x1F9A0] =	vst v63  }
0x53: {  	s9 =	simm.s32 $0x1;
	s31 =	simm.s32 $0x370;
	s0 =	simm.s32 $0x12A20  }
0x54: {  	[tilespmem:s0], [sflag:$0xC] =	stream.indirect.gather [hbm4b:s1+s19], $0x40, s31, s19, $0xb8;
	[tilespmem:$0x1F9A0] =	vst v63  }
0x55: {  	_ =	swait.ge [sflag:s9], $0x1400  }
0x56: {  	[sflag:s9] =	ssyncset.done $0x0  }
0x57: {  	s31 =	simm.s32 $0x2710;
	[sflag:s9] =	ssyncadd.s32 $0xFFFFEC00  }
0x58: {  	[spmem:s3] =	stream.indirect.scatter.add.f32 [tilespmem:s8], [sflag:$0xD], $0x40, s31, s19, $0xb8;
	[tilespmem:$0x1F9A0] =	vst v63  }
0x59: {  	_ =	swait.ge [sflag:s10], $0x1400  }
0x5a: {  	[sflag:s10] =	ssyncset.done $0x0  }
0x5b: {  	s9 =	simm.s32 $0x2760;
	[sflag:s10] =	ssyncadd.s32 $0xFFFFEC00;
	s10 =	simm.s32 $0x3  }
0x5c: {  	[spmem:s3] =	stream.indirect.scatter.add.f32 [tilespmem:s4], [sflag:$0xE], $0x40, s9, s19, $0xb8;
	[tilespmem:$0x1F9A0] =	vst v63  }
0x5d: {  	_ =	swait.ge [sflag:s10], $0x1400  }
0x5e: {  	[sflag:s10] =	ssyncset.done $0x0  }
0x5f: {  	s31 =	simm.s32 $0x27B0;
	s4 =	simm.s32 $0x4;
	[sflag:s10] =	ssyncadd.s32 $0xFFFFEC00  }
0x60: {  	[spmem:s3] =	stream.indirect.scatter.add.f32 [tilespmem:s5], [sflag:$0xF], $0x40, s31, s19, $0xb8;
	[tilespmem:$0x1F9A0] =	vst v63  }
0x61: {  	_ =	swait.ge [sflag:s4], $0x1400  }
0x62: {  	[sflag:s4] =	ssyncset.done $0x0  }
0x63: {  	s5 =	simm.s32 $0x2800;
	[sflag:s4] =	ssyncadd.s32 $0xFFFFEC00  }
0x64: {  	[spmem:s3] =	stream.indirect.scatter.add.f32 [tilespmem:s6], [sflag:$0x10], $0x40, s5, s19, $0xb8;
	[tilespmem:$0x1F9A0] =	vst v63  }
0x65: {  	s6 =	simm.s32 $0x5  }
0x66: {  	_ =	swait.ge [sflag:s6], $0x1400  }
0x67: {  	[sflag:s6] =	ssyncset.done $0x0  }
0x68: {  	s8 =	simm.s32 $0x2850;
	[sflag:s6] =	ssyncadd.s32 $0xFFFFEC00  }
0x69: {  	[spmem:s3] =	stream.indirect.scatter.add.f32 [tilespmem:s7], [sflag:$0x11], $0x40, s8, s19, $0xb8;
	[tilespmem:$0x1F9A0] =	vst v63  }
0x6a: {  	s8 =	simm.s32 $0x6  }
0x6b: {  	_ =	swait.ge [sflag:s8], $0x1400  }
0x6c: {  	[sflag:s8] =	ssyncset.done $0x0  }
0x6d: {  	s9 =	simm.s32 $0x28A0;
	[sflag:s8] =	ssyncadd.s32 $0xFFFFEC00  }
0x6e: {  	[spmem:s3] =	stream.indirect.scatter.add.f32 [tilespmem:s17], [sflag:$0x12], $0x40, s9, s19, $0xb8;
	[tilespmem:$0x1F9A0] =	vst v63  }
0x6f: {  	s17 =	simm.s32 $0x7  }
0x70: {  	_ =	swait.ge [sflag:s17], $0x1400  }
0x71: {  	[sflag:s17] =	ssyncset.done $0x0  }
0x72: {  	s10 =	simm.s32 $0x28F0;
	s31 =	simm.s32 $0x8;
	[sflag:s17] =	ssyncadd.s32 $0xFFFFEC00  }
0x73: {  	[spmem:s3] =	stream.indirect.scatter.add.f32 [tilespmem:s28], [sflag:$0x13], $0x40, s10, s19, $0xb8;
	[tilespmem:$0x1F9A0] =	vst v63  }
0x74: {  	_ =	swait.ge [sflag:s31], $0x1400  }
0x75: {  	[sflag:s31] =	ssyncset.done $0x0  }
0x76: {  	s4 =	simm.s32 $0x2940;
	s10 =	simm.s32 $0x9;
	[sflag:s31] =	ssyncadd.s32 $0xFFFFEC00  }
0x77: {  	[spmem:s3] =	stream.indirect.scatter.add.f32 [tilespmem:s14], [sflag:$0x14], $0x40, s4, s19, $0xb8;
	[tilespmem:$0x1F9A0] =	vst v63  }
0x78: {  	_ =	swait.ge [sflag:s10], $0x1400  }
0x79: {  	[sflag:s10] =	ssyncset.done $0x0  }
0x7a: {  	s5 =	simm.s32 $0x2990;
	[sflag:s10] =	ssyncadd.s32 $0xFFFFEC00  }
0x7b: {  	[spmem:s3] =	stream.indirect.scatter.add.f32 [tilespmem:s11], [sflag:$0x15], $0x40, s5, s19, $0xb8;
	[tilespmem:$0x1F9A0] =	vst v63  }
0x7c: {  	s11 =	simm.s32 $0xA  }
0x7d: {  	_ =	swait.ge [sflag:s11], $0x1400  }
0x7e: {  	[sflag:s11] =	ssyncset.done $0x0  }
0x7f: {  	s6 =	simm.s32 $0x29E0;
	[sflag:s11] =	ssyncadd.s32 $0xFFFFEC00  }
0x80: {  	[spmem:s3] =	stream.indirect.scatter.add.f32 [tilespmem:s12], [sflag:$0x16], $0x40, s6, s19, $0xb8;
	[tilespmem:$0x1F9A0] =	vst v63  }
0x81: {  	s12 =	simm.s32 $0xB  }
0x82: {  	_ =	swait.ge [sflag:s12], $0x1400  }
0x83: {  	[sflag:s12] =	ssyncset.done $0x0  }
0x84: {  	s7 =	simm.s32 $0x2A30;
	[sflag:s12] =	ssyncadd.s32 $0xFFFFEC00  }
0x85: {  	[spmem:s3] =	stream.indirect.scatter.add.f32 [tilespmem:s13], [sflag:$0x17], $0x40, s7, s19, $0xb8;
	[tilespmem:$0x1F9A0] =	vst v63  }
0x86: {  	s13 =	simm.s32 $0xC  }
0x87: {  	_ =	swait.ge [sflag:s13], $0x1400  }
0x88: {  	[sflag:s13] =	ssyncset.done $0x0  }
0x89: {  	s9 =	simm.s32 $0x2A80;
	s14 =	simm.s32 $0xD;
	[sflag:s13] =	ssyncadd.s32 $0xFFFFEC00  }
0x8a: {  	[spmem:s3] =	stream.indirect.scatter.add.f32 [tilespmem:s0], [sflag:$0x18], $0x40, s9, s19, $0xb8;
	[tilespmem:$0x1F9A0] =	vst v63  }
0x8b: {  	_ =	swait.ge [sflag:s14], $0x1400  }
0x8c: {  	[sflag:s14] =	ssyncset.done $0x0  }
0x8d: {  	s31 =	simm.s32 $0xE;
	[sflag:s14] =	ssyncadd.s32 $0xFFFFEC00  }
0x8e: {  	_ =	swait.ge [sflag:s31], $0x1400  }
0x8f: {  	[sflag:s31] =	ssyncset.done $0x0  }
0x90: {  	[sflag:s31] =	ssyncadd.s32 $0xFFFFEC00  }
0x91: {  	_ =	swait.ge [sflag:s15], $0x1400  }
0x92: {  	[sflag:s15] =	ssyncset.done $0x0  }
0x93: {  	[sflag:s15] =	ssyncadd.s32 $0xFFFFEC00  }
0x94: {  	_ =	swait.ge [sflag:s16], $0x1400  }
0x95: {  	[sflag:s16] =	ssyncset.done $0x0  }
0x96: {  	[sflag:s16] =	ssyncadd.s32 $0xFFFFEC00  }
0x97: {  	_ =	swait.ge [sflag:s20], $0x1400  }
0x98: {  	[sflag:s20] =	ssyncset.done $0x0  }
0x99: {  	[sflag:s20] =	ssyncadd.s32 $0xFFFFEC00  }
0x9a: {  	_ =	swait.ge [sflag:s21], $0x1400  }
0x9b: {  	[sflag:s21] =	ssyncset.done $0x0  }
0x9c: {  	[sflag:s21] =	ssyncadd.s32 $0xFFFFEC00  }
0x9d: {  	_ =	swait.ge [sflag:s22], $0x1400  }
0x9e: {  	[sflag:s22] =	ssyncset.done $0x0  }
0x9f: {  	[sflag:s22] =	ssyncadd.s32 $0xFFFFEC00  }
0xa0: {  	_ =	swait.ge [sflag:s23], $0x1400  }
0xa1: {  	[sflag:s23] =	ssyncset.done $0x0  }
0xa2: {  	[sflag:s23] =	ssyncadd.s32 $0xFFFFEC00  }
0xa3: {  	_ =	swait.ge [sflag:s24], $0x1400  }
0xa4: {  	[sflag:s24] =	ssyncset.done $0x0  }
0xa5: {  	[sflag:s24] =	ssyncadd.s32 $0xFFFFEC00  }
0xa6: {  	_ =	swait.ge [sflag:s25], $0x1400  }
0xa7: {  	[sflag:s25] =	ssyncset.done $0x0  }
0xa8: {  	[sflag:s25] =	ssyncadd.s32 $0xFFFFEC00  }
0xa9: {  	_ =	swait.ge [sflag:s26], $0x1400  }
0xaa: {  	s29 =	simm.s32 $0xF00;
	s30 =	simm.s32 $0x1E00;
	[sflag:s26] =	ssyncset.done $0x0  }
0xab: {  	s28 =	simm.s32 $0x17;
	s23 =	simm.s32 $0x13;
	[sflag:s26] =	ssyncadd.s32 $0xFFFFEC00  }
0xac: {  	s24 =	simm.s32 $0x14;
	s25 =	simm.s32 $0x15;
	_ =	swait.ge [sflag:s18], $0x1400  }
0xad: {  	s26 =	simm.s32 $0x16;
	[sflag:s18] =	ssyncset.done $0x0;
	s18 =	simm.s32 $0x18  }
.LBB2_4:
0xae: {  	s0 =	simm.s32 $0x12A20;
	s31 =	sshra.s32 s29, $0x2;
	[sflag:s18] =	ssyncadd.s32 $0xFFFFEC00  }
0xaf: {  	s29 =	smov.u32 s30;
	s2 =	sadd.s32 $0xF00, s30;
	s21 =	simm.s32 $0x4E20  }
0xb0: {  	[tilespmem:s21], [sflag:$0x1] =	stream.indirect.gather [hbm4b:s1+s19], $0x40, s31, s19, $0xb8;
	[tilespmem:$0x1F9A0] =	vst v63  }
0xb1: {  	p0 =	sne.s32 s30, $0x8700;
	s20 =	simm.s32 $0x6220;
	s30 =	sadd.s32 $0x50, s31  }
0xb2: {  	[tilespmem:s20], [sflag:$0x2] =	stream.indirect.gather [hbm4b:s1+s19], $0x40, s30, s19, $0xb8;
	[tilespmem:$0x1F9A0] =	vst v63  }
0xb3: {  	s16 =	simm.s32 $0x7620;
	s30 =	sadd.s32 $0xA0, s31  }
0xb4: {  	[tilespmem:s16], [sflag:$0x3] =	stream.indirect.gather [hbm4b:s1+s19], $0x40, s30, s19, $0xb8;
	[tilespmem:$0x1F9A0] =	vst v63  }
0xb5: {  	s15 =	simm.s32 $0x8A20;
	s30 =	sadd.s32 $0xF0, s31  }
0xb6: {  	[tilespmem:s15], [sflag:$0x4] =	stream.indirect.gather [hbm4b:s1+s19], $0x40, s30, s19, $0xb8;
	[tilespmem:$0x1F9A0] =	vst v63  }
0xb7: {  	s7 =	simm.s32 $0x9E20;
	s30 =	sadd.s32 $0x140, s31  }
0xb8: {  	[tilespmem:s7], [sflag:$0x5] =	stream.indirect.gather [hbm4b:s1+s19], $0x40, s30, s19, $0xb8;
	[tilespmem:$0x1F9A0] =	vst v63  }
0xb9: {  	s6 =	simm.s32 $0xB220;
	s30 =	sadd.s32 $0x190, s31  }
0xba: {  	[tilespmem:s6], [sflag:$0x6] =	stream.indirect.gather [hbm4b:s1+s19], $0x40, s30, s19, $0xb8;
	[tilespmem:$0x1F9A0] =	vst v63  }
0xbb: {  	s5 =	simm.s32 $0xC620;
	s30 =	sadd.s32 $0x1E0, s31  }
0xbc: {  	[tilespmem:s5], [sflag:$0x7] =	stream.indirect.gather [hbm4b:s1+s19], $0x40, s30, s19, $0xb8;
	[tilespmem:$0x1F9A0] =	vst v63  }
0xbd: {  	s4 =	simm.s32 $0xDA20;
	s30 =	sadd.s32 $0x230, s31  }
0xbe: {  	[tilespmem:s4], [sflag:$0x8] =	stream.indirect.gather [hbm4b:s1+s19], $0x40, s30, s19, $0xb8;
	[tilespmem:$0x1F9A0] =	vst v63  }
0xbf: {  	s9 =	simm.s32 $0xEE20;
	s30 =	sadd.s32 $0x280, s31  }
0xc0: {  	[tilespmem:s9], [sflag:$0x9] =	stream.indirect.gather [hbm4b:s1+s19], $0x40, s30, s19, $0xb8;
	[tilespmem:$0x1F9A0] =	vst v63  }
0xc1: {  	s14 =	simm.s32 $0x10220;
	s30 =	sadd.s32 $0x2D0, s31  }
0xc2: {  	[tilespmem:s14], [sflag:$0xA] =	stream.indirect.gather [hbm4b:s1+s19], $0x40, s30, s19, $0xb8;
	[tilespmem:$0x1F9A0] =	vst v63  }
0xc3: {  	s22 =	simm.s32 $0x11620;
	s30 =	sadd.s32 $0x320, s31  }
0xc4: {  	[tilespmem:s22], [sflag:$0xB] =	stream.indirect.gather [hbm4b:s1+s19], $0x40, s30, s19, $0xb8;
	[tilespmem:$0x1F9A0] =	vst v63  }
0xc5: {  	s30 =	sadd.s32 $0x370, s31  }
0xc6: {  	[tilespmem:s0], [sflag:$0xC] =	stream.indirect.gather [hbm4b:s1+s19], $0x40, s30, s19, $0xb8;
	[tilespmem:$0x1F9A0] =	vst v63  }
0xc7: {  	s0 =	simm.s32 $0xD;
	s30 =	simm.s32 $0x1  }
0xc8: {  	_ =	swait.ge [sflag:s30], $0x1400  }
0xc9: {  	[sflag:s30] =	ssyncset.done $0x0  }
0xca: {  	[sflag:s30] =	ssyncadd.s32 $0xFFFFEC00;
	s30 =	sadd.s32 $0x2710, s31  }
0xcb: {  	[spmem:s3] =	stream.indirect.scatter.add.f32 [tilespmem:s21], [sflag:$0xD], $0x40, s30, s19, $0xb8;
	[tilespmem:$0x1F9A0] =	vst v63  }
0xcc: {  	s21 =	simm.s32 $0x12;
	s30 =	simm.s32 $0x2  }
0xcd: {  	_ =	swait.ge [sflag:s30], $0x1400  }
0xce: {  	[sflag:s30] =	ssyncset.done $0x0  }
0xcf: {  	[sflag:s30] =	ssyncadd.s32 $0xFFFFEC00;
	s30 =	sadd.s32 $0x2760, s31  }
0xd0: {  	[spmem:s3] =	stream.indirect.scatter.add.f32 [tilespmem:s20], [sflag:$0xE], $0x40, s30, s19, $0xb8;
	[tilespmem:$0x1F9A0] =	vst v63  }
0xd1: {  	s20 =	simm.s32 $0x11;
	s30 =	simm.s32 $0x3  }
0xd2: {  	_ =	swait.ge [sflag:s30], $0x1400  }
0xd3: {  	[sflag:s30] =	ssyncset.done $0x0  }
0xd4: {  	[sflag:s30] =	ssyncadd.s32 $0xFFFFEC00;
	s30 =	sadd.s32 $0x27B0, s31  }
0xd5: {  	[spmem:s3] =	stream.indirect.scatter.add.f32 [tilespmem:s16], [sflag:$0xF], $0x40, s30, s19, $0xb8;
	[tilespmem:$0x1F9A0] =	vst v63  }
0xd6: {  	s16 =	simm.s32 $0x10;
	s30 =	simm.s32 $0x4  }
0xd7: {  	_ =	swait.ge [sflag:s30], $0x1400  }
0xd8: {  	[sflag:s30] =	ssyncset.done $0x0  }
0xd9: {  	[sflag:s30] =	ssyncadd.s32 $0xFFFFEC00;
	s30 =	sadd.s32 $0x2800, s31  }
0xda: {  	[spmem:s3] =	stream.indirect.scatter.add.f32 [tilespmem:s15], [sflag:$0x10], $0x40, s30, s19, $0xb8;
	[tilespmem:$0x1F9A0] =	vst v63  }
0xdb: {  	s15 =	simm.s32 $0xF;
	s30 =	simm.s32 $0x5  }
0xdc: {  	_ =	swait.ge [sflag:s30], $0x1400  }
0xdd: {  	[sflag:s30] =	ssyncset.done $0x0  }
0xde: {  	[sflag:s30] =	ssyncadd.s32 $0xFFFFEC00;
	s30 =	sadd.s32 $0x2850, s31  }
0xdf: {  	[spmem:s3] =	stream.indirect.scatter.add.f32 [tilespmem:s7], [sflag:$0x11], $0x40, s30, s19, $0xb8;
	[tilespmem:$0x1F9A0] =	vst v63  }
0xe0: {  	s7 =	simm.s32 $0xE  }
0xe1: {  	_ =	swait.ge [sflag:s8], $0x1400  }
0xe2: {  	[sflag:s8] =	ssyncset.done $0x0  }
0xe3: {  	s30 =	sadd.s32 $0x28A0, s31;
	[sflag:s8] =	ssyncadd.s32 $0xFFFFEC00  }
0xe4: {  	[spmem:s3] =	stream.indirect.scatter.add.f32 [tilespmem:s6], [sflag:$0x12], $0x40, s30, s19, $0xb8;
	[tilespmem:$0x1F9A0] =	vst v63  }
0xe5: {  	_ =	swait.ge [sflag:s17], $0x1400  }
0xe6: {  	[sflag:s17] =	ssyncset.done $0x0  }
0xe7: {  	s30 =	sadd.s32 $0x28F0, s31;
	[sflag:s17] =	ssyncadd.s32 $0xFFFFEC00  }
0xe8: {  	[spmem:s3] =	stream.indirect.scatter.add.f32 [tilespmem:s5], [sflag:$0x13], $0x40, s30, s19, $0xb8;
	[tilespmem:$0x1F9A0] =	vst v63  }
0xe9: {  	s30 =	simm.s32 $0x8  }
0xea: {  	_ =	swait.ge [sflag:s30], $0x1400  }
0xeb: {  	[sflag:s30] =	ssyncset.done $0x0  }
0xec: {  	[sflag:s30] =	ssyncadd.s32 $0xFFFFEC00;
	s30 =	sadd.s32 $0x2940, s31  }
0xed: {  	[spmem:s3] =	stream.indirect.scatter.add.f32 [tilespmem:s4], [sflag:$0x14], $0x40, s30, s19, $0xb8;
	[tilespmem:$0x1F9A0] =	vst v63  }
0xee: {  	_ =	swait.ge [sflag:s10], $0x1400  }
0xef: {  	[sflag:s10] =	ssyncset.done $0x0  }
0xf0: {  	s30 =	sadd.s32 $0x2990, s31;
	[sflag:s10] =	ssyncadd.s32 $0xFFFFEC00  }
0xf1: {  	[spmem:s3] =	stream.indirect.scatter.add.f32 [tilespmem:s9], [sflag:$0x15], $0x40, s30, s19, $0xb8;
	[tilespmem:$0x1F9A0] =	vst v63  }
0xf2: {  	_ =	swait.ge [sflag:s11], $0x1400  }
0xf3: {  	[sflag:s11] =	ssyncset.done $0x0  }
0xf4: {  	s30 =	sadd.s32 $0x29E0, s31;
	[sflag:s11] =	ssyncadd.s32 $0xFFFFEC00  }
0xf5: {  	[spmem:s3] =	stream.indirect.scatter.add.f32 [tilespmem:s14], [sflag:$0x16], $0x40, s30, s19, $0xb8;
	[tilespmem:$0x1F9A0] =	vst v63  }
0xf6: {  	_ =	swait.ge [sflag:s12], $0x1400  }
0xf7: {  	[sflag:s12] =	ssyncset.done $0x0  }
0xf8: {  	s30 =	sadd.s32 $0x2A30, s31;
	[sflag:s12] =	ssyncadd.s32 $0xFFFFEC00  }
0xf9: {  	[spmem:s3] =	stream.indirect.scatter.add.f32 [tilespmem:s22], [sflag:$0x17], $0x40, s30, s19, $0xb8;
	[tilespmem:$0x1F9A0] =	vst v63  }
0xfa: {  	_ =	swait.ge [sflag:s13], $0x1400  }
0xfb: {  	[sflag:s13] =	ssyncset.done $0x0  }
0xfc: {  	s30 =	sadd.s32 $0x2A80, s31;
	s31 =	simm.s32 $0x12A20;
	[sflag:s13] =	ssyncadd.s32 $0xFFFFEC00  }
0xfd: {  	[spmem:s3] =	stream.indirect.scatter.add.f32 [tilespmem:s31], [sflag:$0x18], $0x40, s30, s19, $0xb8;
	[tilespmem:$0x1F9A0] =	vst v63  }
0xfe: {  	_ =	swait.ge [sflag:s0], $0x1400  }
0xff: {  	[sflag:s0] =	ssyncset.done $0x0  }
0x100: {  	[sflag:s0] =	ssyncadd.s32 $0xFFFFEC00  }
0x101: {  	_ =	swait.ge [sflag:s7], $0x1400  }
0x102: {  	[sflag:s7] =	ssyncset.done $0x0  }
0x103: {  	[sflag:s7] =	ssyncadd.s32 $0xFFFFEC00  }
0x104: {  	_ =	swait.ge [sflag:s15], $0x1400  }
0x105: {  	[sflag:s15] =	ssyncset.done $0x0  }
0x106: {  	[sflag:s15] =	ssyncadd.s32 $0xFFFFEC00  }
0x107: {  	_ =	swait.ge [sflag:s16], $0x1400  }
0x108: {  	[sflag:s16] =	ssyncset.done $0x0  }
0x109: {  	[sflag:s16] =	ssyncadd.s32 $0xFFFFEC00  }
0x10a: {  	_ =	swait.ge [sflag:s20], $0x1400  }
0x10b: {  	[sflag:s20] =	ssyncset.done $0x0  }
0x10c: {  	[sflag:s20] =	ssyncadd.s32 $0xFFFFEC00  }
0x10d: {  	_ =	swait.ge [sflag:s21], $0x1400  }
0x10e: {  	[sflag:s21] =	ssyncset.done $0x0  }
0x10f: {  	[sflag:s21] =	ssyncadd.s32 $0xFFFFEC00  }
0x110: {  	_ =	swait.ge [sflag:s23], $0x1400  }
0x111: {  	[sflag:s23] =	ssyncset.done $0x0  }
0x112: {  	[sflag:s23] =	ssyncadd.s32 $0xFFFFEC00  }
0x113: {  	_ =	swait.ge [sflag:s24], $0x1400  }
0x114: {  	[sflag:s24] =	ssyncset.done $0x0  }
0x115: {  	[sflag:s24] =	ssyncadd.s32 $0xFFFFEC00  }
0x116: {  	_ =	swait.ge [sflag:s25], $0x1400  }
0x117: {  	[sflag:s25] =	ssyncset.done $0x0  }
0x118: {  	[sflag:s25] =	ssyncadd.s32 $0xFFFFEC00  }
0x119: {  	_ =	swait.ge [sflag:s26], $0x1400  }
0x11a: {  	[sflag:s26] =	ssyncset.done $0x0  }
0x11b: {  	[sflag:s26] =	ssyncadd.s32 $0xFFFFEC00  }
.Ltmp1:
0x11c: {  	_ =	swait.ge [sflag:s28], $0x1400;
	(pc) =	sbr.rel @p0 .LBB2_4-.Ltmp1, $4  }
0x11d: {  	[sflag:s28] =	ssyncset.done $0x0  }
0x11e: {  	[sflag:s28] =	ssyncadd.s32 $0xFFFFEC00  }
0x11f: {  	_ =	swait.ge [sflag:s18], $0x1400  }
0x120: {  	s30 =	smov.u32 s2;
	[sflag:s18] =	ssyncset.done $0x0  }
0x121: {  	s29 =	sshra.s32 s29, $0x2;
	[sflag:s18] =	ssyncadd.s32 $0xFFFFEC00;
	s2 =	simm.s32 $0x4E20  }
0x122: {  	[tilespmem:s2], [sflag:$0x1] =	stream.indirect.gather [hbm4b:s1+s19], $0x40, s29, s19, $0xb8;
	[tilespmem:$0x1F9A0] =	vst v63  }
0x123: {  	s4 =	simm.s32 $0x6220;
	s30 =	sadd.s32 $0x50, s29  }
0x124: {  	[tilespmem:s4], [sflag:$0x2] =	stream.indirect.gather [hbm4b:s1+s19], $0x40, s30, s19, $0xb8;
	[tilespmem:$0x1F9A0] =	vst v63  }
0x125: {  	s9 =	simm.s32 $0x7620;
	s5 =	sadd.s32 $0xA0, s29  }
0x126: {  	[tilespmem:s9], [sflag:$0x3] =	stream.indirect.gather [hbm4b:s1+s19], $0x40, s5, s19, $0xb8;
	[tilespmem:$0x1F9A0] =	vst v63  }
0x127: {  	s22 =	sadd.s32 $0xF0, s29;
	s30 =	simm.s32 $0x8A20  }
0x128: {  	[tilespmem:s30], [sflag:$0x4] =	stream.indirect.gather [hbm4b:s1+s19], $0x40, s22, s19, $0xb8;
	[tilespmem:$0x1F9A0] =	vst v63  }
0x129: {  	s4 =	sadd.s32 $0x140, s29;
	s9 =	simm.s32 $0x9E20  }
0x12a: {  	[tilespmem:s9], [sflag:$0x5] =	stream.indirect.gather [hbm4b:s1+s19], $0x40, s4, s19, $0xb8;
	[tilespmem:$0x1F9A0] =	vst v63  }
0x12b: {  	s22 =	sadd.s32 $0x190, s29;
	s9 =	simm.s32 $0xB220  }
0x12c: {  	[tilespmem:s9], [sflag:$0x6] =	stream.indirect.gather [hbm4b:s1+s19], $0x40, s22, s19, $0xb8;
	[tilespmem:$0x1F9A0] =	vst v63  }
0x12d: {  	s4 =	sadd.s32 $0x1E0, s29;
	s22 =	simm.s32 $0xC620  }
0x12e: {  	[tilespmem:s22], [sflag:$0x7] =	stream.indirect.gather [hbm4b:s1+s19], $0x40, s4, s19, $0xb8;
	[tilespmem:$0x1F9A0] =	vst v63  }
0x12f: {  	s4 =	sadd.s32 $0x230, s29;
	s22 =	simm.s32 $0xDA20  }
0x130: {  	[tilespmem:s22], [sflag:$0x8] =	stream.indirect.gather [hbm4b:s1+s19], $0x40, s4, s19, $0xb8;
	[tilespmem:$0x1F9A0] =	vst v63  }
0x131: {  	s4 =	sadd.s32 $0x280, s29;
	s22 =	simm.s32 $0xEE20  }
0x132: {  	[tilespmem:s22], [sflag:$0x9] =	stream.indirect.gather [hbm4b:s1+s19], $0x40, s4, s19, $0xb8;
	[tilespmem:$0x1F9A0] =	vst v63  }
0x133: {  	s4 =	sadd.s32 $0x2D0, s29;
	s22 =	simm.s32 $0x10220  }
0x134: {  	[tilespmem:s22], [sflag:$0xA] =	stream.indirect.gather [hbm4b:s1+s19], $0x40, s4, s19, $0xb8;
	[tilespmem:$0x1F9A0] =	vst v63  }
0x135: {  	s4 =	sadd.s32 $0x320, s29;
	s22 =	simm.s32 $0x11620  }
0x136: {  	[tilespmem:s22], [sflag:$0xB] =	stream.indirect.gather [hbm4b:s1+s19], $0x40, s4, s19, $0xb8;
	[tilespmem:$0x1F9A0] =	vst v63  }
0x137: {  	s22 =	sadd.s32 $0x370, s29  }
0x138: {  	[tilespmem:s31], [sflag:$0xC] =	stream.indirect.gather [hbm4b:s1+s19], $0x40, s22, s19, $0xb8;
	[tilespmem:$0x1F9A0] =	vst v63  }
0x139: {  	s22 =	simm.s32 $0x1  }
0x13a: {  	_ =	swait.ge [sflag:s22], $0x1400  }
0x13b: {  	[sflag:s22] =	ssyncset.done $0x0  }
0x13c: {  	s14 =	simm.s32 $0x4E20;
	s4 =	sadd.s32 $0x2710, s29;
	[sflag:s22] =	ssyncadd.s32 $0xFFFFEC00  }
0x13d: {  	[spmem:s3] =	stream.indirect.scatter.add.f32 [tilespmem:s14], [sflag:$0xD], $0x40, s4, s19, $0xb8;
	[tilespmem:$0x1F9A0] =	vst v63  }
0x13e: {  	s14 =	simm.s32 $0x2  }
0x13f: {  	_ =	swait.ge [sflag:s14], $0x1400  }
0x140: {  	[sflag:s14] =	ssyncset.done $0x0  }
0x141: {  	s6 =	simm.s32 $0x6220;
	s4 =	sadd.s32 $0x2760, s29;
	[sflag:s14] =	ssyncadd.s32 $0xFFFFEC00  }
0x142: {  	[spmem:s3] =	stream.indirect.scatter.add.f32 [tilespmem:s6], [sflag:$0xE], $0x40, s4, s19, $0xb8;
	[tilespmem:$0x1F9A0] =	vst v63  }
0x143: {  	s6 =	simm.s32 $0x3  }
0x144: {  	_ =	swait.ge [sflag:s6], $0x1400  }
0x145: {  	[sflag:s6] =	ssyncset.done $0x0  }
0x146: {  	s5 =	simm.s32 $0x7620;
	s4 =	sadd.s32 $0x27B0, s29;
	[sflag:s6] =	ssyncadd.s32 $0xFFFFEC00  }
0x147: {  	[spmem:s3] =	stream.indirect.scatter.add.f32 [tilespmem:s5], [sflag:$0xF], $0x40, s4, s19, $0xb8;
	[tilespmem:$0x1F9A0] =	vst v63  }
0x148: {  	s5 =	simm.s32 $0x4  }
0x149: {  	_ =	swait.ge [sflag:s5], $0x1400  }
0x14a: {  	[sflag:s5] =	ssyncset.done $0x0  }
0x14b: {  	s30 =	simm.s32 $0x8A20;
	s4 =	sadd.s32 $0x2800, s29;
	[sflag:s5] =	ssyncadd.s32 $0xFFFFEC00  }
0x14c: {  	[spmem:s3] =	stream.indirect.scatter.add.f32 [tilespmem:s30], [sflag:$0x10], $0x40, s4, s19, $0xb8;
	[tilespmem:$0x1F9A0] =	vst v63  }
0x14d: {  	s4 =	simm.s32 $0x5  }
0x14e: {  	_ =	swait.ge [sflag:s4], $0x1400  }
0x14f: {  	[sflag:s4] =	ssyncset.done $0x0  }
0x150: {  	s2 =	sadd.s32 $0x2850, s29;
	s30 =	simm.s32 $0x9E20;
	[sflag:s4] =	ssyncadd.s32 $0xFFFFEC00  }
0x151: {  	[spmem:s3] =	stream.indirect.scatter.add.f32 [tilespmem:s30], [sflag:$0x11], $0x40, s2, s19, $0xb8;
	[tilespmem:$0x1F9A0] =	vst v63  }
0x152: {  	_ =	swait.ge [sflag:s8], $0x1400  }
0x153: {  	[sflag:s8] =	ssyncset.done $0x0  }
0x154: {  	s30 =	sadd.s32 $0x28A0, s29;
	[sflag:s8] =	ssyncadd.s32 $0xFFFFEC00  }
0x155: {  	[spmem:s3] =	stream.indirect.scatter.add.f32 [tilespmem:s9], [sflag:$0x12], $0x40, s30, s19, $0xb8;
	[tilespmem:$0x1F9A0] =	vst v63  }
0x156: {  	_ =	swait.ge [sflag:s17], $0x1400  }
0x157: {  	[sflag:s17] =	ssyncset.done $0x0  }
0x158: {  	s8 =	sadd.s32 $0x28F0, s29;
	s9 =	simm.s32 $0xC620;
	[sflag:s17] =	ssyncadd.s32 $0xFFFFEC00  }
0x159: {  	[spmem:s3] =	stream.indirect.scatter.add.f32 [tilespmem:s9], [sflag:$0x13], $0x40, s8, s19, $0xb8;
	[tilespmem:$0x1F9A0] =	vst v63  }
0x15a: {  	s8 =	simm.s32 $0x8  }
0x15b: {  	_ =	swait.ge [sflag:s8], $0x1400  }
0x15c: {  	[sflag:s8] =	ssyncset.done $0x0  }
0x15d: {  	s30 =	simm.s32 $0xDA20;
	s17 =	sadd.s32 $0x2940, s29;
	[sflag:s8] =	ssyncadd.s32 $0xFFFFEC00  }
0x15e: {  	[spmem:s3] =	stream.indirect.scatter.add.f32 [tilespmem:s30], [sflag:$0x14], $0x40, s17, s19, $0xb8;
	[tilespmem:$0x1F9A0] =	vst v63  }
0x15f: {  	_ =	swait.ge [sflag:s10], $0x1400  }
0x160: {  	[sflag:s10] =	ssyncset.done $0x0  }
0x161: {  	s17 =	sadd.s32 $0x2990, s29;
	s30 =	simm.s32 $0xEE20;
	[sflag:s10] =	ssyncadd.s32 $0xFFFFEC00  }
0x162: {  	[spmem:s3] =	stream.indirect.scatter.add.f32 [tilespmem:s30], [sflag:$0x15], $0x40, s17, s19, $0xb8;
	[tilespmem:$0x1F9A0] =	vst v63  }
0x163: {  	_ =	swait.ge [sflag:s11], $0x1400  }
0x164: {  	[sflag:s11] =	ssyncset.done $0x0  }
0x165: {  	s10 =	sadd.s32 $0x29E0, s29;
	[sflag:s11] =	ssyncadd.s32 $0xFFFFEC00;
	s11 =	simm.s32 $0x10220  }
0x166: {  	[spmem:s3] =	stream.indirect.scatter.add.f32 [tilespmem:s11], [sflag:$0x16], $0x40, s10, s19, $0xb8;
	[tilespmem:$0x1F9A0] =	vst v63  }
0x167: {  	_ =	swait.ge [sflag:s12], $0x1400  }
0x168: {  	[sflag:s12] =	ssyncset.done $0x0  }
0x169: {  	s17 =	sadd.s32 $0x2A30, s29;
	s30 =	simm.s32 $0x11620;
	[sflag:s12] =	ssyncadd.s32 $0xFFFFEC00  }
0x16a: {  	[spmem:s3] =	stream.indirect.scatter.add.f32 [tilespmem:s30], [sflag:$0x17], $0x40, s17, s19, $0xb8;
	[tilespmem:$0x1F9A0] =	vst v63  }
0x16b: {  	_ =	swait.ge [sflag:s13], $0x1400  }
0x16c: {  	[sflag:s13] =	ssyncset.done $0x0  }
0x16d: {  	s10 =	sadd.s32 $0x2A80, s29;
	[sflag:s13] =	ssyncadd.s32 $0xFFFFEC00  }
0x16e: {  	[spmem:s3] =	stream.indirect.scatter.add.f32 [tilespmem:s31], [sflag:$0x18], $0x40, s10, s19, $0xb8;
	[tilespmem:$0x1F9A0] =	vst v63  }
0x16f: {  	_ =	swait.ge [sflag:s0], $0x1400  }
0x170: {  	[sflag:s0] =	ssyncset.done $0x0  }
0x171: {  	[sflag:s0] =	ssyncadd.s32 $0xFFFFEC00  }
0x172: {  	_ =	swait.ge [sflag:s7], $0x1400  }
0x173: {  	[sflag:s7] =	ssyncset.done $0x0  }
0x174: {  	[sflag:s7] =	ssyncadd.s32 $0xFFFFEC00  }
0x175: {  	_ =	swait.ge [sflag:s15], $0x1400  }
0x176: {  	[sflag:s15] =	ssyncset.done $0x0  }
0x177: {  	[sflag:s15] =	ssyncadd.s32 $0xFFFFEC00  }
0x178: {  	_ =	swait.ge [sflag:s16], $0x1400  }
0x179: {  	[sflag:s16] =	ssyncset.done $0x0  }
0x17a: {  	[sflag:s16] =	ssyncadd.s32 $0xFFFFEC00  }
0x17b: {  	_ =	swait.ge [sflag:s20], $0x1400  }
0x17c: {  	[sflag:s20] =	ssyncset.done $0x0  }
0x17d: {  	[sflag:s20] =	ssyncadd.s32 $0xFFFFEC00  }
0x17e: {  	_ =	swait.ge [sflag:s21], $0x1400  }
0x17f: {  	[sflag:s21] =	ssyncset.done $0x0  }
0x180: {  	[sflag:s21] =	ssyncadd.s32 $0xFFFFEC00  }
0x181: {  	_ =	swait.ge [sflag:s23], $0x1400  }
0x182: {  	[sflag:s23] =	ssyncset.done $0x0  }
0x183: {  	[sflag:s23] =	ssyncadd.s32 $0xFFFFEC00  }
0x184: {  	_ =	swait.ge [sflag:s24], $0x1400  }
0x185: {  	[sflag:s24] =	ssyncset.done $0x0  }
0x186: {  	[sflag:s24] =	ssyncadd.s32 $0xFFFFEC00  }
0x187: {  	_ =	swait.ge [sflag:s25], $0x1400  }
0x188: {  	[sflag:s25] =	ssyncset.done $0x0  }
0x189: {  	[sflag:s25] =	ssyncadd.s32 $0xFFFFEC00  }
0x18a: {  	_ =	swait.ge [sflag:s26], $0x1400  }
0x18b: {  	[sflag:s26] =	ssyncset.done $0x0  }
0x18c: {  	[sflag:s26] =	ssyncadd.s32 $0xFFFFEC00  }
0x18d: {  	_ =	swait.ge [sflag:s28], $0x1400  }
0x18e: {  	[sflag:s28] =	ssyncset.done $0x0  }
0x18f: {  	[sflag:s28] =	ssyncadd.s32 $0xFFFFEC00  }
0x190: {  	_ =	swait.ge [sflag:s18], $0x1400  }
0x191: {  	[sflag:s18] =	ssyncset.done $0x0  }
0x192: {  	s11 =	simm.s32 $0x2580;
	s12 =	simm.s32 $0x4E20;
	[sflag:s18] =	ssyncadd.s32 $0xFFFFEC00  }
0x193: {  	[tilespmem:s12], [sflag:$0x1] =	stream.indirect.gather [hbm4b:s1+s19], $0x40, s11, s19, $0xb8;
	[tilespmem:$0x1F9A0] =	vst v63  }
0x194: {  	s17 =	simm.s32 $0x25D0;
	s18 =	simm.s32 $0x6220  }
0x195: {  	[tilespmem:s18], [sflag:$0x2] =	stream.indirect.gather [hbm4b:s1+s19], $0x40, s17, s19, $0xb8;
	[tilespmem:$0x1F9A0] =	vst v63  }
0x196: {  	s23 =	simm.s32 $0x2620;
	s24 =	simm.s32 $0x7620  }
0x197: {  	[tilespmem:s24], [sflag:$0x3] =	stream.indirect.gather [hbm4b:s1+s19], $0x40, s23, s19, $0xb8;
	[tilespmem:$0x1F9A0] =	vst v63  }
0x198: {  	s25 =	simm.s32 $0x2670;
	s26 =	simm.s32 $0x8A20  }
0x199: {  	[tilespmem:s26], [sflag:$0x4] =	stream.indirect.gather [hbm4b:s1+s19], $0x40, s25, s19, $0xb8;
	[tilespmem:$0x1F9A0] =	vst v63  }
0x19a: {  	s29 =	simm.s32 $0x9E20;
	s28 =	simm.s32 $0x26C0  }
0x19b: {  	[tilespmem:s29], [sflag:$0x5] =	stream.indirect.gather [hbm4b:s1+s19], $0x40, s28, s19, $0xb8;
	[tilespmem:$0x1F9A0] =	vst v63  }
0x19c: {  	_ =	swait.ge [sflag:s22], $0x1400  }
0x19d: {  	[sflag:s22] =	ssyncset.done $0x0  }
0x19e: {  	s30 =	simm.s32 $0x4C90;
	[sflag:s22] =	ssyncadd.s32 $0xFFFFEC00  }
0x19f: {  	[spmem:s3] =	stream.indirect.scatter.add.f32 [tilespmem:s12], [sflag:$0xD], $0x40, s30, s19, $0xb8;
	[tilespmem:$0x1F9A0] =	vst v63  }
0x1a0: {  	_ =	swait.ge [sflag:s14], $0x1400  }
0x1a1: {  	[sflag:s14] =	ssyncset.done $0x0  }
0x1a2: {  	s13 =	simm.s32 $0x4CE0;
	[sflag:s14] =	ssyncadd.s32 $0xFFFFEC00  }
0x1a3: {  	[spmem:s3] =	stream.indirect.scatter.add.f32 [tilespmem:s18], [sflag:$0xE], $0x40, s13, s19, $0xb8;
	[tilespmem:$0x1F9A0] =	vst v63  }
0x1a4: {  	_ =	swait.ge [sflag:s6], $0x1400  }
0x1a5: {  	[sflag:s6] =	ssyncset.done $0x0  }
0x1a6: {  	s14 =	simm.s32 $0x4D30;
	[sflag:s6] =	ssyncadd.s32 $0xFFFFEC00  }
0x1a7: {  	[spmem:s3] =	stream.indirect.scatter.add.f32 [tilespmem:s24], [sflag:$0xF], $0x40, s14, s19, $0xb8;
	[tilespmem:$0x1F9A0] =	vst v63  }
0x1a8: {  	_ =	swait.ge [sflag:s5], $0x1400  }
0x1a9: {  	[sflag:s5] =	ssyncset.done $0x0  }
0x1aa: {  	s17 =	simm.s32 $0x4D80;
	[sflag:s5] =	ssyncadd.s32 $0xFFFFEC00  }
0x1ab: {  	[spmem:s3] =	stream.indirect.scatter.add.f32 [tilespmem:s26], [sflag:$0x10], $0x40, s17, s19, $0xb8;
	[tilespmem:$0x1F9A0] =	vst v63  }
0x1ac: {  	_ =	swait.ge [sflag:s4], $0x1400  }
0x1ad: {  	[sflag:s4] =	ssyncset.done $0x0  }
0x1ae: {  	s18 =	simm.s32 $0x4DD0;
	[sflag:s4] =	ssyncadd.s32 $0xFFFFEC00  }
0x1af: {  	[spmem:s3] =	stream.indirect.scatter.add.f32 [tilespmem:s29], [sflag:$0x11], $0x40, s18, s19, $0xb8;
	[tilespmem:$0x1F9A0] =	vst v63  }
0x1b0: {  	_ =	swait.ge [sflag:s0], $0x1400  }
0x1b1: {  	[sflag:s0] =	ssyncset.done $0x0  }
0x1b2: {  	[sflag:s0] =	ssyncadd.s32 $0xFFFFEC00  }
0x1b3: {  	_ =	swait.ge [sflag:s7], $0x1400  }
0x1b4: {  	[sflag:s7] =	ssyncset.done $0x0  }
0x1b5: {  	[sflag:s7] =	ssyncadd.s32 $0xFFFFEC00  }
0x1b6: {  	_ =	swait.ge [sflag:s15], $0x1400  }
0x1b7: {  	[sflag:s15] =	ssyncset.done $0x0  }
0x1b8: {  	[sflag:s15] =	ssyncadd.s32 $0xFFFFEC00  }
0x1b9: {  	_ =	swait.ge [sflag:s16], $0x1400  }
0x1ba: {  	[sflag:s16] =	ssyncset.done $0x0  }
0x1bb: {  	[sflag:s16] =	ssyncadd.s32 $0xFFFFEC00  }
0x1bc: {  	_ =	swait.ge [sflag:s20], $0x1400  }
0x1bd: {  	[sflag:s20] =	ssyncset.done $0x0  }
0x1be: {  	s23 =	stileid.u32;
	[sflag:s20] =	ssyncadd.s32 $0xFFFFEC00  }
0x1bf: {  	s2 =	sshll.u32 s23, $0x6;
	[bflag:$0x0] =	sbarrier.arrive $0xFFFF  }
0x1c0: {  	s2 =	sor.u32 $0x1C19, s2;
	s31 =	rddreg [dreg:$0x6]  }
0x1c1: {  	s26 =	simm.s32 $0x19;
	s25 =	rddreg [dreg:$0xb];
	s24 =	sshrl.u32 s31, $0x3  }
0x1c2: {  	[hbm:s25@s16], [sflag:s2] =	dma.strided [spmem:s24@s8], $0x1388, s22, $0x8   }
0x1c3: {  	_ =	swait.ge [sflag:s26], $0x1388  }
0x1c4: {  	s28 =	rddreg [dreg:$0xd]  }
0x1c5: {  	s30 =	rddreg [dreg:$0xc];
	s0 =	sadd.s32 $0x1, s28  }
0x1c6: {  	p0 =	sne.s32 s0, s30  }
.Ltmp2:
0x1c7: {  	_ = 	snop;
	(pc) =	sbr.rel @p0 .LBB2_1-.Ltmp2, $4  }
0x1c8: {  	_ = 	snop  }
0x1c9: {  	s23 =	simm.s32 $0x14;
	s17 =	simm.s32 $0x1;
	s18 =	simm.s32 $0x18  }
0x1ca: {  	s22 =	simm.s32 $0x13;
	s24 =	simm.s32 $0x15;
	[sflag:s26] =	ssyncset.done $0x0  }
0x1cb: {  	s25 =	simm.s32 $0x16;
	[sflag:s26] =	ssyncadd.s32 $0xFFFFEC78;
	s26 =	simm.s32 $0x17  }
0x1cc: {  	_ =	sfence.sel $0x180000  }
0x1cd: {  	[bflag:$0x0] =	sbarrier.arrive $0xFFFF  }
0x1ce: {  	_ =	strace $0x9000004A  }
0x1cf: {  	s0 =	stileid.u32;
	[bflag:$0x2] =	sbarrier.arrive $0xFFFF  }
0x1d0: {  	p0 =	sne.s32 s0, $0x0;
	s0 =	rddreg [dreg:$0x3]  }
0x1d1: {  	s0 =	sadd.s32 @!p0 $0x100000, s0  }
0x1d2: {  	[sflag:s0] =	ssyncadd.tile.s32 @!p0 $0x1;
	_ =	shalt  }
.Lfunc_end2:
_tile_overlayer_lowered:
.L_overlay_start_2:
0x1d3: {  	(tag) =	ssettag $0x2  }
0x1d4: {  	s0 =	rddreg [dreg:$0x0];
	s2 =	stileid.u32  }
0x1d5: {  	s1 =	rddreg [dreg:$0x1];
	p0 =	sne.s32 s2, $0x0  }
0x1d6: {  	s3 =	rddreg [dreg:$0x2];
	[bflag:$0x3] =	sbarrier.arrive $0xFFFF;
	s2 =	simm.s32 @!p0 $0x1C19  }
0x1d7: {  	[timem:s3], [sflag:s2] =	dma.local @!p0 [hbm:s0], s1  }
0x1d8: {  	s0 =	simm.s32 @!p0 $0x19  }
0x1d9: {  	_ =	swait.ge @!p0 [sflag:s0], s1  }
0x1da: {  	s1 =	ssub.s32 @!p0 $0x0, s1;
	[sflag:s0] =	ssyncset.done @!p0 $0x0  }
0x1db: {  	[sflag:s0] =	ssyncadd.s32 @!p0 s1  }
0x1dc: {  	[bflag:$0x3] =	sbarrier.arrive $0xFFFF  }
0x1dd: {  	_ =	shalt  }

// kernel: kernel.14.cloned.1.call-start
scs
__scs_entry_jumppad:
0x0: {  	(pc) =	sbr.rel $0x88, $3  }
0x1: {  	(tag) =	ssettag $0x0;
	lr =	simm.s32 $0x1  }
0x2: {  	[smem:$0x3F9B] =	sst lr;
	_ =	strace $0xD0000000  }
0x3: {  	_ = 	snop  }
0x4: {  	_ = 	snop  }
0x5: {  	_ = 	snop  }
0x6: {  	_ = 	snop  }
0x7: {  	_ = 	snop  }
__scs_overlays_trampoline_lowered:
0x8: {  	[smem:$0x3FAA] =	sst s0  }
0x9: {  	[smem:$0x3FAB] =	sst s1  }
0xa: {  	[smem:$0x3FAC] =	sst s2  }
0xb: {  	[smem:$0x3FAD] =	sst s3  }
0xc: {  	[smem:$0x3FAE] =	sst s4  }
0xd: {  	[smem:$0x3FAF] =	sst s5  }
0xe: {  	[smem:$0x3FB0] =	sst s6  }
0xf: {  	[smem:$0x3FB1] =	sst s7  }
0x10: {  	[smem:$0x3FB2] =	sst s8  }
0x11: {  	[smem:$0x3FB3] =	sst s9;
	s0 =	simm.s32 @!p0 $0x0  }
0x12: {  	s1 =	sld [smem:$0x3F99];
	s0 =	simm.s32 @p0 $0x1  }
0x13: {  	[smem:$0x3FB4] =	sst s0;
	s0 =	simm.s32 @!p1 $0x0  }
0x14: {  	s2 =	sld [smem:$0x3F98];
	s0 =	simm.s32 @p1 $0x1  }
0x15: {  	[smem:$0x3FB5] =	sst s0;
	s0 =	simm.s32 @!p2 $0x0  }
0x16: {  	s3 =	sld [smem:$0x3FDB];
	s0 =	simm.s32 @p2 $0x1  }
0x17: {  	s4 =	simm.s32 $0x1BF5;
	[smem:$0x3FB7] =	sst s0  }
0x18: {  	s0 =	sld [smem:$0x3F9A];
	_ =	swait.ge [sflag:s4], $0x0  }
0x19: {  	s7 =	sld [smem:$0x3F9B]  }
0x1a: {  	s8 =	sadd.s32 $0xFFFFE003, lr  }
0x1b: {  	s9 =	sadd.s32 $0xFFFFFEF7, lr;
	s5 =	simm.s32 $0xFFFFFFFF;
	p2 =	slt.u32 s8, $0xFFFFF086  }
0x1c: {  	p1 =	slt.u32 s9, $0xF7A;
	s5 =	simm.s32 @!p2 $0x0  }
0x1d: {  	s5 =	simm.s32 @p1 $0x1;
	p0 =	seq.s32 s7, s2  }
0x1e: {  	s7 =	smul.u32 @!p0 $0xF7A, s2;
	p2 =	seq.s32 @!p0 s5, $0x0  }
0x1f: {  	s9 =	smul.u32 $0xF7A, s1;
	s8 =	simm.s32 @!p0 $0x1BF5;
	p2 =	por !p2, p0  }
0x20: {  	[sflag:s8] =	ssyncset.s32 @!p0 $0xFFFFF086;
	s6 =	sadd.s32 @!p0 s3, s7;
	s7 =	simm.s32 @!p0 $0x108  }
0x21: {  	s3 =	sadd.s32 s3, s9;
	s6 =	sadd.s32 @!p0 $0x88, s6;
	s7 =	simm.s32 @p2 $0x1082  }
0x22: {  	[simem:s7], [sflag:s8] =	dma.local @!p0 [hbm:s6], $0xF7A  }
0x23: {  	s9 =	sor.u32 $0xD0000000, s2;
	s6 =	simm.s32 $0x108;
	_ =	swait.ge @!p0 [sflag:s8], $0x0  }
0x24: {  	s3 =	sadd.s32 $0x88, s3;
	s6 =	simm.s32 @!p1 $0x1082;
	[sflag:s4] =	ssyncset.s32 $0xFFFFF086  }
0x25: {  	[simem:s6], [sflag:s4] =	dma.local [hbm:s3], $0xF7A  }
0x26: {  	[smem:$0x3F9B] =	sst s1;
	(tag) =	ssettag s2;
	_ =	strace s9  }
0x27: {  	s1 =	sld [smem:$0x3FAB]  }
0x28: {  	s2 =	sld [smem:$0x3FAC]  }
0x29: {  	s4 =	sld [smem:$0x3FAE]  }
0x2a: {  	p0 =	seq.s32 s5, $0x0;
	s5 =	sld [smem:$0x3FAF]  }
0x2b: {  	s6 =	sld [smem:$0x3FB0]  }
0x2c: {  	s7 =	sld [smem:$0x3FB1]  }
0x2d: {  	s3 =	simm.s32 $0x108;
	s8 =	sld [smem:$0x3FB2]  }
0x2e: {  	s3 =	simm.s32 @!p0 $0x1082;
	s9 =	sld [smem:$0x3FB3]  }
0x2f: {  	lr =	sadd.s32 s0, s3;
	s0 =	sld [smem:$0x3FAA]  }
0x30: {  	s3 =	sld [smem:$0x3FAD]  }
0x31: {  	[smem:$0x3FB6] =	sst s10  }
0x32: {  	s10 =	sld [smem:$0x3FB4];
	_ =	sdelay $0x3  }
0x33: {  	p0 =	seq.s32 s10, $0x1;
	s10 =	sld [smem:$0x3FB6];
	_ =	sdelay $0x3  }
0x34: {  	[smem:$0x3FB6] =	sst s10  }
0x35: {  	s10 =	sld [smem:$0x3FB5];
	_ =	sdelay $0x3  }
0x36: {  	p1 =	seq.s32 s10, $0x1;
	s10 =	sld [smem:$0x3FB6];
	_ =	sdelay $0x3  }
0x37: {  	[smem:$0x3FB6] =	sst s10  }
0x38: {  	s10 =	sld [smem:$0x3FB7]  }
0x39: {  	_ = 	snop;
	(pc) =	sbr.ind lr, $3  }
0x3a: {  	_ = 	snop  }
0x3b: {  	_ = 	snop  }
0x3c: {  	p2 =	seq.s32 s10, $0x1;
	s10 =	sld [smem:$0x3FB6]  }
0x3d: {  	_ =	shalt  }
0x3e: {  	_ =	shalt  }
0x3f: {  	_ =	shalt  }
0x40: {  	_ =	shalt  }
0x41: {  	_ =	shalt  }
0x42: {  	_ =	shalt  }
0x43: {  	_ =	shalt  }
0x44: {  	_ =	shalt  }
0x45: {  	_ =	shalt  }
0x46: {  	_ =	shalt  }
0x47: {  	_ =	shalt  }
0x48: {  	_ =	shalt  }
0x49: {  	_ =	shalt  }
0x4a: {  	_ =	shalt  }
0x4b: {  	_ =	shalt  }
0x4c: {  	_ =	shalt  }
0x4d: {  	_ =	shalt  }
0x4e: {  	_ =	shalt  }
0x4f: {  	_ =	shalt  }
0x50: {  	_ =	shalt  }
0x51: {  	_ =	shalt  }
0x52: {  	_ =	shalt  }
0x53: {  	_ =	shalt  }
0x54: {  	_ =	shalt  }
0x55: {  	_ =	shalt  }
0x56: {  	_ =	shalt  }
0x57: {  	_ =	shalt  }
0x58: {  	_ =	shalt  }
0x59: {  	_ =	shalt  }
0x5a: {  	_ =	shalt  }
0x5b: {  	_ =	shalt  }
0x5c: {  	_ =	shalt  }
0x5d: {  	_ =	shalt  }
0x5e: {  	_ =	shalt  }
0x5f: {  	_ =	shalt  }
0x60: {  	_ =	shalt  }
0x61: {  	_ =	shalt  }
0x62: {  	_ =	shalt  }
0x63: {  	_ =	shalt  }
0x64: {  	_ =	shalt  }
0x65: {  	_ =	shalt  }
0x66: {  	_ =	shalt  }
0x67: {  	_ =	shalt  }
0x68: {  	_ =	shalt  }
0x69: {  	_ =	shalt  }
0x6a: {  	_ =	shalt  }
0x6b: {  	_ =	shalt  }
0x6c: {  	_ =	shalt  }
0x6d: {  	_ =	shalt  }
0x6e: {  	_ =	shalt  }
0x6f: {  	_ =	shalt  }
0x70: {  	_ =	shalt  }
0x71: {  	_ =	shalt  }
0x72: {  	_ =	shalt  }
0x73: {  	_ =	shalt  }
0x74: {  	_ =	shalt  }
0x75: {  	_ =	shalt  }
0x76: {  	_ =	shalt  }
0x77: {  	_ =	shalt  }
0x78: {  	_ =	shalt  }
0x79: {  	_ =	shalt  }
0x7a: {  	_ =	shalt  }
0x7b: {  	_ =	shalt  }
0x7c: {  	_ =	shalt  }
0x7d: {  	_ =	shalt  }
0x7e: {  	_ =	shalt  }
0x7f: {  	_ =	shalt  }
0x80: {  	_ =	shalt  }
0x81: {  	_ =	shalt  }
0x82: {  	_ =	shalt  }
0x83: {  	_ =	shalt  }
0x84: {  	_ =	shalt  }
0x85: {  	_ =	shalt  }
0x86: {  	_ =	shalt  }
0x87: {  	_ =	shalt  }
.Lfunc_end0:
.L_simem_size_0:
called_computation.2_lowered:
.L_overlay_start_0:
0x88: {  	s2 =	sld [smem:$0x3FD9]  }
0x89: {  	s3 =	sld [smem:$0x3FFE];
	_ =	sdelay $0x1  }
0x8a: {  	s1 =	srdreg.scid  }
0x8b: {  	s0 =	sand.u32 $0x1, s1  }
0x8c: {  	s17 =	sshll.u32 s0, $0xA;
	s2 =	sadd.s32 s3, s2  }
0x8d: {  	s2 =	sadd.s32 s2, s17  }
0x8e: {  	[smem:$0x3FC2] =	sst s2  }
0x8f: {  	_ = 	snop  }
0x90: {  	s2 =	sld [smem:$0x3FD0];
	(tm) =	ssettm $0x1  }
0x91: {  	s18 =	sld [smem:$0x3FFB];
	_ =	sdelay $0x3  }
0x92: {  	_ =	strace s18  }
0x93: {  	s3 =	sld [smem:$0x3FFC];
	_ =	sdelay $0x3  }
0x94: {  	_ =	strace s3  }
0x95: {  	s3 =	sld [smem:$0x3FFD];
	_ =	sdelay $0x3  }
0x96: {  	_ =	strace s3  }
0x97: {  	_ =	strace $0x8FFFFFFF  }
0x98: {  	s19 =	sld [smem:$0x3FDB];
	_ =	sdelay $0x1  }
0x99: {  	s4 =	simm.s32 $_scs_section_size  }
0x9a: {  	s5 =	simm.s32 $_size__tile_overlayer_lowered;
	s6 =	simm.s32 $_tile_overlayer_lowered  }
0x9b: {  	s22 =	simm.s32 $0x1BFF;
	s21 =	sshll.u32 s6, $0x1;
	s3 =	sadd.s32 s4, s19  }
0x9c: {  	s7 =	simm.s32 $0x0;
	s20 =	sshll.u32 s5, $0x1;
	s5 =	sadd.s32 s21, s3  }
0x9d: {  	[timem:s7], [sflag:s22] =	dma.local [hbm:s5], s20  }
0x9e: {  	_ =	swait.ge [sflag:s22], s20  }
0x9f: {  	s4 =	ssub.s32 $0x0, s20;
	[sflag:s22] =	ssyncset.done $0x0  }
0xa0: {  	[sflag:s22] =	ssyncadd.s32 s4;
	_ =	sdelay $0x1  }
0xa1: {  	s23 =	simm.s32 $0x1B8B  }
0xa2: {  	_ =	swait.ge [sflag:s23], $0x1  }
0xa3: {  	[sflag:s23] =	ssyncset.done $0x0  }
0xa4: {  	s25 =	simm.s32 $0x1B8E;
	s24 =	sld [smem:$0x3FFE];
	[sflag:s23] =	ssyncadd.s32 $0xFFFFFFFF  }
0xa5: {  	s26 =	simm.s32 $execute0_lowered;
	[smem:$0x3FD2] =	sst s25  }
0xa6: {  	s5 =	sshll.u32 s26, $0x1;
	_ =	strace $0x8000004C;
	[dreg:$0x1] =	wrdreg $0xFFFFFFFF  }
0xa7: {  	s28 =	simm.s32 $_size_execute0_lowered;
	s3 =	sadd.s32 s3, s5;
	[dreg:$0x0] =	wrdreg $0x0  }
0xa8: {  	s5 =	sshll.u32 s28, $0x1;
	[dreg:$0x2] =	wrdreg s3  }
0xa9: {  	[dreg:$0x3] =	wrdreg s5  }
0xaa: {  	[dreg:$0x4] =	wrdreg $0xC0  }
0xab: {  	_ =	task [dreg:s7], $0x5FFFF  }
0xac: {  	[dreg:$0x1] =	wrdreg $0xFFFFFFFF  }
0xad: {  	[dreg:$0x0] =	wrdreg $0x60  }
0xae: {  	[dreg:$0x2] =	wrdreg s2  }
0xaf: {  	[dreg:$0x3] =	wrdreg s24  }
0xb0: {  	[dreg:$0x4] =	wrdreg $0x15D600  }
0xb1: {  	[dreg:$0x5] =	wrdreg $0x9  }
0xb2: {  	_ =	task.clear_ibuf [dreg:s7], $0x6FFFF;
	_ =	strace $0x9000004C  }
0xb3: {  	s29 =	simm.s32 $0x9;
	_ =	strace $0x8000004E  }
0xb4: {  	_ =	swait.ge [sflag:s29], $0x1  }
0xb5: {  	[sflag:s29] =	ssyncadd.s32 $0xFFFFFFFF  }
0xb6: {  	_ =	strace $0x9000004E  }
0xb7: {  	_ =	sfence  }
0xb8: {  	s30 =	sld [smem:$0x0];
	_ =	sdelay $0x2  }
0xb9: {  	s31 =	sshll.u32 s1, $0xD;
	s1 =	sshrl.u32 s1, $0x2  }
0xba: {  	s3 =	sand.u32 $0x4000, s31;
	s1 =	sadd.s32 s1, s30  }
0xbb: {  	s0 =	sor.u32 s3, s0;
	s1 =	sshll.u32 s1, $0x11  }
0xbc: {  	s0 =	sor.u32 s1, s0  }
0xbd: {  	s0 =	sadd.s32 $0x8F2B, s0  }
0xbe: {  	[sflag:s0] =	ssyncadd.remote.s32 $0x1  }
0xbf: {  	_ =	sfence.sel $0xFFFF  }
0xc0: {  	[dreg:$0x0] =	wrdreg $0xFFFFFFFF;
	(pc) =	sbr.abs _section_cstart, $3  }
0xc1: {  	[dreg:$0x1] =	wrdreg $0xFFFFFFFF  }
0xc2: {  	_ =	task.clear_ibuf [dreg:s7], $0x2FFFF;
	_ =	strace $0x9FFFFFFF  }
0xc3: {  	(tm) =	ssettm $0x7FFFFFFF  }
tec
execute0_lowered:
.L_overlay_start_1:
0x0: {  	(tag) =	ssettag $0x1  }
0x1: {  	s1 =	rddreg [dreg:$0x0]  }
0x2: {  	s0 =	srdreg.scid;
	s2 =	rddreg [dreg:$0x1]  }
0x3: {  	s8 =	stileid.u32;
	s3 =	rddreg [dreg:$0x2];
	s6 =	simm.s32 $0x0  }
0x4: {  	s17 =	simm.s32 $0x1;
	s19 =	simm.s32 $0x50;
	s15 =	simm.s32 $0xF  }
0x5: {  	s16 =	simm.s32 $0x10;
	s20 =	simm.s32 $0x11;
	s4 =	smul.u32 $0x2710, s8  }
0x6: {  	s21 =	simm.s32 $0x12;
	s18 =	simm.s32 $0x18;
	s22 =	smul.u32 $0x13880, s8  }
0x7: {  	s0 =	sand.u32 $0x1, s0;
	[smem:$0x7FF] =	sst s6;
	s23 =	smul.u32 $0x27100, s8  }
0x8: {  	s5 =	smul.u32 $0x27100, s0;
	s7 =	sshll.u32 s0, $0x6;
	s0 =	ssub.s32 $0x2, s0  }
0x9: {  	_ =	strace $0x8000004D;
	s6 =	sor.u32 s7, s22;
	s24 =	sshrl.u32 s0, $0x1  }
0xa: {  	s25 =	sshrl.u32 s23, $0x2;
	s22 =	simm.s32 $0x13;
	s23 =	simm.s32 $0x14  }
0xb: {  	s5 =	sadd.s32 s4, s5;
	s4 =	sshrl.u32 s4, $0x3;
	s31 =	sadd.s32 s25, s3  }
0xc: {  	s6 =	sshrl.u32 s6, $0x3;
	s26 =	sadd.s32 $0x1F40, s31;
	[dreg:$0x6] =	wrdreg s31  }
0xd: {  	s0 =	ssub.s32 s0, s24;
	s28 =	sadd.s32 $0x3E80, s31;
	[dreg:$0x7] =	wrdreg s26  }
0xe: {  	s24 =	simm.s32 $0x15;
	s29 =	sadd.s32 $0x5DC0, s31;
	[dreg:$0x8] =	wrdreg s28  }
0xf: {  	s5 =	sshrl.u32 s5, $0x3;
	s30 =	sadd.s32 $0x7D00, s31;
	[dreg:$0x9] =	wrdreg s29  }
0x10: {  	s4 =	sadd.s32 s4, s2;
	s0 =	smax.u32 s0, $0x1;
	[dreg:$0xa] =	wrdreg s30  }
0x11: {  	s5 =	sadd.s32 s5, s2;
	s4 =	sadd.s32 $0x2400, s4;
	[dreg:$0xc] =	wrdreg s0  }
0x12: {  	s2 =	sadd.s32 s6, s2;
	s5 =	sadd.s32 $0xA3800, s5;
	[dreg:$0x5] =	wrdreg s4  }
0x13: {  	s25 =	simm.s32 $0x16;
	s2 =	sadd.s32 $0x7400, s2;
	[dreg:$0x4] =	wrdreg s5  }
0x14: {  	v0 =	vimm.f32 $0.0e+00;
	s26 =	simm.s32 $0x17;
	s0 =	simm.s32 $0x0;
	[dreg:$0xb] =	wrdreg s2  }
.LBB2_1:
0x15: {  	s2 =	simm.s32 $0x0;
	s29 =	rddreg [dreg:$0x4]  }
0x16: {  	[tilespmem:s2], [sflag:$0x1] =	stream.linear.gather [hbm4b:s29+s2], $0x2710, $0x38;
	[tilespmem:$0x1F9A0] =	vst v63  }
0x17: {  	s30 =	simm.s32 $0x2710;
	s29 =	rddreg [dreg:$0x5]  }
0x18: {  	[tilespmem:s30], [sflag:$0x2] =	stream.linear.gather [hbm4b:s29+s2], $0x2710, $0x38;
	[tilespmem:$0x1F9A0] =	vst v63  }
0x19: {  	[dreg:$0xd] =	wrdreg s0;
	s30 =	simm.s32 $0x100;
	s29 =	simm.s32 $0x0  }
.LBB2_2:
0x1a: {  	p0 =	sne.s32 s30, $0x7C00;
	[tilespmem:s29+$0x13E50] =	vst v0;
	s2 =	smov.u32 s30;
	s30 =	sadd.s32 $0x100, s30  }
.Ltmp0:
0x1b: {  	[tilespmem:s29+$0x13E40] =	vst v0;
	(pc) =	sbr.rel @p0 .LBB2_2-.Ltmp0, $3  }
0x1c: {  	[tilespmem:s29+$0x13E20] =	vst v0  }
0x1d: {  	[tilespmem:s29+$0x13E30] =	vst v0;
	_ =	sdelay $0x1  }
0x1e: {  	s29 =	sshra.s32 s2, $0x2  }
0x1f: {  	[tilespmem:s29+$0x13E50] =	vst v0  }
0x20: {  	[tilespmem:s29+$0x13E40] =	vst v0  }
0x21: {  	[tilespmem:s29+$0x13E20] =	vst v0  }
0x22: {  	[tilespmem:s29+$0x13E30] =	vst v0;
	s29 =	simm.s32 $0x13E20;
	s30 =	simm.s32 $0x19  }
0x23: {  	[spmem:s31] =	stream.linear.scatter [tilespmem:s29], [sflag:$0x19], $0x1F40, $0x38;
	[tilespmem:$0x1F9A0] =	vst v63  }
0x24: {  	_ =	swait.ge [sflag:s30], $0x1F40  }
0x25: {  	[sflag:s30] =	ssyncset.done $0x0  }
0x26: {  	s2 =	rddreg [dreg:$0x7];
	[sflag:s30] =	ssyncadd.s32 $0xFFFFE0C0  }
0x27: {  	[spmem:s2] =	stream.linear.scatter [tilespmem:s29], [sflag:$0x19], $0x1F40, $0x38;
	[tilespmem:$0x1F9A0] =	vst v63  }
0x28: {  	_ =	swait.ge [sflag:s30], $0x1F40  }
0x29: {  	[sflag:s30] =	ssyncset.done $0x0  }
0x2a: {  	s9 =	rddreg [dreg:$0x8];
	[sflag:s30] =	ssyncadd.s32 $0xFFFFE0C0  }
0x2b: {  	[spmem:s9] =	stream.linear.scatter [tilespmem:s29], [sflag:$0x19], $0x1F40, $0x38;
	[tilespmem:$0x1F9A0] =	vst v63  }
0x2c: {  	_ =	swait.ge [sflag:s30], $0x1F40  }
0x2d: {  	[sflag:s30] =	ssyncset.done $0x0  }
0x2e: {  	s10 =	rddreg [dreg:$0x9];
	[sflag:s30] =	ssyncadd.s32 $0xFFFFE0C0  }
0x2f: {  	[spmem:s10] =	stream.linear.scatter [tilespmem:s29], [sflag:$0x19], $0x1F40, $0x38;
	[tilespmem:$0x1F9A0] =	vst v63  }
0x30: {  	_ =	swait.ge [sflag:s30], $0x1F40  }
0x31: {  	[sflag:s30] =	ssyncset.done $0x0  }
0x32: {  	s11 =	rddreg [dreg:$0xa];
	[sflag:s30] =	ssyncadd.s32 $0xFFFFE0C0  }
0x33: {  	[spmem:s11] =	stream.linear.scatter [tilespmem:s29], [sflag:$0x19], $0x1F40, $0x38;
	[tilespmem:$0x1F9A0] =	vst v63  }
0x34: {  	_ =	swait.ge [sflag:s30], $0x1F40  }
0x35: {  	[sflag:s30] =	ssyncset.done $0x0  }
0x36: {  	[sflag:s30] =	ssyncadd.s32 $0xFFFFE0C0  }
0x37: {  	_ =	swait.ge [sflag:s17], $0x2710  }
0x38: {  	[sflag:s17] =	ssyncset.done $0x0  }
0x39: {  	s10 =	simm.s32 $0x2;
	[sflag:s17] =	ssyncadd.s32 $0xFFFFD8F0  }
0x3a: {  	_ =	swait.ge [sflag:s10], $0x2710  }
0x3b: {  	[sflag:s10] =	ssyncset.done $0x0  }
0x3c: {  	[sflag:s10] =	ssyncadd.s32 $0xFFFFD8F0  }
0x3d: {  	s12 =	simm.s32 $0x0;
	s8 =	simm.s32 $0x4E20;
	[bflag:$0x0] =	sbarrier.arrive $0xFFFF  }
0x3e: {  	[tilespmem:s8], [sflag:$0x1] =	stream.indirect.gather [hbm4b:s1+s19], $0x40, s12, s19, $0xb8;
	[tilespmem:$0x1F9A0] =	vst v63  }
0x3f: {  	s13 =	simm.s32 $0x50;
	s4 =	simm.s32 $0x6220  }
0x40: {  	[tilespmem:s4], [sflag:$0x2] =	stream.indirect.gather [hbm4b:s1+s19], $0x40, s13, s19, $0xb8;
	[tilespmem:$0x1F9A0] =	vst v63  }
0x41: {  	s14 =	simm.s32 $0xA0;
	s5 =	simm.s32 $0x7620  }
0x42: {  	[tilespmem:s5], [sflag:$0x3] =	stream.indirect.gather [hbm4b:s1+s19], $0x40, s14, s19, $0xb8;
	[tilespmem:$0x1F9A0] =	vst v63  }
0x43: {  	s6 =	simm.s32 $0x8A20;
	s17 =	simm.s32 $0xF0  }
0x44: {  	[tilespmem:s6], [sflag:$0x4] =	stream.indirect.gather [hbm4b:s1+s19], $0x40, s17, s19, $0xb8;
	[tilespmem:$0x1F9A0] =	vst v63  }
0x45: {  	s7 =	simm.s32 $0x9E20;
	s31 =	simm.s32 $0x140  }
0x46: {  	[tilespmem:s7], [sflag:$0x5] =	stream.indirect.gather [hbm4b:s1+s19], $0x40, s31, s19, $0xb8;
	[tilespmem:$0x1F9A0] =	vst v63  }
0x47: {  	s0 =	simm.s32 $0x190;
	s17 =	simm.s32 $0xB220  }
0x48: {  	[tilespmem:s17], [sflag:$0x6] =	stream.indirect.gather [hbm4b:s1+s19], $0x40, s0, s19, $0xb8;
	[tilespmem:$0x1F9A0] =	vst v63  }
0x49: {  	s28 =	simm.s32 $0xC620;
	s11 =	simm.s32 $0x1E0  }
0x4a: {  	[tilespmem:s28], [sflag:$0x7] =	stream.indirect.gather [hbm4b:s1+s19], $0x40, s11, s19, $0xb8;
	[tilespmem:$0x1F9A0] =	vst v63  }
0x4b: {  	s12 =	simm.s32 $0x230;
	s14 =	simm.s32 $0xDA20  }
0x4c: {  	[tilespmem:s14], [sflag:$0x8] =	stream.indirect.gather [hbm4b:s1+s19], $0x40, s12, s19, $0xb8;
	[tilespmem:$0x1F9A0] =	vst v63  }
0x4d: {  	s13 =	simm.s32 $0x280;
	s11 =	simm.s32 $0xEE20  }
0x4e: {  	[tilespmem:s11], [sflag:$0x9] =	stream.indirect.gather [hbm4b:s1+s19], $0x40, s13, s19, $0xb8;
	[tilespmem:$0x1F9A0] =	vst v63  }
0x4f: {  	s31 =	simm.s32 $0x2D0;
	s12 =	simm.s32 $0x10220  }
0x50: {  	[tilespmem:s12], [sflag:$0xA] =	stream.indirect.gather [hbm4b:s1+s19], $0x40, s31, s19, $0xb8;
	[tilespmem:$0x1F9A0] =	vst v63  }
0x51: {  	s0 =	simm.s32 $0x320;
	s13 =	simm.s32 $0x11620  }
0x52: {  	[tilespmem:s13], [sflag:$0xB] =	stream.indirect.gather [hbm4b:s1+s19], $0x40, s0, s19, $0xb8;
	[tilespmem:$0x1F9A0] =	vst v63  }
0x53: {  	s9 =	simm.s32 $0x1;
	s31 =	simm.s32 $0x370;
	s0 =	simm.s32 $0x12A20  }
0x54: {  	[tilespmem:s0], [sflag:$0xC] =	stream.indirect.gather [hbm4b:s1+s19], $0x40, s31, s19, $0xb8;
	[tilespmem:$0x1F9A0] =	vst v63  }
0x55: {  	_ =	swait.ge [sflag:s9], $0x1400  }
0x56: {  	[sflag:s9] =	ssyncset.done $0x0  }
0x57: {  	s31 =	simm.s32 $0x2710;
	[sflag:s9] =	ssyncadd.s32 $0xFFFFEC00  }
0x58: {  	[spmem:s3] =	stream.indirect.scatter.add.f32 [tilespmem:s8], [sflag:$0xD], $0x40, s31, s19, $0xb8;
	[tilespmem:$0x1F9A0] =	vst v63  }
0x59: {  	_ =	swait.ge [sflag:s10], $0x1400  }
0x5a: {  	[sflag:s10] =	ssyncset.done $0x0  }
0x5b: {  	s9 =	simm.s32 $0x2760;
	[sflag:s10] =	ssyncadd.s32 $0xFFFFEC00;
	s10 =	simm.s32 $0x3  }
0x5c: {  	[spmem:s3] =	stream.indirect.scatter.add.f32 [tilespmem:s4], [sflag:$0xE], $0x40, s9, s19, $0xb8;
	[tilespmem:$0x1F9A0] =	vst v63  }
0x5d: {  	_ =	swait.ge [sflag:s10], $0x1400  }
0x5e: {  	[sflag:s10] =	ssyncset.done $0x0  }
0x5f: {  	s31 =	simm.s32 $0x27B0;
	s4 =	simm.s32 $0x4;
	[sflag:s10] =	ssyncadd.s32 $0xFFFFEC00  }
0x60: {  	[spmem:s3] =	stream.indirect.scatter.add.f32 [tilespmem:s5], [sflag:$0xF], $0x40, s31, s19, $0xb8;
	[tilespmem:$0x1F9A0] =	vst v63  }
0x61: {  	_ =	swait.ge [sflag:s4], $0x1400  }
0x62: {  	[sflag:s4] =	ssyncset.done $0x0  }
0x63: {  	s5 =	simm.s32 $0x2800;
	[sflag:s4] =	ssyncadd.s32 $0xFFFFEC00  }
0x64: {  	[spmem:s3] =	stream.indirect.scatter.add.f32 [tilespmem:s6], [sflag:$0x10], $0x40, s5, s19, $0xb8;
	[tilespmem:$0x1F9A0] =	vst v63  }
0x65: {  	s6 =	simm.s32 $0x5  }
0x66: {  	_ =	swait.ge [sflag:s6], $0x1400  }
0x67: {  	[sflag:s6] =	ssyncset.done $0x0  }
0x68: {  	s8 =	simm.s32 $0x2850;
	[sflag:s6] =	ssyncadd.s32 $0xFFFFEC00  }
0x69: {  	[spmem:s3] =	stream.indirect.scatter.add.f32 [tilespmem:s7], [sflag:$0x11], $0x40, s8, s19, $0xb8;
	[tilespmem:$0x1F9A0] =	vst v63  }
0x6a: {  	s8 =	simm.s32 $0x6  }
0x6b: {  	_ =	swait.ge [sflag:s8], $0x1400  }
0x6c: {  	[sflag:s8] =	ssyncset.done $0x0  }
0x6d: {  	s9 =	simm.s32 $0x28A0;
	[sflag:s8] =	ssyncadd.s32 $0xFFFFEC00  }
0x6e: {  	[spmem:s3] =	stream.indirect.scatter.add.f32 [tilespmem:s17], [sflag:$0x12], $0x40, s9, s19, $0xb8;
	[tilespmem:$0x1F9A0] =	vst v63  }
0x6f: {  	s17 =	simm.s32 $0x7  }
0x70: {  	_ =	swait.ge [sflag:s17], $0x1400  }
0x71: {  	[sflag:s17] =	ssyncset.done $0x0  }
0x72: {  	s10 =	simm.s32 $0x28F0;
	s31 =	simm.s32 $0x8;
	[sflag:s17] =	ssyncadd.s32 $0xFFFFEC00  }
0x73: {  	[spmem:s3] =	stream.indirect.scatter.add.f32 [tilespmem:s28], [sflag:$0x13], $0x40, s10, s19, $0xb8;
	[tilespmem:$0x1F9A0] =	vst v63  }
0x74: {  	_ =	swait.ge [sflag:s31], $0x1400  }
0x75: {  	[sflag:s31] =	ssyncset.done $0x0  }
0x76: {  	s4 =	simm.s32 $0x2940;
	s10 =	simm.s32 $0x9;
	[sflag:s31] =	ssyncadd.s32 $0xFFFFEC00  }
0x77: {  	[spmem:s3] =	stream.indirect.scatter.add.f32 [tilespmem:s14], [sflag:$0x14], $0x40, s4, s19, $0xb8;
	[tilespmem:$0x1F9A0] =	vst v63  }
0x78: {  	_ =	swait.ge [sflag:s10], $0x1400  }
0x79: {  	[sflag:s10] =	ssyncset.done $0x0  }
0x7a: {  	s5 =	simm.s32 $0x2990;
	[sflag:s10] =	ssyncadd.s32 $0xFFFFEC00  }
0x7b: {  	[spmem:s3] =	stream.indirect.scatter.add.f32 [tilespmem:s11], [sflag:$0x15], $0x40, s5, s19, $0xb8;
	[tilespmem:$0x1F9A0] =	vst v63  }
0x7c: {  	s11 =	simm.s32 $0xA  }
0x7d: {  	_ =	swait.ge [sflag:s11], $0x1400  }
0x7e: {  	[sflag:s11] =	ssyncset.done $0x0  }
0x7f: {  	s6 =	simm.s32 $0x29E0;
	[sflag:s11] =	ssyncadd.s32 $0xFFFFEC00  }
0x80: {  	[spmem:s3] =	stream.indirect.scatter.add.f32 [tilespmem:s12], [sflag:$0x16], $0x40, s6, s19, $0xb8;
	[tilespmem:$0x1F9A0] =	vst v63  }
0x81: {  	s12 =	simm.s32 $0xB  }
0x82: {  	_ =	swait.ge [sflag:s12], $0x1400  }
0x83: {  	[sflag:s12] =	ssyncset.done $0x0  }
0x84: {  	s7 =	simm.s32 $0x2A30;
	[sflag:s12] =	ssyncadd.s32 $0xFFFFEC00  }
0x85: {  	[spmem:s3] =	stream.indirect.scatter.add.f32 [tilespmem:s13], [sflag:$0x17], $0x40, s7, s19, $0xb8;
	[tilespmem:$0x1F9A0] =	vst v63  }
0x86: {  	s13 =	simm.s32 $0xC  }
0x87: {  	_ =	swait.ge [sflag:s13], $0x1400  }
0x88: {  	[sflag:s13] =	ssyncset.done $0x0  }
0x89: {  	s9 =	simm.s32 $0x2A80;
	s14 =	simm.s32 $0xD;
	[sflag:s13] =	ssyncadd.s32 $0xFFFFEC00  }
0x8a: {  	[spmem:s3] =	stream.indirect.scatter.add.f32 [tilespmem:s0], [sflag:$0x18], $0x40, s9, s19, $0xb8;
	[tilespmem:$0x1F9A0] =	vst v63  }
0x8b: {  	_ =	swait.ge [sflag:s14], $0x1400  }
0x8c: {  	[sflag:s14] =	ssyncset.done $0x0  }
0x8d: {  	s31 =	simm.s32 $0xE;
	[sflag:s14] =	ssyncadd.s32 $0xFFFFEC00  }
0x8e: {  	_ =	swait.ge [sflag:s31], $0x1400  }
0x8f: {  	[sflag:s31] =	ssyncset.done $0x0  }
0x90: {  	[sflag:s31] =	ssyncadd.s32 $0xFFFFEC00  }
0x91: {  	_ =	swait.ge [sflag:s15], $0x1400  }
0x92: {  	[sflag:s15] =	ssyncset.done $0x0  }
0x93: {  	[sflag:s15] =	ssyncadd.s32 $0xFFFFEC00  }
0x94: {  	_ =	swait.ge [sflag:s16], $0x1400  }
0x95: {  	[sflag:s16] =	ssyncset.done $0x0  }
0x96: {  	[sflag:s16] =	ssyncadd.s32 $0xFFFFEC00  }
0x97: {  	_ =	swait.ge [sflag:s20], $0x1400  }
0x98: {  	[sflag:s20] =	ssyncset.done $0x0  }
0x99: {  	[sflag:s20] =	ssyncadd.s32 $0xFFFFEC00  }
0x9a: {  	_ =	swait.ge [sflag:s21], $0x1400  }
0x9b: {  	[sflag:s21] =	ssyncset.done $0x0  }
0x9c: {  	[sflag:s21] =	ssyncadd.s32 $0xFFFFEC00  }
0x9d: {  	_ =	swait.ge [sflag:s22], $0x1400  }
0x9e: {  	[sflag:s22] =	ssyncset.done $0x0  }
0x9f: {  	[sflag:s22] =	ssyncadd.s32 $0xFFFFEC00  }
0xa0: {  	_ =	swait.ge [sflag:s23], $0x1400  }
0xa1: {  	[sflag:s23] =	ssyncset.done $0x0  }
0xa2: {  	[sflag:s23] =	ssyncadd.s32 $0xFFFFEC00  }
0xa3: {  	_ =	swait.ge [sflag:s24], $0x1400  }
0xa4: {  	[sflag:s24] =	ssyncset.done $0x0  }
0xa5: {  	[sflag:s24] =	ssyncadd.s32 $0xFFFFEC00  }
0xa6: {  	_ =	swait.ge [sflag:s25], $0x1400  }
0xa7: {  	[sflag:s25] =	ssyncset.done $0x0  }
0xa8: {  	[sflag:s25] =	ssyncadd.s32 $0xFFFFEC00  }
0xa9: {  	_ =	swait.ge [sflag:s26], $0x1400  }
0xaa: {  	s29 =	simm.s32 $0xF00;
	s30 =	simm.s32 $0x1E00;
	[sflag:s26] =	ssyncset.done $0x0  }
0xab: {  	s28 =	simm.s32 $0x17;
	s23 =	simm.s32 $0x13;
	[sflag:s26] =	ssyncadd.s32 $0xFFFFEC00  }
0xac: {  	s24 =	simm.s32 $0x14;
	s25 =	simm.s32 $0x15;
	_ =	swait.ge [sflag:s18], $0x1400  }
0xad: {  	s26 =	simm.s32 $0x16;
	[sflag:s18] =	ssyncset.done $0x0;
	s18 =	simm.s32 $0x18  }
.LBB2_4:
0xae: {  	s0 =	simm.s32 $0x12A20;
	s31 =	sshra.s32 s29, $0x2;
	[sflag:s18] =	ssyncadd.s32 $0xFFFFEC00  }
0xaf: {  	s29 =	smov.u32 s30;
	s2 =	sadd.s32 $0xF00, s30;
	s21 =	simm.s32 $0x4E20  }
0xb0: {  	[tilespmem:s21], [sflag:$0x1] =	stream.indirect.gather [hbm4b:s1+s19], $0x40, s31, s19, $0xb8;
	[tilespmem:$0x1F9A0] =	vst v63  }
0xb1: {  	p0 =	sne.s32 s30, $0x8700;
	s20 =	simm.s32 $0x6220;
	s30 =	sadd.s32 $0x50, s31  }
0xb2: {  	[tilespmem:s20], [sflag:$0x2] =	stream.indirect.gather [hbm4b:s1+s19], $0x40, s30, s19, $0xb8;
	[tilespmem:$0x1F9A0] =	vst v63  }
0xb3: {  	s16 =	simm.s32 $0x7620;
	s30 =	sadd.s32 $0xA0, s31  }
0xb4: {  	[tilespmem:s16], [sflag:$0x3] =	stream.indirect.gather [hbm4b:s1+s19], $0x40, s30, s19, $0xb8;
	[tilespmem:$0x1F9A0] =	vst v63  }
0xb5: {  	s15 =	simm.s32 $0x8A20;
	s30 =	sadd.s32 $0xF0, s31  }
0xb6: {  	[tilespmem:s15], [sflag:$0x4] =	stream.indirect.gather [hbm4b:s1+s19], $0x40, s30, s19, $0xb8;
	[tilespmem:$0x1F9A0] =	vst v63  }
0xb7: {  	s7 =	simm.s32 $0x9E20;
	s30 =	sadd.s32 $0x140, s31  }
0xb8: {  	[tilespmem:s7], [sflag:$0x5] =	stream.indirect.gather [hbm4b:s1+s19], $0x40, s30, s19, $0xb8;
	[tilespmem:$0x1F9A0] =	vst v63  }
0xb9: {  	s6 =	simm.s32 $0xB220;
	s30 =	sadd.s32 $0x190, s31  }
0xba: {  	[tilespmem:s6], [sflag:$0x6] =	stream.indirect.gather [hbm4b:s1+s19], $0x40, s30, s19, $0xb8;
	[tilespmem:$0x1F9A0] =	vst v63  }
0xbb: {  	s5 =	simm.s32 $0xC620;
	s30 =	sadd.s32 $0x1E0, s31  }
0xbc: {  	[tilespmem:s5], [sflag:$0x7] =	stream.indirect.gather [hbm4b:s1+s19], $0x40, s30, s19, $0xb8;
	[tilespmem:$0x1F9A0] =	vst v63  }
0xbd: {  	s4 =	simm.s32 $0xDA20;
	s30 =	sadd.s32 $0x230, s31  }
0xbe: {  	[tilespmem:s4], [sflag:$0x8] =	stream.indirect.gather [hbm4b:s1+s19], $0x40, s30, s19, $0xb8;
	[tilespmem:$0x1F9A0] =	vst v63  }
0xbf: {  	s9 =	simm.s32 $0xEE20;
	s30 =	sadd.s32 $0x280, s31  }
0xc0: {  	[tilespmem:s9], [sflag:$0x9] =	stream.indirect.gather [hbm4b:s1+s19], $0x40, s30, s19, $0xb8;
	[tilespmem:$0x1F9A0] =	vst v63  }
0xc1: {  	s14 =	simm.s32 $0x10220;
	s30 =	sadd.s32 $0x2D0, s31  }
0xc2: {  	[tilespmem:s14], [sflag:$0xA] =	stream.indirect.gather [hbm4b:s1+s19], $0x40, s30, s19, $0xb8;
	[tilespmem:$0x1F9A0] =	vst v63  }
0xc3: {  	s22 =	simm.s32 $0x11620;
	s30 =	sadd.s32 $0x320, s31  }
0xc4: {  	[tilespmem:s22], [sflag:$0xB] =	stream.indirect.gather [hbm4b:s1+s19], $0x40, s30, s19, $0xb8;
	[tilespmem:$0x1F9A0] =	vst v63  }
0xc5: {  	s30 =	sadd.s32 $0x370, s31  }
0xc6: {  	[tilespmem:s0], [sflag:$0xC] =	stream.indirect.gather [hbm4b:s1+s19], $0x40, s30, s19, $0xb8;
	[tilespmem:$0x1F9A0] =	vst v63  }
0xc7: {  	s0 =	simm.s32 $0xD;
	s30 =	simm.s32 $0x1  }
0xc8: {  	_ =	swait.ge [sflag:s30], $0x1400  }
0xc9: {  	[sflag:s30] =	ssyncset.done $0x0  }
0xca: {  	[sflag:s30] =	ssyncadd.s32 $0xFFFFEC00;
	s30 =	sadd.s32 $0x2710, s31  }
0xcb: {  	[spmem:s3] =	stream.indirect.scatter.add.f32 [tilespmem:s21], [sflag:$0xD], $0x40, s30, s19, $0xb8;
	[tilespmem:$0x1F9A0] =	vst v63  }
0xcc: {  	s21 =	simm.s32 $0x12;
	s30 =	simm.s32 $0x2  }
0xcd: {  	_ =	swait.ge [sflag:s30], $0x1400  }
0xce: {  	[sflag:s30] =	ssyncset.done $0x0  }
0xcf: {  	[sflag:s30] =	ssyncadd.s32 $0xFFFFEC00;
	s30 =	sadd.s32 $0x2760, s31  }
0xd0: {  	[spmem:s3] =	stream.indirect.scatter.add.f32 [tilespmem:s20], [sflag:$0xE], $0x40, s30, s19, $0xb8;
	[tilespmem:$0x1F9A0] =	vst v63  }
0xd1: {  	s20 =	simm.s32 $0x11;
	s30 =	simm.s32 $0x3  }
0xd2: {  	_ =	swait.ge [sflag:s30], $0x1400  }
0xd3: {  	[sflag:s30] =	ssyncset.done $0x0  }
0xd4: {  	[sflag:s30] =	ssyncadd.s32 $0xFFFFEC00;
	s30 =	sadd.s32 $0x27B0, s31  }
0xd5: {  	[spmem:s3] =	stream.indirect.scatter.add.f32 [tilespmem:s16], [sflag:$0xF], $0x40, s30, s19, $0xb8;
	[tilespmem:$0x1F9A0] =	vst v63  }
0xd6: {  	s16 =	simm.s32 $0x10;
	s30 =	simm.s32 $0x4  }
0xd7: {  	_ =	swait.ge [sflag:s30], $0x1400  }
0xd8: {  	[sflag:s30] =	ssyncset.done $0x0  }
0xd9: {  	[sflag:s30] =	ssyncadd.s32 $0xFFFFEC00;
	s30 =	sadd.s32 $0x2800, s31  }
0xda: {  	[spmem:s3] =	stream.indirect.scatter.add.f32 [tilespmem:s15], [sflag:$0x10], $0x40, s30, s19, $0xb8;
	[tilespmem:$0x1F9A0] =	vst v63  }
0xdb: {  	s15 =	simm.s32 $0xF;
	s30 =	simm.s32 $0x5  }
0xdc: {  	_ =	swait.ge [sflag:s30], $0x1400  }
0xdd: {  	[sflag:s30] =	ssyncset.done $0x0  }
0xde: {  	[sflag:s30] =	ssyncadd.s32 $0xFFFFEC00;
	s30 =	sadd.s32 $0x2850, s31  }
0xdf: {  	[spmem:s3] =	stream.indirect.scatter.add.f32 [tilespmem:s7], [sflag:$0x11], $0x40, s30, s19, $0xb8;
	[tilespmem:$0x1F9A0] =	vst v63  }
0xe0: {  	s7 =	simm.s32 $0xE  }
0xe1: {  	_ =	swait.ge [sflag:s8], $0x1400  }
0xe2: {  	[sflag:s8] =	ssyncset.done $0x0  }
0xe3: {  	s30 =	sadd.s32 $0x28A0, s31;
	[sflag:s8] =	ssyncadd.s32 $0xFFFFEC00  }
0xe4: {  	[spmem:s3] =	stream.indirect.scatter.add.f32 [tilespmem:s6], [sflag:$0x12], $0x40, s30, s19, $0xb8;
	[tilespmem:$0x1F9A0] =	vst v63  }
0xe5: {  	_ =	swait.ge [sflag:s17], $0x1400  }
0xe6: {  	[sflag:s17] =	ssyncset.done $0x0  }
0xe7: {  	s30 =	sadd.s32 $0x28F0, s31;
	[sflag:s17] =	ssyncadd.s32 $0xFFFFEC00  }
0xe8: {  	[spmem:s3] =	stream.indirect.scatter.add.f32 [tilespmem:s5], [sflag:$0x13], $0x40, s30, s19, $0xb8;
	[tilespmem:$0x1F9A0] =	vst v63  }
0xe9: {  	s30 =	simm.s32 $0x8  }
0xea: {  	_ =	swait.ge [sflag:s30], $0x1400  }
0xeb: {  	[sflag:s30] =	ssyncset.done $0x0  }
0xec: {  	[sflag:s30] =	ssyncadd.s32 $0xFFFFEC00;
	s30 =	sadd.s32 $0x2940, s31  }
0xed: {  	[spmem:s3] =	stream.indirect.scatter.add.f32 [tilespmem:s4], [sflag:$0x14], $0x40, s30, s19, $0xb8;
	[tilespmem:$0x1F9A0] =	vst v63  }
0xee: {  	_ =	swait.ge [sflag:s10], $0x1400  }
0xef: {  	[sflag:s10] =	ssyncset.done $0x0  }
0xf0: {  	s30 =	sadd.s32 $0x2990, s31;
	[sflag:s10] =	ssyncadd.s32 $0xFFFFEC00  }
0xf1: {  	[spmem:s3] =	stream.indirect.scatter.add.f32 [tilespmem:s9], [sflag:$0x15], $0x40, s30, s19, $0xb8;
	[tilespmem:$0x1F9A0] =	vst v63  }
0xf2: {  	_ =	swait.ge [sflag:s11], $0x1400  }
0xf3: {  	[sflag:s11] =	ssyncset.done $0x0  }
0xf4: {  	s30 =	sadd.s32 $0x29E0, s31;
	[sflag:s11] =	ssyncadd.s32 $0xFFFFEC00  }
0xf5: {  	[spmem:s3] =	stream.indirect.scatter.add.f32 [tilespmem:s14], [sflag:$0x16], $0x40, s30, s19, $0xb8;
	[tilespmem:$0x1F9A0] =	vst v63  }
0xf6: {  	_ =	swait.ge [sflag:s12], $0x1400  }
0xf7: {  	[sflag:s12] =	ssyncset.done $0x0  }
0xf8: {  	s30 =	sadd.s32 $0x2A30, s31;
	[sflag:s12] =	ssyncadd.s32 $0xFFFFEC00  }
0xf9: {  	[spmem:s3] =	stream.indirect.scatter.add.f32 [tilespmem:s22], [sflag:$0x17], $0x40, s30, s19, $0xb8;
	[tilespmem:$0x1F9A0] =	vst v63  }
0xfa: {  	_ =	swait.ge [sflag:s13], $0x1400  }
0xfb: {  	[sflag:s13] =	ssyncset.done $0x0  }
0xfc: {  	s30 =	sadd.s32 $0x2A80, s31;
	s31 =	simm.s32 $0x12A20;
	[sflag:s13] =	ssyncadd.s32 $0xFFFFEC00  }
0xfd: {  	[spmem:s3] =	stream.indirect.scatter.add.f32 [tilespmem:s31], [sflag:$0x18], $0x40, s30, s19, $0xb8;
	[tilespmem:$0x1F9A0] =	vst v63  }
0xfe: {  	_ =	swait.ge [sflag:s0], $0x1400  }
0xff: {  	[sflag:s0] =	ssyncset.done $0x0  }
0x100: {  	[sflag:s0] =	ssyncadd.s32 $0xFFFFEC00  }
0x101: {  	_ =	swait.ge [sflag:s7], $0x1400  }
0x102: {  	[sflag:s7] =	ssyncset.done $0x0  }
0x103: {  	[sflag:s7] =	ssyncadd.s32 $0xFFFFEC00  }
0x104: {  	_ =	swait.ge [sflag:s15], $0x1400  }
0x105: {  	[sflag:s15] =	ssyncset.done $0x0  }
0x106: {  	[sflag:s15] =	ssyncadd.s32 $0xFFFFEC00  }
0x107: {  	_ =	swait.ge [sflag:s16], $0x1400  }
0x108: {  	[sflag:s16] =	ssyncset.done $0x0  }
0x109: {  	[sflag:s16] =	ssyncadd.s32 $0xFFFFEC00  }
0x10a: {  	_ =	swait.ge [sflag:s20], $0x1400  }
0x10b: {  	[sflag:s20] =	ssyncset.done $0x0  }
0x10c: {  	[sflag:s20] =	ssyncadd.s32 $0xFFFFEC00  }
0x10d: {  	_ =	swait.ge [sflag:s21], $0x1400  }
0x10e: {  	[sflag:s21] =	ssyncset.done $0x0  }
0x10f: {  	[sflag:s21] =	ssyncadd.s32 $0xFFFFEC00  }
0x110: {  	_ =	swait.ge [sflag:s23], $0x1400  }
0x111: {  	[sflag:s23] =	ssyncset.done $0x0  }
0x112: {  	[sflag:s23] =	ssyncadd.s32 $0xFFFFEC00  }
0x113: {  	_ =	swait.ge [sflag:s24], $0x1400  }
0x114: {  	[sflag:s24] =	ssyncset.done $0x0  }
0x115: {  	[sflag:s24] =	ssyncadd.s32 $0xFFFFEC00  }
0x116: {  	_ =	swait.ge [sflag:s25], $0x1400  }
0x117: {  	[sflag:s25] =	ssyncset.done $0x0  }
0x118: {  	[sflag:s25] =	ssyncadd.s32 $0xFFFFEC00  }
0x119: {  	_ =	swait.ge [sflag:s26], $0x1400  }
0x11a: {  	[sflag:s26] =	ssyncset.done $0x0  }
0x11b: {  	[sflag:s26] =	ssyncadd.s32 $0xFFFFEC00  }
.Ltmp1:
0x11c: {  	_ =	swait.ge [sflag:s28], $0x1400;
	(pc) =	sbr.rel @p0 .LBB2_4-.Ltmp1, $4  }
0x11d: {  	[sflag:s28] =	ssyncset.done $0x0  }
0x11e: {  	[sflag:s28] =	ssyncadd.s32 $0xFFFFEC00  }
0x11f: {  	_ =	swait.ge [sflag:s18], $0x1400  }
0x120: {  	s30 =	smov.u32 s2;
	[sflag:s18] =	ssyncset.done $0x0  }
0x121: {  	s29 =	sshra.s32 s29, $0x2;
	[sflag:s18] =	ssyncadd.s32 $0xFFFFEC00;
	s2 =	simm.s32 $0x4E20  }
0x122: {  	[tilespmem:s2], [sflag:$0x1] =	stream.indirect.gather [hbm4b:s1+s19], $0x40, s29, s19, $0xb8;
	[tilespmem:$0x1F9A0] =	vst v63  }
0x123: {  	s4 =	simm.s32 $0x6220;
	s30 =	sadd.s32 $0x50, s29  }
0x124: {  	[tilespmem:s4], [sflag:$0x2] =	stream.indirect.gather [hbm4b:s1+s19], $0x40, s30, s19, $0xb8;
	[tilespmem:$0x1F9A0] =	vst v63  }
0x125: {  	s9 =	simm.s32 $0x7620;
	s5 =	sadd.s32 $0xA0, s29  }
0x126: {  	[tilespmem:s9], [sflag:$0x3] =	stream.indirect.gather [hbm4b:s1+s19], $0x40, s5, s19, $0xb8;
	[tilespmem:$0x1F9A0] =	vst v63  }
0x127: {  	s22 =	sadd.s32 $0xF0, s29;
	s30 =	simm.s32 $0x8A20  }
0x128: {  	[tilespmem:s30], [sflag:$0x4] =	stream.indirect.gather [hbm4b:s1+s19], $0x40, s22, s19, $0xb8;
	[tilespmem:$0x1F9A0] =	vst v63  }
0x129: {  	s4 =	sadd.s32 $0x140, s29;
	s9 =	simm.s32 $0x9E20  }
0x12a: {  	[tilespmem:s9], [sflag:$0x5] =	stream.indirect.gather [hbm4b:s1+s19], $0x40, s4, s19, $0xb8;
	[tilespmem:$0x1F9A0] =	vst v63  }
0x12b: {  	s22 =	sadd.s32 $0x190, s29;
	s9 =	simm.s32 $0xB220  }
0x12c: {  	[tilespmem:s9], [sflag:$0x6] =	stream.indirect.gather [hbm4b:s1+s19], $0x40, s22, s19, $0xb8;
	[tilespmem:$0x1F9A0] =	vst v63  }
0x12d: {  	s4 =	sadd.s32 $0x1E0, s29;
	s22 =	simm.s32 $0xC620  }
0x12e: {  	[tilespmem:s22], [sflag:$0x7] =	stream.indirect.gather [hbm4b:s1+s19], $0x40, s4, s19, $0xb8;
	[tilespmem:$0x1F9A0] =	vst v63  }
0x12f: {  	s4 =	sadd.s32 $0x230, s29;
	s22 =	simm.s32 $0xDA20  }
0x130: {  	[tilespmem:s22], [sflag:$0x8] =	stream.indirect.gather [hbm4b:s1+s19], $0x40, s4, s19, $0xb8;
	[tilespmem:$0x1F9A0] =	vst v63  }
0x131: {  	s4 =	sadd.s32 $0x280, s29;
	s22 =	simm.s32 $0xEE20  }
0x132: {  	[tilespmem:s22], [sflag:$0x9] =	stream.indirect.gather [hbm4b:s1+s19], $0x40, s4, s19, $0xb8;
	[tilespmem:$0x1F9A0] =	vst v63  }
0x133: {  	s4 =	sadd.s32 $0x2D0, s29;
	s22 =	simm.s32 $0x10220  }
0x134: {  	[tilespmem:s22], [sflag:$0xA] =	stream.indirect.gather [hbm4b:s1+s19], $0x40, s4, s19, $0xb8;
	[tilespmem:$0x1F9A0] =	vst v63  }
0x135: {  	s4 =	sadd.s32 $0x320, s29;
	s22 =	simm.s32 $0x11620  }
0x136: {  	[tilespmem:s22], [sflag:$0xB] =	stream.indirect.gather [hbm4b:s1+s19], $0x40, s4, s19, $0xb8;
	[tilespmem:$0x1F9A0] =	vst v63  }
0x137: {  	s22 =	sadd.s32 $0x370, s29  }
0x138: {  	[tilespmem:s31], [sflag:$0xC] =	stream.indirect.gather [hbm4b:s1+s19], $0x40, s22, s19, $0xb8;
	[tilespmem:$0x1F9A0] =	vst v63  }
0x139: {  	s22 =	simm.s32 $0x1  }
0x13a: {  	_ =	swait.ge [sflag:s22], $0x1400  }
0x13b: {  	[sflag:s22] =	ssyncset.done $0x0  }
0x13c: {  	s14 =	simm.s32 $0x4E20;
	s4 =	sadd.s32 $0x2710, s29;
	[sflag:s22] =	ssyncadd.s32 $0xFFFFEC00  }
0x13d: {  	[spmem:s3] =	stream.indirect.scatter.add.f32 [tilespmem:s14], [sflag:$0xD], $0x40, s4, s19, $0xb8;
	[tilespmem:$0x1F9A0] =	vst v63  }
0x13e: {  	s14 =	simm.s32 $0x2  }
0x13f: {  	_ =	swait.ge [sflag:s14], $0x1400  }
0x140: {  	[sflag:s14] =	ssyncset.done $0x0  }
0x141: {  	s6 =	simm.s32 $0x6220;
	s4 =	sadd.s32 $0x2760, s29;
	[sflag:s14] =	ssyncadd.s32 $0xFFFFEC00  }
0x142: {  	[spmem:s3] =	stream.indirect.scatter.add.f32 [tilespmem:s6], [sflag:$0xE], $0x40, s4, s19, $0xb8;
	[tilespmem:$0x1F9A0] =	vst v63  }
0x143: {  	s6 =	simm.s32 $0x3  }
0x144: {  	_ =	swait.ge [sflag:s6], $0x1400  }
0x145: {  	[sflag:s6] =	ssyncset.done $0x0  }
0x146: {  	s5 =	simm.s32 $0x7620;
	s4 =	sadd.s32 $0x27B0, s29;
	[sflag:s6] =	ssyncadd.s32 $0xFFFFEC00  }
0x147: {  	[spmem:s3] =	stream.indirect.scatter.add.f32 [tilespmem:s5], [sflag:$0xF], $0x40, s4, s19, $0xb8;
	[tilespmem:$0x1F9A0] =	vst v63  }
0x148: {  	s5 =	simm.s32 $0x4  }
0x149: {  	_ =	swait.ge [sflag:s5], $0x1400  }
0x14a: {  	[sflag:s5] =	ssyncset.done $0x0  }
0x14b: {  	s30 =	simm.s32 $0x8A20;
	s4 =	sadd.s32 $0x2800, s29;
	[sflag:s5] =	ssyncadd.s32 $0xFFFFEC00  }
0x14c: {  	[spmem:s3] =	stream.indirect.scatter.add.f32 [tilespmem:s30], [sflag:$0x10], $0x40, s4, s19, $0xb8;
	[tilespmem:$0x1F9A0] =	vst v63  }
0x14d: {  	s4 =	simm.s32 $0x5  }
0x14e: {  	_ =	swait.ge [sflag:s4], $0x1400  }
0x14f: {  	[sflag:s4] =	ssyncset.done $0x0  }
0x150: {  	s2 =	sadd.s32 $0x2850, s29;
	s30 =	simm.s32 $0x9E20;
	[sflag:s4] =	ssyncadd.s32 $0xFFFFEC00  }
0x151: {  	[spmem:s3] =	stream.indirect.scatter.add.f32 [tilespmem:s30], [sflag:$0x11], $0x40, s2, s19, $0xb8;
	[tilespmem:$0x1F9A0] =	vst v63  }
0x152: {  	_ =	swait.ge [sflag:s8], $0x1400  }
0x153: {  	[sflag:s8] =	ssyncset.done $0x0  }
0x154: {  	s30 =	sadd.s32 $0x28A0, s29;
	[sflag:s8] =	ssyncadd.s32 $0xFFFFEC00  }
0x155: {  	[spmem:s3] =	stream.indirect.scatter.add.f32 [tilespmem:s9], [sflag:$0x12], $0x40, s30, s19, $0xb8;
	[tilespmem:$0x1F9A0] =	vst v63  }
0x156: {  	_ =	swait.ge [sflag:s17], $0x1400  }
0x157: {  	[sflag:s17] =	ssyncset.done $0x0  }
0x158: {  	s8 =	sadd.s32 $0x28F0, s29;
	s9 =	simm.s32 $0xC620;
	[sflag:s17] =	ssyncadd.s32 $0xFFFFEC00  }
0x159: {  	[spmem:s3] =	stream.indirect.scatter.add.f32 [tilespmem:s9], [sflag:$0x13], $0x40, s8, s19, $0xb8;
	[tilespmem:$0x1F9A0] =	vst v63  }
0x15a: {  	s8 =	simm.s32 $0x8  }
0x15b: {  	_ =	swait.ge [sflag:s8], $0x1400  }
0x15c: {  	[sflag:s8] =	ssyncset.done $0x0  }
0x15d: {  	s30 =	simm.s32 $0xDA20;
	s17 =	sadd.s32 $0x2940, s29;
	[sflag:s8] =	ssyncadd.s32 $0xFFFFEC00  }
0x15e: {  	[spmem:s3] =	stream.indirect.scatter.add.f32 [tilespmem:s30], [sflag:$0x14], $0x40, s17, s19, $0xb8;
	[tilespmem:$0x1F9A0] =	vst v63  }
0x15f: {  	_ =	swait.ge [sflag:s10], $0x1400  }
0x160: {  	[sflag:s10] =	ssyncset.done $0x0  }
0x161: {  	s17 =	sadd.s32 $0x2990, s29;
	s30 =	simm.s32 $0xEE20;
	[sflag:s10] =	ssyncadd.s32 $0xFFFFEC00  }
0x162: {  	[spmem:s3] =	stream.indirect.scatter.add.f32 [tilespmem:s30], [sflag:$0x15], $0x40, s17, s19, $0xb8;
	[tilespmem:$0x1F9A0] =	vst v63  }
0x163: {  	_ =	swait.ge [sflag:s11], $0x1400  }
0x164: {  	[sflag:s11] =	ssyncset.done $0x0  }
0x165: {  	s10 =	sadd.s32 $0x29E0, s29;
	[sflag:s11] =	ssyncadd.s32 $0xFFFFEC00;
	s11 =	simm.s32 $0x10220  }
0x166: {  	[spmem:s3] =	stream.indirect.scatter.add.f32 [tilespmem:s11], [sflag:$0x16], $0x40, s10, s19, $0xb8;
	[tilespmem:$0x1F9A0] =	vst v63  }
0x167: {  	_ =	swait.ge [sflag:s12], $0x1400  }
0x168: {  	[sflag:s12] =	ssyncset.done $0x0  }
0x169: {  	s17 =	sadd.s32 $0x2A30, s29;
	s30 =	simm.s32 $0x11620;
	[sflag:s12] =	ssyncadd.s32 $0xFFFFEC00  }
0x16a: {  	[spmem:s3] =	stream.indirect.scatter.add.f32 [tilespmem:s30], [sflag:$0x17], $0x40, s17, s19, $0xb8;
	[tilespmem:$0x1F9A0] =	vst v63  }
0x16b: {  	_ =	swait.ge [sflag:s13], $0x1400  }
0x16c: {  	[sflag:s13] =	ssyncset.done $0x0  }
0x16d: {  	s10 =	sadd.s32 $0x2A80, s29;
	[sflag:s13] =	ssyncadd.s32 $0xFFFFEC00  }
0x16e: {  	[spmem:s3] =	stream.indirect.scatter.add.f32 [tilespmem:s31], [sflag:$0x18], $0x40, s10, s19, $0xb8;
	[tilespmem:$0x1F9A0] =	vst v63  }
0x16f: {  	_ =	swait.ge [sflag:s0], $0x1400  }
0x170: {  	[sflag:s0] =	ssyncset.done $0x0  }
0x171: {  	[sflag:s0] =	ssyncadd.s32 $0xFFFFEC00  }
0x172: {  	_ =	swait.ge [sflag:s7], $0x1400  }
0x173: {  	[sflag:s7] =	ssyncset.done $0x0  }
0x174: {  	[sflag:s7] =	ssyncadd.s32 $0xFFFFEC00  }
0x175: {  	_ =	swait.ge [sflag:s15], $0x1400  }
0x176: {  	[sflag:s15] =	ssyncset.done $0x0  }
0x177: {  	[sflag:s15] =	ssyncadd.s32 $0xFFFFEC00  }
0x178: {  	_ =	swait.ge [sflag:s16], $0x1400  }
0x179: {  	[sflag:s16] =	ssyncset.done $0x0  }
0x17a: {  	[sflag:s16] =	ssyncadd.s32 $0xFFFFEC00  }
0x17b: {  	_ =	swait.ge [sflag:s20], $0x1400  }
0x17c: {  	[sflag:s20] =	ssyncset.done $0x0  }
0x17d: {  	[sflag:s20] =	ssyncadd.s32 $0xFFFFEC00  }
0x17e: {  	_ =	swait.ge [sflag:s21], $0x1400  }
0x17f: {  	[sflag:s21] =	ssyncset.done $0x0  }
0x180: {  	[sflag:s21] =	ssyncadd.s32 $0xFFFFEC00  }
0x181: {  	_ =	swait.ge [sflag:s23], $0x1400  }
0x182: {  	[sflag:s23] =	ssyncset.done $0x0  }
0x183: {  	[sflag:s23] =	ssyncadd.s32 $0xFFFFEC00  }
0x184: {  	_ =	swait.ge [sflag:s24], $0x1400  }
0x185: {  	[sflag:s24] =	ssyncset.done $0x0  }
0x186: {  	[sflag:s24] =	ssyncadd.s32 $0xFFFFEC00  }
0x187: {  	_ =	swait.ge [sflag:s25], $0x1400  }
0x188: {  	[sflag:s25] =	ssyncset.done $0x0  }
0x189: {  	[sflag:s25] =	ssyncadd.s32 $0xFFFFEC00  }
0x18a: {  	_ =	swait.ge [sflag:s26], $0x1400  }
0x18b: {  	[sflag:s26] =	ssyncset.done $0x0  }
0x18c: {  	[sflag:s26] =	ssyncadd.s32 $0xFFFFEC00  }
0x18d: {  	_ =	swait.ge [sflag:s28], $0x1400  }
0x18e: {  	[sflag:s28] =	ssyncset.done $0x0  }
0x18f: {  	[sflag:s28] =	ssyncadd.s32 $0xFFFFEC00  }
0x190: {  	_ =	swait.ge [sflag:s18], $0x1400  }
0x191: {  	[sflag:s18] =	ssyncset.done $0x0  }
0x192: {  	s11 =	simm.s32 $0x2580;
	s12 =	simm.s32 $0x4E20;
	[sflag:s18] =	ssyncadd.s32 $0xFFFFEC00  }
0x193: {  	[tilespmem:s12], [sflag:$0x1] =	stream.indirect.gather [hbm4b:s1+s19], $0x40, s11, s19, $0xb8;
	[tilespmem:$0x1F9A0] =	vst v63  }
0x194: {  	s17 =	simm.s32 $0x25D0;
	s18 =	simm.s32 $0x6220  }
0x195: {  	[tilespmem:s18], [sflag:$0x2] =	stream.indirect.gather [hbm4b:s1+s19], $0x40, s17, s19, $0xb8;
	[tilespmem:$0x1F9A0] =	vst v63  }
0x196: {  	s23 =	simm.s32 $0x2620;
	s24 =	simm.s32 $0x7620  }
0x197: {  	[tilespmem:s24], [sflag:$0x3] =	stream.indirect.gather [hbm4b:s1+s19], $0x40, s23, s19, $0xb8;
	[tilespmem:$0x1F9A0] =	vst v63  }
0x198: {  	s25 =	simm.s32 $0x2670;
	s26 =	simm.s32 $0x8A20  }
0x199: {  	[tilespmem:s26], [sflag:$0x4] =	stream.indirect.gather [hbm4b:s1+s19], $0x40, s25, s19, $0xb8;
	[tilespmem:$0x1F9A0] =	vst v63  }
0x19a: {  	s29 =	simm.s32 $0x9E20;
	s28 =	simm.s32 $0x26C0  }
0x19b: {  	[tilespmem:s29], [sflag:$0x5] =	stream.indirect.gather [hbm4b:s1+s19], $0x40, s28, s19, $0xb8;
	[tilespmem:$0x1F9A0] =	vst v63  }
0x19c: {  	_ =	swait.ge [sflag:s22], $0x1400  }
0x19d: {  	[sflag:s22] =	ssyncset.done $0x0  }
0x19e: {  	s30 =	simm.s32 $0x4C90;
	[sflag:s22] =	ssyncadd.s32 $0xFFFFEC00  }
0x19f: {  	[spmem:s3] =	stream.indirect.scatter.add.f32 [tilespmem:s12], [sflag:$0xD], $0x40, s30, s19, $0xb8;
	[tilespmem:$0x1F9A0] =	vst v63  }
0x1a0: {  	_ =	swait.ge [sflag:s14], $0x1400  }
0x1a1: {  	[sflag:s14] =	ssyncset.done $0x0  }
0x1a2: {  	s13 =	simm.s32 $0x4CE0;
	[sflag:s14] =	ssyncadd.s32 $0xFFFFEC00  }
0x1a3: {  	[spmem:s3] =	stream.indirect.scatter.add.f32 [tilespmem:s18], [sflag:$0xE], $0x40, s13, s19, $0xb8;
	[tilespmem:$0x1F9A0] =	vst v63  }
0x1a4: {  	_ =	swait.ge [sflag:s6], $0x1400  }
0x1a5: {  	[sflag:s6] =	ssyncset.done $0x0  }
0x1a6: {  	s14 =	simm.s32 $0x4D30;
	[sflag:s6] =	ssyncadd.s32 $0xFFFFEC00  }
0x1a7: {  	[spmem:s3] =	stream.indirect.scatter.add.f32 [tilespmem:s24], [sflag:$0xF], $0x40, s14, s19, $0xb8;
	[tilespmem:$0x1F9A0] =	vst v63  }
0x1a8: {  	_ =	swait.ge [sflag:s5], $0x1400  }
0x1a9: {  	[sflag:s5] =	ssyncset.done $0x0  }
0x1aa: {  	s17 =	simm.s32 $0x4D80;
	[sflag:s5] =	ssyncadd.s32 $0xFFFFEC00  }
0x1ab: {  	[spmem:s3] =	stream.indirect.scatter.add.f32 [tilespmem:s26], [sflag:$0x10], $0x40, s17, s19, $0xb8;
	[tilespmem:$0x1F9A0] =	vst v63  }
0x1ac: {  	_ =	swait.ge [sflag:s4], $0x1400  }
0x1ad: {  	[sflag:s4] =	ssyncset.done $0x0  }
0x1ae: {  	s18 =	simm.s32 $0x4DD0;
	[sflag:s4] =	ssyncadd.s32 $0xFFFFEC00  }
0x1af: {  	[spmem:s3] =	stream.indirect.scatter.add.f32 [tilespmem:s29], [sflag:$0x11], $0x40, s18, s19, $0xb8;
	[tilespmem:$0x1F9A0] =	vst v63  }
0x1b0: {  	_ =	swait.ge [sflag:s0], $0x1400  }
0x1b1: {  	[sflag:s0] =	ssyncset.done $0x0  }
0x1b2: {  	[sflag:s0] =	ssyncadd.s32 $0xFFFFEC00  }
0x1b3: {  	_ =	swait.ge [sflag:s7], $0x1400  }
0x1b4: {  	[sflag:s7] =	ssyncset.done $0x0  }
0x1b5: {  	[sflag:s7] =	ssyncadd.s32 $0xFFFFEC00  }
0x1b6: {  	_ =	swait.ge [sflag:s15], $0x1400  }
0x1b7: {  	[sflag:s15] =	ssyncset.done $0x0  }
0x1b8: {  	[sflag:s15] =	ssyncadd.s32 $0xFFFFEC00  }
0x1b9: {  	_ =	swait.ge [sflag:s16], $0x1400  }
0x1ba: {  	[sflag:s16] =	ssyncset.done $0x0  }
0x1bb: {  	[sflag:s16] =	ssyncadd.s32 $0xFFFFEC00  }
0x1bc: {  	_ =	swait.ge [sflag:s20], $0x1400  }
0x1bd: {  	[sflag:s20] =	ssyncset.done $0x0  }
0x1be: {  	s23 =	stileid.u32;
	[sflag:s20] =	ssyncadd.s32 $0xFFFFEC00  }
0x1bf: {  	s2 =	sshll.u32 s23, $0x6;
	[bflag:$0x0] =	sbarrier.arrive $0xFFFF  }
0x1c0: {  	s2 =	sor.u32 $0x1C19, s2;
	s31 =	rddreg [dreg:$0x6]  }
0x1c1: {  	s26 =	simm.s32 $0x19;
	s25 =	rddreg [dreg:$0xb];
	s24 =	sshrl.u32 s31, $0x3  }
0x1c2: {  	[hbm:s25@s16], [sflag:s2] =	dma.strided [spmem:s24@s8], $0x1388, s22, $0x8   }
0x1c3: {  	_ =	swait.ge [sflag:s26], $0x1388  }
0x1c4: {  	s28 =	rddreg [dreg:$0xd]  }
0x1c5: {  	s30 =	rddreg [dreg:$0xc];
	s0 =	sadd.s32 $0x1, s28  }
0x1c6: {  	p0 =	sne.s32 s0, s30  }
.Ltmp2:
0x1c7: {  	_ = 	snop;
	(pc) =	sbr.rel @p0 .LBB2_1-.Ltmp2, $4  }
0x1c8: {  	_ = 	snop  }
0x1c9: {  	s23 =	simm.s32 $0x14;
	s17 =	simm.s32 $0x1;
	s18 =	simm.s32 $0x18  }
0x1ca: {  	s22 =	simm.s32 $0x13;
	s24 =	simm.s32 $0x15;
	[sflag:s26] =	ssyncset.done $0x0  }
0x1cb: {  	s25 =	simm.s32 $0x16;
	[sflag:s26] =	ssyncadd.s32 $0xFFFFEC78;
	s26 =	simm.s32 $0x17  }
0x1cc: {  	_ =	sfence.sel $0x180000  }
0x1cd: {  	[bflag:$0x0] =	sbarrier.arrive $0xFFFF  }
0x1ce: {  	_ =	strace $0x9000004D  }
0x1cf: {  	s0 =	stileid.u32;
	[bflag:$0x2] =	sbarrier.arrive $0xFFFF  }
0x1d0: {  	p0 =	sne.s32 s0, $0x0;
	s0 =	rddreg [dreg:$0x3]  }
0x1d1: {  	s0 =	sadd.s32 @!p0 $0x100000, s0  }
0x1d2: {  	[sflag:s0] =	ssyncadd.tile.s32 @!p0 $0x1;
	_ =	shalt  }
.Lfunc_end2:
_tile_overlayer_lowered:
.L_overlay_start_2:
0x1d3: {  	(tag) =	ssettag $0x2  }
0x1d4: {  	s0 =	rddreg [dreg:$0x0];
	s2 =	stileid.u32  }
0x1d5: {  	s1 =	rddreg [dreg:$0x1];
	p0 =	sne.s32 s2, $0x0  }
0x1d6: {  	s3 =	rddreg [dreg:$0x2];
	[bflag:$0x3] =	sbarrier.arrive $0xFFFF;
	s2 =	simm.s32 @!p0 $0x1C19  }
0x1d7: {  	[timem:s3], [sflag:s2] =	dma.local @!p0 [hbm:s0], s1  }
0x1d8: {  	s0 =	simm.s32 @!p0 $0x19  }
0x1d9: {  	_ =	swait.ge @!p0 [sflag:s0], s1  }
0x1da: {  	s1 =	ssub.s32 @!p0 $0x0, s1;
	[sflag:s0] =	ssyncset.done @!p0 $0x0  }
0x1db: {  	[sflag:s0] =	ssyncadd.s32 @!p0 s1  }
0x1dc: {  	[bflag:$0x3] =	sbarrier.arrive $0xFFFF  }
0x1dd: {  	_ =	shalt  }

// kernel: kernel.8.cloned.1.call-start
scs
__scs_entry_jumppad:
0x0: {  	(pc) =	sbr.rel $0x88, $3  }
0x1: {  	(tag) =	ssettag $0x0;
	lr =	simm.s32 $0x1  }
0x2: {  	[smem:$0x3F9B] =	sst lr;
	_ =	strace $0xD0000000  }
0x3: {  	_ = 	snop  }
0x4: {  	_ = 	snop  }
0x5: {  	_ = 	snop  }
0x6: {  	_ = 	snop  }
0x7: {  	_ = 	snop  }
__scs_overlays_trampoline_lowered:
0x8: {  	[smem:$0x3FAA] =	sst s0  }
0x9: {  	[smem:$0x3FAB] =	sst s1  }
0xa: {  	[smem:$0x3FAC] =	sst s2  }
0xb: {  	[smem:$0x3FAD] =	sst s3  }
0xc: {  	[smem:$0x3FAE] =	sst s4  }
0xd: {  	[smem:$0x3FAF] =	sst s5  }
0xe: {  	[smem:$0x3FB0] =	sst s6  }
0xf: {  	[smem:$0x3FB1] =	sst s7  }
0x10: {  	[smem:$0x3FB2] =	sst s8  }
0x11: {  	[smem:$0x3FB3] =	sst s9;
	s0 =	simm.s32 @!p0 $0x0  }
0x12: {  	s1 =	sld [smem:$0x3F99];
	s0 =	simm.s32 @p0 $0x1  }
0x13: {  	[smem:$0x3FB4] =	sst s0;
	s0 =	simm.s32 @!p1 $0x0  }
0x14: {  	s2 =	sld [smem:$0x3F98];
	s0 =	simm.s32 @p1 $0x1  }
0x15: {  	[smem:$0x3FB5] =	sst s0;
	s0 =	simm.s32 @!p2 $0x0  }
0x16: {  	s3 =	sld [smem:$0x3FDB];
	s0 =	simm.s32 @p2 $0x1  }
0x17: {  	s4 =	simm.s32 $0x1BF5;
	[smem:$0x3FB7] =	sst s0  }
0x18: {  	s0 =	sld [smem:$0x3F9A];
	_ =	swait.ge [sflag:s4], $0x0  }
0x19: {  	s7 =	sld [smem:$0x3F9B]  }
0x1a: {  	s8 =	sadd.s32 $0xFFFFE003, lr  }
0x1b: {  	s9 =	sadd.s32 $0xFFFFFEF7, lr;
	s5 =	simm.s32 $0xFFFFFFFF;
	p2 =	slt.u32 s8, $0xFFFFF086  }
0x1c: {  	p1 =	slt.u32 s9, $0xF7A;
	s5 =	simm.s32 @!p2 $0x0  }
0x1d: {  	s5 =	simm.s32 @p1 $0x1;
	p0 =	seq.s32 s7, s2  }
0x1e: {  	s7 =	smul.u32 @!p0 $0xF7A, s2;
	p2 =	seq.s32 @!p0 s5, $0x0  }
0x1f: {  	s9 =	smul.u32 $0xF7A, s1;
	s8 =	simm.s32 @!p0 $0x1BF5;
	p2 =	por !p2, p0  }
0x20: {  	[sflag:s8] =	ssyncset.s32 @!p0 $0xFFFFF086;
	s6 =	sadd.s32 @!p0 s3, s7;
	s7 =	simm.s32 @!p0 $0x108  }
0x21: {  	s3 =	sadd.s32 s3, s9;
	s6 =	sadd.s32 @!p0 $0x88, s6;
	s7 =	simm.s32 @p2 $0x1082  }
0x22: {  	[simem:s7], [sflag:s8] =	dma.local @!p0 [hbm:s6], $0xF7A  }
0x23: {  	s9 =	sor.u32 $0xD0000000, s2;
	s6 =	simm.s32 $0x108;
	_ =	swait.ge @!p0 [sflag:s8], $0x0  }
0x24: {  	s3 =	sadd.s32 $0x88, s3;
	s6 =	simm.s32 @!p1 $0x1082;
	[sflag:s4] =	ssyncset.s32 $0xFFFFF086  }
0x25: {  	[simem:s6], [sflag:s4] =	dma.local [hbm:s3], $0xF7A  }
0x26: {  	[smem:$0x3F9B] =	sst s1;
	(tag) =	ssettag s2;
	_ =	strace s9  }
0x27: {  	s1 =	sld [smem:$0x3FAB]  }
0x28: {  	s2 =	sld [smem:$0x3FAC]  }
0x29: {  	s4 =	sld [smem:$0x3FAE]  }
0x2a: {  	p0 =	seq.s32 s5, $0x0;
	s5 =	sld [smem:$0x3FAF]  }
0x2b: {  	s6 =	sld [smem:$0x3FB0]  }
0x2c: {  	s7 =	sld [smem:$0x3FB1]  }
0x2d: {  	s3 =	simm.s32 $0x108;
	s8 =	sld [smem:$0x3FB2]  }
0x2e: {  	s3 =	simm.s32 @!p0 $0x1082;
	s9 =	sld [smem:$0x3FB3]  }
0x2f: {  	lr =	sadd.s32 s0, s3;
	s0 =	sld [smem:$0x3FAA]  }
0x30: {  	s3 =	sld [smem:$0x3FAD]  }
0x31: {  	[smem:$0x3FB6] =	sst s10  }
0x32: {  	s10 =	sld [smem:$0x3FB4];
	_ =	sdelay $0x3  }
0x33: {  	p0 =	seq.s32 s10, $0x1;
	s10 =	sld [smem:$0x3FB6];
	_ =	sdelay $0x3  }
0x34: {  	[smem:$0x3FB6] =	sst s10  }
0x35: {  	s10 =	sld [smem:$0x3FB5];
	_ =	sdelay $0x3  }
0x36: {  	p1 =	seq.s32 s10, $0x1;
	s10 =	sld [smem:$0x3FB6];
	_ =	sdelay $0x3  }
0x37: {  	[smem:$0x3FB6] =	sst s10  }
0x38: {  	s10 =	sld [smem:$0x3FB7]  }
0x39: {  	_ = 	snop;
	(pc) =	sbr.ind lr, $3  }
0x3a: {  	_ = 	snop  }
0x3b: {  	_ = 	snop  }
0x3c: {  	p2 =	seq.s32 s10, $0x1;
	s10 =	sld [smem:$0x3FB6]  }
0x3d: {  	_ =	shalt  }
0x3e: {  	_ =	shalt  }
0x3f: {  	_ =	shalt  }
0x40: {  	_ =	shalt  }
0x41: {  	_ =	shalt  }
0x42: {  	_ =	shalt  }
0x43: {  	_ =	shalt  }
0x44: {  	_ =	shalt  }
0x45: {  	_ =	shalt  }
0x46: {  	_ =	shalt  }
0x47: {  	_ =	shalt  }
0x48: {  	_ =	shalt  }
0x49: {  	_ =	shalt  }
0x4a: {  	_ =	shalt  }
0x4b: {  	_ =	shalt  }
0x4c: {  	_ =	shalt  }
0x4d: {  	_ =	shalt  }
0x4e: {  	_ =	shalt  }
0x4f: {  	_ =	shalt  }
0x50: {  	_ =	shalt  }
0x51: {  	_ =	shalt  }
0x52: {  	_ =	shalt  }
0x53: {  	_ =	shalt  }
0x54: {  	_ =	shalt  }
0x55: {  	_ =	shalt  }
0x56: {  	_ =	shalt  }
0x57: {  	_ =	shalt  }
0x58: {  	_ =	shalt  }
0x59: {  	_ =	shalt  }
0x5a: {  	_ =	shalt  }
0x5b: {  	_ =	shalt  }
0x5c: {  	_ =	shalt  }
0x5d: {  	_ =	shalt  }
0x5e: {  	_ =	shalt  }
0x5f: {  	_ =	shalt  }
0x60: {  	_ =	shalt  }
0x61: {  	_ =	shalt  }
0x62: {  	_ =	shalt  }
0x63: {  	_ =	shalt  }
0x64: {  	_ =	shalt  }
0x65: {  	_ =	shalt  }
0x66: {  	_ =	shalt  }
0x67: {  	_ =	shalt  }
0x68: {  	_ =	shalt  }
0x69: {  	_ =	shalt  }
0x6a: {  	_ =	shalt  }
0x6b: {  	_ =	shalt  }
0x6c: {  	_ =	shalt  }
0x6d: {  	_ =	shalt  }
0x6e: {  	_ =	shalt  }
0x6f: {  	_ =	shalt  }
0x70: {  	_ =	shalt  }
0x71: {  	_ =	shalt  }
0x72: {  	_ =	shalt  }
0x73: {  	_ =	shalt  }
0x74: {  	_ =	shalt  }
0x75: {  	_ =	shalt  }
0x76: {  	_ =	shalt  }
0x77: {  	_ =	shalt  }
0x78: {  	_ =	shalt  }
0x79: {  	_ =	shalt  }
0x7a: {  	_ =	shalt  }
0x7b: {  	_ =	shalt  }
0x7c: {  	_ =	shalt  }
0x7d: {  	_ =	shalt  }
0x7e: {  	_ =	shalt  }
0x7f: {  	_ =	shalt  }
0x80: {  	_ =	shalt  }
0x81: {  	_ =	shalt  }
0x82: {  	_ =	shalt  }
0x83: {  	_ =	shalt  }
0x84: {  	_ =	shalt  }
0x85: {  	_ =	shalt  }
0x86: {  	_ =	shalt  }
0x87: {  	_ =	shalt  }
.Lfunc_end0:
.L_simem_size_0:
called_computation_lowered:
.L_overlay_start_0:
0x88: {  	s2 =	sld [smem:$0x3FD9]  }
0x89: {  	s3 =	sld [smem:$0x3FFE];
	_ =	sdelay $0x1  }
0x8a: {  	s1 =	srdreg.scid  }
0x8b: {  	s0 =	sand.u32 $0x1, s1  }
0x8c: {  	s17 =	sshll.u32 s0, $0xA;
	s2 =	sadd.s32 s3, s2  }
0x8d: {  	s2 =	sadd.s32 s2, s17  }
0x8e: {  	[smem:$0x3FC2] =	sst s2  }
0x8f: {  	_ = 	snop  }
0x90: {  	s2 =	sld [smem:$0x3FD0];
	(tm) =	ssettm $0x1  }
0x91: {  	s18 =	sld [smem:$0x3FFB];
	_ =	sdelay $0x3  }
0x92: {  	_ =	strace s18  }
0x93: {  	s3 =	sld [smem:$0x3FFC];
	_ =	sdelay $0x3  }
0x94: {  	_ =	strace s3  }
0x95: {  	s3 =	sld [smem:$0x3FFD];
	_ =	sdelay $0x3  }
0x96: {  	_ =	strace s3  }
0x97: {  	_ =	strace $0x8FFFFFFF  }
0x98: {  	s19 =	sld [smem:$0x3FDB];
	_ =	sdelay $0x1  }
0x99: {  	s4 =	simm.s32 $_scs_section_size  }
0x9a: {  	s5 =	simm.s32 $_size__tile_overlayer_lowered;
	s6 =	simm.s32 $_tile_overlayer_lowered  }
0x9b: {  	s22 =	simm.s32 $0x1BFF;
	s21 =	sshll.u32 s6, $0x1;
	s3 =	sadd.s32 s4, s19  }
0x9c: {  	s7 =	simm.s32 $0x0;
	s20 =	sshll.u32 s5, $0x1;
	s5 =	sadd.s32 s21, s3  }
0x9d: {  	[timem:s7], [sflag:s22] =	dma.local [hbm:s5], s20  }
0x9e: {  	_ =	swait.ge [sflag:s22], s20  }
0x9f: {  	s4 =	ssub.s32 $0x0, s20;
	[sflag:s22] =	ssyncset.done $0x0  }
0xa0: {  	[sflag:s22] =	ssyncadd.s32 s4;
	_ =	sdelay $0x1  }
0xa1: {  	s23 =	simm.s32 $0x1B8B  }
0xa2: {  	_ =	swait.ge [sflag:s23], $0x1  }
0xa3: {  	[sflag:s23] =	ssyncset.done $0x0  }
0xa4: {  	s25 =	simm.s32 $0x1B8E;
	s24 =	sld [smem:$0x3FFE];
	[sflag:s23] =	ssyncadd.s32 $0xFFFFFFFF  }
0xa5: {  	s26 =	simm.s32 $execute0_lowered;
	[smem:$0x3FD2] =	sst s25  }
0xa6: {  	s5 =	sshll.u32 s26, $0x1;
	_ =	strace $0x80000046;
	[dreg:$0x1] =	wrdreg $0xFFFFFFFF  }
0xa7: {  	s28 =	simm.s32 $_size_execute0_lowered;
	s3 =	sadd.s32 s3, s5;
	[dreg:$0x0] =	wrdreg $0x0  }
0xa8: {  	s5 =	sshll.u32 s28, $0x1;
	[dreg:$0x2] =	wrdreg s3  }
0xa9: {  	[dreg:$0x3] =	wrdreg s5  }
0xaa: {  	[dreg:$0x4] =	wrdreg $0xC0  }
0xab: {  	_ =	task [dreg:s7], $0x5FFFF  }
0xac: {  	[dreg:$0x1] =	wrdreg $0xFFFFFFFF  }
0xad: {  	[dreg:$0x0] =	wrdreg $0x60  }
0xae: {  	[dreg:$0x2] =	wrdreg s24  }
0xaf: {  	[dreg:$0x3] =	wrdreg s2  }
0xb0: {  	[dreg:$0x4] =	wrdreg $0x16200  }
0xb1: {  	[dreg:$0x5] =	wrdreg $0x9  }
0xb2: {  	_ =	task.clear_ibuf [dreg:s7], $0x6FFFF;
	_ =	strace $0x90000046  }
0xb3: {  	s29 =	simm.s32 $0x9;
	_ =	strace $0x80000048  }
0xb4: {  	_ =	swait.ge [sflag:s29], $0x1  }
0xb5: {  	[sflag:s29] =	ssyncadd.s32 $0xFFFFFFFF  }
0xb6: {  	_ =	strace $0x90000048  }
0xb7: {  	_ =	sfence  }
0xb8: {  	s30 =	sld [smem:$0x0];
	_ =	sdelay $0x2  }
0xb9: {  	s31 =	sshll.u32 s1, $0xD;
	s1 =	sshrl.u32 s1, $0x2  }
0xba: {  	s3 =	sand.u32 $0x4000, s31;
	s1 =	sadd.s32 s1, s30  }
0xbb: {  	s0 =	sor.u32 s3, s0;
	s1 =	sshll.u32 s1, $0x11  }
0xbc: {  	s0 =	sor.u32 s1, s0  }
0xbd: {  	s0 =	sadd.s32 $0x8F2B, s0  }
0xbe: {  	[sflag:s0] =	ssyncadd.remote.s32 $0x1  }
0xbf: {  	_ =	sfence.sel $0xFFFF  }
0xc0: {  	[dreg:$0x0] =	wrdreg $0xFFFFFFFF;
	(pc) =	sbr.abs _section_cstart, $3  }
0xc1: {  	[dreg:$0x1] =	wrdreg $0xFFFFFFFF  }
0xc2: {  	_ =	task.clear_ibuf [dreg:s7], $0x2FFFF;
	_ =	strace $0x9FFFFFFF  }
0xc3: {  	(tm) =	ssettm $0x7FFFFFFF  }
tec
execute0_lowered:
.L_overlay_start_1:
0x0: {  	(tag) =	ssettag $0x1  }
0x1: {  	s3 =	rddreg [dreg:$0x0];
	s0 =	srdreg.scid  }
0x2: {  	s7 =	rddreg [dreg:$0x1];
	s11 =	stileid.u32  }
0x3: {  	s1 =	rddreg [dreg:$0x2];
	s2 =	simm.s32 $0x0;
	s10 =	simm.s32 $0x1  }
0x4: {  	s12 =	simm.s32 $0x1388;
	s4 =	sand.u32 $0x1, s0;
	s0 =	rddreg [dreg:$0x3]  }
0x5: {  	s16 =	simm.s32 $0x0;
	s6 =	smul.u32 $0x1388, s11;
	[smem:$0x7FF] =	sst s2  }
0x6: {  	s30 =	smul.u32 $0x270, s11;
	p0 =	sne.s32 s11, $0x0;
	s13 =	sshll.u32 s11, $0x6  }
0x7: {  	s11 =	simm.s32 $0x28;
	s5 =	smul.u32 $0x13880, s4;
	s8 =	ssub.s32 $0x2, s4  }
0x8: {  	s9 =	smul.u32 $0x2710, s4;
	_ =	strace $0x80000047;
	s4 =	sadd.s32 $0x2700, s1  }
0x9: {  	s13 =	sor.u32 $0x1C01, s13;
	s31 =	sshrl.u32 s8, $0x1;
	s15 =	sshrl.u32 @!p0 s4, $0x3  }
0xa: {  	s5 =	sadd.s32 s6, s5;
	s8 =	ssub.s32 s8, s31;
	s6 =	sadd.s32 s30, s9  }
0xb: {  	s9 =	sshrl.u32 s9, $0x3;
	s5 =	sshrl.u32 s5, $0x3;
	s6 =	sshrl.u32 s6, $0x3  }
0xc: {  	s8 =	smax.u32 s8, $0x1;
	s5 =	sadd.s32 s5, s3;
	s3 =	sadd.s32 s30, s1  }
0xd: {  	s6 =	sadd.s32 s7, s6;
	s7 =	sadd.s32 s7, s9;
	s9 =	simm.s32 $0x13B0  }
0xe: {  	v0 =	vimm.f32 $0.0e+00;
	v1 =	vimm.f32 $1.000000000e+00;
	s5 =	sadd.s32 $0x2400, s5;
	s7 =	sadd.s32 $0x4E0, s7;
	s14 =	sshrl.u32 s3, $0x3  }
.LBB2_1:
0xf: {  	[tilespmem:$0x13B0] =	vst v0  }
0x10: {  	[tilespmem:$0x13C0] =	vst v0  }
0x11: {  	[tilespmem:$0x13D0] =	vst v0  }
0x12: {  	[tilespmem:$0x13E0] =	vst v0  }
0x13: {  	[tilespmem:$0x13F0] =	vst v0  }
0x14: {  	[tilespmem:$0x1400] =	vst v0  }
0x15: {  	[tilespmem:$0x1410] =	vst v0  }
0x16: {  	[tilespmem:$0x1420] =	vst v0  }
0x17: {  	[tilespmem:$0x1430] =	vst v0  }
0x18: {  	[tilespmem:$0x1440] =	vst v0  }
0x19: {  	[tilespmem:$0x1450] =	vst v0  }
0x1a: {  	[tilespmem:$0x1460] =	vst v0  }
0x1b: {  	[tilespmem:$0x1470] =	vst v0  }
0x1c: {  	[tilespmem:$0x1480] =	vst v0  }
0x1d: {  	[tilespmem:$0x1490] =	vst v0  }
0x1e: {  	[tilespmem:$0x14A0] =	vst v0  }
0x1f: {  	[tilespmem:$0x14B0] =	vst v0  }
0x20: {  	[tilespmem:$0x14C0] =	vst v0  }
0x21: {  	[tilespmem:$0x14D0] =	vst v0  }
0x22: {  	[tilespmem:$0x14E0] =	vst v0  }
0x23: {  	[tilespmem:$0x14F0] =	vst v0  }
0x24: {  	[tilespmem:$0x1500] =	vst v0  }
0x25: {  	[tilespmem:$0x1510] =	vst v0  }
0x26: {  	[tilespmem:$0x1520] =	vst v0  }
0x27: {  	[tilespmem:$0x1530] =	vst v0  }
0x28: {  	[tilespmem:$0x1540] =	vst v0  }
0x29: {  	[tilespmem:$0x1550] =	vst v0  }
0x2a: {  	[tilespmem:$0x1560] =	vst v0  }
0x2b: {  	[tilespmem:$0x1570] =	vst v0  }
0x2c: {  	[tilespmem:$0x1580] =	vst v0  }
0x2d: {  	[tilespmem:$0x1590] =	vst v0  }
0x2e: {  	[tilespmem:$0x15A0] =	vst v0  }
0x2f: {  	[tilespmem:$0x15B0] =	vst v0  }
0x30: {  	[tilespmem:$0x15C0] =	vst v0  }
0x31: {  	[tilespmem:$0x15D0] =	vst v0  }
0x32: {  	[tilespmem:$0x15E0] =	vst v0  }
0x33: {  	[tilespmem:$0x15F0] =	vst v0  }
0x34: {  	[tilespmem:$0x1600] =	vst v0  }
0x35: {  	[tilespmem:$0x1610] =	vst v0  }
0x36: {  	[spmem:s3] =	stream.linear.scatter [tilespmem:s9], [sflag:$0x1], $0x270, $0x38;
	[tilespmem:$0x1898] =	vst v63  }
0x37: {  	_ =	swait.ge [sflag:s10], $0x270  }
0x38: {  	[sflag:s10] =	ssyncset.done $0x0  }
0x39: {  	s17 =	simm.s32 @!p0 $0x13B0;
	[sflag:s10] =	ssyncadd.s32 $0xFFFFFD90  }
0x3a: {  	[spmem:s4] =	stream.linear.scatter @!p0 [tilespmem:s17], [sflag:$0x1], $0x10, $0x38;
	[tilespmem:$0x1898] =	vst v63  }
0x3b: {  	s17 =	simm.s32 @!p0 $0x1  }
0x3c: {  	_ =	swait.ge @!p0 [sflag:s17], $0x10  }
0x3d: {  	[sflag:s17] =	ssyncset.done @!p0 $0x0  }
0x3e: {  	[sflag:s17] =	ssyncadd.s32 @!p0 $0xFFFFFFF0  }
0x3f: {  	[tilespmem:$0x1388] =	vst v1  }
0x40: {  	[tilespmem:$0x1398] =	vst v1  }
0x41: {  	[tilespmem:$0x13A0] =	vst v1  }
0x42: {  	[tilespmem:s2], [sflag:$0x1] =	stream.linear.gather [hbm4b:s5+s2], $0x1388, $0x38;
	[tilespmem:$0x1898] =	vst v63  }
0x43: {  	_ =	swait.ge [sflag:s10], $0x1388  }
0x44: {  	[sflag:s10] =	ssyncset.done $0x0  }
0x45: {  	[sflag:s10] =	ssyncadd.s32 $0xFFFFEC78  }
0x46: {  	s31 =	simm.s32 $0x0;
	[bflag:$0x0] =	sbarrier.arrive $0xFFFF  }
0x47: {  	[spmem:s1] =	stream.indirect.scatter.add.f32 [tilespmem:s12], [sflag:$0x1], $0x1, s31, s11, $0xb8;
	[tilespmem:$0x1898] =	vst v63  }
0x48: {  	_ =	swait.ge [sflag:s10], $0x28  }
0x49: {  	s17 =	simm.s32 $0xA0;
	[sflag:s10] =	ssyncset.done $0x0  }
.LBB2_2:
0x4a: {  	s18 =	sshra.s32 s17, $0x2;
	[sflag:s10] =	ssyncadd.s32 $0xFFFFFFD8;
	p1 =	sne.s32 s17, $0x4D80  }
0x4b: {  	[spmem:s1] =	stream.indirect.scatter.add.f32 [tilespmem:s12], [sflag:$0x1], $0x1, s18, s11, $0xb8;
	[tilespmem:$0x1898] =	vst v63  }
.Ltmp0:
0x4c: {  	_ = 	snop;
	(pc) =	sbr.rel @p1 .LBB2_2-.Ltmp0, $4  }
0x4d: {  	_ = 	snop  }
0x4e: {  	s17 =	sadd.s32 $0xA0, s17  }
0x4f: {  	_ =	swait.ge [sflag:s10], $0x28  }
0x50: {  	[sflag:s10] =	ssyncset.done $0x0  }
0x51: {  	[sflag:s10] =	ssyncadd.s32 $0xFFFFFFD8  }
0x52: {  	[bflag:$0x0] =	sbarrier.arrive $0xFFFF  }
0x53: {  	[hbm:s6], [sflag:s13] =	dma.local [spmem:s14], $0x4E  }
0x54: {  	s16 =	sadd.s32 $0x1, s16;
	_ =	swait.ge [sflag:s10], $0x4E  }
0x55: {  	p1 =	sne.s32 s16, s8;
	[sflag:s10] =	ssyncset.done $0x0  }
.Ltmp1:
0x56: {  	s17 =	simm.s32 @!p0 $0x1;
	[sflag:s10] =	ssyncadd.s32 $0xFFFFFFB2;
	(pc) =	sbr.rel @p1 .LBB2_1-.Ltmp1, $4  }
0x57: {  	[hbm:s7], [sflag:s13] =	dma.local @!p0 [spmem:s15], $0x2  }
0x58: {  	_ =	swait.ge @!p0 [sflag:s17], $0x2  }
0x59: {  	[sflag:s17] =	ssyncset.done @!p0 $0x0  }
0x5a: {  	[sflag:s17] =	ssyncadd.s32 @!p0 $0xFFFFFFFE  }
0x5b: {  	_ =	sfence.sel $0x180000  }
0x5c: {  	[bflag:$0x0] =	sbarrier.arrive $0xFFFF  }
0x5d: {  	_ =	strace $0x90000047  }
0x5e: {  	s0 =	sadd.s32 @!p0 $0x100000, s0;
	[bflag:$0x2] =	sbarrier.arrive $0xFFFF  }
0x5f: {  	[sflag:s0] =	ssyncadd.tile.s32 @!p0 $0x1;
	_ =	shalt  }
.Lfunc_end2:
_tile_overlayer_lowered:
.L_overlay_start_2:
0x60: {  	(tag) =	ssettag $0x2  }
0x61: {  	s0 =	rddreg [dreg:$0x0];
	s2 =	stileid.u32  }
0x62: {  	s1 =	rddreg [dreg:$0x1];
	p0 =	sne.s32 s2, $0x0  }
0x63: {  	s3 =	rddreg [dreg:$0x2];
	[bflag:$0x3] =	sbarrier.arrive $0xFFFF;
	s2 =	simm.s32 @!p0 $0x1C01  }
0x64: {  	[timem:s3], [sflag:s2] =	dma.local @!p0 [hbm:s0], s1  }
0x65: {  	s0 =	simm.s32 @!p0 $0x1  }
0x66: {  	_ =	swait.ge @!p0 [sflag:s0], s1  }
0x67: {  	s1 =	ssub.s32 @!p0 $0x0, s1;
	[sflag:s0] =	ssyncset.done @!p0 $0x0  }
0x68: {  	[sflag:s0] =	ssyncadd.s32 @!p0 s1  }
0x69: {  	[bflag:$0x3] =	sbarrier.arrive $0xFFFF  }
0x6a: {  	_ =	shalt  }

</sc_bundles>
